<compile_context>
chip_gen: v7x
topology: tpu7x:2x2x1
jax: 0.10.2.dev20260603
libtpu: 0.0.44.dev20260713+nightly
codegen_flags: <defaults>
</compile_context>

<pallas_src>
import functools

import jax
import jax.numpy as jnp
import numpy as np
from jax import lax
from jax.experimental import pallas as pl
from jax.experimental.pallas import tpu as pltpu
from jax.experimental.pallas import tpu_sc as plsc

N = 10000
E = 160000
IN_DIM = 256
HID = 128

NC = 2
NS = 16
NW = NC * NS
EPW = E // NW
CHUNK = 125
CHUNKS = EPW // CHUNK
SLAB = 5
NSLAB = CHUNKS // SLAB
PAIRS = NSLAB // 2
N_PAD = 10240
ROWS_PER_TILE = N_PAD // NS

BLK = 5000
GRID = N // BLK
BN_C = float(1.0 / np.sqrt(1.0 + 1e-5))



def _proj(h, wl_ref, wr_ref, g_ref, p_ref, r_ref):
    do = wr_ref.shape[-1]
    w = jnp.concatenate([wl_ref[...], wr_ref[...]], axis=1)
    t = jnp.dot(h, w, preferred_element_type=jnp.float32)
    s = g_ref[...] * BN_C
    pw = p_ref.shape[-1]
    if pw > do:
        pad = jnp.zeros((t.shape[0], pw - do), jnp.float32)
        p_ref[...] = jnp.concatenate([t[:, :do] * s, pad], axis=1)
    else:
        p_ref[...] = t[:, :do] * s
    r_ref[...] = t[:, do:] * s


def _tc_in_body(x_ref, wl_ref, wr_ref, g_ref, p_ref, r_ref):
    _proj(x_ref[...], wl_ref, wr_ref, g_ref, p_ref, r_ref)


def _tc_in(x, wl, wr, g):
    di, do = wl.shape
    return pl.pallas_call(
        _tc_in_body,
        grid=(GRID,),
        in_specs=[
            pl.BlockSpec((BLK, di), lambda i: (i, 0)),
            pl.BlockSpec((di, do), lambda i: (0, 0)),
            pl.BlockSpec((di, do), lambda i: (0, 0)),
            pl.BlockSpec((1, do), lambda i: (0, 0)),
        ],
        out_specs=[
            pl.BlockSpec((BLK, do), lambda i: (i, 0)),
            pl.BlockSpec((BLK, do), lambda i: (i, 0)),
        ],
        out_shape=[
            jax.ShapeDtypeStruct((N, do), jnp.float32),
            jax.ShapeDtypeStruct((N, do), jnp.float32),
        ],
    )(x, wl, wr, g)


def _tc_cnt_body(c_ref, out_ref):
    s = jnp.sum(c_ref[...], axis=0)
    out_ref[...] = (1.0 / jnp.maximum(s, 1.0)).reshape(-1, 1)


def _tc_cnt(cnt_raw):
    return pl.pallas_call(
        _tc_cnt_body,
        grid=(1,),
        in_specs=[pl.BlockSpec((NW, N_PAD), lambda i: (0, 0))],
        out_specs=pl.BlockSpec((N_PAD, 1), lambda i: (0, 0)),
        out_shape=jax.ShapeDtypeStruct((N_PAD, 1), jnp.float32),
    )(cnt_raw)


def _combine(s_ref, c_ref, r_ref, g_ref, bl_ref, b_ref):
    d = r_ref.shape[-1]
    bias = bl_ref[...] * (g_ref[...] * BN_C) + b_ref[...]
    h = ((s_ref[0][:, :d] + s_ref[1][:, :d]) * c_ref[...]
         + r_ref[...] + bias)
    return jnp.maximum(h, 0.0)


def _tc_mid_body(s_ref, c_ref, r_ref, gp_ref, blp_ref, bp_ref,
                 wl_ref, wr_ref, g_ref, p_ref, rout_ref):
    h = _combine(s_ref, c_ref, r_ref, gp_ref, blp_ref, bp_ref)
    _proj(h, wl_ref, wr_ref, g_ref, p_ref, rout_ref)


def _tc_mid(s2, c2, r, gp, blp, bp, wl, wr, g, pad_l):
    di, do = wl.shape
    ds = s2.shape[2]
    return pl.pallas_call(
        _tc_mid_body,
        grid=(GRID,),
        in_specs=[
            pl.BlockSpec((2, BLK, ds), lambda i: (0, i, 0)),
            pl.BlockSpec((BLK, 1), lambda i: (i, 0)),
            pl.BlockSpec((BLK, di), lambda i: (i, 0)),
            pl.BlockSpec((1, di), lambda i: (0, 0)),
            pl.BlockSpec((1, di), lambda i: (0, 0)),
            pl.BlockSpec((1, di), lambda i: (0, 0)),
            pl.BlockSpec((di, do), lambda i: (0, 0)),
            pl.BlockSpec((di, do), lambda i: (0, 0)),
            pl.BlockSpec((1, do), lambda i: (0, 0)),
        ],
        out_specs=[
            pl.BlockSpec((BLK, pad_l), lambda i: (i, 0)),
            pl.BlockSpec((BLK, do), lambda i: (i, 0)),
        ],
        out_shape=[
            jax.ShapeDtypeStruct((N, pad_l), jnp.float32),
            jax.ShapeDtypeStruct((N, do), jnp.float32),
        ],
    )(s2, c2, r, gp, blp, bp, wl, wr, g)


def _tc_head_body(s_ref, c_ref, r_ref, g_ref, bl_ref, b_ref,
                  wh1_ref, bh1_ref, wh2_ref, bh2_ref, out_ref):
    h = _combine(s_ref, c_ref, r_ref, g_ref, bl_ref, b_ref)
    t = jnp.dot(h, wh1_ref[...], preferred_element_type=jnp.float32)
    t = jnp.maximum(t + bh1_ref[...], 0.0)
    out_ref[...] = jnp.dot(t, wh2_ref[...],
                           preferred_element_type=jnp.float32) + bh2_ref[...]


def _tc_head(s2, c2, r, g, bl, b, wh1, bh1, wh2, bh2):
    di = wh1.shape[0]
    ds = s2.shape[2]
    return pl.pallas_call(
        _tc_head_body,
        grid=(GRID,),
        in_specs=[
            pl.BlockSpec((2, BLK, ds), lambda i: (0, i, 0)),
            pl.BlockSpec((BLK, 1), lambda i: (i, 0)),
            pl.BlockSpec((BLK, di), lambda i: (i, 0)),
            pl.BlockSpec((1, di), lambda i: (0, 0)),
            pl.BlockSpec((1, di), lambda i: (0, 0)),
            pl.BlockSpec((1, di), lambda i: (0, 0)),
            pl.BlockSpec((di, 32), lambda i: (0, 0)),
            pl.BlockSpec((1, 32), lambda i: (0, 0)),
            pl.BlockSpec((32, 3), lambda i: (0, 0)),
            pl.BlockSpec((1, 3), lambda i: (0, 0)),
        ],
        out_specs=pl.BlockSpec((BLK, 3), lambda i: (i, 0)),
        out_shape=jax.ShapeDtypeStruct((N, 3), jnp.float32),
    )(s2, c2, r, g, bl, b, wh1, bh1, wh2, bh2)



def _make_edge_agg(d):
    mesh = plsc.VectorSubcoreMesh(core_axis_name="c", subcore_axis_name="s")

    out_type = [jax.ShapeDtypeStruct((NC, N_PAD, d), jnp.float32)]
    scratch = [
        pltpu.VMEM((2 * SLAB, CHUNK), jnp.int32),
        pltpu.VMEM((2 * SLAB, CHUNK), jnp.int32),
        pltpu.VMEM((CHUNK, d), jnp.float32),
        pltpu.VMEM((CHUNK, d), jnp.float32),
        pltpu.VMEM_SHARED((N_PAD, d), jnp.float32),
        pltpu.SemaphoreType.DMA,
        pltpu.SemaphoreType.DMA,
        pltpu.SemaphoreType.DMA,
        pltpu.SemaphoreType.DMA,
        pltpu.SemaphoreType.DMA,
    ]

    def body(p_hbm, idx_hbm, zrow_hbm, out_hbm,
             ib0, ib1, rows0, rows1, acc, isem0, isem1, gsem0, gsem1, zsem):
        cid = lax.axis_index("c")
        sid = lax.axis_index("s")
        wid = sid * NC + cid
        base = sid * ROWS_PER_TILE
        ib = (ib0, ib1)
        rows = (rows0, rows1)
        isem = (isem0, isem1)
        gsem = (gsem0, gsem1)

        def idx_start(t, b):
            pltpu.async_copy(idx_hbm.at[wid, t], ib[b], isem[b])

        def idx_wait(b):
            pltpu.make_async_copy(idx_hbm.at[wid, 0], ib[b], isem[b]).wait()

        def gather_start(sb, row, b):
            pltpu.async_copy(p_hbm.at[ib[sb].at[row]], rows[b], gsem[b])

        def gather_wait(sb, row, b):
            pltpu.make_async_copy(p_hbm.at[ib[sb].at[row]], rows[b],
                                  gsem[b]).wait()

        def scatter(sb, row, b):
            pltpu.sync_copy(rows[b], acc.at[ib[sb].at[row]], add=True)

        zdesc = pltpu.async_copy(
            zrow_hbm, acc.at[pl.ds(base, ROWS_PER_TILE)], zsem)

        idx_start(0, 0)
        idx_wait(0)
        gather_start(0, 0, 0)
        idx_start(1, 1)
        zdesc.wait()
        plsc.subcore_barrier()

        def pair(u, last):
            for k in range(2 * SLAB):
                b = k % 2
                sb = k // SLAB
                srow = 2 * (k % SLAB)
                gather_wait(sb, srow, b)
                if k < 2 * SLAB - 1:
                    nk = k + 1
                    if nk == SLAB:
                        idx_wait(1)
                    gather_start(nk // SLAB, 2 * (nk % SLAB), 1 - b)
                elif not last:
                    idx_wait(0)
                    gather_start(0, 0, 1 - b)
                scatter(sb, srow + 1, b)
                if not last:
                    if k == SLAB - 1:
                        idx_start(2 * u + 2, 0)
                    elif k == 2 * SLAB - 1:
                        idx_start(2 * u + 3, 1)

        def step(u, carry):
            pair(u, False)
            return carry

        lax.fori_loop(0, PAIRS - 1, step, 0)
        pair(PAIRS - 1, True)

        plsc.subcore_barrier()
        pltpu.sync_copy(acc.at[pl.ds(base, ROWS_PER_TILE)],
                        out_hbm.at[cid, pl.ds(base, ROWS_PER_TILE)])

    return pl.kernel(body, out_type=out_type, mesh=mesh,
                     scratch_types=scratch)


def _make_degree():
    mesh = plsc.VectorSubcoreMesh(core_axis_name="c", subcore_axis_name="s")
    out_type = [jax.ShapeDtypeStruct((NW, N_PAD), jnp.float32)]
    scratch = [
        pltpu.VMEM((CHUNKS, CHUNK), jnp.int32),
        pltpu.VMEM((N_PAD,), jnp.float32),
    ]

    def body(dst_hbm, cnt_hbm, dst_v, hist):
        cid = lax.axis_index("c")
        sid = lax.axis_index("s")
        wid = sid * NC + cid

        pltpu.sync_copy(dst_hbm.at[wid], dst_v)
        zeros16 = jnp.zeros((16,), jnp.float32)

        def zero(i, carry):
            hist[pl.ds(i * 16, 16)] = zeros16
            return carry

        lax.fori_loop(0, N_PAD // 16, zero, 0)

        ones16 = jnp.ones((16,), jnp.float32)
        tail = CHUNK % 16
        tail_mask = lax.iota(jnp.int32, 16) >= (16 - tail)

        def row(j, carry):
            for k in range(CHUNK // 16):
                idx = dst_v[j, pl.ds(k * 16, 16)]
                plsc.addupdate_scatter(hist, [idx], ones16)
            if tail:
                idx = dst_v[j, pl.ds(CHUNK - 16, 16)]
                plsc.addupdate_scatter(hist, [idx], ones16, mask=tail_mask)
            return carry

        lax.fori_loop(0, CHUNKS, row, 0)
        pltpu.sync_copy(hist, cnt_hbm.at[wid])

    return pl.kernel(
        body, out_type=out_type, mesh=mesh, scratch_types=scratch,
        compiler_params=pltpu.CompilerParams(needs_layout_passes=False))


@functools.lru_cache(maxsize=None)
def _edge_agg(d):
    return _make_edge_agg(d)


@functools.lru_cache(maxsize=None)
def _degree():
    return _make_degree()



def kernel(x, edge_index, params):
    def row(name):
        return params[name].reshape(1, -1)

    src = edge_index[0].reshape(NW, NSLAB, SLAB, CHUNK)
    dst = edge_index[1].reshape(NW, NSLAB, SLAB, CHUNK)
    idx_all = jnp.stack([src, dst], axis=3).reshape(NW, NSLAB,
                                                    2 * SLAB, CHUNK)
    z128 = jnp.zeros((ROWS_PER_TILE, HID), jnp.float32)

    (cnt_raw,) = _degree()(edge_index[1].reshape(NW, CHUNKS, CHUNK))
    cnt = _tc_cnt(cnt_raw)
    p1, r1 = _tc_in(x, params["Wl1"], params["Wr1"], row("g1"))
    (s1,) = _edge_agg(HID)(p1, idx_all, z128)
    p2, r2 = _tc_mid(s1, cnt, r1, row("g1"), row("bl1"), row("b1"),
                     params["Wl2"], params["Wr2"], row("g2"), HID)
    (s2,) = _edge_agg(HID)(p2, idx_all, z128)
    p3, r3 = _tc_mid(s2, cnt, r2, row("g2"), row("bl2"), row("b2"),
                     params["Wl3"], params["Wr3"], row("g3"), HID)
    (s3,) = _edge_agg(HID)(p3, idx_all, z128)
    out = _tc_head(s3, cnt, r3, row("g3"), row("bl3"), row("b3"),
                   params["Wh1"], row("bh1"), params["Wh2"], row("bh2"))
    return out

# --- scband reference (transcript-rebuilt; emitter-appended) ---
"""Pipeline reference for scband-labelingx-app-5712306503946 (READ-ONLY COPY).

The authoritative reference and input builder live on the scoring server;
editing this copy changes nothing except your own understanding.
"""

import jax, jax.numpy as jnp
import numpy as np

N = 10000
E = 160000
IN_DIM = 256
HID = 128


def _init_params(key):
    params = {}
    dims = [(IN_DIM, HID), (HID, HID), (HID, HID // 2)]
    k = key
    for i, (di, do) in enumerate(dims, 1):
        k, k1, k2 = jax.random.split(k, 3)
        s = 1.0 / np.sqrt(di)
        params[f"Wl{i}"] = jax.random.uniform(k1, (di, do), minval=-s, maxval=s, dtype=jnp.float32)
        params[f"bl{i}"] = jnp.zeros((do,), jnp.float32)
        params[f"Wr{i}"] = jax.random.uniform(k2, (di, do), minval=-s, maxval=s, dtype=jnp.float32)
        params[f"g{i}"] = jnp.ones((do,), jnp.float32)
        params[f"b{i}"] = jnp.zeros((do,), jnp.float32)
    k, k1, k2 = jax.random.split(k, 3)
    s1 = 1.0 / np.sqrt(HID // 2)
    params["Wh1"] = jax.random.uniform(k1, (HID // 2, 32), minval=-s1, maxval=s1, dtype=jnp.float32)
    params["bh1"] = jnp.zeros((32,), jnp.float32)
    s2 = 1.0 / np.sqrt(32)
    params["Wh2"] = jax.random.uniform(k2, (32, 3), minval=-s2, maxval=s2, dtype=jnp.float32)
    params["bh2"] = jnp.zeros((3,), jnp.float32)
    return params


def setup_inputs(seed: int = 0):
    key = jax.random.key(seed)
    kx, ke, kp = jax.random.split(key, 3)
    x = jax.random.normal(kx, (N, IN_DIM), dtype=jnp.float32)
    edge_index = jax.random.randint(ke, (2, E), 0, N, dtype=jnp.int32)
    params = _init_params(kp)
    return {"x": x, "edge_index": edge_index, "params": params}


def reference(x, edge_index, params):
    src = edge_index[0]
    dst = edge_index[1]

    def sage(h, Wl, bl, Wr):
        # PyG SAGEConv (mean aggr): out = lin_l(mean_{j in N(i)} h_j) + lin_r(h_i)
        msgs = jnp.take(h, src, axis=0)
        agg = jax.ops.segment_sum(msgs, dst, num_segments=N)
        cnt = jax.ops.segment_sum(jnp.ones((E, 1), h.dtype), dst, num_segments=N)
        mean = agg / jnp.maximum(cnt, 1.0)
        return mean @ Wl + bl + h @ Wr

    def bn(h, g, b):
        # eval-mode BatchNorm1d: running_mean=0, running_var=1, eps=1e-5
        return h / jnp.sqrt(1.0 + 1e-5) * g + b

    h = jax.nn.relu(bn(sage(x, params["Wl1"], params["bl1"], params["Wr1"]), params["g1"], params["b1"]))
    h = jax.nn.relu(bn(sage(h, params["Wl2"], params["bl2"], params["Wr2"]), params["g2"], params["b2"]))
    h = jax.nn.relu(bn(sage(h, params["Wl3"], params["bl3"], params["Wr3"]), params["g3"], params["b3"]))
    # dropout is identity in eval mode
    h = jax.nn.relu(h @ params["Wh1"] + params["bh1"])
    out = h @ params["Wh2"] + params["bh2"]
    return out

if __name__ == "__main__":
    import jax
    _d = setup_inputs()
    print(jax.jit(kernel)(*tuple(_d.values())))

</pallas_src>

<mosaic_0001>
#map = affine_map<(d0, d1) -> (0, 0, 0)>
#map1 = affine_map<(d0, d1) -> (0, 0)>
module attributes {stable_mosaic.version = 14 : i64} {
  func.func @body(%arg0: i32, %arg1: i32, %arg2: memref<32x40x125xi32, #tpu.memory_space<hbm>>, %arg3: memref<32x10240xf32, #tpu.memory_space<hbm>>, %arg4: memref<40x125xi32, #tpu.memory_space<vmem>>, %arg5: memref<10240xf32, #tpu.memory_space<vmem>>) attributes {dimension_semantics = [#tpu.dimension_semantics<core_parallel>, #tpu.dimension_semantics<subcore_parallel>], iteration_bounds = array<i64: 2, 16>, scalar_prefetch = 0 : i64, scratch_operands = 2 : i64, tpu.core_type = #tpu.core_type<sc_vector_subcore>, window_params = [{transform_indices = #map}, {transform_indices = #map1}]} {
    %mul3A = arith.constant 2 : i32
    %mul3A_0 = arith.muli %arg1, %mul3A : i32
    %add3A = arith.addi %mul3A_0, %arg0 : i32
    "tpu.region"() ({
      %run_scoped3A = tpu.sem_alloc : memref<!tpu.dma_semaphore, #tpu.memory_space<semaphore_mem>>
      %dma_start3A = arith.constant 0 : i32
      %dma_start3A_17 = arith.constant 0 : i32
      %dma_start3A_18 = tpu.memref_slice %arg2[%add3A, %dma_start3A, %dma_start3A_17] : memref<32x40x125xi32, #tpu.memory_space<hbm>> -> memref<1x40x125xi32, #tpu.memory_space<hbm>>
      %dma_start3A_19 = tpu.memref_squeeze %dma_start3A_18 : memref<1x40x125xi32, #tpu.memory_space<hbm>> -> memref<40x125xi32, #tpu.memory_space<hbm>>
      %dma_start3A_20 = arith.constant 0 : i32
      %dma_start3A_21 = arith.constant 0 : i32
      %dma_start3A_22 = tpu.memref_slice %arg2[%add3A, %dma_start3A_20, %dma_start3A_21] : memref<32x40x125xi32, #tpu.memory_space<hbm>> -> memref<1x40x125xi32, #tpu.memory_space<hbm>>
      %dma_start3A_23 = tpu.memref_squeeze %dma_start3A_22 : memref<1x40x125xi32, #tpu.memory_space<hbm>> -> memref<40x125xi32, #tpu.memory_space<hbm>>
      tpu.enqueue_dma source(%dma_start3A_23 : memref<40x125xi32, #tpu.memory_space<hbm>>) target(%arg4 : memref<40x125xi32, #tpu.memory_space<vmem>>) target_semaphore(%run_scoped3A : memref<!tpu.dma_semaphore, #tpu.memory_space<semaphore_mem>>)
      %dma_wait3A = arith.constant 0 : i32
      %dma_wait3A_24 = arith.constant 0 : i32
      %dma_wait3A_25 = tpu.memref_slice %arg2[%add3A, %dma_wait3A, %dma_wait3A_24] : memref<32x40x125xi32, #tpu.memory_space<hbm>> -> memref<1x40x125xi32, #tpu.memory_space<hbm>>
      %dma_wait3A_26 = tpu.memref_squeeze %dma_wait3A_25 : memref<1x40x125xi32, #tpu.memory_space<hbm>> -> memref<40x125xi32, #tpu.memory_space<hbm>>
      %dma_wait3A_27 = arith.constant 0 : i32
      %dma_wait3A_28 = arith.constant 0 : i32
      %dma_wait3A_29 = tpu.memref_slice %arg2[%add3A, %dma_wait3A_27, %dma_wait3A_28] : memref<32x40x125xi32, #tpu.memory_space<hbm>> -> memref<1x40x125xi32, #tpu.memory_space<hbm>>
      %dma_wait3A_30 = tpu.memref_squeeze %dma_wait3A_29 : memref<1x40x125xi32, #tpu.memory_space<hbm>> -> memref<40x125xi32, #tpu.memory_space<hbm>>
      tpu.wait_dma2 semaphore(%run_scoped3A : memref<!tpu.dma_semaphore, #tpu.memory_space<semaphore_mem>>) src(%dma_wait3A_30 : memref<40x125xi32, #tpu.memory_space<hbm>>) dst(%arg4 : memref<40x125xi32, #tpu.memory_space<vmem>>)
      tpu.yield
    }) : () -> ()
    %broadcast_in_dim3A = arith.constant 0.000000e+00 : f32
    %broadcast_in_dim3A_1 = vector.broadcast %broadcast_in_dim3A : f32 to vector<16xf32>
    %scan3A = arith.constant 0 : i32
    %scan3A_2 = arith.constant 0 : i32
    %scan3A_3 = arith.constant 640 : i32
    %scan3A_4 = arith.addi %scan3A_2, %scan3A_3 : i32
    %scan3A_5 = arith.constant 1 : i32
    scf.for %scan3A_17 = %scan3A_2 to %scan3A_4 step %scan3A_5  : i32 {
      %mul3A_18 = arith.constant 16 : i32
      %mul3A_19 = arith.muli %scan3A_17, %mul3A_18 : i32
      %swap3A = arith.index_cast %mul3A_19 : i32 to index
      %swap3A_20 = tpu.vector_load %arg5[%swap3A] {strides = array<i32>} : memref<10240xf32, #tpu.memory_space<vmem>>, vector<16xf32>,
      tpu.vector_store %arg5[%swap3A], %broadcast_in_dim3A_1 {strides = array<i32>} : memref<10240xf32, #tpu.memory_space<vmem>>, vector<16xf32>,
    }
    %scan3A_6 = arith.constant 640 : i32
    %broadcast_in_dim3A_7 = arith.constant 1.000000e+00 : f32
    %broadcast_in_dim3A_8 = vector.broadcast %broadcast_in_dim3A_7 : f32 to vector<16xf32>
    %iota3A = tpu.iota {dimensions = array<i32: 0>} : vector<16xi32>
    %ge3A = arith.constant 3 : i32
    %ge3A_9 = vector.broadcast %ge3A : i32 to vector<16xi32>
    %ge3A_10 = arith.cmpi sge, %iota3A, %ge3A_9 : vector<16xi32>
    %scan3A_11 = arith.constant 0 : i32
    %scan3A_12 = arith.constant 0 : i32
    %scan3A_13 = arith.constant 40 : i32
    %scan3A_14 = arith.addi %scan3A_12, %scan3A_13 : i32
    %scan3A_15 = arith.constant 1 : i32
    scf.for %scan3A_17 = %scan3A_12 to %scan3A_14 step %scan3A_15  : i32 {
      %get3A = arith.index_cast %scan3A_17 : i32 to index
      %get3A_18 = arith.constant 0 : index
      %get3A_19 = tpu.vector_load %arg4[%get3A, %get3A_18] {strides = array<i32>} : memref<40x125xi32, #tpu.memory_space<vmem>>, vector<16xi32>,
      tpu.vector_store_idx %arg5[%get3A_19], %broadcast_in_dim3A_8 {add = true} : memref<10240xf32, #tpu.memory_space<vmem>>[vector<16xi32>], vector<16xf32>,
      %get3A_20 = arith.index_cast %scan3A_17 : i32 to index
      %get3A_21 = arith.constant 16 : index
      %get3A_22 = tpu.vector_load %arg4[%get3A_20, %get3A_21] {strides = array<i32>} : memref<40x125xi32, #tpu.memory_space<vmem>>, vector<16xi32>,
      tpu.vector_store_idx %arg5[%get3A_22], %broadcast_in_dim3A_8 {add = true} : memref<10240xf32, #tpu.memory_space<vmem>>[vector<16xi32>], vector<16xf32>,
      %get3A_23 = arith.index_cast %scan3A_17 : i32 to index
      %get3A_24 = arith.constant 32 : index
      %get3A_25 = tpu.vector_load %arg4[%get3A_23, %get3A_24] {strides = array<i32>} : memref<40x125xi32, #tpu.memory_space<vmem>>, vector<16xi32>,
      tpu.vector_store_idx %arg5[%get3A_25], %broadcast_in_dim3A_8 {add = true} : memref<10240xf32, #tpu.memory_space<vmem>>[vector<16xi32>], vector<16xf32>,
      %get3A_26 = arith.index_cast %scan3A_17 : i32 to index
      %get3A_27 = arith.constant 48 : index
      %get3A_28 = tpu.vector_load %arg4[%get3A_26, %get3A_27] {strides = array<i32>} : memref<40x125xi32, #tpu.memory_space<vmem>>, vector<16xi32>,
      tpu.vector_store_idx %arg5[%get3A_28], %broadcast_in_dim3A_8 {add = true} : memref<10240xf32, #tpu.memory_space<vmem>>[vector<16xi32>], vector<16xf32>,
      %get3A_29 = arith.index_cast %scan3A_17 : i32 to index
      %get3A_30 = arith.constant 64 : index
      %get3A_31 = tpu.vector_load %arg4[%get3A_29, %get3A_30] {strides = array<i32>} : memref<40x125xi32, #tpu.memory_space<vmem>>, vector<16xi32>,
      tpu.vector_store_idx %arg5[%get3A_31], %broadcast_in_dim3A_8 {add = true} : memref<10240xf32, #tpu.memory_space<vmem>>[vector<16xi32>], vector<16xf32>,
      %get3A_32 = arith.index_cast %scan3A_17 : i32 to index
      %get3A_33 = arith.constant 80 : index
      %get3A_34 = tpu.vector_load %arg4[%get3A_32, %get3A_33] {strides = array<i32>} : memref<40x125xi32, #tpu.memory_space<vmem>>, vector<16xi32>,
      tpu.vector_store_idx %arg5[%get3A_34], %broadcast_in_dim3A_8 {add = true} : memref<10240xf32, #tpu.memory_space<vmem>>[vector<16xi32>], vector<16xf32>,
      %get3A_35 = arith.index_cast %scan3A_17 : i32 to index
      %get3A_36 = arith.constant 96 : index
      %get3A_37 = tpu.vector_load %arg4[%get3A_35, %get3A_36] {strides = array<i32>} : memref<40x125xi32, #tpu.memory_space<vmem>>, vector<16xi32>,
      tpu.vector_store_idx %arg5[%get3A_37], %broadcast_in_dim3A_8 {add = true} : memref<10240xf32, #tpu.memory_space<vmem>>[vector<16xi32>], vector<16xf32>,
      %get3A_38 = arith.index_cast %scan3A_17 : i32 to index
      %get3A_39 = arith.constant 109 : index
      %get3A_40 = tpu.vector_load %arg4[%get3A_38, %get3A_39] {strides = array<i32>} : memref<40x125xi32, #tpu.memory_space<vmem>>, vector<16xi32>,
      tpu.vector_store_idx %arg5[%get3A_40], %broadcast_in_dim3A_8 masked %ge3A_10 {add = true} : memref<10240xf32, #tpu.memory_space<vmem>>[vector<16xi32>], vector<16xf32>, vector<16xi1>
    }
    %scan3A_16 = arith.constant 40 : i32
    "tpu.region"() ({
      %run_scoped3A = tpu.sem_alloc : memref<!tpu.dma_semaphore, #tpu.memory_space<semaphore_mem>>
      %dma_start3A = arith.constant 0 : i32
      %dma_start3A_17 = tpu.memref_slice %arg3[%add3A, %dma_start3A] : memref<32x10240xf32, #tpu.memory_space<hbm>> -> memref<1x10240xf32, #tpu.memory_space<hbm>>
      %dma_start3A_18 = tpu.memref_squeeze %dma_start3A_17 : memref<1x10240xf32, #tpu.memory_space<hbm>> -> memref<10240xf32, #tpu.memory_space<hbm>>
      %dma_start3A_19 = arith.constant 0 : i32
      %dma_start3A_20 = tpu.memref_slice %arg3[%add3A, %dma_start3A_19] : memref<32x10240xf32, #tpu.memory_space<hbm>> -> memref<1x10240xf32, #tpu.memory_space<hbm>>
      %dma_start3A_21 = tpu.memref_squeeze %dma_start3A_20 : memref<1x10240xf32, #tpu.memory_space<hbm>> -> memref<10240xf32, #tpu.memory_space<hbm>>
      tpu.enqueue_dma source(%arg5 : memref<10240xf32, #tpu.memory_space<vmem>>) target(%dma_start3A_21 : memref<10240xf32, #tpu.memory_space<hbm>>) target_semaphore(%run_scoped3A : memref<!tpu.dma_semaphore, #tpu.memory_space<semaphore_mem>>)
      %dma_wait3A = arith.constant 0 : i32
      %dma_wait3A_22 = tpu.memref_slice %arg3[%add3A, %dma_wait3A] : memref<32x10240xf32, #tpu.memory_space<hbm>> -> memref<1x10240xf32, #tpu.memory_space<hbm>>
      %dma_wait3A_23 = tpu.memref_squeeze %dma_wait3A_22 : memref<1x10240xf32, #tpu.memory_space<hbm>> -> memref<10240xf32, #tpu.memory_space<hbm>>
      %dma_wait3A_24 = arith.constant 0 : i32
      %dma_wait3A_25 = tpu.memref_slice %arg3[%add3A, %dma_wait3A_24] : memref<32x10240xf32, #tpu.memory_space<hbm>> -> memref<1x10240xf32, #tpu.memory_space<hbm>>
      %dma_wait3A_26 = tpu.memref_squeeze %dma_wait3A_25 : memref<1x10240xf32, #tpu.memory_space<hbm>> -> memref<10240xf32, #tpu.memory_space<hbm>>
      tpu.wait_dma2 semaphore(%run_scoped3A : memref<!tpu.dma_semaphore, #tpu.memory_space<semaphore_mem>>) src(%arg5 : memref<10240xf32, #tpu.memory_space<vmem>>) dst(%dma_wait3A_26 : memref<10240xf32, #tpu.memory_space<hbm>>)
      tpu.yield
    }) : () -> ()
    return
  }
}

#map = affine_map<(d0, d1) -> (0, 0)>
#map1 = affine_map<(d0, d1) -> (0, 0, 0, 0)>
#map2 = affine_map<(d0, d1) -> (0, 0, 0)>
module attributes {stable_mosaic.version = 14 : i64} {
  func.func @body(%arg0: i32, %arg1: i32, %arg2: memref<10000x128xf32, #tpu.memory_space<hbm>>, %arg3: memref<32x8x10x125xi32, #tpu.memory_space<hbm>>, %arg4: memref<640x128xf32, #tpu.memory_space<hbm>>, %arg5: memref<2x10240x128xf32, #tpu.memory_space<hbm>>, %arg6: memref<10x125xi32, #tpu.memory_space<vmem>>, %arg7: memref<10x125xi32, #tpu.memory_space<vmem>>, %arg8: memref<125x128xf32, #tpu.memory_space<vmem>>, %arg9: memref<125x128xf32, #tpu.memory_space<vmem>>, %arg10: memref<10240x128xf32, #tpu.memory_space<vmem_shared>>, %arg11: memref<!tpu.dma_semaphore, #tpu.memory_space<semaphore_mem>>, %arg12: memref<!tpu.dma_semaphore, #tpu.memory_space<semaphore_mem>>, %arg13: memref<!tpu.dma_semaphore, #tpu.memory_space<semaphore_mem>>, %arg14: memref<!tpu.dma_semaphore, #tpu.memory_space<semaphore_mem>>, %arg15: memref<!tpu.dma_semaphore, #tpu.memory_space<semaphore_mem>>) attributes {dimension_semantics = [#tpu.dimension_semantics<core_parallel>, #tpu.dimension_semantics<subcore_parallel>], iteration_bounds = array<i64: 2, 16>, scalar_prefetch = 0 : i64, scratch_operands = 10 : i64, tpu.core_type = #tpu.core_type<sc_vector_subcore>, window_params = [{transform_indices = #map}, {transform_indices = #map1}, {transform_indices = #map}, {transform_indices = #map2}]} {
    %mul3A = arith.constant 2 : i32
    %mul3A_0 = arith.muli %arg1, %mul3A : i32
    %add3A = arith.addi %mul3A_0, %arg0 : i32
    %mul3A_1 = arith.constant 640 : i32
    %mul3A_2 = arith.muli %arg1, %mul3A_1 : i32
    %dma_start3A = arith.constant 0 : i32
    %dma_start3A_3 = tpu.memref_slice %arg10[%mul3A_2, %dma_start3A] : memref<10240x128xf32, #tpu.memory_space<vmem_shared>> -> memref<640x128xf32, #tpu.memory_space<vmem_shared>>
    tpu.enqueue_dma source(%arg4 : memref<640x128xf32, #tpu.memory_space<hbm>>) target(%dma_start3A_3 : memref<640x128xf32, #tpu.memory_space<vmem_shared>>) target_semaphore(%arg15 : memref<!tpu.dma_semaphore, #tpu.memory_space<semaphore_mem>>)
    %dma_start3A_4 = arith.constant 0 : i32
    %dma_start3A_5 = arith.constant 0 : i32
    %dma_start3A_6 = arith.constant 0 : i32
    %dma_start3A_7 = tpu.memref_slice %arg3[%add3A, %dma_start3A_4, %dma_start3A_5, %dma_start3A_6] : memref<32x8x10x125xi32, #tpu.memory_space<hbm>> -> memref<1x1x10x125xi32, #tpu.memory_space<hbm>>
    %dma_start3A_8 = tpu.memref_squeeze %dma_start3A_7 : memref<1x1x10x125xi32, #tpu.memory_space<hbm>> -> memref<10x125xi32, #tpu.memory_space<hbm>>
    %dma_start3A_9 = arith.constant 0 : i32
    %dma_start3A_10 = arith.constant 0 : i32
    %dma_start3A_11 = tpu.memref_slice %arg3[%add3A, %dma_start3A_4, %dma_start3A_9, %dma_start3A_10] : memref<32x8x10x125xi32, #tpu.memory_space<hbm>> -> memref<1x1x10x125xi32, #tpu.memory_space<hbm>>
    %dma_start3A_12 = tpu.memref_squeeze %dma_start3A_11 : memref<1x1x10x125xi32, #tpu.memory_space<hbm>> -> memref<10x125xi32, #tpu.memory_space<hbm>>
    tpu.enqueue_dma source(%dma_start3A_12 : memref<10x125xi32, #tpu.memory_space<hbm>>) target(%arg6 : memref<10x125xi32, #tpu.memory_space<vmem>>) target_semaphore(%arg11 : memref<!tpu.dma_semaphore, #tpu.memory_space<semaphore_mem>>)
    %dma_wait3A = arith.constant 0 : i32
    %dma_wait3A_13 = arith.constant 0 : i32
    %dma_wait3A_14 = arith.constant 0 : i32
    %dma_wait3A_15 = tpu.memref_slice %arg3[%add3A, %dma_wait3A, %dma_wait3A_13, %dma_wait3A_14] : memref<32x8x10x125xi32, #tpu.memory_space<hbm>> -> memref<1x1x10x125xi32, #tpu.memory_space<hbm>>
    %dma_wait3A_16 = tpu.memref_squeeze %dma_wait3A_15 : memref<1x1x10x125xi32, #tpu.memory_space<hbm>> -> memref<10x125xi32, #tpu.memory_space<hbm>>
    %dma_wait3A_17 = arith.constant 0 : i32
    %dma_wait3A_18 = arith.constant 0 : i32
    %dma_wait3A_19 = tpu.memref_slice %arg3[%add3A, %dma_wait3A, %dma_wait3A_17, %dma_wait3A_18] : memref<32x8x10x125xi32, #tpu.memory_space<hbm>> -> memref<1x1x10x125xi32, #tpu.memory_space<hbm>>
    %dma_wait3A_20 = tpu.memref_squeeze %dma_wait3A_19 : memref<1x1x10x125xi32, #tpu.memory_space<hbm>> -> memref<10x125xi32, #tpu.memory_space<hbm>>
    tpu.wait_dma2 semaphore(%arg11 : memref<!tpu.dma_semaphore, #tpu.memory_space<semaphore_mem>>) src(%dma_wait3A_20 : memref<10x125xi32, #tpu.memory_space<hbm>>) dst(%arg6 : memref<10x125xi32, #tpu.memory_space<vmem>>)
    %dma_start3A_21 = arith.constant 0 : i32
    %dma_start3A_22 = arith.constant 0 : i32
    %dma_start3A_23 = tpu.memref_slice %arg6[%dma_start3A_21, %dma_start3A_22] : memref<10x125xi32, #tpu.memory_space<vmem>> -> memref<1x125xi32, #tpu.memory_space<vmem>>
    %dma_start3A_24 = tpu.memref_squeeze %dma_start3A_23 : memref<1x125xi32, #tpu.memory_space<vmem>> -> memref<125xi32, #tpu.memory_space<vmem>>
    %dma_start3A_25 = arith.constant 0 : i32
    %dma_start3A_26 = arith.constant 0 : i32
    %dma_start3A_27 = tpu.memref_slice %arg2[%dma_start3A_25, %dma_start3A_26] : memref<10000x128xf32, #tpu.memory_space<hbm>> -> memref<10000x128xf32, #tpu.memory_space<hbm>>
    tpu.enqueue_indirect_dma source(%dma_start3A_27 : memref<10000x128xf32, #tpu.memory_space<hbm>>) target(%arg8 : memref<125x128xf32, #tpu.memory_space<vmem>>) offsets(%dma_start3A_24 : memref<125xi32, #tpu.memory_space<vmem>>) semaphore(%arg13 : memref<!tpu.dma_semaphore, #tpu.memory_space<semaphore_mem>>)
    %dma_start3A_28 = arith.constant 1 : i32
    %dma_start3A_29 = arith.constant 0 : i32
    %dma_start3A_30 = arith.constant 0 : i32
    %dma_start3A_31 = tpu.memref_slice %arg3[%add3A, %dma_start3A_28, %dma_start3A_29, %dma_start3A_30] : memref<32x8x10x125xi32, #tpu.memory_space<hbm>> -> memref<1x1x10x125xi32, #tpu.memory_space<hbm>>
    %dma_start3A_32 = tpu.memref_squeeze %dma_start3A_31 : memref<1x1x10x125xi32, #tpu.memory_space<hbm>> -> memref<10x125xi32, #tpu.memory_space<hbm>>
    %dma_start3A_33 = arith.constant 0 : i32
    %dma_start3A_34 = arith.constant 0 : i32
    %dma_start3A_35 = tpu.memref_slice %arg3[%add3A, %dma_start3A_28, %dma_start3A_33, %dma_start3A_34] : memref<32x8x10x125xi32, #tpu.memory_space<hbm>> -> memref<1x1x10x125xi32, #tpu.memory_space<hbm>>
    %dma_start3A_36 = tpu.memref_squeeze %dma_start3A_35 : memref<1x1x10x125xi32, #tpu.memory_space<hbm>> -> memref<10x125xi32, #tpu.memory_space<hbm>>
    tpu.enqueue_dma source(%dma_start3A_36 : memref<10x125xi32, #tpu.memory_space<hbm>>) target(%arg7 : memref<10x125xi32, #tpu.memory_space<vmem>>) target_semaphore(%arg12 : memref<!tpu.dma_semaphore, #tpu.memory_space<semaphore_mem>>)
    %dma_wait3A_37 = arith.constant 0 : i32
    %dma_wait3A_38 = tpu.memref_slice %arg10[%mul3A_2, %dma_wait3A_37] : memref<10240x128xf32, #tpu.memory_space<vmem_shared>> -> memref<640x128xf32, #tpu.memory_space<vmem_shared>>
    tpu.wait_dma2 semaphore(%arg15 : memref<!tpu.dma_semaphore, #tpu.memory_space<semaphore_mem>>) src(%arg4 : memref<640x128xf32, #tpu.memory_space<hbm>>) dst(%dma_wait3A_38 : memref<640x128xf32, #tpu.memory_space<vmem_shared>>)
    %barrier3A = arith.constant 0 : index
    tpu.barrier barrier_id(%barrier3A)
    %scan3A = arith.constant 0 : i32
    %scan3A_39 = arith.constant 0 : i32
    %scan3A_40 = arith.constant 3 : i32
    %scan3A_41 = arith.addi %scan3A_39, %scan3A_40 : i32
    %scan3A_42 = arith.constant 1 : i32
    scf.for %scan3A_196 = %scan3A_39 to %scan3A_41 step %scan3A_42  : i32 {
      %dma_wait3A_197 = arith.constant 0 : i32
      %dma_wait3A_198 = arith.constant 0 : i32
      %dma_wait3A_199 = tpu.memref_slice %arg6[%dma_wait3A_197, %dma_wait3A_198] : memref<10x125xi32, #tpu.memory_space<vmem>> -> memref<1x125xi32, #tpu.memory_space<vmem>>
      %dma_wait3A_200 = tpu.memref_squeeze %dma_wait3A_199 : memref<1x125xi32, #tpu.memory_space<vmem>> -> memref<125xi32, #tpu.memory_space<vmem>>
      %dma_wait3A_201 = arith.constant 0 : i32
      %dma_wait3A_202 = arith.constant 0 : i32
      %dma_wait3A_203 = tpu.memref_slice %arg2[%dma_wait3A_201, %dma_wait3A_202] : memref<10000x128xf32, #tpu.memory_space<hbm>> -> memref<10000x128xf32, #tpu.memory_space<hbm>>
      tpu.wait_indirect_dma semaphore(%arg13 : memref<!tpu.dma_semaphore, #tpu.memory_space<semaphore_mem>>) src(%dma_wait3A_203 : memref<10000x128xf32, #tpu.memory_space<hbm>>) dst(%arg8 : memref<125x128xf32, #tpu.memory_space<vmem>>)
      %dma_start3A_204 = arith.constant 2 : i32
      %dma_start3A_205 = arith.constant 0 : i32
      %dma_start3A_206 = tpu.memref_slice %arg6[%dma_start3A_204, %dma_start3A_205] : memref<10x125xi32, #tpu.memory_space<vmem>> -> memref<1x125xi32, #tpu.memory_space<vmem>>
      %dma_start3A_207 = tpu.memref_squeeze %dma_start3A_206 : memref<1x125xi32, #tpu.memory_space<vmem>> -> memref<125xi32, #tpu.memory_space<vmem>>
      %dma_start3A_208 = arith.constant 0 : i32
      %dma_start3A_209 = arith.constant 0 : i32
      %dma_start3A_210 = tpu.memref_slice %arg2[%dma_start3A_208, %dma_start3A_209] : memref<10000x128xf32, #tpu.memory_space<hbm>> -> memref<10000x128xf32, #tpu.memory_space<hbm>>
      tpu.enqueue_indirect_dma source(%dma_start3A_210 : memref<10000x128xf32, #tpu.memory_space<hbm>>) target(%arg9 : memref<125x128xf32, #tpu.memory_space<vmem>>) offsets(%dma_start3A_207 : memref<125xi32, #tpu.memory_space<vmem>>) semaphore(%arg14 : memref<!tpu.dma_semaphore, #tpu.memory_space<semaphore_mem>>)
      %run_scoped3A_211 = arith.constant 1 : i32
      "tpu.region"() ({
        %run_scoped3A_389 = tpu.sem_alloc : memref<!tpu.dma_semaphore, #tpu.memory_space<semaphore_mem>>
        %dma_start3A_390 = arith.constant 0 : i32
        %dma_start3A_391 = tpu.memref_slice %arg6[%run_scoped3A_211, %dma_start3A_390] : memref<10x125xi32, #tpu.memory_space<vmem>> -> memref<1x125xi32, #tpu.memory_space<vmem>>
        %dma_start3A_392 = tpu.memref_squeeze %dma_start3A_391 : memref<1x125xi32, #tpu.memory_space<vmem>> -> memref<125xi32, #tpu.memory_space<vmem>>
        %dma_start3A_393 = arith.constant 0 : i32
        %dma_start3A_394 = arith.constant 0 : i32
        %dma_start3A_395 = tpu.memref_slice %arg10[%dma_start3A_393, %dma_start3A_394] : memref<10240x128xf32, #tpu.memory_space<vmem_shared>> -> memref<10240x128xf32, #tpu.memory_space<vmem_shared>>
        tpu.enqueue_indirect_dma source(%arg8 : memref<125x128xf32, #tpu.memory_space<vmem>>) target(%dma_start3A_395 : memref<10240x128xf32, #tpu.memory_space<vmem_shared>>) offsets(%dma_start3A_392 : memref<125xi32, #tpu.memory_space<vmem>>) semaphore(%run_scoped3A_389 : memref<!tpu.dma_semaphore, #tpu.memory_space<semaphore_mem>>) {add = true}
        %dma_wait3A_396 = arith.constant 0 : i32
        %dma_wait3A_397 = tpu.memref_slice %arg6[%run_scoped3A_211, %dma_wait3A_396] : memref<10x125xi32, #tpu.memory_space<vmem>> -> memref<1x125xi32, #tpu.memory_space<vmem>>
        %dma_wait3A_398 = tpu.memref_squeeze %dma_wait3A_397 : memref<1x125xi32, #tpu.memory_space<vmem>> -> memref<125xi32, #tpu.memory_space<vmem>>
        %dma_wait3A_399 = arith.constant 0 : i32
        %dma_wait3A_400 = arith.constant 0 : i32
        %dma_wait3A_401 = tpu.memref_slice %arg10[%dma_wait3A_399, %dma_wait3A_400] : memref<10240x128xf32, #tpu.memory_space<vmem_shared>> -> memref<10240x128xf32, #tpu.memory_space<vmem_shared>>
        tpu.wait_indirect_dma semaphore(%run_scoped3A_389 : memref<!tpu.dma_semaphore, #tpu.memory_space<semaphore_mem>>) src(%arg8 : memref<125x128xf32, #tpu.memory_space<vmem>>) dst(%dma_wait3A_401 : memref<10240x128xf32, #tpu.memory_space<vmem_shared>>)
        tpu.yield
      }) : () -> ()
      %dma_wait3A_212 = arith.constant 2 : i32
      %dma_wait3A_213 = arith.constant 0 : i32
      %dma_wait3A_214 = tpu.memref_slice %arg6[%dma_wait3A_212, %dma_wait3A_213] : memref<10x125xi32, #tpu.memory_space<vmem>> -> memref<1x125xi32, #tpu.memory_space<vmem>>
      %dma_wait3A_215 = tpu.memref_squeeze %dma_wait3A_214 : memref<1x125xi32, #tpu.memory_space<vmem>> -> memref<125xi32, #tpu.memory_space<vmem>>
      %dma_wait3A_216 = arith.constant 0 : i32
      %dma_wait3A_217 = arith.constant 0 : i32
      %dma_wait3A_218 = tpu.memref_slice %arg2[%dma_wait3A_216, %dma_wait3A_217] : memref<10000x128xf32, #tpu.memory_space<hbm>> -> memref<10000x128xf32, #tpu.memory_space<hbm>>
      tpu.wait_indirect_dma semaphore(%arg14 : memref<!tpu.dma_semaphore, #tpu.memory_space<semaphore_mem>>) src(%dma_wait3A_218 : memref<10000x128xf32, #tpu.memory_space<hbm>>) dst(%arg9 : memref<125x128xf32, #tpu.memory_space<vmem>>)
      %dma_start3A_219 = arith.constant 4 : i32
      %dma_start3A_220 = arith.constant 0 : i32
      %dma_start3A_221 = tpu.memref_slice %arg6[%dma_start3A_219, %dma_start3A_220] : memref<10x125xi32, #tpu.memory_space<vmem>> -> memref<1x125xi32, #tpu.memory_space<vmem>>
      %dma_start3A_222 = tpu.memref_squeeze %dma_start3A_221 : memref<1x125xi32, #tpu.memory_space<vmem>> -> memref<125xi32, #tpu.memory_space<vmem>>
      %dma_start3A_223 = arith.constant 0 : i32
      %dma_start3A_224 = arith.constant 0 : i32
      %dma_start3A_225 = tpu.memref_slice %arg2[%dma_start3A_223, %dma_start3A_224] : memref<10000x128xf32, #tpu.memory_space<hbm>> -> memref<10000x128xf32, #tpu.memory_space<hbm>>
      tpu.enqueue_indirect_dma source(%dma_start3A_225 : memref<10000x128xf32, #tpu.memory_space<hbm>>) target(%arg8 : memref<125x128xf32, #tpu.memory_space<vmem>>) offsets(%dma_start3A_222 : memref<125xi32, #tpu.memory_space<vmem>>) semaphore(%arg13 : memref<!tpu.dma_semaphore, #tpu.memory_space<semaphore_mem>>)
      %run_scoped3A_226 = arith.constant 3 : i32
      "tpu.region"() ({
        %run_scoped3A_389 = tpu.sem_alloc : memref<!tpu.dma_semaphore, #tpu.memory_space<semaphore_mem>>
        %dma_start3A_390 = arith.constant 0 : i32
        %dma_start3A_391 = tpu.memref_slice %arg6[%run_scoped3A_226, %dma_start3A_390] : memref<10x125xi32, #tpu.memory_space<vmem>> -> memref<1x125xi32, #tpu.memory_space<vmem>>
        %dma_start3A_392 = tpu.memref_squeeze %dma_start3A_391 : memref<1x125xi32, #tpu.memory_space<vmem>> -> memref<125xi32, #tpu.memory_space<vmem>>
        %dma_start3A_393 = arith.constant 0 : i32
        %dma_start3A_394 = arith.constant 0 : i32
        %dma_start3A_395 = tpu.memref_slice %arg10[%dma_start3A_393, %dma_start3A_394] : memref<10240x128xf32, #tpu.memory_space<vmem_shared>> -> memref<10240x128xf32, #tpu.memory_space<vmem_shared>>
        tpu.enqueue_indirect_dma source(%arg9 : memref<125x128xf32, #tpu.memory_space<vmem>>) target(%dma_start3A_395 : memref<10240x128xf32, #tpu.memory_space<vmem_shared>>) offsets(%dma_start3A_392 : memref<125xi32, #tpu.memory_space<vmem>>) semaphore(%run_scoped3A_389 : memref<!tpu.dma_semaphore, #tpu.memory_space<semaphore_mem>>) {add = true}
        %dma_wait3A_396 = arith.constant 0 : i32
        %dma_wait3A_397 = tpu.memref_slice %arg6[%run_scoped3A_226, %dma_wait3A_396] : memref<10x125xi32, #tpu.memory_space<vmem>> -> memref<1x125xi32, #tpu.memory_space<vmem>>
        %dma_wait3A_398 = tpu.memref_squeeze %dma_wait3A_397 : memref<1x125xi32, #tpu.memory_space<vmem>> -> memref<125xi32, #tpu.memory_space<vmem>>
        %dma_wait3A_399 = arith.constant 0 : i32
        %dma_wait3A_400 = arith.constant 0 : i32
        %dma_wait3A_401 = tpu.memref_slice %arg10[%dma_wait3A_399, %dma_wait3A_400] : memref<10240x128xf32, #tpu.memory_space<vmem_shared>> -> memref<10240x128xf32, #tpu.memory_space<vmem_shared>>
        tpu.wait_indirect_dma semaphore(%run_scoped3A_389 : memref<!tpu.dma_semaphore, #tpu.memory_space<semaphore_mem>>) src(%arg9 : memref<125x128xf32, #tpu.memory_space<vmem>>) dst(%dma_wait3A_401 : memref<10240x128xf32, #tpu.memory_space<vmem_shared>>)
        tpu.yield
      }) : () -> ()
      %dma_wait3A_227 = arith.constant 4 : i32
      %dma_wait3A_228 = arith.constant 0 : i32
      %dma_wait3A_229 = tpu.memref_slice %arg6[%dma_wait3A_227, %dma_wait3A_228] : memref<10x125xi32, #tpu.memory_space<vmem>> -> memref<1x125xi32, #tpu.memory_space<vmem>>
      %dma_wait3A_230 = tpu.memref_squeeze %dma_wait3A_229 : memref<1x125xi32, #tpu.memory_space<vmem>> -> memref<125xi32, #tpu.memory_space<vmem>>
      %dma_wait3A_231 = arith.constant 0 : i32
      %dma_wait3A_232 = arith.constant 0 : i32
      %dma_wait3A_233 = tpu.memref_slice %arg2[%dma_wait3A_231, %dma_wait3A_232] : memref<10000x128xf32, #tpu.memory_space<hbm>> -> memref<10000x128xf32, #tpu.memory_space<hbm>>
      tpu.wait_indirect_dma semaphore(%arg13 : memref<!tpu.dma_semaphore, #tpu.memory_space<semaphore_mem>>) src(%dma_wait3A_233 : memref<10000x128xf32, #tpu.memory_space<hbm>>) dst(%arg8 : memref<125x128xf32, #tpu.memory_space<vmem>>)
      %dma_start3A_234 = arith.constant 6 : i32
      %dma_start3A_235 = arith.constant 0 : i32
      %dma_start3A_236 = tpu.memref_slice %arg6[%dma_start3A_234, %dma_start3A_235] : memref<10x125xi32, #tpu.memory_space<vmem>> -> memref<1x125xi32, #tpu.memory_space<vmem>>
      %dma_start3A_237 = tpu.memref_squeeze %dma_start3A_236 : memref<1x125xi32, #tpu.memory_space<vmem>> -> memref<125xi32, #tpu.memory_space<vmem>>
      %dma_start3A_238 = arith.constant 0 : i32
      %dma_start3A_239 = arith.constant 0 : i32
      %dma_start3A_240 = tpu.memref_slice %arg2[%dma_start3A_238, %dma_start3A_239] : memref<10000x128xf32, #tpu.memory_space<hbm>> -> memref<10000x128xf32, #tpu.memory_space<hbm>>
      tpu.enqueue_indirect_dma source(%dma_start3A_240 : memref<10000x128xf32, #tpu.memory_space<hbm>>) target(%arg9 : memref<125x128xf32, #tpu.memory_space<vmem>>) offsets(%dma_start3A_237 : memref<125xi32, #tpu.memory_space<vmem>>) semaphore(%arg14 : memref<!tpu.dma_semaphore, #tpu.memory_space<semaphore_mem>>)
      %run_scoped3A_241 = arith.constant 5 : i32
      "tpu.region"() ({
        %run_scoped3A_389 = tpu.sem_alloc : memref<!tpu.dma_semaphore, #tpu.memory_space<semaphore_mem>>
        %dma_start3A_390 = arith.constant 0 : i32
        %dma_start3A_391 = tpu.memref_slice %arg6[%run_scoped3A_241, %dma_start3A_390] : memref<10x125xi32, #tpu.memory_space<vmem>> -> memref<1x125xi32, #tpu.memory_space<vmem>>
        %dma_start3A_392 = tpu.memref_squeeze %dma_start3A_391 : memref<1x125xi32, #tpu.memory_space<vmem>> -> memref<125xi32, #tpu.memory_space<vmem>>
        %dma_start3A_393 = arith.constant 0 : i32
        %dma_start3A_394 = arith.constant 0 : i32
        %dma_start3A_395 = tpu.memref_slice %arg10[%dma_start3A_393, %dma_start3A_394] : memref<10240x128xf32, #tpu.memory_space<vmem_shared>> -> memref<10240x128xf32, #tpu.memory_space<vmem_shared>>
        tpu.enqueue_indirect_dma source(%arg8 : memref<125x128xf32, #tpu.memory_space<vmem>>) target(%dma_start3A_395 : memref<10240x128xf32, #tpu.memory_space<vmem_shared>>) offsets(%dma_start3A_392 : memref<125xi32, #tpu.memory_space<vmem>>) semaphore(%run_scoped3A_389 : memref<!tpu.dma_semaphore, #tpu.memory_space<semaphore_mem>>) {add = true}
        %dma_wait3A_396 = arith.constant 0 : i32
        %dma_wait3A_397 = tpu.memref_slice %arg6[%run_scoped3A_241, %dma_wait3A_396] : memref<10x125xi32, #tpu.memory_space<vmem>> -> memref<1x125xi32, #tpu.memory_space<vmem>>
        %dma_wait3A_398 = tpu.memref_squeeze %dma_wait3A_397 : memref<1x125xi32, #tpu.memory_space<vmem>> -> memref<125xi32, #tpu.memory_space<vmem>>
        %dma_wait3A_399 = arith.constant 0 : i32
        %dma_wait3A_400 = arith.constant 0 : i32
        %dma_wait3A_401 = tpu.memref_slice %arg10[%dma_wait3A_399, %dma_wait3A_400] : memref<10240x128xf32, #tpu.memory_space<vmem_shared>> -> memref<10240x128xf32, #tpu.memory_space<vmem_shared>>
        tpu.wait_indirect_dma semaphore(%run_scoped3A_389 : memref<!tpu.dma_semaphore, #tpu.memory_space<semaphore_mem>>) src(%arg8 : memref<125x128xf32, #tpu.memory_space<vmem>>) dst(%dma_wait3A_401 : memref<10240x128xf32, #tpu.memory_space<vmem_shared>>)
        tpu.yield
      }) : () -> ()
      %dma_wait3A_242 = arith.constant 6 : i32
      %dma_wait3A_243 = arith.constant 0 : i32
      %dma_wait3A_244 = tpu.memref_slice %arg6[%dma_wait3A_242, %dma_wait3A_243] : memref<10x125xi32, #tpu.memory_space<vmem>> -> memref<1x125xi32, #tpu.memory_space<vmem>>
      %dma_wait3A_245 = tpu.memref_squeeze %dma_wait3A_244 : memref<1x125xi32, #tpu.memory_space<vmem>> -> memref<125xi32, #tpu.memory_space<vmem>>
      %dma_wait3A_246 = arith.constant 0 : i32
      %dma_wait3A_247 = arith.constant 0 : i32
      %dma_wait3A_248 = tpu.memref_slice %arg2[%dma_wait3A_246, %dma_wait3A_247] : memref<10000x128xf32, #tpu.memory_space<hbm>> -> memref<10000x128xf32, #tpu.memory_space<hbm>>
      tpu.wait_indirect_dma semaphore(%arg14 : memref<!tpu.dma_semaphore, #tpu.memory_space<semaphore_mem>>) src(%dma_wait3A_248 : memref<10000x128xf32, #tpu.memory_space<hbm>>) dst(%arg9 : memref<125x128xf32, #tpu.memory_space<vmem>>)
      %dma_start3A_249 = arith.constant 8 : i32
      %dma_start3A_250 = arith.constant 0 : i32
      %dma_start3A_251 = tpu.memref_slice %arg6[%dma_start3A_249, %dma_start3A_250] : memref<10x125xi32, #tpu.memory_space<vmem>> -> memref<1x125xi32, #tpu.memory_space<vmem>>
      %dma_start3A_252 = tpu.memref_squeeze %dma_start3A_251 : memref<1x125xi32, #tpu.memory_space<vmem>> -> memref<125xi32, #tpu.memory_space<vmem>>
      %dma_start3A_253 = arith.constant 0 : i32
      %dma_start3A_254 = arith.constant 0 : i32
      %dma_start3A_255 = tpu.memref_slice %arg2[%dma_start3A_253, %dma_start3A_254] : memref<10000x128xf32, #tpu.memory_space<hbm>> -> memref<10000x128xf32, #tpu.memory_space<hbm>>
      tpu.enqueue_indirect_dma source(%dma_start3A_255 : memref<10000x128xf32, #tpu.memory_space<hbm>>) target(%arg8 : memref<125x128xf32, #tpu.memory_space<vmem>>) offsets(%dma_start3A_252 : memref<125xi32, #tpu.memory_space<vmem>>) semaphore(%arg13 : memref<!tpu.dma_semaphore, #tpu.memory_space<semaphore_mem>>)
      %run_scoped3A_256 = arith.constant 7 : i32
      "tpu.region"() ({
        %run_scoped3A_389 = tpu.sem_alloc : memref<!tpu.dma_semaphore, #tpu.memory_space<semaphore_mem>>
        %dma_start3A_390 = arith.constant 0 : i32
        %dma_start3A_391 = tpu.memref_slice %arg6[%run_scoped3A_256, %dma_start3A_390] : memref<10x125xi32, #tpu.memory_space<vmem>> -> memref<1x125xi32, #tpu.memory_space<vmem>>
        %dma_start3A_392 = tpu.memref_squeeze %dma_start3A_391 : memref<1x125xi32, #tpu.memory_space<vmem>> -> memref<125xi32, #tpu.memory_space<vmem>>
        %dma_start3A_393 = arith.constant 0 : i32
        %dma_start3A_394 = arith.constant 0 : i32
        %dma_start3A_395 = tpu.memref_slice %arg10[%dma_start3A_393, %dma_start3A_394] : memref<10240x128xf32, #tpu.memory_space<vmem_shared>> -> memref<10240x128xf32, #tpu.memory_space<vmem_shared>>
        tpu.enqueue_indirect_dma source(%arg9 : memref<125x128xf32, #tpu.memory_space<vmem>>) target(%dma_start3A_395 : memref<10240x128xf32, #tpu.memory_space<vmem_shared>>) offsets(%dma_start3A_392 : memref<125xi32, #tpu.memory_space<vmem>>) semaphore(%run_scoped3A_389 : memref<!tpu.dma_semaphore, #tpu.memory_space<semaphore_mem>>) {add = true}
        %dma_wait3A_396 = arith.constant 0 : i32
        %dma_wait3A_397 = tpu.memref_slice %arg6[%run_scoped3A_256, %dma_wait3A_396] : memref<10x125xi32, #tpu.memory_space<vmem>> -> memref<1x125xi32, #tpu.memory_space<vmem>>
        %dma_wait3A_398 = tpu.memref_squeeze %dma_wait3A_397 : memref<1x125xi32, #tpu.memory_space<vmem>> -> memref<125xi32, #tpu.memory_space<vmem>>
        %dma_wait3A_399 = arith.constant 0 : i32
        %dma_wait3A_400 = arith.constant 0 : i32
        %dma_wait3A_401 = tpu.memref_slice %arg10[%dma_wait3A_399, %dma_wait3A_400] : memref<10240x128xf32, #tpu.memory_space<vmem_shared>> -> memref<10240x128xf32, #tpu.memory_space<vmem_shared>>
        tpu.wait_indirect_dma semaphore(%run_scoped3A_389 : memref<!tpu.dma_semaphore, #tpu.memory_space<semaphore_mem>>) src(%arg9 : memref<125x128xf32, #tpu.memory_space<vmem>>) dst(%dma_wait3A_401 : memref<10240x128xf32, #tpu.memory_space<vmem_shared>>)
        tpu.yield
      }) : () -> ()
      %dma_wait3A_257 = arith.constant 8 : i32
      %dma_wait3A_258 = arith.constant 0 : i32
      %dma_wait3A_259 = tpu.memref_slice %arg6[%dma_wait3A_257, %dma_wait3A_258] : memref<10x125xi32, #tpu.memory_space<vmem>> -> memref<1x125xi32, #tpu.memory_space<vmem>>
      %dma_wait3A_260 = tpu.memref_squeeze %dma_wait3A_259 : memref<1x125xi32, #tpu.memory_space<vmem>> -> memref<125xi32, #tpu.memory_space<vmem>>
      %dma_wait3A_261 = arith.constant 0 : i32
      %dma_wait3A_262 = arith.constant 0 : i32
      %dma_wait3A_263 = tpu.memref_slice %arg2[%dma_wait3A_261, %dma_wait3A_262] : memref<10000x128xf32, #tpu.memory_space<hbm>> -> memref<10000x128xf32, #tpu.memory_space<hbm>>
      tpu.wait_indirect_dma semaphore(%arg13 : memref<!tpu.dma_semaphore, #tpu.memory_space<semaphore_mem>>) src(%dma_wait3A_263 : memref<10000x128xf32, #tpu.memory_space<hbm>>) dst(%arg8 : memref<125x128xf32, #tpu.memory_space<vmem>>)
      %dma_wait3A_264 = arith.constant 0 : i32
      %dma_wait3A_265 = arith.constant 0 : i32
      %dma_wait3A_266 = arith.constant 0 : i32
      %dma_wait3A_267 = tpu.memref_slice %arg3[%add3A, %dma_wait3A_264, %dma_wait3A_265, %dma_wait3A_266] : memref<32x8x10x125xi32, #tpu.memory_space<hbm>> -> memref<1x1x10x125xi32, #tpu.memory_space<hbm>>
      %dma_wait3A_268 = tpu.memref_squeeze %dma_wait3A_267 : memref<1x1x10x125xi32, #tpu.memory_space<hbm>> -> memref<10x125xi32, #tpu.memory_space<hbm>>
      %dma_wait3A_269 = arith.constant 0 : i32
      %dma_wait3A_270 = arith.constant 0 : i32
      %dma_wait3A_271 = tpu.memref_slice %arg3[%add3A, %dma_wait3A_264, %dma_wait3A_269, %dma_wait3A_270] : memref<32x8x10x125xi32, #tpu.memory_space<hbm>> -> memref<1x1x10x125xi32, #tpu.memory_space<hbm>>
      %dma_wait3A_272 = tpu.memref_squeeze %dma_wait3A_271 : memref<1x1x10x125xi32, #tpu.memory_space<hbm>> -> memref<10x125xi32, #tpu.memory_space<hbm>>
      tpu.wait_dma2 semaphore(%arg12 : memref<!tpu.dma_semaphore, #tpu.memory_space<semaphore_mem>>) src(%dma_wait3A_272 : memref<10x125xi32, #tpu.memory_space<hbm>>) dst(%arg7 : memref<10x125xi32, #tpu.memory_space<vmem>>)
      %dma_start3A_273 = arith.constant 0 : i32
      %dma_start3A_274 = arith.constant 0 : i32
      %dma_start3A_275 = tpu.memref_slice %arg7[%dma_start3A_273, %dma_start3A_274] : memref<10x125xi32, #tpu.memory_space<vmem>> -> memref<1x125xi32, #tpu.memory_space<vmem>>
      %dma_start3A_276 = tpu.memref_squeeze %dma_start3A_275 : memref<1x125xi32, #tpu.memory_space<vmem>> -> memref<125xi32, #tpu.memory_space<vmem>>
      %dma_start3A_277 = arith.constant 0 : i32
      %dma_start3A_278 = arith.constant 0 : i32
      %dma_start3A_279 = tpu.memref_slice %arg2[%dma_start3A_277, %dma_start3A_278] : memref<10000x128xf32, #tpu.memory_space<hbm>> -> memref<10000x128xf32, #tpu.memory_space<hbm>>
      tpu.enqueue_indirect_dma source(%dma_start3A_279 : memref<10000x128xf32, #tpu.memory_space<hbm>>) target(%arg9 : memref<125x128xf32, #tpu.memory_space<vmem>>) offsets(%dma_start3A_276 : memref<125xi32, #tpu.memory_space<vmem>>) semaphore(%arg14 : memref<!tpu.dma_semaphore, #tpu.memory_space<semaphore_mem>>)
      %run_scoped3A_280 = arith.constant 9 : i32
      "tpu.region"() ({
        %run_scoped3A_389 = tpu.sem_alloc : memref<!tpu.dma_semaphore, #tpu.memory_space<semaphore_mem>>
        %dma_start3A_390 = arith.constant 0 : i32
        %dma_start3A_391 = tpu.memref_slice %arg6[%run_scoped3A_280, %dma_start3A_390] : memref<10x125xi32, #tpu.memory_space<vmem>> -> memref<1x125xi32, #tpu.memory_space<vmem>>
        %dma_start3A_392 = tpu.memref_squeeze %dma_start3A_391 : memref<1x125xi32, #tpu.memory_space<vmem>> -> memref<125xi32, #tpu.memory_space<vmem>>
        %dma_start3A_393 = arith.constant 0 : i32
        %dma_start3A_394 = arith.constant 0 : i32
        %dma_start3A_395 = tpu.memref_slice %arg10[%dma_start3A_393, %dma_start3A_394] : memref<10240x128xf32, #tpu.memory_space<vmem_shared>> -> memref<10240x128xf32, #tpu.memory_space<vmem_shared>>
        tpu.enqueue_indirect_dma source(%arg8 : memref<125x128xf32, #tpu.memory_space<vmem>>) target(%dma_start3A_395 : memref<10240x128xf32, #tpu.memory_space<vmem_shared>>) offsets(%dma_start3A_392 : memref<125xi32, #tpu.memory_space<vmem>>) semaphore(%run_scoped3A_389 : memref<!tpu.dma_semaphore, #tpu.memory_space<semaphore_mem>>) {add = true}
        %dma_wait3A_396 = arith.constant 0 : i32
        %dma_wait3A_397 = tpu.memref_slice %arg6[%run_scoped3A_280, %dma_wait3A_396] : memref<10x125xi32, #tpu.memory_space<vmem>> -> memref<1x125xi32, #tpu.memory_space<vmem>>
        %dma_wait3A_398 = tpu.memref_squeeze %dma_wait3A_397 : memref<1x125xi32, #tpu.memory_space<vmem>> -> memref<125xi32, #tpu.memory_space<vmem>>
        %dma_wait3A_399 = arith.constant 0 : i32
        %dma_wait3A_400 = arith.constant 0 : i32
        %dma_wait3A_401 = tpu.memref_slice %arg10[%dma_wait3A_399, %dma_wait3A_400] : memref<10240x128xf32, #tpu.memory_space<vmem_shared>> -> memref<10240x128xf32, #tpu.memory_space<vmem_shared>>
        tpu.wait_indirect_dma semaphore(%run_scoped3A_389 : memref<!tpu.dma_semaphore, #tpu.memory_space<semaphore_mem>>) src(%arg8 : memref<125x128xf32, #tpu.memory_space<vmem>>) dst(%dma_wait3A_401 : memref<10240x128xf32, #tpu.memory_space<vmem_shared>>)
        tpu.yield
      }) : () -> ()
      %mul3A_281 = arith.constant 2 : i32
      %mul3A_282 = arith.muli %mul3A_281, %scan3A_196 : i32
      %add3A_283 = arith.constant 2 : i32
      %add3A_284 = arith.addi %mul3A_282, %add3A_283 : i32
      %dma_start3A_285 = arith.constant 0 : i32
      %dma_start3A_286 = arith.constant 0 : i32
      %dma_start3A_287 = tpu.memref_slice %arg3[%add3A, %add3A_284, %dma_start3A_285, %dma_start3A_286] : memref<32x8x10x125xi32, #tpu.memory_space<hbm>> -> memref<1x1x10x125xi32, #tpu.memory_space<hbm>>
      %dma_start3A_288 = tpu.memref_squeeze %dma_start3A_287 : memref<1x1x10x125xi32, #tpu.memory_space<hbm>> -> memref<10x125xi32, #tpu.memory_space<hbm>>
      %dma_start3A_289 = arith.constant 0 : i32
      %dma_start3A_290 = arith.constant 0 : i32
      %dma_start3A_291 = tpu.memref_slice %arg3[%add3A, %add3A_284, %dma_start3A_289, %dma_start3A_290] : memref<32x8x10x125xi32, #tpu.memory_space<hbm>> -> memref<1x1x10x125xi32, #tpu.memory_space<hbm>>
      %dma_start3A_292 = tpu.memref_squeeze %dma_start3A_291 : memref<1x1x10x125xi32, #tpu.memory_space<hbm>> -> memref<10x125xi32, #tpu.memory_space<hbm>>
      tpu.enqueue_dma source(%dma_start3A_292 : memref<10x125xi32, #tpu.memory_space<hbm>>) target(%arg6 : memref<10x125xi32, #tpu.memory_space<vmem>>) target_semaphore(%arg11 : memref<!tpu.dma_semaphore, #tpu.memory_space<semaphore_mem>>)
      %dma_wait3A_293 = arith.constant 0 : i32
      %dma_wait3A_294 = arith.constant 0 : i32
      %dma_wait3A_295 = tpu.memref_slice %arg7[%dma_wait3A_293, %dma_wait3A_294] : memref<10x125xi32, #tpu.memory_space<vmem>> -> memref<1x125xi32, #tpu.memory_space<vmem>>
      %dma_wait3A_296 = tpu.memref_squeeze %dma_wait3A_295 : memref<1x125xi32, #tpu.memory_space<vmem>> -> memref<125xi32, #tpu.memory_space<vmem>>
      %dma_wait3A_297 = arith.constant 0 : i32
      %dma_wait3A_298 = arith.constant 0 : i32
      %dma_wait3A_299 = tpu.memref_slice %arg2[%dma_wait3A_297, %dma_wait3A_298] : memref<10000x128xf32, #tpu.memory_space<hbm>> -> memref<10000x128xf32, #tpu.memory_space<hbm>>
      tpu.wait_indirect_dma semaphore(%arg14 : memref<!tpu.dma_semaphore, #tpu.memory_space<semaphore_mem>>) src(%dma_wait3A_299 : memref<10000x128xf32, #tpu.memory_space<hbm>>) dst(%arg9 : memref<125x128xf32, #tpu.memory_space<vmem>>)
      %dma_start3A_300 = arith.constant 2 : i32
      %dma_start3A_301 = arith.constant 0 : i32
      %dma_start3A_302 = tpu.memref_slice %arg7[%dma_start3A_300, %dma_start3A_301] : memref<10x125xi32, #tpu.memory_space<vmem>> -> memref<1x125xi32, #tpu.memory_space<vmem>>
      %dma_start3A_303 = tpu.memref_squeeze %dma_start3A_302 : memref<1x125xi32, #tpu.memory_space<vmem>> -> memref<125xi32, #tpu.memory_space<vmem>>
      %dma_start3A_304 = arith.constant 0 : i32
      %dma_start3A_305 = arith.constant 0 : i32
      %dma_start3A_306 = tpu.memref_slice %arg2[%dma_start3A_304, %dma_start3A_305] : memref<10000x128xf32, #tpu.memory_space<hbm>> -> memref<10000x128xf32, #tpu.memory_space<hbm>>
      tpu.enqueue_indirect_dma source(%dma_start3A_306 : memref<10000x128xf32, #tpu.memory_space<hbm>>) target(%arg8 : memref<125x128xf32, #tpu.memory_space<vmem>>) offsets(%dma_start3A_303 : memref<125xi32, #tpu.memory_space<vmem>>) semaphore(%arg13 : memref<!tpu.dma_semaphore, #tpu.memory_space<semaphore_mem>>)
      %run_scoped3A_307 = arith.constant 1 : i32
      "tpu.region"() ({
        %run_scoped3A_389 = tpu.sem_alloc : memref<!tpu.dma_semaphore, #tpu.memory_space<semaphore_mem>>
        %dma_start3A_390 = arith.constant 0 : i32
        %dma_start3A_391 = tpu.memref_slice %arg7[%run_scoped3A_307, %dma_start3A_390] : memref<10x125xi32, #tpu.memory_space<vmem>> -> memref<1x125xi32, #tpu.memory_space<vmem>>
        %dma_start3A_392 = tpu.memref_squeeze %dma_start3A_391 : memref<1x125xi32, #tpu.memory_space<vmem>> -> memref<125xi32, #tpu.memory_space<vmem>>
        %dma_start3A_393 = arith.constant 0 : i32
        %dma_start3A_394 = arith.constant 0 : i32
        %dma_start3A_395 = tpu.memref_slice %arg10[%dma_start3A_393, %dma_start3A_394] : memref<10240x128xf32, #tpu.memory_space<vmem_shared>> -> memref<10240x128xf32, #tpu.memory_space<vmem_shared>>
        tpu.enqueue_indirect_dma source(%arg9 : memref<125x128xf32, #tpu.memory_space<vmem>>) target(%dma_start3A_395 : memref<10240x128xf32, #tpu.memory_space<vmem_shared>>) offsets(%dma_start3A_392 : memref<125xi32, #tpu.memory_space<vmem>>) semaphore(%run_scoped3A_389 : memref<!tpu.dma_semaphore, #tpu.memory_space<semaphore_mem>>) {add = true}
        %dma_wait3A_396 = arith.constant 0 : i32
        %dma_wait3A_397 = tpu.memref_slice %arg7[%run_scoped3A_307, %dma_wait3A_396] : memref<10x125xi32, #tpu.memory_space<vmem>> -> memref<1x125xi32, #tpu.memory_space<vmem>>
        %dma_wait3A_398 = tpu.memref_squeeze %dma_wait3A_397 : memref<1x125xi32, #tpu.memory_space<vmem>> -> memref<125xi32, #tpu.memory_space<vmem>>
        %dma_wait3A_399 = arith.constant 0 : i32
        %dma_wait3A_400 = arith.constant 0 : i32
        %dma_wait3A_401 = tpu.memref_slice %arg10[%dma_wait3A_399, %dma_wait3A_400] : memref<10240x128xf32, #tpu.memory_space<vmem_shared>> -> memref<10240x128xf32, #tpu.memory_space<vmem_shared>>
        tpu.wait_indirect_dma semaphore(%run_scoped3A_389 : memref<!tpu.dma_semaphore, #tpu.memory_space<semaphore_mem>>) src(%arg9 : memref<125x128xf32, #tpu.memory_space<vmem>>) dst(%dma_wait3A_401 : memref<10240x128xf32, #tpu.memory_space<vmem_shared>>)
        tpu.yield
      }) : () -> ()
      %dma_wait3A_308 = arith.constant 2 : i32
      %dma_wait3A_309 = arith.constant 0 : i32
      %dma_wait3A_310 = tpu.memref_slice %arg7[%dma_wait3A_308, %dma_wait3A_309] : memref<10x125xi32, #tpu.memory_space<vmem>> -> memref<1x125xi32, #tpu.memory_space<vmem>>
      %dma_wait3A_311 = tpu.memref_squeeze %dma_wait3A_310 : memref<1x125xi32, #tpu.memory_space<vmem>> -> memref<125xi32, #tpu.memory_space<vmem>>
      %dma_wait3A_312 = arith.constant 0 : i32
      %dma_wait3A_313 = arith.constant 0 : i32
      %dma_wait3A_314 = tpu.memref_slice %arg2[%dma_wait3A_312, %dma_wait3A_313] : memref<10000x128xf32, #tpu.memory_space<hbm>> -> memref<10000x128xf32, #tpu.memory_space<hbm>>
      tpu.wait_indirect_dma semaphore(%arg13 : memref<!tpu.dma_semaphore, #tpu.memory_space<semaphore_mem>>) src(%dma_wait3A_314 : memref<10000x128xf32, #tpu.memory_space<hbm>>) dst(%arg8 : memref<125x128xf32, #tpu.memory_space<vmem>>)
      %dma_start3A_315 = arith.constant 4 : i32
      %dma_start3A_316 = arith.constant 0 : i32
      %dma_start3A_317 = tpu.memref_slice %arg7[%dma_start3A_315, %dma_start3A_316] : memref<10x125xi32, #tpu.memory_space<vmem>> -> memref<1x125xi32, #tpu.memory_space<vmem>>
      %dma_start3A_318 = tpu.memref_squeeze %dma_start3A_317 : memref<1x125xi32, #tpu.memory_space<vmem>> -> memref<125xi32, #tpu.memory_space<vmem>>
      %dma_start3A_319 = arith.constant 0 : i32
      %dma_start3A_320 = arith.constant 0 : i32
      %dma_start3A_321 = tpu.memref_slice %arg2[%dma_start3A_319, %dma_start3A_320] : memref<10000x128xf32, #tpu.memory_space<hbm>> -> memref<10000x128xf32, #tpu.memory_space<hbm>>
      tpu.enqueue_indirect_dma source(%dma_start3A_321 : memref<10000x128xf32, #tpu.memory_space<hbm>>) target(%arg9 : memref<125x128xf32, #tpu.memory_space<vmem>>) offsets(%dma_start3A_318 : memref<125xi32, #tpu.memory_space<vmem>>) semaphore(%arg14 : memref<!tpu.dma_semaphore, #tpu.memory_space<semaphore_mem>>)
      %run_scoped3A_322 = arith.constant 3 : i32
      "tpu.region"() ({
        %run_scoped3A_389 = tpu.sem_alloc : memref<!tpu.dma_semaphore, #tpu.memory_space<semaphore_mem>>
        %dma_start3A_390 = arith.constant 0 : i32
        %dma_start3A_391 = tpu.memref_slice %arg7[%run_scoped3A_322, %dma_start3A_390] : memref<10x125xi32, #tpu.memory_space<vmem>> -> memref<1x125xi32, #tpu.memory_space<vmem>>
        %dma_start3A_392 = tpu.memref_squeeze %dma_start3A_391 : memref<1x125xi32, #tpu.memory_space<vmem>> -> memref<125xi32, #tpu.memory_space<vmem>>
        %dma_start3A_393 = arith.constant 0 : i32
        %dma_start3A_394 = arith.constant 0 : i32
        %dma_start3A_395 = tpu.memref_slice %arg10[%dma_start3A_393, %dma_start3A_394] : memref<10240x128xf32, #tpu.memory_space<vmem_shared>> -> memref<10240x128xf32, #tpu.memory_space<vmem_shared>>
        tpu.enqueue_indirect_dma source(%arg8 : memref<125x128xf32, #tpu.memory_space<vmem>>) target(%dma_start3A_395 : memref<10240x128xf32, #tpu.memory_space<vmem_shared>>) offsets(%dma_start3A_392 : memref<125xi32, #tpu.memory_space<vmem>>) semaphore(%run_scoped3A_389 : memref<!tpu.dma_semaphore, #tpu.memory_space<semaphore_mem>>) {add = true}
        %dma_wait3A_396 = arith.constant 0 : i32
        %dma_wait3A_397 = tpu.memref_slice %arg7[%run_scoped3A_322, %dma_wait3A_396] : memref<10x125xi32, #tpu.memory_space<vmem>> -> memref<1x125xi32, #tpu.memory_space<vmem>>
        %dma_wait3A_398 = tpu.memref_squeeze %dma_wait3A_397 : memref<1x125xi32, #tpu.memory_space<vmem>> -> memref<125xi32, #tpu.memory_space<vmem>>
        %dma_wait3A_399 = arith.constant 0 : i32
        %dma_wait3A_400 = arith.constant 0 : i32
        %dma_wait3A_401 = tpu.memref_slice %arg10[%dma_wait3A_399, %dma_wait3A_400] : memref<10240x128xf32, #tpu.memory_space<vmem_shared>> -> memref<10240x128xf32, #tpu.memory_space<vmem_shared>>
        tpu.wait_indirect_dma semaphore(%run_scoped3A_389 : memref<!tpu.dma_semaphore, #tpu.memory_space<semaphore_mem>>) src(%arg8 : memref<125x128xf32, #tpu.memory_space<vmem>>) dst(%dma_wait3A_401 : memref<10240x128xf32, #tpu.memory_space<vmem_shared>>)
        tpu.yield
      }) : () -> ()
      %dma_wait3A_323 = arith.constant 4 : i32
      %dma_wait3A_324 = arith.constant 0 : i32
      %dma_wait3A_325 = tpu.memref_slice %arg7[%dma_wait3A_323, %dma_wait3A_324] : memref<10x125xi32, #tpu.memory_space<vmem>> -> memref<1x125xi32, #tpu.memory_space<vmem>>
      %dma_wait3A_326 = tpu.memref_squeeze %dma_wait3A_325 : memref<1x125xi32, #tpu.memory_space<vmem>> -> memref<125xi32, #tpu.memory_space<vmem>>
      %dma_wait3A_327 = arith.constant 0 : i32
      %dma_wait3A_328 = arith.constant 0 : i32
      %dma_wait3A_329 = tpu.memref_slice %arg2[%dma_wait3A_327, %dma_wait3A_328] : memref<10000x128xf32, #tpu.memory_space<hbm>> -> memref<10000x128xf32, #tpu.memory_space<hbm>>
      tpu.wait_indirect_dma semaphore(%arg14 : memref<!tpu.dma_semaphore, #tpu.memory_space<semaphore_mem>>) src(%dma_wait3A_329 : memref<10000x128xf32, #tpu.memory_space<hbm>>) dst(%arg9 : memref<125x128xf32, #tpu.memory_space<vmem>>)
      %dma_start3A_330 = arith.constant 6 : i32
      %dma_start3A_331 = arith.constant 0 : i32
      %dma_start3A_332 = tpu.memref_slice %arg7[%dma_start3A_330, %dma_start3A_331] : memref<10x125xi32, #tpu.memory_space<vmem>> -> memref<1x125xi32, #tpu.memory_space<vmem>>
      %dma_start3A_333 = tpu.memref_squeeze %dma_start3A_332 : memref<1x125xi32, #tpu.memory_space<vmem>> -> memref<125xi32, #tpu.memory_space<vmem>>
      %dma_start3A_334 = arith.constant 0 : i32
      %dma_start3A_335 = arith.constant 0 : i32
      %dma_start3A_336 = tpu.memref_slice %arg2[%dma_start3A_334, %dma_start3A_335] : memref<10000x128xf32, #tpu.memory_space<hbm>> -> memref<10000x128xf32, #tpu.memory_space<hbm>>
      tpu.enqueue_indirect_dma source(%dma_start3A_336 : memref<10000x128xf32, #tpu.memory_space<hbm>>) target(%arg8 : memref<125x128xf32, #tpu.memory_space<vmem>>) offsets(%dma_start3A_333 : memref<125xi32, #tpu.memory_space<vmem>>) semaphore(%arg13 : memref<!tpu.dma_semaphore, #tpu.memory_space<semaphore_mem>>)
      %run_scoped3A_337 = arith.constant 5 : i32
      "tpu.region"() ({
        %run_scoped3A_389 = tpu.sem_alloc : memref<!tpu.dma_semaphore, #tpu.memory_space<semaphore_mem>>
        %dma_start3A_390 = arith.constant 0 : i32
        %dma_start3A_391 = tpu.memref_slice %arg7[%run_scoped3A_337, %dma_start3A_390] : memref<10x125xi32, #tpu.memory_space<vmem>> -> memref<1x125xi32, #tpu.memory_space<vmem>>
        %dma_start3A_392 = tpu.memref_squeeze %dma_start3A_391 : memref<1x125xi32, #tpu.memory_space<vmem>> -> memref<125xi32, #tpu.memory_space<vmem>>
        %dma_start3A_393 = arith.constant 0 : i32
        %dma_start3A_394 = arith.constant 0 : i32
        %dma_start3A_395 = tpu.memref_slice %arg10[%dma_start3A_393, %dma_start3A_394] : memref<10240x128xf32, #tpu.memory_space<vmem_shared>> -> memref<10240x128xf32, #tpu.memory_space<vmem_shared>>
        tpu.enqueue_indirect_dma source(%arg9 : memref<125x128xf32, #tpu.memory_space<vmem>>) target(%dma_start3A_395 : memref<10240x128xf32, #tpu.memory_space<vmem_shared>>) offsets(%dma_start3A_392 : memref<125xi32, #tpu.memory_space<vmem>>) semaphore(%run_scoped3A_389 : memref<!tpu.dma_semaphore, #tpu.memory_space<semaphore_mem>>) {add = true}
        %dma_wait3A_396 = arith.constant 0 : i32
        %dma_wait3A_397 = tpu.memref_slice %arg7[%run_scoped3A_337, %dma_wait3A_396] : memref<10x125xi32, #tpu.memory_space<vmem>> -> memref<1x125xi32, #tpu.memory_space<vmem>>
        %dma_wait3A_398 = tpu.memref_squeeze %dma_wait3A_397 : memref<1x125xi32, #tpu.memory_space<vmem>> -> memref<125xi32, #tpu.memory_space<vmem>>
        %dma_wait3A_399 = arith.constant 0 : i32
        %dma_wait3A_400 = arith.constant 0 : i32
        %dma_wait3A_401 = tpu.memref_slice %arg10[%dma_wait3A_399, %dma_wait3A_400] : memref<10240x128xf32, #tpu.memory_space<vmem_shared>> -> memref<10240x128xf32, #tpu.memory_space<vmem_shared>>
        tpu.wait_indirect_dma semaphore(%run_scoped3A_389 : memref<!tpu.dma_semaphore, #tpu.memory_space<semaphore_mem>>) src(%arg9 : memref<125x128xf32, #tpu.memory_space<vmem>>) dst(%dma_wait3A_401 : memref<10240x128xf32, #tpu.memory_space<vmem_shared>>)
        tpu.yield
      }) : () -> ()
      %dma_wait3A_338 = arith.constant 6 : i32
      %dma_wait3A_339 = arith.constant 0 : i32
      %dma_wait3A_340 = tpu.memref_slice %arg7[%dma_wait3A_338, %dma_wait3A_339] : memref<10x125xi32, #tpu.memory_space<vmem>> -> memref<1x125xi32, #tpu.memory_space<vmem>>
      %dma_wait3A_341 = tpu.memref_squeeze %dma_wait3A_340 : memref<1x125xi32, #tpu.memory_space<vmem>> -> memref<125xi32, #tpu.memory_space<vmem>>
      %dma_wait3A_342 = arith.constant 0 : i32
      %dma_wait3A_343 = arith.constant 0 : i32
      %dma_wait3A_344 = tpu.memref_slice %arg2[%dma_wait3A_342, %dma_wait3A_343] : memref<10000x128xf32, #tpu.memory_space<hbm>> -> memref<10000x128xf32, #tpu.memory_space<hbm>>
      tpu.wait_indirect_dma semaphore(%arg13 : memref<!tpu.dma_semaphore, #tpu.memory_space<semaphore_mem>>) src(%dma_wait3A_344 : memref<10000x128xf32, #tpu.memory_space<hbm>>) dst(%arg8 : memref<125x128xf32, #tpu.memory_space<vmem>>)
      %dma_start3A_345 = arith.constant 8 : i32
      %dma_start3A_346 = arith.constant 0 : i32
      %dma_start3A_347 = tpu.memref_slice %arg7[%dma_start3A_345, %dma_start3A_346] : memref<10x125xi32, #tpu.memory_space<vmem>> -> memref<1x125xi32, #tpu.memory_space<vmem>>
      %dma_start3A_348 = tpu.memref_squeeze %dma_start3A_347 : memref<1x125xi32, #tpu.memory_space<vmem>> -> memref<125xi32, #tpu.memory_space<vmem>>
      %dma_start3A_349 = arith.constant 0 : i32
      %dma_start3A_350 = arith.constant 0 : i32
      %dma_start3A_351 = tpu.memref_slice %arg2[%dma_start3A_349, %dma_start3A_350] : memref<10000x128xf32, #tpu.memory_space<hbm>> -> memref<10000x128xf32, #tpu.memory_space<hbm>>
      tpu.enqueue_indirect_dma source(%dma_start3A_351 : memref<10000x128xf32, #tpu.memory_space<hbm>>) target(%arg9 : memref<125x128xf32, #tpu.memory_space<vmem>>) offsets(%dma_start3A_348 : memref<125xi32, #tpu.memory_space<vmem>>) semaphore(%arg14 : memref<!tpu.dma_semaphore, #tpu.memory_space<semaphore_mem>>)
      %run_scoped3A_352 = arith.constant 7 : i32
      "tpu.region"() ({
        %run_scoped3A_389 = tpu.sem_alloc : memref<!tpu.dma_semaphore, #tpu.memory_space<semaphore_mem>>
        %dma_start3A_390 = arith.constant 0 : i32
        %dma_start3A_391 = tpu.memref_slice %arg7[%run_scoped3A_352, %dma_start3A_390] : memref<10x125xi32, #tpu.memory_space<vmem>> -> memref<1x125xi32, #tpu.memory_space<vmem>>
        %dma_start3A_392 = tpu.memref_squeeze %dma_start3A_391 : memref<1x125xi32, #tpu.memory_space<vmem>> -> memref<125xi32, #tpu.memory_space<vmem>>
        %dma_start3A_393 = arith.constant 0 : i32
        %dma_start3A_394 = arith.constant 0 : i32
        %dma_start3A_395 = tpu.memref_slice %arg10[%dma_start3A_393, %dma_start3A_394] : memref<10240x128xf32, #tpu.memory_space<vmem_shared>> -> memref<10240x128xf32, #tpu.memory_space<vmem_shared>>
        tpu.enqueue_indirect_dma source(%arg8 : memref<125x128xf32, #tpu.memory_space<vmem>>) target(%dma_start3A_395 : memref<10240x128xf32, #tpu.memory_space<vmem_shared>>) offsets(%dma_start3A_392 : memref<125xi32, #tpu.memory_space<vmem>>) semaphore(%run_scoped3A_389 : memref<!tpu.dma_semaphore, #tpu.memory_space<semaphore_mem>>) {add = true}
        %dma_wait3A_396 = arith.constant 0 : i32
        %dma_wait3A_397 = tpu.memref_slice %arg7[%run_scoped3A_352, %dma_wait3A_396] : memref<10x125xi32, #tpu.memory_space<vmem>> -> memref<1x125xi32, #tpu.memory_space<vmem>>
        %dma_wait3A_398 = tpu.memref_squeeze %dma_wait3A_397 : memref<1x125xi32, #tpu.memory_space<vmem>> -> memref<125xi32, #tpu.memory_space<vmem>>
        %dma_wait3A_399 = arith.constant 0 : i32
        %dma_wait3A_400 = arith.constant 0 : i32
        %dma_wait3A_401 = tpu.memref_slice %arg10[%dma_wait3A_399, %dma_wait3A_400] : memref<10240x128xf32, #tpu.memory_space<vmem_shared>> -> memref<10240x128xf32, #tpu.memory_space<vmem_shared>>
        tpu.wait_indirect_dma semaphore(%run_scoped3A_389 : memref<!tpu.dma_semaphore, #tpu.memory_space<semaphore_mem>>) src(%arg8 : memref<125x128xf32, #tpu.memory_space<vmem>>) dst(%dma_wait3A_401 : memref<10240x128xf32, #tpu.memory_space<vmem_shared>>)
        tpu.yield
      }) : () -> ()
      %dma_wait3A_353 = arith.constant 8 : i32
      %dma_wait3A_354 = arith.constant 0 : i32
      %dma_wait3A_355 = tpu.memref_slice %arg7[%dma_wait3A_353, %dma_wait3A_354] : memref<10x125xi32, #tpu.memory_space<vmem>> -> memref<1x125xi32, #tpu.memory_space<vmem>>
      %dma_wait3A_356 = tpu.memref_squeeze %dma_wait3A_355 : memref<1x125xi32, #tpu.memory_space<vmem>> -> memref<125xi32, #tpu.memory_space<vmem>>
      %dma_wait3A_357 = arith.constant 0 : i32
      %dma_wait3A_358 = arith.constant 0 : i32
      %dma_wait3A_359 = tpu.memref_slice %arg2[%dma_wait3A_357, %dma_wait3A_358] : memref<10000x128xf32, #tpu.memory_space<hbm>> -> memref<10000x128xf32, #tpu.memory_space<hbm>>
      tpu.wait_indirect_dma semaphore(%arg14 : memref<!tpu.dma_semaphore, #tpu.memory_space<semaphore_mem>>) src(%dma_wait3A_359 : memref<10000x128xf32, #tpu.memory_space<hbm>>) dst(%arg9 : memref<125x128xf32, #tpu.memory_space<vmem>>)
      %dma_wait3A_360 = arith.constant 0 : i32
      %dma_wait3A_361 = arith.constant 0 : i32
      %dma_wait3A_362 = arith.constant 0 : i32
      %dma_wait3A_363 = tpu.memref_slice %arg3[%add3A, %dma_wait3A_360, %dma_wait3A_361, %dma_wait3A_362] : memref<32x8x10x125xi32, #tpu.memory_space<hbm>> -> memref<1x1x10x125xi32, #tpu.memory_space<hbm>>
      %dma_wait3A_364 = tpu.memref_squeeze %dma_wait3A_363 : memref<1x1x10x125xi32, #tpu.memory_space<hbm>> -> memref<10x125xi32, #tpu.memory_space<hbm>>
      %dma_wait3A_365 = arith.constant 0 : i32
      %dma_wait3A_366 = arith.constant 0 : i32
      %dma_wait3A_367 = tpu.memref_slice %arg3[%add3A, %dma_wait3A_360, %dma_wait3A_365, %dma_wait3A_366] : memref<32x8x10x125xi32, #tpu.memory_space<hbm>> -> memref<1x1x10x125xi32, #tpu.memory_space<hbm>>
      %dma_wait3A_368 = tpu.memref_squeeze %dma_wait3A_367 : memref<1x1x10x125xi32, #tpu.memory_space<hbm>> -> memref<10x125xi32, #tpu.memory_space<hbm>>
      tpu.wait_dma2 semaphore(%arg11 : memref<!tpu.dma_semaphore, #tpu.memory_space<semaphore_mem>>) src(%dma_wait3A_368 : memref<10x125xi32, #tpu.memory_space<hbm>>) dst(%arg6 : memref<10x125xi32, #tpu.memory_space<vmem>>)
      %dma_start3A_369 = arith.constant 0 : i32
      %dma_start3A_370 = arith.constant 0 : i32
      %dma_start3A_371 = tpu.memref_slice %arg6[%dma_start3A_369, %dma_start3A_370] : memref<10x125xi32, #tpu.memory_space<vmem>> -> memref<1x125xi32, #tpu.memory_space<vmem>>
      %dma_start3A_372 = tpu.memref_squeeze %dma_start3A_371 : memref<1x125xi32, #tpu.memory_space<vmem>> -> memref<125xi32, #tpu.memory_space<vmem>>
      %dma_start3A_373 = arith.constant 0 : i32
      %dma_start3A_374 = arith.constant 0 : i32
      %dma_start3A_375 = tpu.memref_slice %arg2[%dma_start3A_373, %dma_start3A_374] : memref<10000x128xf32, #tpu.memory_space<hbm>> -> memref<10000x128xf32, #tpu.memory_space<hbm>>
      tpu.enqueue_indirect_dma source(%dma_start3A_375 : memref<10000x128xf32, #tpu.memory_space<hbm>>) target(%arg8 : memref<125x128xf32, #tpu.memory_space<vmem>>) offsets(%dma_start3A_372 : memref<125xi32, #tpu.memory_space<vmem>>) semaphore(%arg13 : memref<!tpu.dma_semaphore, #tpu.memory_space<semaphore_mem>>)
      %run_scoped3A_376 = arith.constant 9 : i32
      "tpu.region"() ({
        %run_scoped3A_389 = tpu.sem_alloc : memref<!tpu.dma_semaphore, #tpu.memory_space<semaphore_mem>>
        %dma_start3A_390 = arith.constant 0 : i32
        %dma_start3A_391 = tpu.memref_slice %arg7[%run_scoped3A_376, %dma_start3A_390] : memref<10x125xi32, #tpu.memory_space<vmem>> -> memref<1x125xi32, #tpu.memory_space<vmem>>
        %dma_start3A_392 = tpu.memref_squeeze %dma_start3A_391 : memref<1x125xi32, #tpu.memory_space<vmem>> -> memref<125xi32, #tpu.memory_space<vmem>>
        %dma_start3A_393 = arith.constant 0 : i32
        %dma_start3A_394 = arith.constant 0 : i32
        %dma_start3A_395 = tpu.memref_slice %arg10[%dma_start3A_393, %dma_start3A_394] : memref<10240x128xf32, #tpu.memory_space<vmem_shared>> -> memref<10240x128xf32, #tpu.memory_space<vmem_shared>>
        tpu.enqueue_indirect_dma source(%arg9 : memref<125x128xf32, #tpu.memory_space<vmem>>) target(%dma_start3A_395 : memref<10240x128xf32, #tpu.memory_space<vmem_shared>>) offsets(%dma_start3A_392 : memref<125xi32, #tpu.memory_space<vmem>>) semaphore(%run_scoped3A_389 : memref<!tpu.dma_semaphore, #tpu.memory_space<semaphore_mem>>) {add = true}
        %dma_wait3A_396 = arith.constant 0 : i32
        %dma_wait3A_397 = tpu.memref_slice %arg7[%run_scoped3A_376, %dma_wait3A_396] : memref<10x125xi32, #tpu.memory_space<vmem>> -> memref<1x125xi32, #tpu.memory_space<vmem>>
        %dma_wait3A_398 = tpu.memref_squeeze %dma_wait3A_397 : memref<1x125xi32, #tpu.memory_space<vmem>> -> memref<125xi32, #tpu.memory_space<vmem>>
        %dma_wait3A_399 = arith.constant 0 : i32
        %dma_wait3A_400 = arith.constant 0 : i32
        %dma_wait3A_401 = tpu.memref_slice %arg10[%dma_wait3A_399, %dma_wait3A_400] : memref<10240x128xf32, #tpu.memory_space<vmem_shared>> -> memref<10240x128xf32, #tpu.memory_space<vmem_shared>>
        tpu.wait_indirect_dma semaphore(%run_scoped3A_389 : memref<!tpu.dma_semaphore, #tpu.memory_space<semaphore_mem>>) src(%arg9 : memref<125x128xf32, #tpu.memory_space<vmem>>) dst(%dma_wait3A_401 : memref<10240x128xf32, #tpu.memory_space<vmem_shared>>)
        tpu.yield
      }) : () -> ()
      %mul3A_377 = arith.constant 2 : i32
      %mul3A_378 = arith.muli %mul3A_377, %scan3A_196 : i32
      %add3A_379 = arith.constant 3 : i32
      %add3A_380 = arith.addi %mul3A_378, %add3A_379 : i32
      %dma_start3A_381 = arith.constant 0 : i32
      %dma_start3A_382 = arith.constant 0 : i32
      %dma_start3A_383 = tpu.memref_slice %arg3[%add3A, %add3A_380, %dma_start3A_381, %dma_start3A_382] : memref<32x8x10x125xi32, #tpu.memory_space<hbm>> -> memref<1x1x10x125xi32, #tpu.memory_space<hbm>>
      %dma_start3A_384 = tpu.memref_squeeze %dma_start3A_383 : memref<1x1x10x125xi32, #tpu.memory_space<hbm>> -> memref<10x125xi32, #tpu.memory_space<hbm>>
      %dma_start3A_385 = arith.constant 0 : i32
      %dma_start3A_386 = arith.constant 0 : i32
      %dma_start3A_387 = tpu.memref_slice %arg3[%add3A, %add3A_380, %dma_start3A_385, %dma_start3A_386] : memref<32x8x10x125xi32, #tpu.memory_space<hbm>> -> memref<1x1x10x125xi32, #tpu.memory_space<hbm>>
      %dma_start3A_388 = tpu.memref_squeeze %dma_start3A_387 : memref<1x1x10x125xi32, #tpu.memory_space<hbm>> -> memref<10x125xi32, #tpu.memory_space<hbm>>
      tpu.enqueue_dma source(%dma_start3A_388 : memref<10x125xi32, #tpu.memory_space<hbm>>) target(%arg7 : memref<10x125xi32, #tpu.memory_space<vmem>>) target_semaphore(%arg12 : memref<!tpu.dma_semaphore, #tpu.memory_space<semaphore_mem>>)
    }
    %scan3A_43 = arith.constant 3 : i32
    %dma_wait3A_44 = arith.constant 0 : i32
    %dma_wait3A_45 = arith.constant 0 : i32
    %dma_wait3A_46 = tpu.memref_slice %arg6[%dma_wait3A_44, %dma_wait3A_45] : memref<10x125xi32, #tpu.memory_space<vmem>> -> memref<1x125xi32, #tpu.memory_space<vmem>>
    %dma_wait3A_47 = tpu.memref_squeeze %dma_wait3A_46 : memref<1x125xi32, #tpu.memory_space<vmem>> -> memref<125xi32, #tpu.memory_space<vmem>>
    %dma_wait3A_48 = arith.constant 0 : i32
    %dma_wait3A_49 = arith.constant 0 : i32
    %dma_wait3A_50 = tpu.memref_slice %arg2[%dma_wait3A_48, %dma_wait3A_49] : memref<10000x128xf32, #tpu.memory_space<hbm>> -> memref<10000x128xf32, #tpu.memory_space<hbm>>
    tpu.wait_indirect_dma semaphore(%arg13 : memref<!tpu.dma_semaphore, #tpu.memory_space<semaphore_mem>>) src(%dma_wait3A_50 : memref<10000x128xf32, #tpu.memory_space<hbm>>) dst(%arg8 : memref<125x128xf32, #tpu.memory_space<vmem>>)
    %dma_start3A_51 = arith.constant 2 : i32
    %dma_start3A_52 = arith.constant 0 : i32
    %dma_start3A_53 = tpu.memref_slice %arg6[%dma_start3A_51, %dma_start3A_52] : memref<10x125xi32, #tpu.memory_space<vmem>> -> memref<1x125xi32, #tpu.memory_space<vmem>>
    %dma_start3A_54 = tpu.memref_squeeze %dma_start3A_53 : memref<1x125xi32, #tpu.memory_space<vmem>> -> memref<125xi32, #tpu.memory_space<vmem>>
    %dma_start3A_55 = arith.constant 0 : i32
    %dma_start3A_56 = arith.constant 0 : i32
    %dma_start3A_57 = tpu.memref_slice %arg2[%dma_start3A_55, %dma_start3A_56] : memref<10000x128xf32, #tpu.memory_space<hbm>> -> memref<10000x128xf32, #tpu.memory_space<hbm>>
    tpu.enqueue_indirect_dma source(%dma_start3A_57 : memref<10000x128xf32, #tpu.memory_space<hbm>>) target(%arg9 : memref<125x128xf32, #tpu.memory_space<vmem>>) offsets(%dma_start3A_54 : memref<125xi32, #tpu.memory_space<vmem>>) semaphore(%arg14 : memref<!tpu.dma_semaphore, #tpu.memory_space<semaphore_mem>>)
    %run_scoped3A = arith.constant 1 : i32
    "tpu.region"() ({
      %run_scoped3A_196 = tpu.sem_alloc : memref<!tpu.dma_semaphore, #tpu.memory_space<semaphore_mem>>
      %dma_start3A_197 = arith.constant 0 : i32
      %dma_start3A_198 = tpu.memref_slice %arg6[%run_scoped3A, %dma_start3A_197] : memref<10x125xi32, #tpu.memory_space<vmem>> -> memref<1x125xi32, #tpu.memory_space<vmem>>
      %dma_start3A_199 = tpu.memref_squeeze %dma_start3A_198 : memref<1x125xi32, #tpu.memory_space<vmem>> -> memref<125xi32, #tpu.memory_space<vmem>>
      %dma_start3A_200 = arith.constant 0 : i32
      %dma_start3A_201 = arith.constant 0 : i32
      %dma_start3A_202 = tpu.memref_slice %arg10[%dma_start3A_200, %dma_start3A_201] : memref<10240x128xf32, #tpu.memory_space<vmem_shared>> -> memref<10240x128xf32, #tpu.memory_space<vmem_shared>>
      tpu.enqueue_indirect_dma source(%arg8 : memref<125x128xf32, #tpu.memory_space<vmem>>) target(%dma_start3A_202 : memref<10240x128xf32, #tpu.memory_space<vmem_shared>>) offsets(%dma_start3A_199 : memref<125xi32, #tpu.memory_space<vmem>>) semaphore(%run_scoped3A_196 : memref<!tpu.dma_semaphore, #tpu.memory_space<semaphore_mem>>) {add = true}
      %dma_wait3A_203 = arith.constant 0 : i32
      %dma_wait3A_204 = tpu.memref_slice %arg6[%run_scoped3A, %dma_wait3A_203] : memref<10x125xi32, #tpu.memory_space<vmem>> -> memref<1x125xi32, #tpu.memory_space<vmem>>
      %dma_wait3A_205 = tpu.memref_squeeze %dma_wait3A_204 : memref<1x125xi32, #tpu.memory_space<vmem>> -> memref<125xi32, #tpu.memory_space<vmem>>
      %dma_wait3A_206 = arith.constant 0 : i32
      %dma_wait3A_207 = arith.constant 0 : i32
      %dma_wait3A_208 = tpu.memref_slice %arg10[%dma_wait3A_206, %dma_wait3A_207] : memref<10240x128xf32, #tpu.memory_space<vmem_shared>> -> memref<10240x128xf32, #tpu.memory_space<vmem_shared>>
      tpu.wait_indirect_dma semaphore(%run_scoped3A_196 : memref<!tpu.dma_semaphore, #tpu.memory_space<semaphore_mem>>) src(%arg8 : memref<125x128xf32, #tpu.memory_space<vmem>>) dst(%dma_wait3A_208 : memref<10240x128xf32, #tpu.memory_space<vmem_shared>>)
      tpu.yield
    }) : () -> ()
    %dma_wait3A_58 = arith.constant 2 : i32
    %dma_wait3A_59 = arith.constant 0 : i32
    %dma_wait3A_60 = tpu.memref_slice %arg6[%dma_wait3A_58, %dma_wait3A_59] : memref<10x125xi32, #tpu.memory_space<vmem>> -> memref<1x125xi32, #tpu.memory_space<vmem>>
    %dma_wait3A_61 = tpu.memref_squeeze %dma_wait3A_60 : memref<1x125xi32, #tpu.memory_space<vmem>> -> memref<125xi32, #tpu.memory_space<vmem>>
    %dma_wait3A_62 = arith.constant 0 : i32
    %dma_wait3A_63 = arith.constant 0 : i32
    %dma_wait3A_64 = tpu.memref_slice %arg2[%dma_wait3A_62, %dma_wait3A_63] : memref<10000x128xf32, #tpu.memory_space<hbm>> -> memref<10000x128xf32, #tpu.memory_space<hbm>>
    tpu.wait_indirect_dma semaphore(%arg14 : memref<!tpu.dma_semaphore, #tpu.memory_space<semaphore_mem>>) src(%dma_wait3A_64 : memref<10000x128xf32, #tpu.memory_space<hbm>>) dst(%arg9 : memref<125x128xf32, #tpu.memory_space<vmem>>)
    %dma_start3A_65 = arith.constant 4 : i32
    %dma_start3A_66 = arith.constant 0 : i32
    %dma_start3A_67 = tpu.memref_slice %arg6[%dma_start3A_65, %dma_start3A_66] : memref<10x125xi32, #tpu.memory_space<vmem>> -> memref<1x125xi32, #tpu.memory_space<vmem>>
    %dma_start3A_68 = tpu.memref_squeeze %dma_start3A_67 : memref<1x125xi32, #tpu.memory_space<vmem>> -> memref<125xi32, #tpu.memory_space<vmem>>
    %dma_start3A_69 = arith.constant 0 : i32
    %dma_start3A_70 = arith.constant 0 : i32
    %dma_start3A_71 = tpu.memref_slice %arg2[%dma_start3A_69, %dma_start3A_70] : memref<10000x128xf32, #tpu.memory_space<hbm>> -> memref<10000x128xf32, #tpu.memory_space<hbm>>
    tpu.enqueue_indirect_dma source(%dma_start3A_71 : memref<10000x128xf32, #tpu.memory_space<hbm>>) target(%arg8 : memref<125x128xf32, #tpu.memory_space<vmem>>) offsets(%dma_start3A_68 : memref<125xi32, #tpu.memory_space<vmem>>) semaphore(%arg13 : memref<!tpu.dma_semaphore, #tpu.memory_space<semaphore_mem>>)
    %run_scoped3A_72 = arith.constant 3 : i32
    "tpu.region"() ({
      %run_scoped3A_196 = tpu.sem_alloc : memref<!tpu.dma_semaphore, #tpu.memory_space<semaphore_mem>>
      %dma_start3A_197 = arith.constant 0 : i32
      %dma_start3A_198 = tpu.memref_slice %arg6[%run_scoped3A_72, %dma_start3A_197] : memref<10x125xi32, #tpu.memory_space<vmem>> -> memref<1x125xi32, #tpu.memory_space<vmem>>
      %dma_start3A_199 = tpu.memref_squeeze %dma_start3A_198 : memref<1x125xi32, #tpu.memory_space<vmem>> -> memref<125xi32, #tpu.memory_space<vmem>>
      %dma_start3A_200 = arith.constant 0 : i32
      %dma_start3A_201 = arith.constant 0 : i32
      %dma_start3A_202 = tpu.memref_slice %arg10[%dma_start3A_200, %dma_start3A_201] : memref<10240x128xf32, #tpu.memory_space<vmem_shared>> -> memref<10240x128xf32, #tpu.memory_space<vmem_shared>>
      tpu.enqueue_indirect_dma source(%arg9 : memref<125x128xf32, #tpu.memory_space<vmem>>) target(%dma_start3A_202 : memref<10240x128xf32, #tpu.memory_space<vmem_shared>>) offsets(%dma_start3A_199 : memref<125xi32, #tpu.memory_space<vmem>>) semaphore(%run_scoped3A_196 : memref<!tpu.dma_semaphore, #tpu.memory_space<semaphore_mem>>) {add = true}
      %dma_wait3A_203 = arith.constant 0 : i32
      %dma_wait3A_204 = tpu.memref_slice %arg6[%run_scoped3A_72, %dma_wait3A_203] : memref<10x125xi32, #tpu.memory_space<vmem>> -> memref<1x125xi32, #tpu.memory_space<vmem>>
      %dma_wait3A_205 = tpu.memref_squeeze %dma_wait3A_204 : memref<1x125xi32, #tpu.memory_space<vmem>> -> memref<125xi32, #tpu.memory_space<vmem>>
      %dma_wait3A_206 = arith.constant 0 : i32
      %dma_wait3A_207 = arith.constant 0 : i32
      %dma_wait3A_208 = tpu.memref_slice %arg10[%dma_wait3A_206, %dma_wait3A_207] : memref<10240x128xf32, #tpu.memory_space<vmem_shared>> -> memref<10240x128xf32, #tpu.memory_space<vmem_shared>>
      tpu.wait_indirect_dma semaphore(%run_scoped3A_196 : memref<!tpu.dma_semaphore, #tpu.memory_space<semaphore_mem>>) src(%arg9 : memref<125x128xf32, #tpu.memory_space<vmem>>) dst(%dma_wait3A_208 : memref<10240x128xf32, #tpu.memory_space<vmem_shared>>)
      tpu.yield
    }) : () -> ()
    %dma_wait3A_73 = arith.constant 4 : i32
    %dma_wait3A_74 = arith.constant 0 : i32
    %dma_wait3A_75 = tpu.memref_slice %arg6[%dma_wait3A_73, %dma_wait3A_74] : memref<10x125xi32, #tpu.memory_space<vmem>> -> memref<1x125xi32, #tpu.memory_space<vmem>>
    %dma_wait3A_76 = tpu.memref_squeeze %dma_wait3A_75 : memref<1x125xi32, #tpu.memory_space<vmem>> -> memref<125xi32, #tpu.memory_space<vmem>>
    %dma_wait3A_77 = arith.constant 0 : i32
    %dma_wait3A_78 = arith.constant 0 : i32
    %dma_wait3A_79 = tpu.memref_slice %arg2[%dma_wait3A_77, %dma_wait3A_78] : memref<10000x128xf32, #tpu.memory_space<hbm>> -> memref<10000x128xf32, #tpu.memory_space<hbm>>
    tpu.wait_indirect_dma semaphore(%arg13 : memref<!tpu.dma_semaphore, #tpu.memory_space<semaphore_mem>>) src(%dma_wait3A_79 : memref<10000x128xf32, #tpu.memory_space<hbm>>) dst(%arg8 : memref<125x128xf32, #tpu.memory_space<vmem>>)
    %dma_start3A_80 = arith.constant 6 : i32
    %dma_start3A_81 = arith.constant 0 : i32
    %dma_start3A_82 = tpu.memref_slice %arg6[%dma_start3A_80, %dma_start3A_81] : memref<10x125xi32, #tpu.memory_space<vmem>> -> memref<1x125xi32, #tpu.memory_space<vmem>>
    %dma_start3A_83 = tpu.memref_squeeze %dma_start3A_82 : memref<1x125xi32, #tpu.memory_space<vmem>> -> memref<125xi32, #tpu.memory_space<vmem>>
    %dma_start3A_84 = arith.constant 0 : i32
    %dma_start3A_85 = arith.constant 0 : i32
    %dma_start3A_86 = tpu.memref_slice %arg2[%dma_start3A_84, %dma_start3A_85] : memref<10000x128xf32, #tpu.memory_space<hbm>> -> memref<10000x128xf32, #tpu.memory_space<hbm>>
    tpu.enqueue_indirect_dma source(%dma_start3A_86 : memref<10000x128xf32, #tpu.memory_space<hbm>>) target(%arg9 : memref<125x128xf32, #tpu.memory_space<vmem>>) offsets(%dma_start3A_83 : memref<125xi32, #tpu.memory_space<vmem>>) semaphore(%arg14 : memref<!tpu.dma_semaphore, #tpu.memory_space<semaphore_mem>>)
    %run_scoped3A_87 = arith.constant 5 : i32
    "tpu.region"() ({
      %run_scoped3A_196 = tpu.sem_alloc : memref<!tpu.dma_semaphore, #tpu.memory_space<semaphore_mem>>
      %dma_start3A_197 = arith.constant 0 : i32
      %dma_start3A_198 = tpu.memref_slice %arg6[%run_scoped3A_87, %dma_start3A_197] : memref<10x125xi32, #tpu.memory_space<vmem>> -> memref<1x125xi32, #tpu.memory_space<vmem>>
      %dma_start3A_199 = tpu.memref_squeeze %dma_start3A_198 : memref<1x125xi32, #tpu.memory_space<vmem>> -> memref<125xi32, #tpu.memory_space<vmem>>
      %dma_start3A_200 = arith.constant 0 : i32
      %dma_start3A_201 = arith.constant 0 : i32
      %dma_start3A_202 = tpu.memref_slice %arg10[%dma_start3A_200, %dma_start3A_201] : memref<10240x128xf32, #tpu.memory_space<vmem_shared>> -> memref<10240x128xf32, #tpu.memory_space<vmem_shared>>
      tpu.enqueue_indirect_dma source(%arg8 : memref<125x128xf32, #tpu.memory_space<vmem>>) target(%dma_start3A_202 : memref<10240x128xf32, #tpu.memory_space<vmem_shared>>) offsets(%dma_start3A_199 : memref<125xi32, #tpu.memory_space<vmem>>) semaphore(%run_scoped3A_196 : memref<!tpu.dma_semaphore, #tpu.memory_space<semaphore_mem>>) {add = true}
      %dma_wait3A_203 = arith.constant 0 : i32
      %dma_wait3A_204 = tpu.memref_slice %arg6[%run_scoped3A_87, %dma_wait3A_203] : memref<10x125xi32, #tpu.memory_space<vmem>> -> memref<1x125xi32, #tpu.memory_space<vmem>>
      %dma_wait3A_205 = tpu.memref_squeeze %dma_wait3A_204 : memref<1x125xi32, #tpu.memory_space<vmem>> -> memref<125xi32, #tpu.memory_space<vmem>>
      %dma_wait3A_206 = arith.constant 0 : i32
      %dma_wait3A_207 = arith.constant 0 : i32
      %dma_wait3A_208 = tpu.memref_slice %arg10[%dma_wait3A_206, %dma_wait3A_207] : memref<10240x128xf32, #tpu.memory_space<vmem_shared>> -> memref<10240x128xf32, #tpu.memory_space<vmem_shared>>
      tpu.wait_indirect_dma semaphore(%run_scoped3A_196 : memref<!tpu.dma_semaphore, #tpu.memory_space<semaphore_mem>>) src(%arg8 : memref<125x128xf32, #tpu.memory_space<vmem>>) dst(%dma_wait3A_208 : memref<10240x128xf32, #tpu.memory_space<vmem_shared>>)
      tpu.yield
    }) : () -> ()
    %dma_wait3A_88 = arith.constant 6 : i32
    %dma_wait3A_89 = arith.constant 0 : i32
    %dma_wait3A_90 = tpu.memref_slice %arg6[%dma_wait3A_88, %dma_wait3A_89] : memref<10x125xi32, #tpu.memory_space<vmem>> -> memref<1x125xi32, #tpu.memory_space<vmem>>
    %dma_wait3A_91 = tpu.memref_squeeze %dma_wait3A_90 : memref<1x125xi32, #tpu.memory_space<vmem>> -> memref<125xi32, #tpu.memory_space<vmem>>
    %dma_wait3A_92 = arith.constant 0 : i32
    %dma_wait3A_93 = arith.constant 0 : i32
    %dma_wait3A_94 = tpu.memref_slice %arg2[%dma_wait3A_92, %dma_wait3A_93] : memref<10000x128xf32, #tpu.memory_space<hbm>> -> memref<10000x128xf32, #tpu.memory_space<hbm>>
    tpu.wait_indirect_dma semaphore(%arg14 : memref<!tpu.dma_semaphore, #tpu.memory_space<semaphore_mem>>) src(%dma_wait3A_94 : memref<10000x128xf32, #tpu.memory_space<hbm>>) dst(%arg9 : memref<125x128xf32, #tpu.memory_space<vmem>>)
    %dma_start3A_95 = arith.constant 8 : i32
    %dma_start3A_96 = arith.constant 0 : i32
    %dma_start3A_97 = tpu.memref_slice %arg6[%dma_start3A_95, %dma_start3A_96] : memref<10x125xi32, #tpu.memory_space<vmem>> -> memref<1x125xi32, #tpu.memory_space<vmem>>
    %dma_start3A_98 = tpu.memref_squeeze %dma_start3A_97 : memref<1x125xi32, #tpu.memory_space<vmem>> -> memref<125xi32, #tpu.memory_space<vmem>>
    %dma_start3A_99 = arith.constant 0 : i32
    %dma_start3A_100 = arith.constant 0 : i32
    %dma_start3A_101 = tpu.memref_slice %arg2[%dma_start3A_99, %dma_start3A_100] : memref<10000x128xf32, #tpu.memory_space<hbm>> -> memref<10000x128xf32, #tpu.memory_space<hbm>>
    tpu.enqueue_indirect_dma source(%dma_start3A_101 : memref<10000x128xf32, #tpu.memory_space<hbm>>) target(%arg8 : memref<125x128xf32, #tpu.memory_space<vmem>>) offsets(%dma_start3A_98 : memref<125xi32, #tpu.memory_space<vmem>>) semaphore(%arg13 : memref<!tpu.dma_semaphore, #tpu.memory_space<semaphore_mem>>)
    %run_scoped3A_102 = arith.constant 7 : i32
    "tpu.region"() ({
      %run_scoped3A_196 = tpu.sem_alloc : memref<!tpu.dma_semaphore, #tpu.memory_space<semaphore_mem>>
      %dma_start3A_197 = arith.constant 0 : i32
      %dma_start3A_198 = tpu.memref_slice %arg6[%run_scoped3A_102, %dma_start3A_197] : memref<10x125xi32, #tpu.memory_space<vmem>> -> memref<1x125xi32, #tpu.memory_space<vmem>>
      %dma_start3A_199 = tpu.memref_squeeze %dma_start3A_198 : memref<1x125xi32, #tpu.memory_space<vmem>> -> memref<125xi32, #tpu.memory_space<vmem>>
      %dma_start3A_200 = arith.constant 0 : i32
      %dma_start3A_201 = arith.constant 0 : i32
      %dma_start3A_202 = tpu.memref_slice %arg10[%dma_start3A_200, %dma_start3A_201] : memref<10240x128xf32, #tpu.memory_space<vmem_shared>> -> memref<10240x128xf32, #tpu.memory_space<vmem_shared>>
      tpu.enqueue_indirect_dma source(%arg9 : memref<125x128xf32, #tpu.memory_space<vmem>>) target(%dma_start3A_202 : memref<10240x128xf32, #tpu.memory_space<vmem_shared>>) offsets(%dma_start3A_199 : memref<125xi32, #tpu.memory_space<vmem>>) semaphore(%run_scoped3A_196 : memref<!tpu.dma_semaphore, #tpu.memory_space<semaphore_mem>>) {add = true}
      %dma_wait3A_203 = arith.constant 0 : i32
      %dma_wait3A_204 = tpu.memref_slice %arg6[%run_scoped3A_102, %dma_wait3A_203] : memref<10x125xi32, #tpu.memory_space<vmem>> -> memref<1x125xi32, #tpu.memory_space<vmem>>
      %dma_wait3A_205 = tpu.memref_squeeze %dma_wait3A_204 : memref<1x125xi32, #tpu.memory_space<vmem>> -> memref<125xi32, #tpu.memory_space<vmem>>
      %dma_wait3A_206 = arith.constant 0 : i32
      %dma_wait3A_207 = arith.constant 0 : i32
      %dma_wait3A_208 = tpu.memref_slice %arg10[%dma_wait3A_206, %dma_wait3A_207] : memref<10240x128xf32, #tpu.memory_space<vmem_shared>> -> memref<10240x128xf32, #tpu.memory_space<vmem_shared>>
      tpu.wait_indirect_dma semaphore(%run_scoped3A_196 : memref<!tpu.dma_semaphore, #tpu.memory_space<semaphore_mem>>) src(%arg9 : memref<125x128xf32, #tpu.memory_space<vmem>>) dst(%dma_wait3A_208 : memref<10240x128xf32, #tpu.memory_space<vmem_shared>>)
      tpu.yield
    }) : () -> ()
    %dma_wait3A_103 = arith.constant 8 : i32
    %dma_wait3A_104 = arith.constant 0 : i32
    %dma_wait3A_105 = tpu.memref_slice %arg6[%dma_wait3A_103, %dma_wait3A_104] : memref<10x125xi32, #tpu.memory_space<vmem>> -> memref<1x125xi32, #tpu.memory_space<vmem>>
    %dma_wait3A_106 = tpu.memref_squeeze %dma_wait3A_105 : memref<1x125xi32, #tpu.memory_space<vmem>> -> memref<125xi32, #tpu.memory_space<vmem>>
    %dma_wait3A_107 = arith.constant 0 : i32
    %dma_wait3A_108 = arith.constant 0 : i32
    %dma_wait3A_109 = tpu.memref_slice %arg2[%dma_wait3A_107, %dma_wait3A_108] : memref<10000x128xf32, #tpu.memory_space<hbm>> -> memref<10000x128xf32, #tpu.memory_space<hbm>>
    tpu.wait_indirect_dma semaphore(%arg13 : memref<!tpu.dma_semaphore, #tpu.memory_space<semaphore_mem>>) src(%dma_wait3A_109 : memref<10000x128xf32, #tpu.memory_space<hbm>>) dst(%arg8 : memref<125x128xf32, #tpu.memory_space<vmem>>)
    %dma_wait3A_110 = arith.constant 0 : i32
    %dma_wait3A_111 = arith.constant 0 : i32
    %dma_wait3A_112 = arith.constant 0 : i32
    %dma_wait3A_113 = tpu.memref_slice %arg3[%add3A, %dma_wait3A_110, %dma_wait3A_111, %dma_wait3A_112] : memref<32x8x10x125xi32, #tpu.memory_space<hbm>> -> memref<1x1x10x125xi32, #tpu.memory_space<hbm>>
    %dma_wait3A_114 = tpu.memref_squeeze %dma_wait3A_113 : memref<1x1x10x125xi32, #tpu.memory_space<hbm>> -> memref<10x125xi32, #tpu.memory_space<hbm>>
    %dma_wait3A_115 = arith.constant 0 : i32
    %dma_wait3A_116 = arith.constant 0 : i32
    %dma_wait3A_117 = tpu.memref_slice %arg3[%add3A, %dma_wait3A_110, %dma_wait3A_115, %dma_wait3A_116] : memref<32x8x10x125xi32, #tpu.memory_space<hbm>> -> memref<1x1x10x125xi32, #tpu.memory_space<hbm>>
    %dma_wait3A_118 = tpu.memref_squeeze %dma_wait3A_117 : memref<1x1x10x125xi32, #tpu.memory_space<hbm>> -> memref<10x125xi32, #tpu.memory_space<hbm>>
    tpu.wait_dma2 semaphore(%arg12 : memref<!tpu.dma_semaphore, #tpu.memory_space<semaphore_mem>>) src(%dma_wait3A_118 : memref<10x125xi32, #tpu.memory_space<hbm>>) dst(%arg7 : memref<10x125xi32, #tpu.memory_space<vmem>>)
    %dma_start3A_119 = arith.constant 0 : i32
    %dma_start3A_120 = arith.constant 0 : i32
    %dma_start3A_121 = tpu.memref_slice %arg7[%dma_start3A_119, %dma_start3A_120] : memref<10x125xi32, #tpu.memory_space<vmem>> -> memref<1x125xi32, #tpu.memory_space<vmem>>
    %dma_start3A_122 = tpu.memref_squeeze %dma_start3A_121 : memref<1x125xi32, #tpu.memory_space<vmem>> -> memref<125xi32, #tpu.memory_space<vmem>>
    %dma_start3A_123 = arith.constant 0 : i32
    %dma_start3A_124 = arith.constant 0 : i32
    %dma_start3A_125 = tpu.memref_slice %arg2[%dma_start3A_123, %dma_start3A_124] : memref<10000x128xf32, #tpu.memory_space<hbm>> -> memref<10000x128xf32, #tpu.memory_space<hbm>>
    tpu.enqueue_indirect_dma source(%dma_start3A_125 : memref<10000x128xf32, #tpu.memory_space<hbm>>) target(%arg9 : memref<125x128xf32, #tpu.memory_space<vmem>>) offsets(%dma_start3A_122 : memref<125xi32, #tpu.memory_space<vmem>>) semaphore(%arg14 : memref<!tpu.dma_semaphore, #tpu.memory_space<semaphore_mem>>)
    %run_scoped3A_126 = arith.constant 9 : i32
    "tpu.region"() ({
      %run_scoped3A_196 = tpu.sem_alloc : memref<!tpu.dma_semaphore, #tpu.memory_space<semaphore_mem>>
      %dma_start3A_197 = arith.constant 0 : i32
      %dma_start3A_198 = tpu.memref_slice %arg6[%run_scoped3A_126, %dma_start3A_197] : memref<10x125xi32, #tpu.memory_space<vmem>> -> memref<1x125xi32, #tpu.memory_space<vmem>>
      %dma_start3A_199 = tpu.memref_squeeze %dma_start3A_198 : memref<1x125xi32, #tpu.memory_space<vmem>> -> memref<125xi32, #tpu.memory_space<vmem>>
      %dma_start3A_200 = arith.constant 0 : i32
      %dma_start3A_201 = arith.constant 0 : i32
      %dma_start3A_202 = tpu.memref_slice %arg10[%dma_start3A_200, %dma_start3A_201] : memref<10240x128xf32, #tpu.memory_space<vmem_shared>> -> memref<10240x128xf32, #tpu.memory_space<vmem_shared>>
      tpu.enqueue_indirect_dma source(%arg8 : memref<125x128xf32, #tpu.memory_space<vmem>>) target(%dma_start3A_202 : memref<10240x128xf32, #tpu.memory_space<vmem_shared>>) offsets(%dma_start3A_199 : memref<125xi32, #tpu.memory_space<vmem>>) semaphore(%run_scoped3A_196 : memref<!tpu.dma_semaphore, #tpu.memory_space<semaphore_mem>>) {add = true}
      %dma_wait3A_203 = arith.constant 0 : i32
      %dma_wait3A_204 = tpu.memref_slice %arg6[%run_scoped3A_126, %dma_wait3A_203] : memref<10x125xi32, #tpu.memory_space<vmem>> -> memref<1x125xi32, #tpu.memory_space<vmem>>
      %dma_wait3A_205 = tpu.memref_squeeze %dma_wait3A_204 : memref<1x125xi32, #tpu.memory_space<vmem>> -> memref<125xi32, #tpu.memory_space<vmem>>
      %dma_wait3A_206 = arith.constant 0 : i32
      %dma_wait3A_207 = arith.constant 0 : i32
      %dma_wait3A_208 = tpu.memref_slice %arg10[%dma_wait3A_206, %dma_wait3A_207] : memref<10240x128xf32, #tpu.memory_space<vmem_shared>> -> memref<10240x128xf32, #tpu.memory_space<vmem_shared>>
      tpu.wait_indirect_dma semaphore(%run_scoped3A_196 : memref<!tpu.dma_semaphore, #tpu.memory_space<semaphore_mem>>) src(%arg8 : memref<125x128xf32, #tpu.memory_space<vmem>>) dst(%dma_wait3A_208 : memref<10240x128xf32, #tpu.memory_space<vmem_shared>>)
      tpu.yield
    }) : () -> ()
    %dma_wait3A_127 = arith.constant 0 : i32
    %dma_wait3A_128 = arith.constant 0 : i32
    %dma_wait3A_129 = tpu.memref_slice %arg7[%dma_wait3A_127, %dma_wait3A_128] : memref<10x125xi32, #tpu.memory_space<vmem>> -> memref<1x125xi32, #tpu.memory_space<vmem>>
    %dma_wait3A_130 = tpu.memref_squeeze %dma_wait3A_129 : memref<1x125xi32, #tpu.memory_space<vmem>> -> memref<125xi32, #tpu.memory_space<vmem>>
    %dma_wait3A_131 = arith.constant 0 : i32
    %dma_wait3A_132 = arith.constant 0 : i32
    %dma_wait3A_133 = tpu.memref_slice %arg2[%dma_wait3A_131, %dma_wait3A_132] : memref<10000x128xf32, #tpu.memory_space<hbm>> -> memref<10000x128xf32, #tpu.memory_space<hbm>>
    tpu.wait_indirect_dma semaphore(%arg14 : memref<!tpu.dma_semaphore, #tpu.memory_space<semaphore_mem>>) src(%dma_wait3A_133 : memref<10000x128xf32, #tpu.memory_space<hbm>>) dst(%arg9 : memref<125x128xf32, #tpu.memory_space<vmem>>)
    %dma_start3A_134 = arith.constant 2 : i32
    %dma_start3A_135 = arith.constant 0 : i32
    %dma_start3A_136 = tpu.memref_slice %arg7[%dma_start3A_134, %dma_start3A_135] : memref<10x125xi32, #tpu.memory_space<vmem>> -> memref<1x125xi32, #tpu.memory_space<vmem>>
    %dma_start3A_137 = tpu.memref_squeeze %dma_start3A_136 : memref<1x125xi32, #tpu.memory_space<vmem>> -> memref<125xi32, #tpu.memory_space<vmem>>
    %dma_start3A_138 = arith.constant 0 : i32
    %dma_start3A_139 = arith.constant 0 : i32
    %dma_start3A_140 = tpu.memref_slice %arg2[%dma_start3A_138, %dma_start3A_139] : memref<10000x128xf32, #tpu.memory_space<hbm>> -> memref<10000x128xf32, #tpu.memory_space<hbm>>
    tpu.enqueue_indirect_dma source(%dma_start3A_140 : memref<10000x128xf32, #tpu.memory_space<hbm>>) target(%arg8 : memref<125x128xf32, #tpu.memory_space<vmem>>) offsets(%dma_start3A_137 : memref<125xi32, #tpu.memory_space<vmem>>) semaphore(%arg13 : memref<!tpu.dma_semaphore, #tpu.memory_space<semaphore_mem>>)
    %run_scoped3A_141 = arith.constant 1 : i32
    "tpu.region"() ({
      %run_scoped3A_196 = tpu.sem_alloc : memref<!tpu.dma_semaphore, #tpu.memory_space<semaphore_mem>>
      %dma_start3A_197 = arith.constant 0 : i32
      %dma_start3A_198 = tpu.memref_slice %arg7[%run_scoped3A_141, %dma_start3A_197] : memref<10x125xi32, #tpu.memory_space<vmem>> -> memref<1x125xi32, #tpu.memory_space<vmem>>
      %dma_start3A_199 = tpu.memref_squeeze %dma_start3A_198 : memref<1x125xi32, #tpu.memory_space<vmem>> -> memref<125xi32, #tpu.memory_space<vmem>>
      %dma_start3A_200 = arith.constant 0 : i32
      %dma_start3A_201 = arith.constant 0 : i32
      %dma_start3A_202 = tpu.memref_slice %arg10[%dma_start3A_200, %dma_start3A_201] : memref<10240x128xf32, #tpu.memory_space<vmem_shared>> -> memref<10240x128xf32, #tpu.memory_space<vmem_shared>>
      tpu.enqueue_indirect_dma source(%arg9 : memref<125x128xf32, #tpu.memory_space<vmem>>) target(%dma_start3A_202 : memref<10240x128xf32, #tpu.memory_space<vmem_shared>>) offsets(%dma_start3A_199 : memref<125xi32, #tpu.memory_space<vmem>>) semaphore(%run_scoped3A_196 : memref<!tpu.dma_semaphore, #tpu.memory_space<semaphore_mem>>) {add = true}
      %dma_wait3A_203 = arith.constant 0 : i32
      %dma_wait3A_204 = tpu.memref_slice %arg7[%run_scoped3A_141, %dma_wait3A_203] : memref<10x125xi32, #tpu.memory_space<vmem>> -> memref<1x125xi32, #tpu.memory_space<vmem>>
      %dma_wait3A_205 = tpu.memref_squeeze %dma_wait3A_204 : memref<1x125xi32, #tpu.memory_space<vmem>> -> memref<125xi32, #tpu.memory_space<vmem>>
      %dma_wait3A_206 = arith.constant 0 : i32
      %dma_wait3A_207 = arith.constant 0 : i32
      %dma_wait3A_208 = tpu.memref_slice %arg10[%dma_wait3A_206, %dma_wait3A_207] : memref<10240x128xf32, #tpu.memory_space<vmem_shared>> -> memref<10240x128xf32, #tpu.memory_space<vmem_shared>>
      tpu.wait_indirect_dma semaphore(%run_scoped3A_196 : memref<!tpu.dma_semaphore, #tpu.memory_space<semaphore_mem>>) src(%arg9 : memref<125x128xf32, #tpu.memory_space<vmem>>) dst(%dma_wait3A_208 : memref<10240x128xf32, #tpu.memory_space<vmem_shared>>)
      tpu.yield
    }) : () -> ()
    %dma_wait3A_142 = arith.constant 2 : i32
    %dma_wait3A_143 = arith.constant 0 : i32
    %dma_wait3A_144 = tpu.memref_slice %arg7[%dma_wait3A_142, %dma_wait3A_143] : memref<10x125xi32, #tpu.memory_space<vmem>> -> memref<1x125xi32, #tpu.memory_space<vmem>>
    %dma_wait3A_145 = tpu.memref_squeeze %dma_wait3A_144 : memref<1x125xi32, #tpu.memory_space<vmem>> -> memref<125xi32, #tpu.memory_space<vmem>>
    %dma_wait3A_146 = arith.constant 0 : i32
    %dma_wait3A_147 = arith.constant 0 : i32
    %dma_wait3A_148 = tpu.memref_slice %arg2[%dma_wait3A_146, %dma_wait3A_147] : memref<10000x128xf32, #tpu.memory_space<hbm>> -> memref<10000x128xf32, #tpu.memory_space<hbm>>
    tpu.wait_indirect_dma semaphore(%arg13 : memref<!tpu.dma_semaphore, #tpu.memory_space<semaphore_mem>>) src(%dma_wait3A_148 : memref<10000x128xf32, #tpu.memory_space<hbm>>) dst(%arg8 : memref<125x128xf32, #tpu.memory_space<vmem>>)
    %dma_start3A_149 = arith.constant 4 : i32
    %dma_start3A_150 = arith.constant 0 : i32
    %dma_start3A_151 = tpu.memref_slice %arg7[%dma_start3A_149, %dma_start3A_150] : memref<10x125xi32, #tpu.memory_space<vmem>> -> memref<1x125xi32, #tpu.memory_space<vmem>>
    %dma_start3A_152 = tpu.memref_squeeze %dma_start3A_151 : memref<1x125xi32, #tpu.memory_space<vmem>> -> memref<125xi32, #tpu.memory_space<vmem>>
    %dma_start3A_153 = arith.constant 0 : i32
    %dma_start3A_154 = arith.constant 0 : i32
    %dma_start3A_155 = tpu.memref_slice %arg2[%dma_start3A_153, %dma_start3A_154] : memref<10000x128xf32, #tpu.memory_space<hbm>> -> memref<10000x128xf32, #tpu.memory_space<hbm>>
    tpu.enqueue_indirect_dma source(%dma_start3A_155 : memref<10000x128xf32, #tpu.memory_space<hbm>>) target(%arg9 : memref<125x128xf32, #tpu.memory_space<vmem>>) offsets(%dma_start3A_152 : memref<125xi32, #tpu.memory_space<vmem>>) semaphore(%arg14 : memref<!tpu.dma_semaphore, #tpu.memory_space<semaphore_mem>>)
    %run_scoped3A_156 = arith.constant 3 : i32
    "tpu.region"() ({
      %run_scoped3A_196 = tpu.sem_alloc : memref<!tpu.dma_semaphore, #tpu.memory_space<semaphore_mem>>
      %dma_start3A_197 = arith.constant 0 : i32
      %dma_start3A_198 = tpu.memref_slice %arg7[%run_scoped3A_156, %dma_start3A_197] : memref<10x125xi32, #tpu.memory_space<vmem>> -> memref<1x125xi32, #tpu.memory_space<vmem>>
      %dma_start3A_199 = tpu.memref_squeeze %dma_start3A_198 : memref<1x125xi32, #tpu.memory_space<vmem>> -> memref<125xi32, #tpu.memory_space<vmem>>
      %dma_start3A_200 = arith.constant 0 : i32
      %dma_start3A_201 = arith.constant 0 : i32
      %dma_start3A_202 = tpu.memref_slice %arg10[%dma_start3A_200, %dma_start3A_201] : memref<10240x128xf32, #tpu.memory_space<vmem_shared>> -> memref<10240x128xf32, #tpu.memory_space<vmem_shared>>
      tpu.enqueue_indirect_dma source(%arg8 : memref<125x128xf32, #tpu.memory_space<vmem>>) target(%dma_start3A_202 : memref<10240x128xf32, #tpu.memory_space<vmem_shared>>) offsets(%dma_start3A_199 : memref<125xi32, #tpu.memory_space<vmem>>) semaphore(%run_scoped3A_196 : memref<!tpu.dma_semaphore, #tpu.memory_space<semaphore_mem>>) {add = true}
      %dma_wait3A_203 = arith.constant 0 : i32
      %dma_wait3A_204 = tpu.memref_slice %arg7[%run_scoped3A_156, %dma_wait3A_203] : memref<10x125xi32, #tpu.memory_space<vmem>> -> memref<1x125xi32, #tpu.memory_space<vmem>>
      %dma_wait3A_205 = tpu.memref_squeeze %dma_wait3A_204 : memref<1x125xi32, #tpu.memory_space<vmem>> -> memref<125xi32, #tpu.memory_space<vmem>>
      %dma_wait3A_206 = arith.constant 0 : i32
      %dma_wait3A_207 = arith.constant 0 : i32
      %dma_wait3A_208 = tpu.memref_slice %arg10[%dma_wait3A_206, %dma_wait3A_207] : memref<10240x128xf32, #tpu.memory_space<vmem_shared>> -> memref<10240x128xf32, #tpu.memory_space<vmem_shared>>
      tpu.wait_indirect_dma semaphore(%run_scoped3A_196 : memref<!tpu.dma_semaphore, #tpu.memory_space<semaphore_mem>>) src(%arg8 : memref<125x128xf32, #tpu.memory_space<vmem>>) dst(%dma_wait3A_208 : memref<10240x128xf32, #tpu.memory_space<vmem_shared>>)
      tpu.yield
    }) : () -> ()
    %dma_wait3A_157 = arith.constant 4 : i32
    %dma_wait3A_158 = arith.constant 0 : i32
    %dma_wait3A_159 = tpu.memref_slice %arg7[%dma_wait3A_157, %dma_wait3A_158] : memref<10x125xi32, #tpu.memory_space<vmem>> -> memref<1x125xi32, #tpu.memory_space<vmem>>
    %dma_wait3A_160 = tpu.memref_squeeze %dma_wait3A_159 : memref<1x125xi32, #tpu.memory_space<vmem>> -> memref<125xi32, #tpu.memory_space<vmem>>
    %dma_wait3A_161 = arith.constant 0 : i32
    %dma_wait3A_162 = arith.constant 0 : i32
    %dma_wait3A_163 = tpu.memref_slice %arg2[%dma_wait3A_161, %dma_wait3A_162] : memref<10000x128xf32, #tpu.memory_space<hbm>> -> memref<10000x128xf32, #tpu.memory_space<hbm>>
    tpu.wait_indirect_dma semaphore(%arg14 : memref<!tpu.dma_semaphore, #tpu.memory_space<semaphore_mem>>) src(%dma_wait3A_163 : memref<10000x128xf32, #tpu.memory_space<hbm>>) dst(%arg9 : memref<125x128xf32, #tpu.memory_space<vmem>>)
    %dma_start3A_164 = arith.constant 6 : i32
    %dma_start3A_165 = arith.constant 0 : i32
    %dma_start3A_166 = tpu.memref_slice %arg7[%dma_start3A_164, %dma_start3A_165] : memref<10x125xi32, #tpu.memory_space<vmem>> -> memref<1x125xi32, #tpu.memory_space<vmem>>
    %dma_start3A_167 = tpu.memref_squeeze %dma_start3A_166 : memref<1x125xi32, #tpu.memory_space<vmem>> -> memref<125xi32, #tpu.memory_space<vmem>>
    %dma_start3A_168 = arith.constant 0 : i32
    %dma_start3A_169 = arith.constant 0 : i32
    %dma_start3A_170 = tpu.memref_slice %arg2[%dma_start3A_168, %dma_start3A_169] : memref<10000x128xf32, #tpu.memory_space<hbm>> -> memref<10000x128xf32, #tpu.memory_space<hbm>>
    tpu.enqueue_indirect_dma source(%dma_start3A_170 : memref<10000x128xf32, #tpu.memory_space<hbm>>) target(%arg8 : memref<125x128xf32, #tpu.memory_space<vmem>>) offsets(%dma_start3A_167 : memref<125xi32, #tpu.memory_space<vmem>>) semaphore(%arg13 : memref<!tpu.dma_semaphore, #tpu.memory_space<semaphore_mem>>)
    %run_scoped3A_171 = arith.constant 5 : i32
    "tpu.region"() ({
      %run_scoped3A_196 = tpu.sem_alloc : memref<!tpu.dma_semaphore, #tpu.memory_space<semaphore_mem>>
      %dma_start3A_197 = arith.constant 0 : i32
      %dma_start3A_198 = tpu.memref_slice %arg7[%run_scoped3A_171, %dma_start3A_197] : memref<10x125xi32, #tpu.memory_space<vmem>> -> memref<1x125xi32, #tpu.memory_space<vmem>>
      %dma_start3A_199 = tpu.memref_squeeze %dma_start3A_198 : memref<1x125xi32, #tpu.memory_space<vmem>> -> memref<125xi32, #tpu.memory_space<vmem>>
      %dma_start3A_200 = arith.constant 0 : i32
      %dma_start3A_201 = arith.constant 0 : i32
      %dma_start3A_202 = tpu.memref_slice %arg10[%dma_start3A_200, %dma_start3A_201] : memref<10240x128xf32, #tpu.memory_space<vmem_shared>> -> memref<10240x128xf32, #tpu.memory_space<vmem_shared>>
      tpu.enqueue_indirect_dma source(%arg9 : memref<125x128xf32, #tpu.memory_space<vmem>>) target(%dma_start3A_202 : memref<10240x128xf32, #tpu.memory_space<vmem_shared>>) offsets(%dma_start3A_199 : memref<125xi32, #tpu.memory_space<vmem>>) semaphore(%run_scoped3A_196 : memref<!tpu.dma_semaphore, #tpu.memory_space<semaphore_mem>>) {add = true}
      %dma_wait3A_203 = arith.constant 0 : i32
      %dma_wait3A_204 = tpu.memref_slice %arg7[%run_scoped3A_171, %dma_wait3A_203] : memref<10x125xi32, #tpu.memory_space<vmem>> -> memref<1x125xi32, #tpu.memory_space<vmem>>
      %dma_wait3A_205 = tpu.memref_squeeze %dma_wait3A_204 : memref<1x125xi32, #tpu.memory_space<vmem>> -> memref<125xi32, #tpu.memory_space<vmem>>
      %dma_wait3A_206 = arith.constant 0 : i32
      %dma_wait3A_207 = arith.constant 0 : i32
      %dma_wait3A_208 = tpu.memref_slice %arg10[%dma_wait3A_206, %dma_wait3A_207] : memref<10240x128xf32, #tpu.memory_space<vmem_shared>> -> memref<10240x128xf32, #tpu.memory_space<vmem_shared>>
      tpu.wait_indirect_dma semaphore(%run_scoped3A_196 : memref<!tpu.dma_semaphore, #tpu.memory_space<semaphore_mem>>) src(%arg9 : memref<125x128xf32, #tpu.memory_space<vmem>>) dst(%dma_wait3A_208 : memref<10240x128xf32, #tpu.memory_space<vmem_shared>>)
      tpu.yield
    }) : () -> ()
    %dma_wait3A_172 = arith.constant 6 : i32
    %dma_wait3A_173 = arith.constant 0 : i32
    %dma_wait3A_174 = tpu.memref_slice %arg7[%dma_wait3A_172, %dma_wait3A_173] : memref<10x125xi32, #tpu.memory_space<vmem>> -> memref<1x125xi32, #tpu.memory_space<vmem>>
    %dma_wait3A_175 = tpu.memref_squeeze %dma_wait3A_174 : memref<1x125xi32, #tpu.memory_space<vmem>> -> memref<125xi32, #tpu.memory_space<vmem>>
    %dma_wait3A_176 = arith.constant 0 : i32
    %dma_wait3A_177 = arith.constant 0 : i32
    %dma_wait3A_178 = tpu.memref_slice %arg2[%dma_wait3A_176, %dma_wait3A_177] : memref<10000x128xf32, #tpu.memory_space<hbm>> -> memref<10000x128xf32, #tpu.memory_space<hbm>>
    tpu.wait_indirect_dma semaphore(%arg13 : memref<!tpu.dma_semaphore, #tpu.memory_space<semaphore_mem>>) src(%dma_wait3A_178 : memref<10000x128xf32, #tpu.memory_space<hbm>>) dst(%arg8 : memref<125x128xf32, #tpu.memory_space<vmem>>)
    %dma_start3A_179 = arith.constant 8 : i32
    %dma_start3A_180 = arith.constant 0 : i32
    %dma_start3A_181 = tpu.memref_slice %arg7[%dma_start3A_179, %dma_start3A_180] : memref<10x125xi32, #tpu.memory_space<vmem>> -> memref<1x125xi32, #tpu.memory_space<vmem>>
    %dma_start3A_182 = tpu.memref_squeeze %dma_start3A_181 : memref<1x125xi32, #tpu.memory_space<vmem>> -> memref<125xi32, #tpu.memory_space<vmem>>
    %dma_start3A_183 = arith.constant 0 : i32
    %dma_start3A_184 = arith.constant 0 : i32
    %dma_start3A_185 = tpu.memref_slice %arg2[%dma_start3A_183, %dma_start3A_184] : memref<10000x128xf32, #tpu.memory_space<hbm>> -> memref<10000x128xf32, #tpu.memory_space<hbm>>
    tpu.enqueue_indirect_dma source(%dma_start3A_185 : memref<10000x128xf32, #tpu.memory_space<hbm>>) target(%arg9 : memref<125x128xf32, #tpu.memory_space<vmem>>) offsets(%dma_start3A_182 : memref<125xi32, #tpu.memory_space<vmem>>) semaphore(%arg14 : memref<!tpu.dma_semaphore, #tpu.memory_space<semaphore_mem>>)
    %run_scoped3A_186 = arith.constant 7 : i32
    "tpu.region"() ({
      %run_scoped3A_196 = tpu.sem_alloc : memref<!tpu.dma_semaphore, #tpu.memory_space<semaphore_mem>>
      %dma_start3A_197 = arith.constant 0 : i32
      %dma_start3A_198 = tpu.memref_slice %arg7[%run_scoped3A_186, %dma_start3A_197] : memref<10x125xi32, #tpu.memory_space<vmem>> -> memref<1x125xi32, #tpu.memory_space<vmem>>
      %dma_start3A_199 = tpu.memref_squeeze %dma_start3A_198 : memref<1x125xi32, #tpu.memory_space<vmem>> -> memref<125xi32, #tpu.memory_space<vmem>>
      %dma_start3A_200 = arith.constant 0 : i32
      %dma_start3A_201 = arith.constant 0 : i32
      %dma_start3A_202 = tpu.memref_slice %arg10[%dma_start3A_200, %dma_start3A_201] : memref<10240x128xf32, #tpu.memory_space<vmem_shared>> -> memref<10240x128xf32, #tpu.memory_space<vmem_shared>>
      tpu.enqueue_indirect_dma source(%arg8 : memref<125x128xf32, #tpu.memory_space<vmem>>) target(%dma_start3A_202 : memref<10240x128xf32, #tpu.memory_space<vmem_shared>>) offsets(%dma_start3A_199 : memref<125xi32, #tpu.memory_space<vmem>>) semaphore(%run_scoped3A_196 : memref<!tpu.dma_semaphore, #tpu.memory_space<semaphore_mem>>) {add = true}
      %dma_wait3A_203 = arith.constant 0 : i32
      %dma_wait3A_204 = tpu.memref_slice %arg7[%run_scoped3A_186, %dma_wait3A_203] : memref<10x125xi32, #tpu.memory_space<vmem>> -> memref<1x125xi32, #tpu.memory_space<vmem>>
      %dma_wait3A_205 = tpu.memref_squeeze %dma_wait3A_204 : memref<1x125xi32, #tpu.memory_space<vmem>> -> memref<125xi32, #tpu.memory_space<vmem>>
      %dma_wait3A_206 = arith.constant 0 : i32
      %dma_wait3A_207 = arith.constant 0 : i32
      %dma_wait3A_208 = tpu.memref_slice %arg10[%dma_wait3A_206, %dma_wait3A_207] : memref<10240x128xf32, #tpu.memory_space<vmem_shared>> -> memref<10240x128xf32, #tpu.memory_space<vmem_shared>>
      tpu.wait_indirect_dma semaphore(%run_scoped3A_196 : memref<!tpu.dma_semaphore, #tpu.memory_space<semaphore_mem>>) src(%arg8 : memref<125x128xf32, #tpu.memory_space<vmem>>) dst(%dma_wait3A_208 : memref<10240x128xf32, #tpu.memory_space<vmem_shared>>)
      tpu.yield
    }) : () -> ()
    %dma_wait3A_187 = arith.constant 8 : i32
    %dma_wait3A_188 = arith.constant 0 : i32
    %dma_wait3A_189 = tpu.memref_slice %arg7[%dma_wait3A_187, %dma_wait3A_188] : memref<10x125xi32, #tpu.memory_space<vmem>> -> memref<1x125xi32, #tpu.memory_space<vmem>>
    %dma_wait3A_190 = tpu.memref_squeeze %dma_wait3A_189 : memref<1x125xi32, #tpu.memory_space<vmem>> -> memref<125xi32, #tpu.memory_space<vmem>>
    %dma_wait3A_191 = arith.constant 0 : i32
    %dma_wait3A_192 = arith.constant 0 : i32
    %dma_wait3A_193 = tpu.memref_slice %arg2[%dma_wait3A_191, %dma_wait3A_192] : memref<10000x128xf32, #tpu.memory_space<hbm>> -> memref<10000x128xf32, #tpu.memory_space<hbm>>
    tpu.wait_indirect_dma semaphore(%arg14 : memref<!tpu.dma_semaphore, #tpu.memory_space<semaphore_mem>>) src(%dma_wait3A_193 : memref<10000x128xf32, #tpu.memory_space<hbm>>) dst(%arg9 : memref<125x128xf32, #tpu.memory_space<vmem>>)
    %run_scoped3A_194 = arith.constant 9 : i32
    "tpu.region"() ({
      %run_scoped3A_196 = tpu.sem_alloc : memref<!tpu.dma_semaphore, #tpu.memory_space<semaphore_mem>>
      %dma_start3A_197 = arith.constant 0 : i32
      %dma_start3A_198 = tpu.memref_slice %arg7[%run_scoped3A_194, %dma_start3A_197] : memref<10x125xi32, #tpu.memory_space<vmem>> -> memref<1x125xi32, #tpu.memory_space<vmem>>
      %dma_start3A_199 = tpu.memref_squeeze %dma_start3A_198 : memref<1x125xi32, #tpu.memory_space<vmem>> -> memref<125xi32, #tpu.memory_space<vmem>>
      %dma_start3A_200 = arith.constant 0 : i32
      %dma_start3A_201 = arith.constant 0 : i32
      %dma_start3A_202 = tpu.memref_slice %arg10[%dma_start3A_200, %dma_start3A_201] : memref<10240x128xf32, #tpu.memory_space<vmem_shared>> -> memref<10240x128xf32, #tpu.memory_space<vmem_shared>>
      tpu.enqueue_indirect_dma source(%arg9 : memref<125x128xf32, #tpu.memory_space<vmem>>) target(%dma_start3A_202 : memref<10240x128xf32, #tpu.memory_space<vmem_shared>>) offsets(%dma_start3A_199 : memref<125xi32, #tpu.memory_space<vmem>>) semaphore(%run_scoped3A_196 : memref<!tpu.dma_semaphore, #tpu.memory_space<semaphore_mem>>) {add = true}
      %dma_wait3A_203 = arith.constant 0 : i32
      %dma_wait3A_204 = tpu.memref_slice %arg7[%run_scoped3A_194, %dma_wait3A_203] : memref<10x125xi32, #tpu.memory_space<vmem>> -> memref<1x125xi32, #tpu.memory_space<vmem>>
      %dma_wait3A_205 = tpu.memref_squeeze %dma_wait3A_204 : memref<1x125xi32, #tpu.memory_space<vmem>> -> memref<125xi32, #tpu.memory_space<vmem>>
      %dma_wait3A_206 = arith.constant 0 : i32
      %dma_wait3A_207 = arith.constant 0 : i32
      %dma_wait3A_208 = tpu.memref_slice %arg10[%dma_wait3A_206, %dma_wait3A_207] : memref<10240x128xf32, #tpu.memory_space<vmem_shared>> -> memref<10240x128xf32, #tpu.memory_space<vmem_shared>>
      tpu.wait_indirect_dma semaphore(%run_scoped3A_196 : memref<!tpu.dma_semaphore, #tpu.memory_space<semaphore_mem>>) src(%arg9 : memref<125x128xf32, #tpu.memory_space<vmem>>) dst(%dma_wait3A_208 : memref<10240x128xf32, #tpu.memory_space<vmem_shared>>)
      tpu.yield
    }) : () -> ()
    %barrier3A_195 = arith.constant 0 : index
    tpu.barrier barrier_id(%barrier3A_195)
    "tpu.region"() ({
      %run_scoped3A_196 = tpu.sem_alloc : memref<!tpu.dma_semaphore, #tpu.memory_space<semaphore_mem>>
      %dma_start3A_197 = arith.constant 0 : i32
      %dma_start3A_198 = tpu.memref_slice %arg5[%arg0, %mul3A_2, %dma_start3A_197] : memref<2x10240x128xf32, #tpu.memory_space<hbm>> -> memref<1x640x128xf32, #tpu.memory_space<hbm>>
      %dma_start3A_199 = tpu.memref_squeeze %dma_start3A_198 : memref<1x640x128xf32, #tpu.memory_space<hbm>> -> memref<640x128xf32, #tpu.memory_space<hbm>>
      %dma_start3A_200 = arith.constant 0 : i32
      %dma_start3A_201 = tpu.memref_slice %arg10[%mul3A_2, %dma_start3A_200] : memref<10240x128xf32, #tpu.memory_space<vmem_shared>> -> memref<640x128xf32, #tpu.memory_space<vmem_shared>>
      tpu.enqueue_dma source(%dma_start3A_201 : memref<640x128xf32, #tpu.memory_space<vmem_shared>>) target(%dma_start3A_199 : memref<640x128xf32, #tpu.memory_space<hbm>>) target_semaphore(%run_scoped3A_196 : memref<!tpu.dma_semaphore, #tpu.memory_space<semaphore_mem>>)
      %dma_wait3A_202 = arith.constant 0 : i32
      %dma_wait3A_203 = tpu.memref_slice %arg5[%arg0, %mul3A_2, %dma_wait3A_202] : memref<2x10240x128xf32, #tpu.memory_space<hbm>> -> memref<1x640x128xf32, #tpu.memory_space<hbm>>
      %dma_wait3A_204 = tpu.memref_squeeze %dma_wait3A_203 : memref<1x640x128xf32, #tpu.memory_space<hbm>> -> memref<640x128xf32, #tpu.memory_space<hbm>>
      %dma_wait3A_205 = arith.constant 0 : i32
      %dma_wait3A_206 = tpu.memref_slice %arg10[%mul3A_2, %dma_wait3A_205] : memref<10240x128xf32, #tpu.memory_space<vmem_shared>> -> memref<640x128xf32, #tpu.memory_space<vmem_shared>>
      tpu.wait_dma2 semaphore(%run_scoped3A_196 : memref<!tpu.dma_semaphore, #tpu.memory_space<semaphore_mem>>) src(%dma_wait3A_206 : memref<640x128xf32, #tpu.memory_space<vmem_shared>>) dst(%dma_wait3A_204 : memref<640x128xf32, #tpu.memory_space<hbm>>)
      tpu.yield
    }) : () -> ()
    return
  }
}

#map = affine_map<(d0, d1) -> (0, 0)>
#map1 = affine_map<(d0, d1) -> (0, 0, 0, 0)>
#map2 = affine_map<(d0, d1) -> (0, 0, 0)>
module attributes {stable_mosaic.version = 14 : i64} {
  func.func @body(%arg0: i32, %arg1: i32, %arg2: memref<10000x128xf32, #tpu.memory_space<hbm>>, %arg3: memref<32x8x10x125xi32, #tpu.memory_space<hbm>>, %arg4: memref<640x128xf32, #tpu.memory_space<hbm>>, %arg5: memref<2x10240x128xf32, #tpu.memory_space<hbm>>, %arg6: memref<10x125xi32, #tpu.memory_space<vmem>>, %arg7: memref<10x125xi32, #tpu.memory_space<vmem>>, %arg8: memref<125x128xf32, #tpu.memory_space<vmem>>, %arg9: memref<125x128xf32, #tpu.memory_space<vmem>>, %arg10: memref<10240x128xf32, #tpu.memory_space<vmem_shared>>, %arg11: memref<!tpu.dma_semaphore, #tpu.memory_space<semaphore_mem>>, %arg12: memref<!tpu.dma_semaphore, #tpu.memory_space<semaphore_mem>>, %arg13: memref<!tpu.dma_semaphore, #tpu.memory_space<semaphore_mem>>, %arg14: memref<!tpu.dma_semaphore, #tpu.memory_space<semaphore_mem>>, %arg15: memref<!tpu.dma_semaphore, #tpu.memory_space<semaphore_mem>>) attributes {dimension_semantics = [#tpu.dimension_semantics<core_parallel>, #tpu.dimension_semantics<subcore_parallel>], iteration_bounds = array<i64: 2, 16>, scalar_prefetch = 0 : i64, scratch_operands = 10 : i64, tpu.core_type = #tpu.core_type<sc_vector_subcore>, window_params = [{transform_indices = #map}, {transform_indices = #map1}, {transform_indices = #map}, {transform_indices = #map2}]} {
    %mul3A = arith.constant 2 : i32
    %mul3A_0 = arith.muli %arg1, %mul3A : i32
    %add3A = arith.addi %mul3A_0, %arg0 : i32
    %mul3A_1 = arith.constant 640 : i32
    %mul3A_2 = arith.muli %arg1, %mul3A_1 : i32
    %dma_start3A = arith.constant 0 : i32
    %dma_start3A_3 = tpu.memref_slice %arg10[%mul3A_2, %dma_start3A] : memref<10240x128xf32, #tpu.memory_space<vmem_shared>> -> memref<640x128xf32, #tpu.memory_space<vmem_shared>>
    tpu.enqueue_dma source(%arg4 : memref<640x128xf32, #tpu.memory_space<hbm>>) target(%dma_start3A_3 : memref<640x128xf32, #tpu.memory_space<vmem_shared>>) target_semaphore(%arg15 : memref<!tpu.dma_semaphore, #tpu.memory_space<semaphore_mem>>)
    %dma_start3A_4 = arith.constant 0 : i32
    %dma_start3A_5 = arith.constant 0 : i32
    %dma_start3A_6 = arith.constant 0 : i32
    %dma_start3A_7 = tpu.memref_slice %arg3[%add3A, %dma_start3A_4, %dma_start3A_5, %dma_start3A_6] : memref<32x8x10x125xi32, #tpu.memory_space<hbm>> -> memref<1x1x10x125xi32, #tpu.memory_space<hbm>>
    %dma_start3A_8 = tpu.memref_squeeze %dma_start3A_7 : memref<1x1x10x125xi32, #tpu.memory_space<hbm>> -> memref<10x125xi32, #tpu.memory_space<hbm>>
    %dma_start3A_9 = arith.constant 0 : i32
    %dma_start3A_10 = arith.constant 0 : i32
    %dma_start3A_11 = tpu.memref_slice %arg3[%add3A, %dma_start3A_4, %dma_start3A_9, %dma_start3A_10] : memref<32x8x10x125xi32, #tpu.memory_space<hbm>> -> memref<1x1x10x125xi32, #tpu.memory_space<hbm>>
    %dma_start3A_12 = tpu.memref_squeeze %dma_start3A_11 : memref<1x1x10x125xi32, #tpu.memory_space<hbm>> -> memref<10x125xi32, #tpu.memory_space<hbm>>
    tpu.enqueue_dma source(%dma_start3A_12 : memref<10x125xi32, #tpu.memory_space<hbm>>) target(%arg6 : memref<10x125xi32, #tpu.memory_space<vmem>>) target_semaphore(%arg11 : memref<!tpu.dma_semaphore, #tpu.memory_space<semaphore_mem>>)
    %dma_wait3A = arith.constant 0 : i32
    %dma_wait3A_13 = arith.constant 0 : i32
    %dma_wait3A_14 = arith.constant 0 : i32
    %dma_wait3A_15 = tpu.memref_slice %arg3[%add3A, %dma_wait3A, %dma_wait3A_13, %dma_wait3A_14] : memref<32x8x10x125xi32, #tpu.memory_space<hbm>> -> memref<1x1x10x125xi32, #tpu.memory_space<hbm>>
    %dma_wait3A_16 = tpu.memref_squeeze %dma_wait3A_15 : memref<1x1x10x125xi32, #tpu.memory_space<hbm>> -> memref<10x125xi32, #tpu.memory_space<hbm>>
    %dma_wait3A_17 = arith.constant 0 : i32
    %dma_wait3A_18 = arith.constant 0 : i32
    %dma_wait3A_19 = tpu.memref_slice %arg3[%add3A, %dma_wait3A, %dma_wait3A_17, %dma_wait3A_18] : memref<32x8x10x125xi32, #tpu.memory_space<hbm>> -> memref<1x1x10x125xi32, #tpu.memory_space<hbm>>
    %dma_wait3A_20 = tpu.memref_squeeze %dma_wait3A_19 : memref<1x1x10x125xi32, #tpu.memory_space<hbm>> -> memref<10x125xi32, #tpu.memory_space<hbm>>
    tpu.wait_dma2 semaphore(%arg11 : memref<!tpu.dma_semaphore, #tpu.memory_space<semaphore_mem>>) src(%dma_wait3A_20 : memref<10x125xi32, #tpu.memory_space<hbm>>) dst(%arg6 : memref<10x125xi32, #tpu.memory_space<vmem>>)
    %dma_start3A_21 = arith.constant 0 : i32
    %dma_start3A_22 = arith.constant 0 : i32
    %dma_start3A_23 = tpu.memref_slice %arg6[%dma_start3A_21, %dma_start3A_22] : memref<10x125xi32, #tpu.memory_space<vmem>> -> memref<1x125xi32, #tpu.memory_space<vmem>>
    %dma_start3A_24 = tpu.memref_squeeze %dma_start3A_23 : memref<1x125xi32, #tpu.memory_space<vmem>> -> memref<125xi32, #tpu.memory_space<vmem>>
    %dma_start3A_25 = arith.constant 0 : i32
    %dma_start3A_26 = arith.constant 0 : i32
    %dma_start3A_27 = tpu.memref_slice %arg2[%dma_start3A_25, %dma_start3A_26] : memref<10000x128xf32, #tpu.memory_space<hbm>> -> memref<10000x128xf32, #tpu.memory_space<hbm>>
    tpu.enqueue_indirect_dma source(%dma_start3A_27 : memref<10000x128xf32, #tpu.memory_space<hbm>>) target(%arg8 : memref<125x128xf32, #tpu.memory_space<vmem>>) offsets(%dma_start3A_24 : memref<125xi32, #tpu.memory_space<vmem>>) semaphore(%arg13 : memref<!tpu.dma_semaphore, #tpu.memory_space<semaphore_mem>>)
    %dma_start3A_28 = arith.constant 1 : i32
    %dma_start3A_29 = arith.constant 0 : i32
    %dma_start3A_30 = arith.constant 0 : i32
    %dma_start3A_31 = tpu.memref_slice %arg3[%add3A, %dma_start3A_28, %dma_start3A_29, %dma_start3A_30] : memref<32x8x10x125xi32, #tpu.memory_space<hbm>> -> memref<1x1x10x125xi32, #tpu.memory_space<hbm>>
    %dma_start3A_32 = tpu.memref_squeeze %dma_start3A_31 : memref<1x1x10x125xi32, #tpu.memory_space<hbm>> -> memref<10x125xi32, #tpu.memory_space<hbm>>
    %dma_start3A_33 = arith.constant 0 : i32
    %dma_start3A_34 = arith.constant 0 : i32
    %dma_start3A_35 = tpu.memref_slice %arg3[%add3A, %dma_start3A_28, %dma_start3A_33, %dma_start3A_34] : memref<32x8x10x125xi32, #tpu.memory_space<hbm>> -> memref<1x1x10x125xi32, #tpu.memory_space<hbm>>
    %dma_start3A_36 = tpu.memref_squeeze %dma_start3A_35 : memref<1x1x10x125xi32, #tpu.memory_space<hbm>> -> memref<10x125xi32, #tpu.memory_space<hbm>>
    tpu.enqueue_dma source(%dma_start3A_36 : memref<10x125xi32, #tpu.memory_space<hbm>>) target(%arg7 : memref<10x125xi32, #tpu.memory_space<vmem>>) target_semaphore(%arg12 : memref<!tpu.dma_semaphore, #tpu.memory_space<semaphore_mem>>)
    %dma_wait3A_37 = arith.constant 0 : i32
    %dma_wait3A_38 = tpu.memref_slice %arg10[%mul3A_2, %dma_wait3A_37] : memref<10240x128xf32, #tpu.memory_space<vmem_shared>> -> memref<640x128xf32, #tpu.memory_space<vmem_shared>>
    tpu.wait_dma2 semaphore(%arg15 : memref<!tpu.dma_semaphore, #tpu.memory_space<semaphore_mem>>) src(%arg4 : memref<640x128xf32, #tpu.memory_space<hbm>>) dst(%dma_wait3A_38 : memref<640x128xf32, #tpu.memory_space<vmem_shared>>)
    %barrier3A = arith.constant 0 : index
    tpu.barrier barrier_id(%barrier3A)
    %scan3A = arith.constant 0 : i32
    %scan3A_39 = arith.constant 0 : i32
    %scan3A_40 = arith.constant 3 : i32
    %scan3A_41 = arith.addi %scan3A_39, %scan3A_40 : i32
    %scan3A_42 = arith.constant 1 : i32
    scf.for %scan3A_196 = %scan3A_39 to %scan3A_41 step %scan3A_42  : i32 {
      %dma_wait3A_197 = arith.constant 0 : i32
      %dma_wait3A_198 = arith.constant 0 : i32
      %dma_wait3A_199 = tpu.memref_slice %arg6[%dma_wait3A_197, %dma_wait3A_198] : memref<10x125xi32, #tpu.memory_space<vmem>> -> memref<1x125xi32, #tpu.memory_space<vmem>>
      %dma_wait3A_200 = tpu.memref_squeeze %dma_wait3A_199 : memref<1x125xi32, #tpu.memory_space<vmem>> -> memref<125xi32, #tpu.memory_space<vmem>>
      %dma_wait3A_201 = arith.constant 0 : i32
      %dma_wait3A_202 = arith.constant 0 : i32
      %dma_wait3A_203 = tpu.memref_slice %arg2[%dma_wait3A_201, %dma_wait3A_202] : memref<10000x128xf32, #tpu.memory_space<hbm>> -> memref<10000x128xf32, #tpu.memory_space<hbm>>
      tpu.wait_indirect_dma semaphore(%arg13 : memref<!tpu.dma_semaphore, #tpu.memory_space<semaphore_mem>>) src(%dma_wait3A_203 : memref<10000x128xf32, #tpu.memory_space<hbm>>) dst(%arg8 : memref<125x128xf32, #tpu.memory_space<vmem>>)
      %dma_start3A_204 = arith.constant 2 : i32
      %dma_start3A_205 = arith.constant 0 : i32
      %dma_start3A_206 = tpu.memref_slice %arg6[%dma_start3A_204, %dma_start3A_205] : memref<10x125xi32, #tpu.memory_space<vmem>> -> memref<1x125xi32, #tpu.memory_space<vmem>>
      %dma_start3A_207 = tpu.memref_squeeze %dma_start3A_206 : memref<1x125xi32, #tpu.memory_space<vmem>> -> memref<125xi32, #tpu.memory_space<vmem>>
      %dma_start3A_208 = arith.constant 0 : i32
      %dma_start3A_209 = arith.constant 0 : i32
      %dma_start3A_210 = tpu.memref_slice %arg2[%dma_start3A_208, %dma_start3A_209] : memref<10000x128xf32, #tpu.memory_space<hbm>> -> memref<10000x128xf32, #tpu.memory_space<hbm>>
      tpu.enqueue_indirect_dma source(%dma_start3A_210 : memref<10000x128xf32, #tpu.memory_space<hbm>>) target(%arg9 : memref<125x128xf32, #tpu.memory_space<vmem>>) offsets(%dma_start3A_207 : memref<125xi32, #tpu.memory_space<vmem>>) semaphore(%arg14 : memref<!tpu.dma_semaphore, #tpu.memory_space<semaphore_mem>>)
      %run_scoped3A_211 = arith.constant 1 : i32
      "tpu.region"() ({
        %run_scoped3A_389 = tpu.sem_alloc : memref<!tpu.dma_semaphore, #tpu.memory_space<semaphore_mem>>
        %dma_start3A_390 = arith.constant 0 : i32
        %dma_start3A_391 = tpu.memref_slice %arg6[%run_scoped3A_211, %dma_start3A_390] : memref<10x125xi32, #tpu.memory_space<vmem>> -> memref<1x125xi32, #tpu.memory_space<vmem>>
        %dma_start3A_392 = tpu.memref_squeeze %dma_start3A_391 : memref<1x125xi32, #tpu.memory_space<vmem>> -> memref<125xi32, #tpu.memory_space<vmem>>
        %dma_start3A_393 = arith.constant 0 : i32
        %dma_start3A_394 = arith.constant 0 : i32
        %dma_start3A_395 = tpu.memref_slice %arg10[%dma_start3A_393, %dma_start3A_394] : memref<10240x128xf32, #tpu.memory_space<vmem_shared>> -> memref<10240x128xf32, #tpu.memory_space<vmem_shared>>
        tpu.enqueue_indirect_dma source(%arg8 : memref<125x128xf32, #tpu.memory_space<vmem>>) target(%dma_start3A_395 : memref<10240x128xf32, #tpu.memory_space<vmem_shared>>) offsets(%dma_start3A_392 : memref<125xi32, #tpu.memory_space<vmem>>) semaphore(%run_scoped3A_389 : memref<!tpu.dma_semaphore, #tpu.memory_space<semaphore_mem>>) {add = true}
        %dma_wait3A_396 = arith.constant 0 : i32
        %dma_wait3A_397 = tpu.memref_slice %arg6[%run_scoped3A_211, %dma_wait3A_396] : memref<10x125xi32, #tpu.memory_space<vmem>> -> memref<1x125xi32, #tpu.memory_space<vmem>>
        %dma_wait3A_398 = tpu.memref_squeeze %dma_wait3A_397 : memref<1x125xi32, #tpu.memory_space<vmem>> -> memref<125xi32, #tpu.memory_space<vmem>>
        %dma_wait3A_399 = arith.constant 0 : i32
        %dma_wait3A_400 = arith.constant 0 : i32
        %dma_wait3A_401 = tpu.memref_slice %arg10[%dma_wait3A_399, %dma_wait3A_400] : memref<10240x128xf32, #tpu.memory_space<vmem_shared>> -> memref<10240x128xf32, #tpu.memory_space<vmem_shared>>
        tpu.wait_indirect_dma semaphore(%run_scoped3A_389 : memref<!tpu.dma_semaphore, #tpu.memory_space<semaphore_mem>>) src(%arg8 : memref<125x128xf32, #tpu.memory_space<vmem>>) dst(%dma_wait3A_401 : memref<10240x128xf32, #tpu.memory_space<vmem_shared>>)
        tpu.yield
      }) : () -> ()
      %dma_wait3A_212 = arith.constant 2 : i32
      %dma_wait3A_213 = arith.constant 0 : i32
      %dma_wait3A_214 = tpu.memref_slice %arg6[%dma_wait3A_212, %dma_wait3A_213] : memref<10x125xi32, #tpu.memory_space<vmem>> -> memref<1x125xi32, #tpu.memory_space<vmem>>
      %dma_wait3A_215 = tpu.memref_squeeze %dma_wait3A_214 : memref<1x125xi32, #tpu.memory_space<vmem>> -> memref<125xi32, #tpu.memory_space<vmem>>
      %dma_wait3A_216 = arith.constant 0 : i32
      %dma_wait3A_217 = arith.constant 0 : i32
      %dma_wait3A_218 = tpu.memref_slice %arg2[%dma_wait3A_216, %dma_wait3A_217] : memref<10000x128xf32, #tpu.memory_space<hbm>> -> memref<10000x128xf32, #tpu.memory_space<hbm>>
      tpu.wait_indirect_dma semaphore(%arg14 : memref<!tpu.dma_semaphore, #tpu.memory_space<semaphore_mem>>) src(%dma_wait3A_218 : memref<10000x128xf32, #tpu.memory_space<hbm>>) dst(%arg9 : memref<125x128xf32, #tpu.memory_space<vmem>>)
      %dma_start3A_219 = arith.constant 4 : i32
      %dma_start3A_220 = arith.constant 0 : i32
      %dma_start3A_221 = tpu.memref_slice %arg6[%dma_start3A_219, %dma_start3A_220] : memref<10x125xi32, #tpu.memory_space<vmem>> -> memref<1x125xi32, #tpu.memory_space<vmem>>
      %dma_start3A_222 = tpu.memref_squeeze %dma_start3A_221 : memref<1x125xi32, #tpu.memory_space<vmem>> -> memref<125xi32, #tpu.memory_space<vmem>>
      %dma_start3A_223 = arith.constant 0 : i32
      %dma_start3A_224 = arith.constant 0 : i32
      %dma_start3A_225 = tpu.memref_slice %arg2[%dma_start3A_223, %dma_start3A_224] : memref<10000x128xf32, #tpu.memory_space<hbm>> -> memref<10000x128xf32, #tpu.memory_space<hbm>>
      tpu.enqueue_indirect_dma source(%dma_start3A_225 : memref<10000x128xf32, #tpu.memory_space<hbm>>) target(%arg8 : memref<125x128xf32, #tpu.memory_space<vmem>>) offsets(%dma_start3A_222 : memref<125xi32, #tpu.memory_space<vmem>>) semaphore(%arg13 : memref<!tpu.dma_semaphore, #tpu.memory_space<semaphore_mem>>)
      %run_scoped3A_226 = arith.constant 3 : i32
      "tpu.region"() ({
        %run_scoped3A_389 = tpu.sem_alloc : memref<!tpu.dma_semaphore, #tpu.memory_space<semaphore_mem>>
        %dma_start3A_390 = arith.constant 0 : i32
        %dma_start3A_391 = tpu.memref_slice %arg6[%run_scoped3A_226, %dma_start3A_390] : memref<10x125xi32, #tpu.memory_space<vmem>> -> memref<1x125xi32, #tpu.memory_space<vmem>>
        %dma_start3A_392 = tpu.memref_squeeze %dma_start3A_391 : memref<1x125xi32, #tpu.memory_space<vmem>> -> memref<125xi32, #tpu.memory_space<vmem>>
        %dma_start3A_393 = arith.constant 0 : i32
        %dma_start3A_394 = arith.constant 0 : i32
        %dma_start3A_395 = tpu.memref_slice %arg10[%dma_start3A_393, %dma_start3A_394] : memref<10240x128xf32, #tpu.memory_space<vmem_shared>> -> memref<10240x128xf32, #tpu.memory_space<vmem_shared>>
        tpu.enqueue_indirect_dma source(%arg9 : memref<125x128xf32, #tpu.memory_space<vmem>>) target(%dma_start3A_395 : memref<10240x128xf32, #tpu.memory_space<vmem_shared>>) offsets(%dma_start3A_392 : memref<125xi32, #tpu.memory_space<vmem>>) semaphore(%run_scoped3A_389 : memref<!tpu.dma_semaphore, #tpu.memory_space<semaphore_mem>>) {add = true}
        %dma_wait3A_396 = arith.constant 0 : i32
        %dma_wait3A_397 = tpu.memref_slice %arg6[%run_scoped3A_226, %dma_wait3A_396] : memref<10x125xi32, #tpu.memory_space<vmem>> -> memref<1x125xi32, #tpu.memory_space<vmem>>
        %dma_wait3A_398 = tpu.memref_squeeze %dma_wait3A_397 : memref<1x125xi32, #tpu.memory_space<vmem>> -> memref<125xi32, #tpu.memory_space<vmem>>
        %dma_wait3A_399 = arith.constant 0 : i32
        %dma_wait3A_400 = arith.constant 0 : i32
        %dma_wait3A_401 = tpu.memref_slice %arg10[%dma_wait3A_399, %dma_wait3A_400] : memref<10240x128xf32, #tpu.memory_space<vmem_shared>> -> memref<10240x128xf32, #tpu.memory_space<vmem_shared>>
        tpu.wait_indirect_dma semaphore(%run_scoped3A_389 : memref<!tpu.dma_semaphore, #tpu.memory_space<semaphore_mem>>) src(%arg9 : memref<125x128xf32, #tpu.memory_space<vmem>>) dst(%dma_wait3A_401 : memref<10240x128xf32, #tpu.memory_space<vmem_shared>>)
        tpu.yield
      }) : () -> ()
      %dma_wait3A_227 = arith.constant 4 : i32
      %dma_wait3A_228 = arith.constant 0 : i32
      %dma_wait3A_229 = tpu.memref_slice %arg6[%dma_wait3A_227, %dma_wait3A_228] : memref<10x125xi32, #tpu.memory_space<vmem>> -> memref<1x125xi32, #tpu.memory_space<vmem>>
      %dma_wait3A_230 = tpu.memref_squeeze %dma_wait3A_229 : memref<1x125xi32, #tpu.memory_space<vmem>> -> memref<125xi32, #tpu.memory_space<vmem>>
      %dma_wait3A_231 = arith.constant 0 : i32
      %dma_wait3A_232 = arith.constant 0 : i32
      %dma_wait3A_233 = tpu.memref_slice %arg2[%dma_wait3A_231, %dma_wait3A_232] : memref<10000x128xf32, #tpu.memory_space<hbm>> -> memref<10000x128xf32, #tpu.memory_space<hbm>>
      tpu.wait_indirect_dma semaphore(%arg13 : memref<!tpu.dma_semaphore, #tpu.memory_space<semaphore_mem>>) src(%dma_wait3A_233 : memref<10000x128xf32, #tpu.memory_space<hbm>>) dst(%arg8 : memref<125x128xf32, #tpu.memory_space<vmem>>)
      %dma_start3A_234 = arith.constant 6 : i32
      %dma_start3A_235 = arith.constant 0 : i32
      %dma_start3A_236 = tpu.memref_slice %arg6[%dma_start3A_234, %dma_start3A_235] : memref<10x125xi32, #tpu.memory_space<vmem>> -> memref<1x125xi32, #tpu.memory_space<vmem>>
      %dma_start3A_237 = tpu.memref_squeeze %dma_start3A_236 : memref<1x125xi32, #tpu.memory_space<vmem>> -> memref<125xi32, #tpu.memory_space<vmem>>
      %dma_start3A_238 = arith.constant 0 : i32
      %dma_start3A_239 = arith.constant 0 : i32
      %dma_start3A_240 = tpu.memref_slice %arg2[%dma_start3A_238, %dma_start3A_239] : memref<10000x128xf32, #tpu.memory_space<hbm>> -> memref<10000x128xf32, #tpu.memory_space<hbm>>
      tpu.enqueue_indirect_dma source(%dma_start3A_240 : memref<10000x128xf32, #tpu.memory_space<hbm>>) target(%arg9 : memref<125x128xf32, #tpu.memory_space<vmem>>) offsets(%dma_start3A_237 : memref<125xi32, #tpu.memory_space<vmem>>) semaphore(%arg14 : memref<!tpu.dma_semaphore, #tpu.memory_space<semaphore_mem>>)
      %run_scoped3A_241 = arith.constant 5 : i32
      "tpu.region"() ({
        %run_scoped3A_389 = tpu.sem_alloc : memref<!tpu.dma_semaphore, #tpu.memory_space<semaphore_mem>>
        %dma_start3A_390 = arith.constant 0 : i32
        %dma_start3A_391 = tpu.memref_slice %arg6[%run_scoped3A_241, %dma_start3A_390] : memref<10x125xi32, #tpu.memory_space<vmem>> -> memref<1x125xi32, #tpu.memory_space<vmem>>
        %dma_start3A_392 = tpu.memref_squeeze %dma_start3A_391 : memref<1x125xi32, #tpu.memory_space<vmem>> -> memref<125xi32, #tpu.memory_space<vmem>>
        %dma_start3A_393 = arith.constant 0 : i32
        %dma_start3A_394 = arith.constant 0 : i32
        %dma_start3A_395 = tpu.memref_slice %arg10[%dma_start3A_393, %dma_start3A_394] : memref<10240x128xf32, #tpu.memory_space<vmem_shared>> -> memref<10240x128xf32, #tpu.memory_space<vmem_shared>>
        tpu.enqueue_indirect_dma source(%arg8 : memref<125x128xf32, #tpu.memory_space<vmem>>) target(%dma_start3A_395 : memref<10240x128xf32, #tpu.memory_space<vmem_shared>>) offsets(%dma_start3A_392 : memref<125xi32, #tpu.memory_space<vmem>>) semaphore(%run_scoped3A_389 : memref<!tpu.dma_semaphore, #tpu.memory_space<semaphore_mem>>) {add = true}
        %dma_wait3A_396 = arith.constant 0 : i32
        %dma_wait3A_397 = tpu.memref_slice %arg6[%run_scoped3A_241, %dma_wait3A_396] : memref<10x125xi32, #tpu.memory_space<vmem>> -> memref<1x125xi32, #tpu.memory_space<vmem>>
        %dma_wait3A_398 = tpu.memref_squeeze %dma_wait3A_397 : memref<1x125xi32, #tpu.memory_space<vmem>> -> memref<125xi32, #tpu.memory_space<vmem>>
        %dma_wait3A_399 = arith.constant 0 : i32
        %dma_wait3A_400 = arith.constant 0 : i32
        %dma_wait3A_401 = tpu.memref_slice %arg10[%dma_wait3A_399, %dma_wait3A_400] : memref<10240x128xf32, #tpu.memory_space<vmem_shared>> -> memref<10240x128xf32, #tpu.memory_space<vmem_shared>>
        tpu.wait_indirect_dma semaphore(%run_scoped3A_389 : memref<!tpu.dma_semaphore, #tpu.memory_space<semaphore_mem>>) src(%arg8 : memref<125x128xf32, #tpu.memory_space<vmem>>) dst(%dma_wait3A_401 : memref<10240x128xf32, #tpu.memory_space<vmem_shared>>)
        tpu.yield
      }) : () -> ()
      %dma_wait3A_242 = arith.constant 6 : i32
      %dma_wait3A_243 = arith.constant 0 : i32
      %dma_wait3A_244 = tpu.memref_slice %arg6[%dma_wait3A_242, %dma_wait3A_243] : memref<10x125xi32, #tpu.memory_space<vmem>> -> memref<1x125xi32, #tpu.memory_space<vmem>>
      %dma_wait3A_245 = tpu.memref_squeeze %dma_wait3A_244 : memref<1x125xi32, #tpu.memory_space<vmem>> -> memref<125xi32, #tpu.memory_space<vmem>>
      %dma_wait3A_246 = arith.constant 0 : i32
      %dma_wait3A_247 = arith.constant 0 : i32
      %dma_wait3A_248 = tpu.memref_slice %arg2[%dma_wait3A_246, %dma_wait3A_247] : memref<10000x128xf32, #tpu.memory_space<hbm>> -> memref<10000x128xf32, #tpu.memory_space<hbm>>
      tpu.wait_indirect_dma semaphore(%arg14 : memref<!tpu.dma_semaphore, #tpu.memory_space<semaphore_mem>>) src(%dma_wait3A_248 : memref<10000x128xf32, #tpu.memory_space<hbm>>) dst(%arg9 : memref<125x128xf32, #tpu.memory_space<vmem>>)
      %dma_start3A_249 = arith.constant 8 : i32
      %dma_start3A_250 = arith.constant 0 : i32
      %dma_start3A_251 = tpu.memref_slice %arg6[%dma_start3A_249, %dma_start3A_250] : memref<10x125xi32, #tpu.memory_space<vmem>> -> memref<1x125xi32, #tpu.memory_space<vmem>>
      %dma_start3A_252 = tpu.memref_squeeze %dma_start3A_251 : memref<1x125xi32, #tpu.memory_space<vmem>> -> memref<125xi32, #tpu.memory_space<vmem>>
      %dma_start3A_253 = arith.constant 0 : i32
      %dma_start3A_254 = arith.constant 0 : i32
      %dma_start3A_255 = tpu.memref_slice %arg2[%dma_start3A_253, %dma_start3A_254] : memref<10000x128xf32, #tpu.memory_space<hbm>> -> memref<10000x128xf32, #tpu.memory_space<hbm>>
      tpu.enqueue_indirect_dma source(%dma_start3A_255 : memref<10000x128xf32, #tpu.memory_space<hbm>>) target(%arg8 : memref<125x128xf32, #tpu.memory_space<vmem>>) offsets(%dma_start3A_252 : memref<125xi32, #tpu.memory_space<vmem>>) semaphore(%arg13 : memref<!tpu.dma_semaphore, #tpu.memory_space<semaphore_mem>>)
      %run_scoped3A_256 = arith.constant 7 : i32
      "tpu.region"() ({
        %run_scoped3A_389 = tpu.sem_alloc : memref<!tpu.dma_semaphore, #tpu.memory_space<semaphore_mem>>
        %dma_start3A_390 = arith.constant 0 : i32
        %dma_start3A_391 = tpu.memref_slice %arg6[%run_scoped3A_256, %dma_start3A_390] : memref<10x125xi32, #tpu.memory_space<vmem>> -> memref<1x125xi32, #tpu.memory_space<vmem>>
        %dma_start3A_392 = tpu.memref_squeeze %dma_start3A_391 : memref<1x125xi32, #tpu.memory_space<vmem>> -> memref<125xi32, #tpu.memory_space<vmem>>
        %dma_start3A_393 = arith.constant 0 : i32
        %dma_start3A_394 = arith.constant 0 : i32
        %dma_start3A_395 = tpu.memref_slice %arg10[%dma_start3A_393, %dma_start3A_394] : memref<10240x128xf32, #tpu.memory_space<vmem_shared>> -> memref<10240x128xf32, #tpu.memory_space<vmem_shared>>
        tpu.enqueue_indirect_dma source(%arg9 : memref<125x128xf32, #tpu.memory_space<vmem>>) target(%dma_start3A_395 : memref<10240x128xf32, #tpu.memory_space<vmem_shared>>) offsets(%dma_start3A_392 : memref<125xi32, #tpu.memory_space<vmem>>) semaphore(%run_scoped3A_389 : memref<!tpu.dma_semaphore, #tpu.memory_space<semaphore_mem>>) {add = true}
        %dma_wait3A_396 = arith.constant 0 : i32
        %dma_wait3A_397 = tpu.memref_slice %arg6[%run_scoped3A_256, %dma_wait3A_396] : memref<10x125xi32, #tpu.memory_space<vmem>> -> memref<1x125xi32, #tpu.memory_space<vmem>>
        %dma_wait3A_398 = tpu.memref_squeeze %dma_wait3A_397 : memref<1x125xi32, #tpu.memory_space<vmem>> -> memref<125xi32, #tpu.memory_space<vmem>>
        %dma_wait3A_399 = arith.constant 0 : i32
        %dma_wait3A_400 = arith.constant 0 : i32
        %dma_wait3A_401 = tpu.memref_slice %arg10[%dma_wait3A_399, %dma_wait3A_400] : memref<10240x128xf32, #tpu.memory_space<vmem_shared>> -> memref<10240x128xf32, #tpu.memory_space<vmem_shared>>
        tpu.wait_indirect_dma semaphore(%run_scoped3A_389 : memref<!tpu.dma_semaphore, #tpu.memory_space<semaphore_mem>>) src(%arg9 : memref<125x128xf32, #tpu.memory_space<vmem>>) dst(%dma_wait3A_401 : memref<10240x128xf32, #tpu.memory_space<vmem_shared>>)
        tpu.yield
      }) : () -> ()
      %dma_wait3A_257 = arith.constant 8 : i32
      %dma_wait3A_258 = arith.constant 0 : i32
      %dma_wait3A_259 = tpu.memref_slice %arg6[%dma_wait3A_257, %dma_wait3A_258] : memref<10x125xi32, #tpu.memory_space<vmem>> -> memref<1x125xi32, #tpu.memory_space<vmem>>
      %dma_wait3A_260 = tpu.memref_squeeze %dma_wait3A_259 : memref<1x125xi32, #tpu.memory_space<vmem>> -> memref<125xi32, #tpu.memory_space<vmem>>
      %dma_wait3A_261 = arith.constant 0 : i32
      %dma_wait3A_262 = arith.constant 0 : i32
      %dma_wait3A_263 = tpu.memref_slice %arg2[%dma_wait3A_261, %dma_wait3A_262] : memref<10000x128xf32, #tpu.memory_space<hbm>> -> memref<10000x128xf32, #tpu.memory_space<hbm>>
      tpu.wait_indirect_dma semaphore(%arg13 : memref<!tpu.dma_semaphore, #tpu.memory_space<semaphore_mem>>) src(%dma_wait3A_263 : memref<10000x128xf32, #tpu.memory_space<hbm>>) dst(%arg8 : memref<125x128xf32, #tpu.memory_space<vmem>>)
      %dma_wait3A_264 = arith.constant 0 : i32
      %dma_wait3A_265 = arith.constant 0 : i32
      %dma_wait3A_266 = arith.constant 0 : i32
      %dma_wait3A_267 = tpu.memref_slice %arg3[%add3A, %dma_wait3A_264, %dma_wait3A_265, %dma_wait3A_266] : memref<32x8x10x125xi32, #tpu.memory_space<hbm>> -> memref<1x1x10x125xi32, #tpu.memory_space<hbm>>
      %dma_wait3A_268 = tpu.memref_squeeze %dma_wait3A_267 : memref<1x1x10x125xi32, #tpu.memory_space<hbm>> -> memref<10x125xi32, #tpu.memory_space<hbm>>
      %dma_wait3A_269 = arith.constant 0 : i32
      %dma_wait3A_270 = arith.constant 0 : i32
      %dma_wait3A_271 = tpu.memref_slice %arg3[%add3A, %dma_wait3A_264, %dma_wait3A_269, %dma_wait3A_270] : memref<32x8x10x125xi32, #tpu.memory_space<hbm>> -> memref<1x1x10x125xi32, #tpu.memory_space<hbm>>
      %dma_wait3A_272 = tpu.memref_squeeze %dma_wait3A_271 : memref<1x1x10x125xi32, #tpu.memory_space<hbm>> -> memref<10x125xi32, #tpu.memory_space<hbm>>
      tpu.wait_dma2 semaphore(%arg12 : memref<!tpu.dma_semaphore, #tpu.memory_space<semaphore_mem>>) src(%dma_wait3A_272 : memref<10x125xi32, #tpu.memory_space<hbm>>) dst(%arg7 : memref<10x125xi32, #tpu.memory_space<vmem>>)
      %dma_start3A_273 = arith.constant 0 : i32
      %dma_start3A_274 = arith.constant 0 : i32
      %dma_start3A_275 = tpu.memref_slice %arg7[%dma_start3A_273, %dma_start3A_274] : memref<10x125xi32, #tpu.memory_space<vmem>> -> memref<1x125xi32, #tpu.memory_space<vmem>>
      %dma_start3A_276 = tpu.memref_squeeze %dma_start3A_275 : memref<1x125xi32, #tpu.memory_space<vmem>> -> memref<125xi32, #tpu.memory_space<vmem>>
      %dma_start3A_277 = arith.constant 0 : i32
      %dma_start3A_278 = arith.constant 0 : i32
      %dma_start3A_279 = tpu.memref_slice %arg2[%dma_start3A_277, %dma_start3A_278] : memref<10000x128xf32, #tpu.memory_space<hbm>> -> memref<10000x128xf32, #tpu.memory_space<hbm>>
      tpu.enqueue_indirect_dma source(%dma_start3A_279 : memref<10000x128xf32, #tpu.memory_space<hbm>>) target(%arg9 : memref<125x128xf32, #tpu.memory_space<vmem>>) offsets(%dma_start3A_276 : memref<125xi32, #tpu.memory_space<vmem>>) semaphore(%arg14 : memref<!tpu.dma_semaphore, #tpu.memory_space<semaphore_mem>>)
      %run_scoped3A_280 = arith.constant 9 : i32
      "tpu.region"() ({
        %run_scoped3A_389 = tpu.sem_alloc : memref<!tpu.dma_semaphore, #tpu.memory_space<semaphore_mem>>
        %dma_start3A_390 = arith.constant 0 : i32
        %dma_start3A_391 = tpu.memref_slice %arg6[%run_scoped3A_280, %dma_start3A_390] : memref<10x125xi32, #tpu.memory_space<vmem>> -> memref<1x125xi32, #tpu.memory_space<vmem>>
        %dma_start3A_392 = tpu.memref_squeeze %dma_start3A_391 : memref<1x125xi32, #tpu.memory_space<vmem>> -> memref<125xi32, #tpu.memory_space<vmem>>
        %dma_start3A_393 = arith.constant 0 : i32
        %dma_start3A_394 = arith.constant 0 : i32
        %dma_start3A_395 = tpu.memref_slice %arg10[%dma_start3A_393, %dma_start3A_394] : memref<10240x128xf32, #tpu.memory_space<vmem_shared>> -> memref<10240x128xf32, #tpu.memory_space<vmem_shared>>
        tpu.enqueue_indirect_dma source(%arg8 : memref<125x128xf32, #tpu.memory_space<vmem>>) target(%dma_start3A_395 : memref<10240x128xf32, #tpu.memory_space<vmem_shared>>) offsets(%dma_start3A_392 : memref<125xi32, #tpu.memory_space<vmem>>) semaphore(%run_scoped3A_389 : memref<!tpu.dma_semaphore, #tpu.memory_space<semaphore_mem>>) {add = true}
        %dma_wait3A_396 = arith.constant 0 : i32
        %dma_wait3A_397 = tpu.memref_slice %arg6[%run_scoped3A_280, %dma_wait3A_396] : memref<10x125xi32, #tpu.memory_space<vmem>> -> memref<1x125xi32, #tpu.memory_space<vmem>>
        %dma_wait3A_398 = tpu.memref_squeeze %dma_wait3A_397 : memref<1x125xi32, #tpu.memory_space<vmem>> -> memref<125xi32, #tpu.memory_space<vmem>>
        %dma_wait3A_399 = arith.constant 0 : i32
        %dma_wait3A_400 = arith.constant 0 : i32
        %dma_wait3A_401 = tpu.memref_slice %arg10[%dma_wait3A_399, %dma_wait3A_400] : memref<10240x128xf32, #tpu.memory_space<vmem_shared>> -> memref<10240x128xf32, #tpu.memory_space<vmem_shared>>
        tpu.wait_indirect_dma semaphore(%run_scoped3A_389 : memref<!tpu.dma_semaphore, #tpu.memory_space<semaphore_mem>>) src(%arg8 : memref<125x128xf32, #tpu.memory_space<vmem>>) dst(%dma_wait3A_401 : memref<10240x128xf32, #tpu.memory_space<vmem_shared>>)
        tpu.yield
      }) : () -> ()
      %mul3A_281 = arith.constant 2 : i32
      %mul3A_282 = arith.muli %mul3A_281, %scan3A_196 : i32
      %add3A_283 = arith.constant 2 : i32
      %add3A_284 = arith.addi %mul3A_282, %add3A_283 : i32
      %dma_start3A_285 = arith.constant 0 : i32
      %dma_start3A_286 = arith.constant 0 : i32
      %dma_start3A_287 = tpu.memref_slice %arg3[%add3A, %add3A_284, %dma_start3A_285, %dma_start3A_286] : memref<32x8x10x125xi32, #tpu.memory_space<hbm>> -> memref<1x1x10x125xi32, #tpu.memory_space<hbm>>
      %dma_start3A_288 = tpu.memref_squeeze %dma_start3A_287 : memref<1x1x10x125xi32, #tpu.memory_space<hbm>> -> memref<10x125xi32, #tpu.memory_space<hbm>>
      %dma_start3A_289 = arith.constant 0 : i32
      %dma_start3A_290 = arith.constant 0 : i32
      %dma_start3A_291 = tpu.memref_slice %arg3[%add3A, %add3A_284, %dma_start3A_289, %dma_start3A_290] : memref<32x8x10x125xi32, #tpu.memory_space<hbm>> -> memref<1x1x10x125xi32, #tpu.memory_space<hbm>>
      %dma_start3A_292 = tpu.memref_squeeze %dma_start3A_291 : memref<1x1x10x125xi32, #tpu.memory_space<hbm>> -> memref<10x125xi32, #tpu.memory_space<hbm>>
      tpu.enqueue_dma source(%dma_start3A_292 : memref<10x125xi32, #tpu.memory_space<hbm>>) target(%arg6 : memref<10x125xi32, #tpu.memory_space<vmem>>) target_semaphore(%arg11 : memref<!tpu.dma_semaphore, #tpu.memory_space<semaphore_mem>>)
      %dma_wait3A_293 = arith.constant 0 : i32
      %dma_wait3A_294 = arith.constant 0 : i32
      %dma_wait3A_295 = tpu.memref_slice %arg7[%dma_wait3A_293, %dma_wait3A_294] : memref<10x125xi32, #tpu.memory_space<vmem>> -> memref<1x125xi32, #tpu.memory_space<vmem>>
      %dma_wait3A_296 = tpu.memref_squeeze %dma_wait3A_295 : memref<1x125xi32, #tpu.memory_space<vmem>> -> memref<125xi32, #tpu.memory_space<vmem>>
      %dma_wait3A_297 = arith.constant 0 : i32
      %dma_wait3A_298 = arith.constant 0 : i32
      %dma_wait3A_299 = tpu.memref_slice %arg2[%dma_wait3A_297, %dma_wait3A_298] : memref<10000x128xf32, #tpu.memory_space<hbm>> -> memref<10000x128xf32, #tpu.memory_space<hbm>>
      tpu.wait_indirect_dma semaphore(%arg14 : memref<!tpu.dma_semaphore, #tpu.memory_space<semaphore_mem>>) src(%dma_wait3A_299 : memref<10000x128xf32, #tpu.memory_space<hbm>>) dst(%arg9 : memref<125x128xf32, #tpu.memory_space<vmem>>)
      %dma_start3A_300 = arith.constant 2 : i32
      %dma_start3A_301 = arith.constant 0 : i32
      %dma_start3A_302 = tpu.memref_slice %arg7[%dma_start3A_300, %dma_start3A_301] : memref<10x125xi32, #tpu.memory_space<vmem>> -> memref<1x125xi32, #tpu.memory_space<vmem>>
      %dma_start3A_303 = tpu.memref_squeeze %dma_start3A_302 : memref<1x125xi32, #tpu.memory_space<vmem>> -> memref<125xi32, #tpu.memory_space<vmem>>
      %dma_start3A_304 = arith.constant 0 : i32
      %dma_start3A_305 = arith.constant 0 : i32
      %dma_start3A_306 = tpu.memref_slice %arg2[%dma_start3A_304, %dma_start3A_305] : memref<10000x128xf32, #tpu.memory_space<hbm>> -> memref<10000x128xf32, #tpu.memory_space<hbm>>
      tpu.enqueue_indirect_dma source(%dma_start3A_306 : memref<10000x128xf32, #tpu.memory_space<hbm>>) target(%arg8 : memref<125x128xf32, #tpu.memory_space<vmem>>) offsets(%dma_start3A_303 : memref<125xi32, #tpu.memory_space<vmem>>) semaphore(%arg13 : memref<!tpu.dma_semaphore, #tpu.memory_space<semaphore_mem>>)
      %run_scoped3A_307 = arith.constant 1 : i32
      "tpu.region"() ({
        %run_scoped3A_389 = tpu.sem_alloc : memref<!tpu.dma_semaphore, #tpu.memory_space<semaphore_mem>>
        %dma_start3A_390 = arith.constant 0 : i32
        %dma_start3A_391 = tpu.memref_slice %arg7[%run_scoped3A_307, %dma_start3A_390] : memref<10x125xi32, #tpu.memory_space<vmem>> -> memref<1x125xi32, #tpu.memory_space<vmem>>
        %dma_start3A_392 = tpu.memref_squeeze %dma_start3A_391 : memref<1x125xi32, #tpu.memory_space<vmem>> -> memref<125xi32, #tpu.memory_space<vmem>>
        %dma_start3A_393 = arith.constant 0 : i32
        %dma_start3A_394 = arith.constant 0 : i32
        %dma_start3A_395 = tpu.memref_slice %arg10[%dma_start3A_393, %dma_start3A_394] : memref<10240x128xf32, #tpu.memory_space<vmem_shared>> -> memref<10240x128xf32, #tpu.memory_space<vmem_shared>>
        tpu.enqueue_indirect_dma source(%arg9 : memref<125x128xf32, #tpu.memory_space<vmem>>) target(%dma_start3A_395 : memref<10240x128xf32, #tpu.memory_space<vmem_shared>>) offsets(%dma_start3A_392 : memref<125xi32, #tpu.memory_space<vmem>>) semaphore(%run_scoped3A_389 : memref<!tpu.dma_semaphore, #tpu.memory_space<semaphore_mem>>) {add = true}
        %dma_wait3A_396 = arith.constant 0 : i32
        %dma_wait3A_397 = tpu.memref_slice %arg7[%run_scoped3A_307, %dma_wait3A_396] : memref<10x125xi32, #tpu.memory_space<vmem>> -> memref<1x125xi32, #tpu.memory_space<vmem>>
        %dma_wait3A_398 = tpu.memref_squeeze %dma_wait3A_397 : memref<1x125xi32, #tpu.memory_space<vmem>> -> memref<125xi32, #tpu.memory_space<vmem>>
        %dma_wait3A_399 = arith.constant 0 : i32
        %dma_wait3A_400 = arith.constant 0 : i32
        %dma_wait3A_401 = tpu.memref_slice %arg10[%dma_wait3A_399, %dma_wait3A_400] : memref<10240x128xf32, #tpu.memory_space<vmem_shared>> -> memref<10240x128xf32, #tpu.memory_space<vmem_shared>>
        tpu.wait_indirect_dma semaphore(%run_scoped3A_389 : memref<!tpu.dma_semaphore, #tpu.memory_space<semaphore_mem>>) src(%arg9 : memref<125x128xf32, #tpu.memory_space<vmem>>) dst(%dma_wait3A_401 : memref<10240x128xf32, #tpu.memory_space<vmem_shared>>)
        tpu.yield
      }) : () -> ()
      %dma_wait3A_308 = arith.constant 2 : i32
      %dma_wait3A_309 = arith.constant 0 : i32
      %dma_wait3A_310 = tpu.memref_slice %arg7[%dma_wait3A_308, %dma_wait3A_309] : memref<10x125xi32, #tpu.memory_space<vmem>> -> memref<1x125xi32, #tpu.memory_space<vmem>>
      %dma_wait3A_311 = tpu.memref_squeeze %dma_wait3A_310 : memref<1x125xi32, #tpu.memory_space<vmem>> -> memref<125xi32, #tpu.memory_space<vmem>>
      %dma_wait3A_312 = arith.constant 0 : i32
      %dma_wait3A_313 = arith.constant 0 : i32
      %dma_wait3A_314 = tpu.memref_slice %arg2[%dma_wait3A_312, %dma_wait3A_313] : memref<10000x128xf32, #tpu.memory_space<hbm>> -> memref<10000x128xf32, #tpu.memory_space<hbm>>
      tpu.wait_indirect_dma semaphore(%arg13 : memref<!tpu.dma_semaphore, #tpu.memory_space<semaphore_mem>>) src(%dma_wait3A_314 : memref<10000x128xf32, #tpu.memory_space<hbm>>) dst(%arg8 : memref<125x128xf32, #tpu.memory_space<vmem>>)
      %dma_start3A_315 = arith.constant 4 : i32
      %dma_start3A_316 = arith.constant 0 : i32
      %dma_start3A_317 = tpu.memref_slice %arg7[%dma_start3A_315, %dma_start3A_316] : memref<10x125xi32, #tpu.memory_space<vmem>> -> memref<1x125xi32, #tpu.memory_space<vmem>>
      %dma_start3A_318 = tpu.memref_squeeze %dma_start3A_317 : memref<1x125xi32, #tpu.memory_space<vmem>> -> memref<125xi32, #tpu.memory_space<vmem>>
      %dma_start3A_319 = arith.constant 0 : i32
      %dma_start3A_320 = arith.constant 0 : i32
      %dma_start3A_321 = tpu.memref_slice %arg2[%dma_start3A_319, %dma_start3A_320] : memref<10000x128xf32, #tpu.memory_space<hbm>> -> memref<10000x128xf32, #tpu.memory_space<hbm>>
      tpu.enqueue_indirect_dma source(%dma_start3A_321 : memref<10000x128xf32, #tpu.memory_space<hbm>>) target(%arg9 : memref<125x128xf32, #tpu.memory_space<vmem>>) offsets(%dma_start3A_318 : memref<125xi32, #tpu.memory_space<vmem>>) semaphore(%arg14 : memref<!tpu.dma_semaphore, #tpu.memory_space<semaphore_mem>>)
      %run_scoped3A_322 = arith.constant 3 : i32
      "tpu.region"() ({
        %run_scoped3A_389 = tpu.sem_alloc : memref<!tpu.dma_semaphore, #tpu.memory_space<semaphore_mem>>
        %dma_start3A_390 = arith.constant 0 : i32
        %dma_start3A_391 = tpu.memref_slice %arg7[%run_scoped3A_322, %dma_start3A_390] : memref<10x125xi32, #tpu.memory_space<vmem>> -> memref<1x125xi32, #tpu.memory_space<vmem>>
        %dma_start3A_392 = tpu.memref_squeeze %dma_start3A_391 : memref<1x125xi32, #tpu.memory_space<vmem>> -> memref<125xi32, #tpu.memory_space<vmem>>
        %dma_start3A_393 = arith.constant 0 : i32
        %dma_start3A_394 = arith.constant 0 : i32
        %dma_start3A_395 = tpu.memref_slice %arg10[%dma_start3A_393, %dma_start3A_394] : memref<10240x128xf32, #tpu.memory_space<vmem_shared>> -> memref<10240x128xf32, #tpu.memory_space<vmem_shared>>
        tpu.enqueue_indirect_dma source(%arg8 : memref<125x128xf32, #tpu.memory_space<vmem>>) target(%dma_start3A_395 : memref<10240x128xf32, #tpu.memory_space<vmem_shared>>) offsets(%dma_start3A_392 : memref<125xi32, #tpu.memory_space<vmem>>) semaphore(%run_scoped3A_389 : memref<!tpu.dma_semaphore, #tpu.memory_space<semaphore_mem>>) {add = true}
        %dma_wait3A_396 = arith.constant 0 : i32
        %dma_wait3A_397 = tpu.memref_slice %arg7[%run_scoped3A_322, %dma_wait3A_396] : memref<10x125xi32, #tpu.memory_space<vmem>> -> memref<1x125xi32, #tpu.memory_space<vmem>>
        %dma_wait3A_398 = tpu.memref_squeeze %dma_wait3A_397 : memref<1x125xi32, #tpu.memory_space<vmem>> -> memref<125xi32, #tpu.memory_space<vmem>>
        %dma_wait3A_399 = arith.constant 0 : i32
        %dma_wait3A_400 = arith.constant 0 : i32
        %dma_wait3A_401 = tpu.memref_slice %arg10[%dma_wait3A_399, %dma_wait3A_400] : memref<10240x128xf32, #tpu.memory_space<vmem_shared>> -> memref<10240x128xf32, #tpu.memory_space<vmem_shared>>
        tpu.wait_indirect_dma semaphore(%run_scoped3A_389 : memref<!tpu.dma_semaphore, #tpu.memory_space<semaphore_mem>>) src(%arg8 : memref<125x128xf32, #tpu.memory_space<vmem>>) dst(%dma_wait3A_401 : memref<10240x128xf32, #tpu.memory_space<vmem_shared>>)
        tpu.yield
      }) : () -> ()
      %dma_wait3A_323 = arith.constant 4 : i32
      %dma_wait3A_324 = arith.constant 0 : i32
      %dma_wait3A_325 = tpu.memref_slice %arg7[%dma_wait3A_323, %dma_wait3A_324] : memref<10x125xi32, #tpu.memory_space<vmem>> -> memref<1x125xi32, #tpu.memory_space<vmem>>
      %dma_wait3A_326 = tpu.memref_squeeze %dma_wait3A_325 : memref<1x125xi32, #tpu.memory_space<vmem>> -> memref<125xi32, #tpu.memory_space<vmem>>
      %dma_wait3A_327 = arith.constant 0 : i32
      %dma_wait3A_328 = arith.constant 0 : i32
      %dma_wait3A_329 = tpu.memref_slice %arg2[%dma_wait3A_327, %dma_wait3A_328] : memref<10000x128xf32, #tpu.memory_space<hbm>> -> memref<10000x128xf32, #tpu.memory_space<hbm>>
      tpu.wait_indirect_dma semaphore(%arg14 : memref<!tpu.dma_semaphore, #tpu.memory_space<semaphore_mem>>) src(%dma_wait3A_329 : memref<10000x128xf32, #tpu.memory_space<hbm>>) dst(%arg9 : memref<125x128xf32, #tpu.memory_space<vmem>>)
      %dma_start3A_330 = arith.constant 6 : i32
      %dma_start3A_331 = arith.constant 0 : i32
      %dma_start3A_332 = tpu.memref_slice %arg7[%dma_start3A_330, %dma_start3A_331] : memref<10x125xi32, #tpu.memory_space<vmem>> -> memref<1x125xi32, #tpu.memory_space<vmem>>
      %dma_start3A_333 = tpu.memref_squeeze %dma_start3A_332 : memref<1x125xi32, #tpu.memory_space<vmem>> -> memref<125xi32, #tpu.memory_space<vmem>>
      %dma_start3A_334 = arith.constant 0 : i32
      %dma_start3A_335 = arith.constant 0 : i32
      %dma_start3A_336 = tpu.memref_slice %arg2[%dma_start3A_334, %dma_start3A_335] : memref<10000x128xf32, #tpu.memory_space<hbm>> -> memref<10000x128xf32, #tpu.memory_space<hbm>>
      tpu.enqueue_indirect_dma source(%dma_start3A_336 : memref<10000x128xf32, #tpu.memory_space<hbm>>) target(%arg8 : memref<125x128xf32, #tpu.memory_space<vmem>>) offsets(%dma_start3A_333 : memref<125xi32, #tpu.memory_space<vmem>>) semaphore(%arg13 : memref<!tpu.dma_semaphore, #tpu.memory_space<semaphore_mem>>)
      %run_scoped3A_337 = arith.constant 5 : i32
      "tpu.region"() ({
        %run_scoped3A_389 = tpu.sem_alloc : memref<!tpu.dma_semaphore, #tpu.memory_space<semaphore_mem>>
        %dma_start3A_390 = arith.constant 0 : i32
        %dma_start3A_391 = tpu.memref_slice %arg7[%run_scoped3A_337, %dma_start3A_390] : memref<10x125xi32, #tpu.memory_space<vmem>> -> memref<1x125xi32, #tpu.memory_space<vmem>>
        %dma_start3A_392 = tpu.memref_squeeze %dma_start3A_391 : memref<1x125xi32, #tpu.memory_space<vmem>> -> memref<125xi32, #tpu.memory_space<vmem>>
        %dma_start3A_393 = arith.constant 0 : i32
        %dma_start3A_394 = arith.constant 0 : i32
        %dma_start3A_395 = tpu.memref_slice %arg10[%dma_start3A_393, %dma_start3A_394] : memref<10240x128xf32, #tpu.memory_space<vmem_shared>> -> memref<10240x128xf32, #tpu.memory_space<vmem_shared>>
        tpu.enqueue_indirect_dma source(%arg9 : memref<125x128xf32, #tpu.memory_space<vmem>>) target(%dma_start3A_395 : memref<10240x128xf32, #tpu.memory_space<vmem_shared>>) offsets(%dma_start3A_392 : memref<125xi32, #tpu.memory_space<vmem>>) semaphore(%run_scoped3A_389 : memref<!tpu.dma_semaphore, #tpu.memory_space<semaphore_mem>>) {add = true}
        %dma_wait3A_396 = arith.constant 0 : i32
        %dma_wait3A_397 = tpu.memref_slice %arg7[%run_scoped3A_337, %dma_wait3A_396] : memref<10x125xi32, #tpu.memory_space<vmem>> -> memref<1x125xi32, #tpu.memory_space<vmem>>
        %dma_wait3A_398 = tpu.memref_squeeze %dma_wait3A_397 : memref<1x125xi32, #tpu.memory_space<vmem>> -> memref<125xi32, #tpu.memory_space<vmem>>
        %dma_wait3A_399 = arith.constant 0 : i32
        %dma_wait3A_400 = arith.constant 0 : i32
        %dma_wait3A_401 = tpu.memref_slice %arg10[%dma_wait3A_399, %dma_wait3A_400] : memref<10240x128xf32, #tpu.memory_space<vmem_shared>> -> memref<10240x128xf32, #tpu.memory_space<vmem_shared>>
        tpu.wait_indirect_dma semaphore(%run_scoped3A_389 : memref<!tpu.dma_semaphore, #tpu.memory_space<semaphore_mem>>) src(%arg9 : memref<125x128xf32, #tpu.memory_space<vmem>>) dst(%dma_wait3A_401 : memref<10240x128xf32, #tpu.memory_space<vmem_shared>>)
        tpu.yield
      }) : () -> ()
      %dma_wait3A_338 = arith.constant 6 : i32
      %dma_wait3A_339 = arith.constant 0 : i32
      %dma_wait3A_340 = tpu.memref_slice %arg7[%dma_wait3A_338, %dma_wait3A_339] : memref<10x125xi32, #tpu.memory_space<vmem>> -> memref<1x125xi32, #tpu.memory_space<vmem>>
      %dma_wait3A_341 = tpu.memref_squeeze %dma_wait3A_340 : memref<1x125xi32, #tpu.memory_space<vmem>> -> memref<125xi32, #tpu.memory_space<vmem>>
      %dma_wait3A_342 = arith.constant 0 : i32
      %dma_wait3A_343 = arith.constant 0 : i32
      %dma_wait3A_344 = tpu.memref_slice %arg2[%dma_wait3A_342, %dma_wait3A_343] : memref<10000x128xf32, #tpu.memory_space<hbm>> -> memref<10000x128xf32, #tpu.memory_space<hbm>>
      tpu.wait_indirect_dma semaphore(%arg13 : memref<!tpu.dma_semaphore, #tpu.memory_space<semaphore_mem>>) src(%dma_wait3A_344 : memref<10000x128xf32, #tpu.memory_space<hbm>>) dst(%arg8 : memref<125x128xf32, #tpu.memory_space<vmem>>)
      %dma_start3A_345 = arith.constant 8 : i32
      %dma_start3A_346 = arith.constant 0 : i32
      %dma_start3A_347 = tpu.memref_slice %arg7[%dma_start3A_345, %dma_start3A_346] : memref<10x125xi32, #tpu.memory_space<vmem>> -> memref<1x125xi32, #tpu.memory_space<vmem>>
      %dma_start3A_348 = tpu.memref_squeeze %dma_start3A_347 : memref<1x125xi32, #tpu.memory_space<vmem>> -> memref<125xi32, #tpu.memory_space<vmem>>
      %dma_start3A_349 = arith.constant 0 : i32
      %dma_start3A_350 = arith.constant 0 : i32
      %dma_start3A_351 = tpu.memref_slice %arg2[%dma_start3A_349, %dma_start3A_350] : memref<10000x128xf32, #tpu.memory_space<hbm>> -> memref<10000x128xf32, #tpu.memory_space<hbm>>
      tpu.enqueue_indirect_dma source(%dma_start3A_351 : memref<10000x128xf32, #tpu.memory_space<hbm>>) target(%arg9 : memref<125x128xf32, #tpu.memory_space<vmem>>) offsets(%dma_start3A_348 : memref<125xi32, #tpu.memory_space<vmem>>) semaphore(%arg14 : memref<!tpu.dma_semaphore, #tpu.memory_space<semaphore_mem>>)
      %run_scoped3A_352 = arith.constant 7 : i32
      "tpu.region"() ({
        %run_scoped3A_389 = tpu.sem_alloc : memref<!tpu.dma_semaphore, #tpu.memory_space<semaphore_mem>>
        %dma_start3A_390 = arith.constant 0 : i32
        %dma_start3A_391 = tpu.memref_slice %arg7[%run_scoped3A_352, %dma_start3A_390] : memref<10x125xi32, #tpu.memory_space<vmem>> -> memref<1x125xi32, #tpu.memory_space<vmem>>
        %dma_start3A_392 = tpu.memref_squeeze %dma_start3A_391 : memref<1x125xi32, #tpu.memory_space<vmem>> -> memref<125xi32, #tpu.memory_space<vmem>>
        %dma_start3A_393 = arith.constant 0 : i32
        %dma_start3A_394 = arith.constant 0 : i32
        %dma_start3A_395 = tpu.memref_slice %arg10[%dma_start3A_393, %dma_start3A_394] : memref<10240x128xf32, #tpu.memory_space<vmem_shared>> -> memref<10240x128xf32, #tpu.memory_space<vmem_shared>>
        tpu.enqueue_indirect_dma source(%arg8 : memref<125x128xf32, #tpu.memory_space<vmem>>) target(%dma_start3A_395 : memref<10240x128xf32, #tpu.memory_space<vmem_shared>>) offsets(%dma_start3A_392 : memref<125xi32, #tpu.memory_space<vmem>>) semaphore(%run_scoped3A_389 : memref<!tpu.dma_semaphore, #tpu.memory_space<semaphore_mem>>) {add = true}
        %dma_wait3A_396 = arith.constant 0 : i32
        %dma_wait3A_397 = tpu.memref_slice %arg7[%run_scoped3A_352, %dma_wait3A_396] : memref<10x125xi32, #tpu.memory_space<vmem>> -> memref<1x125xi32, #tpu.memory_space<vmem>>
        %dma_wait3A_398 = tpu.memref_squeeze %dma_wait3A_397 : memref<1x125xi32, #tpu.memory_space<vmem>> -> memref<125xi32, #tpu.memory_space<vmem>>
        %dma_wait3A_399 = arith.constant 0 : i32
        %dma_wait3A_400 = arith.constant 0 : i32
        %dma_wait3A_401 = tpu.memref_slice %arg10[%dma_wait3A_399, %dma_wait3A_400] : memref<10240x128xf32, #tpu.memory_space<vmem_shared>> -> memref<10240x128xf32, #tpu.memory_space<vmem_shared>>
        tpu.wait_indirect_dma semaphore(%run_scoped3A_389 : memref<!tpu.dma_semaphore, #tpu.memory_space<semaphore_mem>>) src(%arg8 : memref<125x128xf32, #tpu.memory_space<vmem>>) dst(%dma_wait3A_401 : memref<10240x128xf32, #tpu.memory_space<vmem_shared>>)
        tpu.yield
      }) : () -> ()
      %dma_wait3A_353 = arith.constant 8 : i32
      %dma_wait3A_354 = arith.constant 0 : i32
      %dma_wait3A_355 = tpu.memref_slice %arg7[%dma_wait3A_353, %dma_wait3A_354] : memref<10x125xi32, #tpu.memory_space<vmem>> -> memref<1x125xi32, #tpu.memory_space<vmem>>
      %dma_wait3A_356 = tpu.memref_squeeze %dma_wait3A_355 : memref<1x125xi32, #tpu.memory_space<vmem>> -> memref<125xi32, #tpu.memory_space<vmem>>
      %dma_wait3A_357 = arith.constant 0 : i32
      %dma_wait3A_358 = arith.constant 0 : i32
      %dma_wait3A_359 = tpu.memref_slice %arg2[%dma_wait3A_357, %dma_wait3A_358] : memref<10000x128xf32, #tpu.memory_space<hbm>> -> memref<10000x128xf32, #tpu.memory_space<hbm>>
      tpu.wait_indirect_dma semaphore(%arg14 : memref<!tpu.dma_semaphore, #tpu.memory_space<semaphore_mem>>) src(%dma_wait3A_359 : memref<10000x128xf32, #tpu.memory_space<hbm>>) dst(%arg9 : memref<125x128xf32, #tpu.memory_space<vmem>>)
      %dma_wait3A_360 = arith.constant 0 : i32
      %dma_wait3A_361 = arith.constant 0 : i32
      %dma_wait3A_362 = arith.constant 0 : i32
      %dma_wait3A_363 = tpu.memref_slice %arg3[%add3A, %dma_wait3A_360, %dma_wait3A_361, %dma_wait3A_362] : memref<32x8x10x125xi32, #tpu.memory_space<hbm>> -> memref<1x1x10x125xi32, #tpu.memory_space<hbm>>
      %dma_wait3A_364 = tpu.memref_squeeze %dma_wait3A_363 : memref<1x1x10x125xi32, #tpu.memory_space<hbm>> -> memref<10x125xi32, #tpu.memory_space<hbm>>
      %dma_wait3A_365 = arith.constant 0 : i32
      %dma_wait3A_366 = arith.constant 0 : i32
      %dma_wait3A_367 = tpu.memref_slice %arg3[%add3A, %dma_wait3A_360, %dma_wait3A_365, %dma_wait3A_366] : memref<32x8x10x125xi32, #tpu.memory_space<hbm>> -> memref<1x1x10x125xi32, #tpu.memory_space<hbm>>
      %dma_wait3A_368 = tpu.memref_squeeze %dma_wait3A_367 : memref<1x1x10x125xi32, #tpu.memory_space<hbm>> -> memref<10x125xi32, #tpu.memory_space<hbm>>
      tpu.wait_dma2 semaphore(%arg11 : memref<!tpu.dma_semaphore, #tpu.memory_space<semaphore_mem>>) src(%dma_wait3A_368 : memref<10x125xi32, #tpu.memory_space<hbm>>) dst(%arg6 : memref<10x125xi32, #tpu.memory_space<vmem>>)
      %dma_start3A_369 = arith.constant 0 : i32
      %dma_start3A_370 = arith.constant 0 : i32
      %dma_start3A_371 = tpu.memref_slice %arg6[%dma_start3A_369, %dma_start3A_370] : memref<10x125xi32, #tpu.memory_space<vmem>> -> memref<1x125xi32, #tpu.memory_space<vmem>>
      %dma_start3A_372 = tpu.memref_squeeze %dma_start3A_371 : memref<1x125xi32, #tpu.memory_space<vmem>> -> memref<125xi32, #tpu.memory_space<vmem>>
      %dma_start3A_373 = arith.constant 0 : i32
      %dma_start3A_374 = arith.constant 0 : i32
      %dma_start3A_375 = tpu.memref_slice %arg2[%dma_start3A_373, %dma_start3A_374] : memref<10000x128xf32, #tpu.memory_space<hbm>> -> memref<10000x128xf32, #tpu.memory_space<hbm>>
      tpu.enqueue_indirect_dma source(%dma_start3A_375 : memref<10000x128xf32, #tpu.memory_space<hbm>>) target(%arg8 : memref<125x128xf32, #tpu.memory_space<vmem>>) offsets(%dma_start3A_372 : memref<125xi32, #tpu.memory_space<vmem>>) semaphore(%arg13 : memref<!tpu.dma_semaphore, #tpu.memory_space<semaphore_mem>>)
      %run_scoped3A_376 = arith.constant 9 : i32
      "tpu.region"() ({
        %run_scoped3A_389 = tpu.sem_alloc : memref<!tpu.dma_semaphore, #tpu.memory_space<semaphore_mem>>
        %dma_start3A_390 = arith.constant 0 : i32
        %dma_start3A_391 = tpu.memref_slice %arg7[%run_scoped3A_376, %dma_start3A_390] : memref<10x125xi32, #tpu.memory_space<vmem>> -> memref<1x125xi32, #tpu.memory_space<vmem>>
        %dma_start3A_392 = tpu.memref_squeeze %dma_start3A_391 : memref<1x125xi32, #tpu.memory_space<vmem>> -> memref<125xi32, #tpu.memory_space<vmem>>
        %dma_start3A_393 = arith.constant 0 : i32
        %dma_start3A_394 = arith.constant 0 : i32
        %dma_start3A_395 = tpu.memref_slice %arg10[%dma_start3A_393, %dma_start3A_394] : memref<10240x128xf32, #tpu.memory_space<vmem_shared>> -> memref<10240x128xf32, #tpu.memory_space<vmem_shared>>
        tpu.enqueue_indirect_dma source(%arg9 : memref<125x128xf32, #tpu.memory_space<vmem>>) target(%dma_start3A_395 : memref<10240x128xf32, #tpu.memory_space<vmem_shared>>) offsets(%dma_start3A_392 : memref<125xi32, #tpu.memory_space<vmem>>) semaphore(%run_scoped3A_389 : memref<!tpu.dma_semaphore, #tpu.memory_space<semaphore_mem>>) {add = true}
        %dma_wait3A_396 = arith.constant 0 : i32
        %dma_wait3A_397 = tpu.memref_slice %arg7[%run_scoped3A_376, %dma_wait3A_396] : memref<10x125xi32, #tpu.memory_space<vmem>> -> memref<1x125xi32, #tpu.memory_space<vmem>>
        %dma_wait3A_398 = tpu.memref_squeeze %dma_wait3A_397 : memref<1x125xi32, #tpu.memory_space<vmem>> -> memref<125xi32, #tpu.memory_space<vmem>>
        %dma_wait3A_399 = arith.constant 0 : i32
        %dma_wait3A_400 = arith.constant 0 : i32
        %dma_wait3A_401 = tpu.memref_slice %arg10[%dma_wait3A_399, %dma_wait3A_400] : memref<10240x128xf32, #tpu.memory_space<vmem_shared>> -> memref<10240x128xf32, #tpu.memory_space<vmem_shared>>
        tpu.wait_indirect_dma semaphore(%run_scoped3A_389 : memref<!tpu.dma_semaphore, #tpu.memory_space<semaphore_mem>>) src(%arg9 : memref<125x128xf32, #tpu.memory_space<vmem>>) dst(%dma_wait3A_401 : memref<10240x128xf32, #tpu.memory_space<vmem_shared>>)
        tpu.yield
      }) : () -> ()
      %mul3A_377 = arith.constant 2 : i32
      %mul3A_378 = arith.muli %mul3A_377, %scan3A_196 : i32
      %add3A_379 = arith.constant 3 : i32
      %add3A_380 = arith.addi %mul3A_378, %add3A_379 : i32
      %dma_start3A_381 = arith.constant 0 : i32
      %dma_start3A_382 = arith.constant 0 : i32
      %dma_start3A_383 = tpu.memref_slice %arg3[%add3A, %add3A_380, %dma_start3A_381, %dma_start3A_382] : memref<32x8x10x125xi32, #tpu.memory_space<hbm>> -> memref<1x1x10x125xi32, #tpu.memory_space<hbm>>
      %dma_start3A_384 = tpu.memref_squeeze %dma_start3A_383 : memref<1x1x10x125xi32, #tpu.memory_space<hbm>> -> memref<10x125xi32, #tpu.memory_space<hbm>>
      %dma_start3A_385 = arith.constant 0 : i32
      %dma_start3A_386 = arith.constant 0 : i32
      %dma_start3A_387 = tpu.memref_slice %arg3[%add3A, %add3A_380, %dma_start3A_385, %dma_start3A_386] : memref<32x8x10x125xi32, #tpu.memory_space<hbm>> -> memref<1x1x10x125xi32, #tpu.memory_space<hbm>>
      %dma_start3A_388 = tpu.memref_squeeze %dma_start3A_387 : memref<1x1x10x125xi32, #tpu.memory_space<hbm>> -> memref<10x125xi32, #tpu.memory_space<hbm>>
      tpu.enqueue_dma source(%dma_start3A_388 : memref<10x125xi32, #tpu.memory_space<hbm>>) target(%arg7 : memref<10x125xi32, #tpu.memory_space<vmem>>) target_semaphore(%arg12 : memref<!tpu.dma_semaphore, #tpu.memory_space<semaphore_mem>>)
    }
    %scan3A_43 = arith.constant 3 : i32
    %dma_wait3A_44 = arith.constant 0 : i32
    %dma_wait3A_45 = arith.constant 0 : i32
    %dma_wait3A_46 = tpu.memref_slice %arg6[%dma_wait3A_44, %dma_wait3A_45] : memref<10x125xi32, #tpu.memory_space<vmem>> -> memref<1x125xi32, #tpu.memory_space<vmem>>
    %dma_wait3A_47 = tpu.memref_squeeze %dma_wait3A_46 : memref<1x125xi32, #tpu.memory_space<vmem>> -> memref<125xi32, #tpu.memory_space<vmem>>
    %dma_wait3A_48 = arith.constant 0 : i32
    %dma_wait3A_49 = arith.constant 0 : i32
    %dma_wait3A_50 = tpu.memref_slice %arg2[%dma_wait3A_48, %dma_wait3A_49] : memref<10000x128xf32, #tpu.memory_space<hbm>> -> memref<10000x128xf32, #tpu.memory_space<hbm>>
    tpu.wait_indirect_dma semaphore(%arg13 : memref<!tpu.dma_semaphore, #tpu.memory_space<semaphore_mem>>) src(%dma_wait3A_50 : memref<10000x128xf32, #tpu.memory_space<hbm>>) dst(%arg8 : memref<125x128xf32, #tpu.memory_space<vmem>>)
    %dma_start3A_51 = arith.constant 2 : i32
    %dma_start3A_52 = arith.constant 0 : i32
    %dma_start3A_53 = tpu.memref_slice %arg6[%dma_start3A_51, %dma_start3A_52] : memref<10x125xi32, #tpu.memory_space<vmem>> -> memref<1x125xi32, #tpu.memory_space<vmem>>
    %dma_start3A_54 = tpu.memref_squeeze %dma_start3A_53 : memref<1x125xi32, #tpu.memory_space<vmem>> -> memref<125xi32, #tpu.memory_space<vmem>>
    %dma_start3A_55 = arith.constant 0 : i32
    %dma_start3A_56 = arith.constant 0 : i32
    %dma_start3A_57 = tpu.memref_slice %arg2[%dma_start3A_55, %dma_start3A_56] : memref<10000x128xf32, #tpu.memory_space<hbm>> -> memref<10000x128xf32, #tpu.memory_space<hbm>>
    tpu.enqueue_indirect_dma source(%dma_start3A_57 : memref<10000x128xf32, #tpu.memory_space<hbm>>) target(%arg9 : memref<125x128xf32, #tpu.memory_space<vmem>>) offsets(%dma_start3A_54 : memref<125xi32, #tpu.memory_space<vmem>>) semaphore(%arg14 : memref<!tpu.dma_semaphore, #tpu.memory_space<semaphore_mem>>)
    %run_scoped3A = arith.constant 1 : i32
    "tpu.region"() ({
      %run_scoped3A_196 = tpu.sem_alloc : memref<!tpu.dma_semaphore, #tpu.memory_space<semaphore_mem>>
      %dma_start3A_197 = arith.constant 0 : i32
      %dma_start3A_198 = tpu.memref_slice %arg6[%run_scoped3A, %dma_start3A_197] : memref<10x125xi32, #tpu.memory_space<vmem>> -> memref<1x125xi32, #tpu.memory_space<vmem>>
      %dma_start3A_199 = tpu.memref_squeeze %dma_start3A_198 : memref<1x125xi32, #tpu.memory_space<vmem>> -> memref<125xi32, #tpu.memory_space<vmem>>
      %dma_start3A_200 = arith.constant 0 : i32
      %dma_start3A_201 = arith.constant 0 : i32
      %dma_start3A_202 = tpu.memref_slice %arg10[%dma_start3A_200, %dma_start3A_201] : memref<10240x128xf32, #tpu.memory_space<vmem_shared>> -> memref<10240x128xf32, #tpu.memory_space<vmem_shared>>
      tpu.enqueue_indirect_dma source(%arg8 : memref<125x128xf32, #tpu.memory_space<vmem>>) target(%dma_start3A_202 : memref<10240x128xf32, #tpu.memory_space<vmem_shared>>) offsets(%dma_start3A_199 : memref<125xi32, #tpu.memory_space<vmem>>) semaphore(%run_scoped3A_196 : memref<!tpu.dma_semaphore, #tpu.memory_space<semaphore_mem>>) {add = true}
      %dma_wait3A_203 = arith.constant 0 : i32
      %dma_wait3A_204 = tpu.memref_slice %arg6[%run_scoped3A, %dma_wait3A_203] : memref<10x125xi32, #tpu.memory_space<vmem>> -> memref<1x125xi32, #tpu.memory_space<vmem>>
      %dma_wait3A_205 = tpu.memref_squeeze %dma_wait3A_204 : memref<1x125xi32, #tpu.memory_space<vmem>> -> memref<125xi32, #tpu.memory_space<vmem>>
      %dma_wait3A_206 = arith.constant 0 : i32
      %dma_wait3A_207 = arith.constant 0 : i32
      %dma_wait3A_208 = tpu.memref_slice %arg10[%dma_wait3A_206, %dma_wait3A_207] : memref<10240x128xf32, #tpu.memory_space<vmem_shared>> -> memref<10240x128xf32, #tpu.memory_space<vmem_shared>>
      tpu.wait_indirect_dma semaphore(%run_scoped3A_196 : memref<!tpu.dma_semaphore, #tpu.memory_space<semaphore_mem>>) src(%arg8 : memref<125x128xf32, #tpu.memory_space<vmem>>) dst(%dma_wait3A_208 : memref<10240x128xf32, #tpu.memory_space<vmem_shared>>)
      tpu.yield
    }) : () -> ()
    %dma_wait3A_58 = arith.constant 2 : i32
    %dma_wait3A_59 = arith.constant 0 : i32
    %dma_wait3A_60 = tpu.memref_slice %arg6[%dma_wait3A_58, %dma_wait3A_59] : memref<10x125xi32, #tpu.memory_space<vmem>> -> memref<1x125xi32, #tpu.memory_space<vmem>>
    %dma_wait3A_61 = tpu.memref_squeeze %dma_wait3A_60 : memref<1x125xi32, #tpu.memory_space<vmem>> -> memref<125xi32, #tpu.memory_space<vmem>>
    %dma_wait3A_62 = arith.constant 0 : i32
    %dma_wait3A_63 = arith.constant 0 : i32
    %dma_wait3A_64 = tpu.memref_slice %arg2[%dma_wait3A_62, %dma_wait3A_63] : memref<10000x128xf32, #tpu.memory_space<hbm>> -> memref<10000x128xf32, #tpu.memory_space<hbm>>
    tpu.wait_indirect_dma semaphore(%arg14 : memref<!tpu.dma_semaphore, #tpu.memory_space<semaphore_mem>>) src(%dma_wait3A_64 : memref<10000x128xf32, #tpu.memory_space<hbm>>) dst(%arg9 : memref<125x128xf32, #tpu.memory_space<vmem>>)
    %dma_start3A_65 = arith.constant 4 : i32
    %dma_start3A_66 = arith.constant 0 : i32
    %dma_start3A_67 = tpu.memref_slice %arg6[%dma_start3A_65, %dma_start3A_66] : memref<10x125xi32, #tpu.memory_space<vmem>> -> memref<1x125xi32, #tpu.memory_space<vmem>>
    %dma_start3A_68 = tpu.memref_squeeze %dma_start3A_67 : memref<1x125xi32, #tpu.memory_space<vmem>> -> memref<125xi32, #tpu.memory_space<vmem>>
    %dma_start3A_69 = arith.constant 0 : i32
    %dma_start3A_70 = arith.constant 0 : i32
    %dma_start3A_71 = tpu.memref_slice %arg2[%dma_start3A_69, %dma_start3A_70] : memref<10000x128xf32, #tpu.memory_space<hbm>> -> memref<10000x128xf32, #tpu.memory_space<hbm>>
    tpu.enqueue_indirect_dma source(%dma_start3A_71 : memref<10000x128xf32, #tpu.memory_space<hbm>>) target(%arg8 : memref<125x128xf32, #tpu.memory_space<vmem>>) offsets(%dma_start3A_68 : memref<125xi32, #tpu.memory_space<vmem>>) semaphore(%arg13 : memref<!tpu.dma_semaphore, #tpu.memory_space<semaphore_mem>>)
    %run_scoped3A_72 = arith.constant 3 : i32
    "tpu.region"() ({
      %run_scoped3A_196 = tpu.sem_alloc : memref<!tpu.dma_semaphore, #tpu.memory_space<semaphore_mem>>
      %dma_start3A_197 = arith.constant 0 : i32
      %dma_start3A_198 = tpu.memref_slice %arg6[%run_scoped3A_72, %dma_start3A_197] : memref<10x125xi32, #tpu.memory_space<vmem>> -> memref<1x125xi32, #tpu.memory_space<vmem>>
      %dma_start3A_199 = tpu.memref_squeeze %dma_start3A_198 : memref<1x125xi32, #tpu.memory_space<vmem>> -> memref<125xi32, #tpu.memory_space<vmem>>
      %dma_start3A_200 = arith.constant 0 : i32
      %dma_start3A_201 = arith.constant 0 : i32
      %dma_start3A_202 = tpu.memref_slice %arg10[%dma_start3A_200, %dma_start3A_201] : memref<10240x128xf32, #tpu.memory_space<vmem_shared>> -> memref<10240x128xf32, #tpu.memory_space<vmem_shared>>
      tpu.enqueue_indirect_dma source(%arg9 : memref<125x128xf32, #tpu.memory_space<vmem>>) target(%dma_start3A_202 : memref<10240x128xf32, #tpu.memory_space<vmem_shared>>) offsets(%dma_start3A_199 : memref<125xi32, #tpu.memory_space<vmem>>) semaphore(%run_scoped3A_196 : memref<!tpu.dma_semaphore, #tpu.memory_space<semaphore_mem>>) {add = true}
      %dma_wait3A_203 = arith.constant 0 : i32
      %dma_wait3A_204 = tpu.memref_slice %arg6[%run_scoped3A_72, %dma_wait3A_203] : memref<10x125xi32, #tpu.memory_space<vmem>> -> memref<1x125xi32, #tpu.memory_space<vmem>>
      %dma_wait3A_205 = tpu.memref_squeeze %dma_wait3A_204 : memref<1x125xi32, #tpu.memory_space<vmem>> -> memref<125xi32, #tpu.memory_space<vmem>>
      %dma_wait3A_206 = arith.constant 0 : i32
      %dma_wait3A_207 = arith.constant 0 : i32
      %dma_wait3A_208 = tpu.memref_slice %arg10[%dma_wait3A_206, %dma_wait3A_207] : memref<10240x128xf32, #tpu.memory_space<vmem_shared>> -> memref<10240x128xf32, #tpu.memory_space<vmem_shared>>
      tpu.wait_indirect_dma semaphore(%run_scoped3A_196 : memref<!tpu.dma_semaphore, #tpu.memory_space<semaphore_mem>>) src(%arg9 : memref<125x128xf32, #tpu.memory_space<vmem>>) dst(%dma_wait3A_208 : memref<10240x128xf32, #tpu.memory_space<vmem_shared>>)
      tpu.yield
    }) : () -> ()
    %dma_wait3A_73 = arith.constant 4 : i32
    %dma_wait3A_74 = arith.constant 0 : i32
    %dma_wait3A_75 = tpu.memref_slice %arg6[%dma_wait3A_73, %dma_wait3A_74] : memref<10x125xi32, #tpu.memory_space<vmem>> -> memref<1x125xi32, #tpu.memory_space<vmem>>
    %dma_wait3A_76 = tpu.memref_squeeze %dma_wait3A_75 : memref<1x125xi32, #tpu.memory_space<vmem>> -> memref<125xi32, #tpu.memory_space<vmem>>
    %dma_wait3A_77 = arith.constant 0 : i32
    %dma_wait3A_78 = arith.constant 0 : i32
    %dma_wait3A_79 = tpu.memref_slice %arg2[%dma_wait3A_77, %dma_wait3A_78] : memref<10000x128xf32, #tpu.memory_space<hbm>> -> memref<10000x128xf32, #tpu.memory_space<hbm>>
    tpu.wait_indirect_dma semaphore(%arg13 : memref<!tpu.dma_semaphore, #tpu.memory_space<semaphore_mem>>) src(%dma_wait3A_79 : memref<10000x128xf32, #tpu.memory_space<hbm>>) dst(%arg8 : memref<125x128xf32, #tpu.memory_space<vmem>>)
    %dma_start3A_80 = arith.constant 6 : i32
    %dma_start3A_81 = arith.constant 0 : i32
    %dma_start3A_82 = tpu.memref_slice %arg6[%dma_start3A_80, %dma_start3A_81] : memref<10x125xi32, #tpu.memory_space<vmem>> -> memref<1x125xi32, #tpu.memory_space<vmem>>
    %dma_start3A_83 = tpu.memref_squeeze %dma_start3A_82 : memref<1x125xi32, #tpu.memory_space<vmem>> -> memref<125xi32, #tpu.memory_space<vmem>>
    %dma_start3A_84 = arith.constant 0 : i32
    %dma_start3A_85 = arith.constant 0 : i32
    %dma_start3A_86 = tpu.memref_slice %arg2[%dma_start3A_84, %dma_start3A_85] : memref<10000x128xf32, #tpu.memory_space<hbm>> -> memref<10000x128xf32, #tpu.memory_space<hbm>>
    tpu.enqueue_indirect_dma source(%dma_start3A_86 : memref<10000x128xf32, #tpu.memory_space<hbm>>) target(%arg9 : memref<125x128xf32, #tpu.memory_space<vmem>>) offsets(%dma_start3A_83 : memref<125xi32, #tpu.memory_space<vmem>>) semaphore(%arg14 : memref<!tpu.dma_semaphore, #tpu.memory_space<semaphore_mem>>)
    %run_scoped3A_87 = arith.constant 5 : i32
    "tpu.region"() ({
      %run_scoped3A_196 = tpu.sem_alloc : memref<!tpu.dma_semaphore, #tpu.memory_space<semaphore_mem>>
      %dma_start3A_197 = arith.constant 0 : i32
      %dma_start3A_198 = tpu.memref_slice %arg6[%run_scoped3A_87, %dma_start3A_197] : memref<10x125xi32, #tpu.memory_space<vmem>> -> memref<1x125xi32, #tpu.memory_space<vmem>>
      %dma_start3A_199 = tpu.memref_squeeze %dma_start3A_198 : memref<1x125xi32, #tpu.memory_space<vmem>> -> memref<125xi32, #tpu.memory_space<vmem>>
      %dma_start3A_200 = arith.constant 0 : i32
      %dma_start3A_201 = arith.constant 0 : i32
      %dma_start3A_202 = tpu.memref_slice %arg10[%dma_start3A_200, %dma_start3A_201] : memref<10240x128xf32, #tpu.memory_space<vmem_shared>> -> memref<10240x128xf32, #tpu.memory_space<vmem_shared>>
      tpu.enqueue_indirect_dma source(%arg8 : memref<125x128xf32, #tpu.memory_space<vmem>>) target(%dma_start3A_202 : memref<10240x128xf32, #tpu.memory_space<vmem_shared>>) offsets(%dma_start3A_199 : memref<125xi32, #tpu.memory_space<vmem>>) semaphore(%run_scoped3A_196 : memref<!tpu.dma_semaphore, #tpu.memory_space<semaphore_mem>>) {add = true}
      %dma_wait3A_203 = arith.constant 0 : i32
      %dma_wait3A_204 = tpu.memref_slice %arg6[%run_scoped3A_87, %dma_wait3A_203] : memref<10x125xi32, #tpu.memory_space<vmem>> -> memref<1x125xi32, #tpu.memory_space<vmem>>
      %dma_wait3A_205 = tpu.memref_squeeze %dma_wait3A_204 : memref<1x125xi32, #tpu.memory_space<vmem>> -> memref<125xi32, #tpu.memory_space<vmem>>
      %dma_wait3A_206 = arith.constant 0 : i32
      %dma_wait3A_207 = arith.constant 0 : i32
      %dma_wait3A_208 = tpu.memref_slice %arg10[%dma_wait3A_206, %dma_wait3A_207] : memref<10240x128xf32, #tpu.memory_space<vmem_shared>> -> memref<10240x128xf32, #tpu.memory_space<vmem_shared>>
      tpu.wait_indirect_dma semaphore(%run_scoped3A_196 : memref<!tpu.dma_semaphore, #tpu.memory_space<semaphore_mem>>) src(%arg8 : memref<125x128xf32, #tpu.memory_space<vmem>>) dst(%dma_wait3A_208 : memref<10240x128xf32, #tpu.memory_space<vmem_shared>>)
      tpu.yield
    }) : () -> ()
    %dma_wait3A_88 = arith.constant 6 : i32
    %dma_wait3A_89 = arith.constant 0 : i32
    %dma_wait3A_90 = tpu.memref_slice %arg6[%dma_wait3A_88, %dma_wait3A_89] : memref<10x125xi32, #tpu.memory_space<vmem>> -> memref<1x125xi32, #tpu.memory_space<vmem>>
    %dma_wait3A_91 = tpu.memref_squeeze %dma_wait3A_90 : memref<1x125xi32, #tpu.memory_space<vmem>> -> memref<125xi32, #tpu.memory_space<vmem>>
    %dma_wait3A_92 = arith.constant 0 : i32
    %dma_wait3A_93 = arith.constant 0 : i32
    %dma_wait3A_94 = tpu.memref_slice %arg2[%dma_wait3A_92, %dma_wait3A_93] : memref<10000x128xf32, #tpu.memory_space<hbm>> -> memref<10000x128xf32, #tpu.memory_space<hbm>>
    tpu.wait_indirect_dma semaphore(%arg14 : memref<!tpu.dma_semaphore, #tpu.memory_space<semaphore_mem>>) src(%dma_wait3A_94 : memref<10000x128xf32, #tpu.memory_space<hbm>>) dst(%arg9 : memref<125x128xf32, #tpu.memory_space<vmem>>)
    %dma_start3A_95 = arith.constant 8 : i32
    %dma_start3A_96 = arith.constant 0 : i32
    %dma_start3A_97 = tpu.memref_slice %arg6[%dma_start3A_95, %dma_start3A_96] : memref<10x125xi32, #tpu.memory_space<vmem>> -> memref<1x125xi32, #tpu.memory_space<vmem>>
    %dma_start3A_98 = tpu.memref_squeeze %dma_start3A_97 : memref<1x125xi32, #tpu.memory_space<vmem>> -> memref<125xi32, #tpu.memory_space<vmem>>
    %dma_start3A_99 = arith.constant 0 : i32
    %dma_start3A_100 = arith.constant 0 : i32
    %dma_start3A_101 = tpu.memref_slice %arg2[%dma_start3A_99, %dma_start3A_100] : memref<10000x128xf32, #tpu.memory_space<hbm>> -> memref<10000x128xf32, #tpu.memory_space<hbm>>
    tpu.enqueue_indirect_dma source(%dma_start3A_101 : memref<10000x128xf32, #tpu.memory_space<hbm>>) target(%arg8 : memref<125x128xf32, #tpu.memory_space<vmem>>) offsets(%dma_start3A_98 : memref<125xi32, #tpu.memory_space<vmem>>) semaphore(%arg13 : memref<!tpu.dma_semaphore, #tpu.memory_space<semaphore_mem>>)
    %run_scoped3A_102 = arith.constant 7 : i32
    "tpu.region"() ({
      %run_scoped3A_196 = tpu.sem_alloc : memref<!tpu.dma_semaphore, #tpu.memory_space<semaphore_mem>>
      %dma_start3A_197 = arith.constant 0 : i32
      %dma_start3A_198 = tpu.memref_slice %arg6[%run_scoped3A_102, %dma_start3A_197] : memref<10x125xi32, #tpu.memory_space<vmem>> -> memref<1x125xi32, #tpu.memory_space<vmem>>
      %dma_start3A_199 = tpu.memref_squeeze %dma_start3A_198 : memref<1x125xi32, #tpu.memory_space<vmem>> -> memref<125xi32, #tpu.memory_space<vmem>>
      %dma_start3A_200 = arith.constant 0 : i32
      %dma_start3A_201 = arith.constant 0 : i32
      %dma_start3A_202 = tpu.memref_slice %arg10[%dma_start3A_200, %dma_start3A_201] : memref<10240x128xf32, #tpu.memory_space<vmem_shared>> -> memref<10240x128xf32, #tpu.memory_space<vmem_shared>>
      tpu.enqueue_indirect_dma source(%arg9 : memref<125x128xf32, #tpu.memory_space<vmem>>) target(%dma_start3A_202 : memref<10240x128xf32, #tpu.memory_space<vmem_shared>>) offsets(%dma_start3A_199 : memref<125xi32, #tpu.memory_space<vmem>>) semaphore(%run_scoped3A_196 : memref<!tpu.dma_semaphore, #tpu.memory_space<semaphore_mem>>) {add = true}
      %dma_wait3A_203 = arith.constant 0 : i32
      %dma_wait3A_204 = tpu.memref_slice %arg6[%run_scoped3A_102, %dma_wait3A_203] : memref<10x125xi32, #tpu.memory_space<vmem>> -> memref<1x125xi32, #tpu.memory_space<vmem>>
      %dma_wait3A_205 = tpu.memref_squeeze %dma_wait3A_204 : memref<1x125xi32, #tpu.memory_space<vmem>> -> memref<125xi32, #tpu.memory_space<vmem>>
      %dma_wait3A_206 = arith.constant 0 : i32
      %dma_wait3A_207 = arith.constant 0 : i32
      %dma_wait3A_208 = tpu.memref_slice %arg10[%dma_wait3A_206, %dma_wait3A_207] : memref<10240x128xf32, #tpu.memory_space<vmem_shared>> -> memref<10240x128xf32, #tpu.memory_space<vmem_shared>>
      tpu.wait_indirect_dma semaphore(%run_scoped3A_196 : memref<!tpu.dma_semaphore, #tpu.memory_space<semaphore_mem>>) src(%arg9 : memref<125x128xf32, #tpu.memory_space<vmem>>) dst(%dma_wait3A_208 : memref<10240x128xf32, #tpu.memory_space<vmem_shared>>)
      tpu.yield
    }) : () -> ()
    %dma_wait3A_103 = arith.constant 8 : i32
    %dma_wait3A_104 = arith.constant 0 : i32
    %dma_wait3A_105 = tpu.memref_slice %arg6[%dma_wait3A_103, %dma_wait3A_104] : memref<10x125xi32, #tpu.memory_space<vmem>> -> memref<1x125xi32, #tpu.memory_space<vmem>>
    %dma_wait3A_106 = tpu.memref_squeeze %dma_wait3A_105 : memref<1x125xi32, #tpu.memory_space<vmem>> -> memref<125xi32, #tpu.memory_space<vmem>>
    %dma_wait3A_107 = arith.constant 0 : i32
    %dma_wait3A_108 = arith.constant 0 : i32
    %dma_wait3A_109 = tpu.memref_slice %arg2[%dma_wait3A_107, %dma_wait3A_108] : memref<10000x128xf32, #tpu.memory_space<hbm>> -> memref<10000x128xf32, #tpu.memory_space<hbm>>
    tpu.wait_indirect_dma semaphore(%arg13 : memref<!tpu.dma_semaphore, #tpu.memory_space<semaphore_mem>>) src(%dma_wait3A_109 : memref<10000x128xf32, #tpu.memory_space<hbm>>) dst(%arg8 : memref<125x128xf32, #tpu.memory_space<vmem>>)
    %dma_wait3A_110 = arith.constant 0 : i32
    %dma_wait3A_111 = arith.constant 0 : i32
    %dma_wait3A_112 = arith.constant 0 : i32
    %dma_wait3A_113 = tpu.memref_slice %arg3[%add3A, %dma_wait3A_110, %dma_wait3A_111, %dma_wait3A_112] : memref<32x8x10x125xi32, #tpu.memory_space<hbm>> -> memref<1x1x10x125xi32, #tpu.memory_space<hbm>>
    %dma_wait3A_114 = tpu.memref_squeeze %dma_wait3A_113 : memref<1x1x10x125xi32, #tpu.memory_space<hbm>> -> memref<10x125xi32, #tpu.memory_space<hbm>>
    %dma_wait3A_115 = arith.constant 0 : i32
    %dma_wait3A_116 = arith.constant 0 : i32
    %dma_wait3A_117 = tpu.memref_slice %arg3[%add3A, %dma_wait3A_110, %dma_wait3A_115, %dma_wait3A_116] : memref<32x8x10x125xi32, #tpu.memory_space<hbm>> -> memref<1x1x10x125xi32, #tpu.memory_space<hbm>>
    %dma_wait3A_118 = tpu.memref_squeeze %dma_wait3A_117 : memref<1x1x10x125xi32, #tpu.memory_space<hbm>> -> memref<10x125xi32, #tpu.memory_space<hbm>>
    tpu.wait_dma2 semaphore(%arg12 : memref<!tpu.dma_semaphore, #tpu.memory_space<semaphore_mem>>) src(%dma_wait3A_118 : memref<10x125xi32, #tpu.memory_space<hbm>>) dst(%arg7 : memref<10x125xi32, #tpu.memory_space<vmem>>)
    %dma_start3A_119 = arith.constant 0 : i32
    %dma_start3A_120 = arith.constant 0 : i32
    %dma_start3A_121 = tpu.memref_slice %arg7[%dma_start3A_119, %dma_start3A_120] : memref<10x125xi32, #tpu.memory_space<vmem>> -> memref<1x125xi32, #tpu.memory_space<vmem>>
    %dma_start3A_122 = tpu.memref_squeeze %dma_start3A_121 : memref<1x125xi32, #tpu.memory_space<vmem>> -> memref<125xi32, #tpu.memory_space<vmem>>
    %dma_start3A_123 = arith.constant 0 : i32
    %dma_start3A_124 = arith.constant 0 : i32
    %dma_start3A_125 = tpu.memref_slice %arg2[%dma_start3A_123, %dma_start3A_124] : memref<10000x128xf32, #tpu.memory_space<hbm>> -> memref<10000x128xf32, #tpu.memory_space<hbm>>
    tpu.enqueue_indirect_dma source(%dma_start3A_125 : memref<10000x128xf32, #tpu.memory_space<hbm>>) target(%arg9 : memref<125x128xf32, #tpu.memory_space<vmem>>) offsets(%dma_start3A_122 : memref<125xi32, #tpu.memory_space<vmem>>) semaphore(%arg14 : memref<!tpu.dma_semaphore, #tpu.memory_space<semaphore_mem>>)
    %run_scoped3A_126 = arith.constant 9 : i32
    "tpu.region"() ({
      %run_scoped3A_196 = tpu.sem_alloc : memref<!tpu.dma_semaphore, #tpu.memory_space<semaphore_mem>>
      %dma_start3A_197 = arith.constant 0 : i32
      %dma_start3A_198 = tpu.memref_slice %arg6[%run_scoped3A_126, %dma_start3A_197] : memref<10x125xi32, #tpu.memory_space<vmem>> -> memref<1x125xi32, #tpu.memory_space<vmem>>
      %dma_start3A_199 = tpu.memref_squeeze %dma_start3A_198 : memref<1x125xi32, #tpu.memory_space<vmem>> -> memref<125xi32, #tpu.memory_space<vmem>>
      %dma_start3A_200 = arith.constant 0 : i32
      %dma_start3A_201 = arith.constant 0 : i32
      %dma_start3A_202 = tpu.memref_slice %arg10[%dma_start3A_200, %dma_start3A_201] : memref<10240x128xf32, #tpu.memory_space<vmem_shared>> -> memref<10240x128xf32, #tpu.memory_space<vmem_shared>>
      tpu.enqueue_indirect_dma source(%arg8 : memref<125x128xf32, #tpu.memory_space<vmem>>) target(%dma_start3A_202 : memref<10240x128xf32, #tpu.memory_space<vmem_shared>>) offsets(%dma_start3A_199 : memref<125xi32, #tpu.memory_space<vmem>>) semaphore(%run_scoped3A_196 : memref<!tpu.dma_semaphore, #tpu.memory_space<semaphore_mem>>) {add = true}
      %dma_wait3A_203 = arith.constant 0 : i32
      %dma_wait3A_204 = tpu.memref_slice %arg6[%run_scoped3A_126, %dma_wait3A_203] : memref<10x125xi32, #tpu.memory_space<vmem>> -> memref<1x125xi32, #tpu.memory_space<vmem>>
      %dma_wait3A_205 = tpu.memref_squeeze %dma_wait3A_204 : memref<1x125xi32, #tpu.memory_space<vmem>> -> memref<125xi32, #tpu.memory_space<vmem>>
      %dma_wait3A_206 = arith.constant 0 : i32
      %dma_wait3A_207 = arith.constant 0 : i32
      %dma_wait3A_208 = tpu.memref_slice %arg10[%dma_wait3A_206, %dma_wait3A_207] : memref<10240x128xf32, #tpu.memory_space<vmem_shared>> -> memref<10240x128xf32, #tpu.memory_space<vmem_shared>>
      tpu.wait_indirect_dma semaphore(%run_scoped3A_196 : memref<!tpu.dma_semaphore, #tpu.memory_space<semaphore_mem>>) src(%arg8 : memref<125x128xf32, #tpu.memory_space<vmem>>) dst(%dma_wait3A_208 : memref<10240x128xf32, #tpu.memory_space<vmem_shared>>)
      tpu.yield
    }) : () -> ()
    %dma_wait3A_127 = arith.constant 0 : i32
    %dma_wait3A_128 = arith.constant 0 : i32
    %dma_wait3A_129 = tpu.memref_slice %arg7[%dma_wait3A_127, %dma_wait3A_128] : memref<10x125xi32, #tpu.memory_space<vmem>> -> memref<1x125xi32, #tpu.memory_space<vmem>>
    %dma_wait3A_130 = tpu.memref_squeeze %dma_wait3A_129 : memref<1x125xi32, #tpu.memory_space<vmem>> -> memref<125xi32, #tpu.memory_space<vmem>>
    %dma_wait3A_131 = arith.constant 0 : i32
    %dma_wait3A_132 = arith.constant 0 : i32
    %dma_wait3A_133 = tpu.memref_slice %arg2[%dma_wait3A_131, %dma_wait3A_132] : memref<10000x128xf32, #tpu.memory_space<hbm>> -> memref<10000x128xf32, #tpu.memory_space<hbm>>
    tpu.wait_indirect_dma semaphore(%arg14 : memref<!tpu.dma_semaphore, #tpu.memory_space<semaphore_mem>>) src(%dma_wait3A_133 : memref<10000x128xf32, #tpu.memory_space<hbm>>) dst(%arg9 : memref<125x128xf32, #tpu.memory_space<vmem>>)
    %dma_start3A_134 = arith.constant 2 : i32
    %dma_start3A_135 = arith.constant 0 : i32
    %dma_start3A_136 = tpu.memref_slice %arg7[%dma_start3A_134, %dma_start3A_135] : memref<10x125xi32, #tpu.memory_space<vmem>> -> memref<1x125xi32, #tpu.memory_space<vmem>>
    %dma_start3A_137 = tpu.memref_squeeze %dma_start3A_136 : memref<1x125xi32, #tpu.memory_space<vmem>> -> memref<125xi32, #tpu.memory_space<vmem>>
    %dma_start3A_138 = arith.constant 0 : i32
    %dma_start3A_139 = arith.constant 0 : i32
    %dma_start3A_140 = tpu.memref_slice %arg2[%dma_start3A_138, %dma_start3A_139] : memref<10000x128xf32, #tpu.memory_space<hbm>> -> memref<10000x128xf32, #tpu.memory_space<hbm>>
    tpu.enqueue_indirect_dma source(%dma_start3A_140 : memref<10000x128xf32, #tpu.memory_space<hbm>>) target(%arg8 : memref<125x128xf32, #tpu.memory_space<vmem>>) offsets(%dma_start3A_137 : memref<125xi32, #tpu.memory_space<vmem>>) semaphore(%arg13 : memref<!tpu.dma_semaphore, #tpu.memory_space<semaphore_mem>>)
    %run_scoped3A_141 = arith.constant 1 : i32
    "tpu.region"() ({
      %run_scoped3A_196 = tpu.sem_alloc : memref<!tpu.dma_semaphore, #tpu.memory_space<semaphore_mem>>
      %dma_start3A_197 = arith.constant 0 : i32
      %dma_start3A_198 = tpu.memref_slice %arg7[%run_scoped3A_141, %dma_start3A_197] : memref<10x125xi32, #tpu.memory_space<vmem>> -> memref<1x125xi32, #tpu.memory_space<vmem>>
      %dma_start3A_199 = tpu.memref_squeeze %dma_start3A_198 : memref<1x125xi32, #tpu.memory_space<vmem>> -> memref<125xi32, #tpu.memory_space<vmem>>
      %dma_start3A_200 = arith.constant 0 : i32
      %dma_start3A_201 = arith.constant 0 : i32
      %dma_start3A_202 = tpu.memref_slice %arg10[%dma_start3A_200, %dma_start3A_201] : memref<10240x128xf32, #tpu.memory_space<vmem_shared>> -> memref<10240x128xf32, #tpu.memory_space<vmem_shared>>
      tpu.enqueue_indirect_dma source(%arg9 : memref<125x128xf32, #tpu.memory_space<vmem>>) target(%dma_start3A_202 : memref<10240x128xf32, #tpu.memory_space<vmem_shared>>) offsets(%dma_start3A_199 : memref<125xi32, #tpu.memory_space<vmem>>) semaphore(%run_scoped3A_196 : memref<!tpu.dma_semaphore, #tpu.memory_space<semaphore_mem>>) {add = true}
      %dma_wait3A_203 = arith.constant 0 : i32
      %dma_wait3A_204 = tpu.memref_slice %arg7[%run_scoped3A_141, %dma_wait3A_203] : memref<10x125xi32, #tpu.memory_space<vmem>> -> memref<1x125xi32, #tpu.memory_space<vmem>>
      %dma_wait3A_205 = tpu.memref_squeeze %dma_wait3A_204 : memref<1x125xi32, #tpu.memory_space<vmem>> -> memref<125xi32, #tpu.memory_space<vmem>>
      %dma_wait3A_206 = arith.constant 0 : i32
      %dma_wait3A_207 = arith.constant 0 : i32
      %dma_wait3A_208 = tpu.memref_slice %arg10[%dma_wait3A_206, %dma_wait3A_207] : memref<10240x128xf32, #tpu.memory_space<vmem_shared>> -> memref<10240x128xf32, #tpu.memory_space<vmem_shared>>
      tpu.wait_indirect_dma semaphore(%run_scoped3A_196 : memref<!tpu.dma_semaphore, #tpu.memory_space<semaphore_mem>>) src(%arg9 : memref<125x128xf32, #tpu.memory_space<vmem>>) dst(%dma_wait3A_208 : memref<10240x128xf32, #tpu.memory_space<vmem_shared>>)
      tpu.yield
    }) : () -> ()
    %dma_wait3A_142 = arith.constant 2 : i32
    %dma_wait3A_143 = arith.constant 0 : i32
    %dma_wait3A_144 = tpu.memref_slice %arg7[%dma_wait3A_142, %dma_wait3A_143] : memref<10x125xi32, #tpu.memory_space<vmem>> -> memref<1x125xi32, #tpu.memory_space<vmem>>
    %dma_wait3A_145 = tpu.memref_squeeze %dma_wait3A_144 : memref<1x125xi32, #tpu.memory_space<vmem>> -> memref<125xi32, #tpu.memory_space<vmem>>
    %dma_wait3A_146 = arith.constant 0 : i32
    %dma_wait3A_147 = arith.constant 0 : i32
    %dma_wait3A_148 = tpu.memref_slice %arg2[%dma_wait3A_146, %dma_wait3A_147] : memref<10000x128xf32, #tpu.memory_space<hbm>> -> memref<10000x128xf32, #tpu.memory_space<hbm>>
    tpu.wait_indirect_dma semaphore(%arg13 : memref<!tpu.dma_semaphore, #tpu.memory_space<semaphore_mem>>) src(%dma_wait3A_148 : memref<10000x128xf32, #tpu.memory_space<hbm>>) dst(%arg8 : memref<125x128xf32, #tpu.memory_space<vmem>>)
    %dma_start3A_149 = arith.constant 4 : i32
    %dma_start3A_150 = arith.constant 0 : i32
    %dma_start3A_151 = tpu.memref_slice %arg7[%dma_start3A_149, %dma_start3A_150] : memref<10x125xi32, #tpu.memory_space<vmem>> -> memref<1x125xi32, #tpu.memory_space<vmem>>
    %dma_start3A_152 = tpu.memref_squeeze %dma_start3A_151 : memref<1x125xi32, #tpu.memory_space<vmem>> -> memref<125xi32, #tpu.memory_space<vmem>>
    %dma_start3A_153 = arith.constant 0 : i32
    %dma_start3A_154 = arith.constant 0 : i32
    %dma_start3A_155 = tpu.memref_slice %arg2[%dma_start3A_153, %dma_start3A_154] : memref<10000x128xf32, #tpu.memory_space<hbm>> -> memref<10000x128xf32, #tpu.memory_space<hbm>>
    tpu.enqueue_indirect_dma source(%dma_start3A_155 : memref<10000x128xf32, #tpu.memory_space<hbm>>) target(%arg9 : memref<125x128xf32, #tpu.memory_space<vmem>>) offsets(%dma_start3A_152 : memref<125xi32, #tpu.memory_space<vmem>>) semaphore(%arg14 : memref<!tpu.dma_semaphore, #tpu.memory_space<semaphore_mem>>)
    %run_scoped3A_156 = arith.constant 3 : i32
    "tpu.region"() ({
      %run_scoped3A_196 = tpu.sem_alloc : memref<!tpu.dma_semaphore, #tpu.memory_space<semaphore_mem>>
      %dma_start3A_197 = arith.constant 0 : i32
      %dma_start3A_198 = tpu.memref_slice %arg7[%run_scoped3A_156, %dma_start3A_197] : memref<10x125xi32, #tpu.memory_space<vmem>> -> memref<1x125xi32, #tpu.memory_space<vmem>>
      %dma_start3A_199 = tpu.memref_squeeze %dma_start3A_198 : memref<1x125xi32, #tpu.memory_space<vmem>> -> memref<125xi32, #tpu.memory_space<vmem>>
      %dma_start3A_200 = arith.constant 0 : i32
      %dma_start3A_201 = arith.constant 0 : i32
      %dma_start3A_202 = tpu.memref_slice %arg10[%dma_start3A_200, %dma_start3A_201] : memref<10240x128xf32, #tpu.memory_space<vmem_shared>> -> memref<10240x128xf32, #tpu.memory_space<vmem_shared>>
      tpu.enqueue_indirect_dma source(%arg8 : memref<125x128xf32, #tpu.memory_space<vmem>>) target(%dma_start3A_202 : memref<10240x128xf32, #tpu.memory_space<vmem_shared>>) offsets(%dma_start3A_199 : memref<125xi32, #tpu.memory_space<vmem>>) semaphore(%run_scoped3A_196 : memref<!tpu.dma_semaphore, #tpu.memory_space<semaphore_mem>>) {add = true}
      %dma_wait3A_203 = arith.constant 0 : i32
      %dma_wait3A_204 = tpu.memref_slice %arg7[%run_scoped3A_156, %dma_wait3A_203] : memref<10x125xi32, #tpu.memory_space<vmem>> -> memref<1x125xi32, #tpu.memory_space<vmem>>
      %dma_wait3A_205 = tpu.memref_squeeze %dma_wait3A_204 : memref<1x125xi32, #tpu.memory_space<vmem>> -> memref<125xi32, #tpu.memory_space<vmem>>
      %dma_wait3A_206 = arith.constant 0 : i32
      %dma_wait3A_207 = arith.constant 0 : i32
      %dma_wait3A_208 = tpu.memref_slice %arg10[%dma_wait3A_206, %dma_wait3A_207] : memref<10240x128xf32, #tpu.memory_space<vmem_shared>> -> memref<10240x128xf32, #tpu.memory_space<vmem_shared>>
      tpu.wait_indirect_dma semaphore(%run_scoped3A_196 : memref<!tpu.dma_semaphore, #tpu.memory_space<semaphore_mem>>) src(%arg8 : memref<125x128xf32, #tpu.memory_space<vmem>>) dst(%dma_wait3A_208 : memref<10240x128xf32, #tpu.memory_space<vmem_shared>>)
      tpu.yield
    }) : () -> ()
    %dma_wait3A_157 = arith.constant 4 : i32
    %dma_wait3A_158 = arith.constant 0 : i32
    %dma_wait3A_159 = tpu.memref_slice %arg7[%dma_wait3A_157, %dma_wait3A_158] : memref<10x125xi32, #tpu.memory_space<vmem>> -> memref<1x125xi32, #tpu.memory_space<vmem>>
    %dma_wait3A_160 = tpu.memref_squeeze %dma_wait3A_159 : memref<1x125xi32, #tpu.memory_space<vmem>> -> memref<125xi32, #tpu.memory_space<vmem>>
    %dma_wait3A_161 = arith.constant 0 : i32
    %dma_wait3A_162 = arith.constant 0 : i32
    %dma_wait3A_163 = tpu.memref_slice %arg2[%dma_wait3A_161, %dma_wait3A_162] : memref<10000x128xf32, #tpu.memory_space<hbm>> -> memref<10000x128xf32, #tpu.memory_space<hbm>>
    tpu.wait_indirect_dma semaphore(%arg14 : memref<!tpu.dma_semaphore, #tpu.memory_space<semaphore_mem>>) src(%dma_wait3A_163 : memref<10000x128xf32, #tpu.memory_space<hbm>>) dst(%arg9 : memref<125x128xf32, #tpu.memory_space<vmem>>)
    %dma_start3A_164 = arith.constant 6 : i32
    %dma_start3A_165 = arith.constant 0 : i32
    %dma_start3A_166 = tpu.memref_slice %arg7[%dma_start3A_164, %dma_start3A_165] : memref<10x125xi32, #tpu.memory_space<vmem>> -> memref<1x125xi32, #tpu.memory_space<vmem>>
    %dma_start3A_167 = tpu.memref_squeeze %dma_start3A_166 : memref<1x125xi32, #tpu.memory_space<vmem>> -> memref<125xi32, #tpu.memory_space<vmem>>
    %dma_start3A_168 = arith.constant 0 : i32
    %dma_start3A_169 = arith.constant 0 : i32
    %dma_start3A_170 = tpu.memref_slice %arg2[%dma_start3A_168, %dma_start3A_169] : memref<10000x128xf32, #tpu.memory_space<hbm>> -> memref<10000x128xf32, #tpu.memory_space<hbm>>
    tpu.enqueue_indirect_dma source(%dma_start3A_170 : memref<10000x128xf32, #tpu.memory_space<hbm>>) target(%arg8 : memref<125x128xf32, #tpu.memory_space<vmem>>) offsets(%dma_start3A_167 : memref<125xi32, #tpu.memory_space<vmem>>) semaphore(%arg13 : memref<!tpu.dma_semaphore, #tpu.memory_space<semaphore_mem>>)
    %run_scoped3A_171 = arith.constant 5 : i32
    "tpu.region"() ({
      %run_scoped3A_196 = tpu.sem_alloc : memref<!tpu.dma_semaphore, #tpu.memory_space<semaphore_mem>>
      %dma_start3A_197 = arith.constant 0 : i32
      %dma_start3A_198 = tpu.memref_slice %arg7[%run_scoped3A_171, %dma_start3A_197] : memref<10x125xi32, #tpu.memory_space<vmem>> -> memref<1x125xi32, #tpu.memory_space<vmem>>
      %dma_start3A_199 = tpu.memref_squeeze %dma_start3A_198 : memref<1x125xi32, #tpu.memory_space<vmem>> -> memref<125xi32, #tpu.memory_space<vmem>>
      %dma_start3A_200 = arith.constant 0 : i32
      %dma_start3A_201 = arith.constant 0 : i32
      %dma_start3A_202 = tpu.memref_slice %arg10[%dma_start3A_200, %dma_start3A_201] : memref<10240x128xf32, #tpu.memory_space<vmem_shared>> -> memref<10240x128xf32, #tpu.memory_space<vmem_shared>>
      tpu.enqueue_indirect_dma source(%arg9 : memref<125x128xf32, #tpu.memory_space<vmem>>) target(%dma_start3A_202 : memref<10240x128xf32, #tpu.memory_space<vmem_shared>>) offsets(%dma_start3A_199 : memref<125xi32, #tpu.memory_space<vmem>>) semaphore(%run_scoped3A_196 : memref<!tpu.dma_semaphore, #tpu.memory_space<semaphore_mem>>) {add = true}
      %dma_wait3A_203 = arith.constant 0 : i32
      %dma_wait3A_204 = tpu.memref_slice %arg7[%run_scoped3A_171, %dma_wait3A_203] : memref<10x125xi32, #tpu.memory_space<vmem>> -> memref<1x125xi32, #tpu.memory_space<vmem>>
      %dma_wait3A_205 = tpu.memref_squeeze %dma_wait3A_204 : memref<1x125xi32, #tpu.memory_space<vmem>> -> memref<125xi32, #tpu.memory_space<vmem>>
      %dma_wait3A_206 = arith.constant 0 : i32
      %dma_wait3A_207 = arith.constant 0 : i32
      %dma_wait3A_208 = tpu.memref_slice %arg10[%dma_wait3A_206, %dma_wait3A_207] : memref<10240x128xf32, #tpu.memory_space<vmem_shared>> -> memref<10240x128xf32, #tpu.memory_space<vmem_shared>>
      tpu.wait_indirect_dma semaphore(%run_scoped3A_196 : memref<!tpu.dma_semaphore, #tpu.memory_space<semaphore_mem>>) src(%arg9 : memref<125x128xf32, #tpu.memory_space<vmem>>) dst(%dma_wait3A_208 : memref<10240x128xf32, #tpu.memory_space<vmem_shared>>)
      tpu.yield
    }) : () -> ()
    %dma_wait3A_172 = arith.constant 6 : i32
    %dma_wait3A_173 = arith.constant 0 : i32
    %dma_wait3A_174 = tpu.memref_slice %arg7[%dma_wait3A_172, %dma_wait3A_173] : memref<10x125xi32, #tpu.memory_space<vmem>> -> memref<1x125xi32, #tpu.memory_space<vmem>>
    %dma_wait3A_175 = tpu.memref_squeeze %dma_wait3A_174 : memref<1x125xi32, #tpu.memory_space<vmem>> -> memref<125xi32, #tpu.memory_space<vmem>>
    %dma_wait3A_176 = arith.constant 0 : i32
    %dma_wait3A_177 = arith.constant 0 : i32
    %dma_wait3A_178 = tpu.memref_slice %arg2[%dma_wait3A_176, %dma_wait3A_177] : memref<10000x128xf32, #tpu.memory_space<hbm>> -> memref<10000x128xf32, #tpu.memory_space<hbm>>
    tpu.wait_indirect_dma semaphore(%arg13 : memref<!tpu.dma_semaphore, #tpu.memory_space<semaphore_mem>>) src(%dma_wait3A_178 : memref<10000x128xf32, #tpu.memory_space<hbm>>) dst(%arg8 : memref<125x128xf32, #tpu.memory_space<vmem>>)
    %dma_start3A_179 = arith.constant 8 : i32
    %dma_start3A_180 = arith.constant 0 : i32
    %dma_start3A_181 = tpu.memref_slice %arg7[%dma_start3A_179, %dma_start3A_180] : memref<10x125xi32, #tpu.memory_space<vmem>> -> memref<1x125xi32, #tpu.memory_space<vmem>>
    %dma_start3A_182 = tpu.memref_squeeze %dma_start3A_181 : memref<1x125xi32, #tpu.memory_space<vmem>> -> memref<125xi32, #tpu.memory_space<vmem>>
    %dma_start3A_183 = arith.constant 0 : i32
    %dma_start3A_184 = arith.constant 0 : i32
    %dma_start3A_185 = tpu.memref_slice %arg2[%dma_start3A_183, %dma_start3A_184] : memref<10000x128xf32, #tpu.memory_space<hbm>> -> memref<10000x128xf32, #tpu.memory_space<hbm>>
    tpu.enqueue_indirect_dma source(%dma_start3A_185 : memref<10000x128xf32, #tpu.memory_space<hbm>>) target(%arg9 : memref<125x128xf32, #tpu.memory_space<vmem>>) offsets(%dma_start3A_182 : memref<125xi32, #tpu.memory_space<vmem>>) semaphore(%arg14 : memref<!tpu.dma_semaphore, #tpu.memory_space<semaphore_mem>>)
    %run_scoped3A_186 = arith.constant 7 : i32
    "tpu.region"() ({
      %run_scoped3A_196 = tpu.sem_alloc : memref<!tpu.dma_semaphore, #tpu.memory_space<semaphore_mem>>
      %dma_start3A_197 = arith.constant 0 : i32
      %dma_start3A_198 = tpu.memref_slice %arg7[%run_scoped3A_186, %dma_start3A_197] : memref<10x125xi32, #tpu.memory_space<vmem>> -> memref<1x125xi32, #tpu.memory_space<vmem>>
      %dma_start3A_199 = tpu.memref_squeeze %dma_start3A_198 : memref<1x125xi32, #tpu.memory_space<vmem>> -> memref<125xi32, #tpu.memory_space<vmem>>
      %dma_start3A_200 = arith.constant 0 : i32
      %dma_start3A_201 = arith.constant 0 : i32
      %dma_start3A_202 = tpu.memref_slice %arg10[%dma_start3A_200, %dma_start3A_201] : memref<10240x128xf32, #tpu.memory_space<vmem_shared>> -> memref<10240x128xf32, #tpu.memory_space<vmem_shared>>
      tpu.enqueue_indirect_dma source(%arg8 : memref<125x128xf32, #tpu.memory_space<vmem>>) target(%dma_start3A_202 : memref<10240x128xf32, #tpu.memory_space<vmem_shared>>) offsets(%dma_start3A_199 : memref<125xi32, #tpu.memory_space<vmem>>) semaphore(%run_scoped3A_196 : memref<!tpu.dma_semaphore, #tpu.memory_space<semaphore_mem>>) {add = true}
      %dma_wait3A_203 = arith.constant 0 : i32
      %dma_wait3A_204 = tpu.memref_slice %arg7[%run_scoped3A_186, %dma_wait3A_203] : memref<10x125xi32, #tpu.memory_space<vmem>> -> memref<1x125xi32, #tpu.memory_space<vmem>>
      %dma_wait3A_205 = tpu.memref_squeeze %dma_wait3A_204 : memref<1x125xi32, #tpu.memory_space<vmem>> -> memref<125xi32, #tpu.memory_space<vmem>>
      %dma_wait3A_206 = arith.constant 0 : i32
      %dma_wait3A_207 = arith.constant 0 : i32
      %dma_wait3A_208 = tpu.memref_slice %arg10[%dma_wait3A_206, %dma_wait3A_207] : memref<10240x128xf32, #tpu.memory_space<vmem_shared>> -> memref<10240x128xf32, #tpu.memory_space<vmem_shared>>
      tpu.wait_indirect_dma semaphore(%run_scoped3A_196 : memref<!tpu.dma_semaphore, #tpu.memory_space<semaphore_mem>>) src(%arg8 : memref<125x128xf32, #tpu.memory_space<vmem>>) dst(%dma_wait3A_208 : memref<10240x128xf32, #tpu.memory_space<vmem_shared>>)
      tpu.yield
    }) : () -> ()
    %dma_wait3A_187 = arith.constant 8 : i32
    %dma_wait3A_188 = arith.constant 0 : i32
    %dma_wait3A_189 = tpu.memref_slice %arg7[%dma_wait3A_187, %dma_wait3A_188] : memref<10x125xi32, #tpu.memory_space<vmem>> -> memref<1x125xi32, #tpu.memory_space<vmem>>
    %dma_wait3A_190 = tpu.memref_squeeze %dma_wait3A_189 : memref<1x125xi32, #tpu.memory_space<vmem>> -> memref<125xi32, #tpu.memory_space<vmem>>
    %dma_wait3A_191 = arith.constant 0 : i32
    %dma_wait3A_192 = arith.constant 0 : i32
    %dma_wait3A_193 = tpu.memref_slice %arg2[%dma_wait3A_191, %dma_wait3A_192] : memref<10000x128xf32, #tpu.memory_space<hbm>> -> memref<10000x128xf32, #tpu.memory_space<hbm>>
    tpu.wait_indirect_dma semaphore(%arg14 : memref<!tpu.dma_semaphore, #tpu.memory_space<semaphore_mem>>) src(%dma_wait3A_193 : memref<10000x128xf32, #tpu.memory_space<hbm>>) dst(%arg9 : memref<125x128xf32, #tpu.memory_space<vmem>>)
    %run_scoped3A_194 = arith.constant 9 : i32
    "tpu.region"() ({
      %run_scoped3A_196 = tpu.sem_alloc : memref<!tpu.dma_semaphore, #tpu.memory_space<semaphore_mem>>
      %dma_start3A_197 = arith.constant 0 : i32
      %dma_start3A_198 = tpu.memref_slice %arg7[%run_scoped3A_194, %dma_start3A_197] : memref<10x125xi32, #tpu.memory_space<vmem>> -> memref<1x125xi32, #tpu.memory_space<vmem>>
      %dma_start3A_199 = tpu.memref_squeeze %dma_start3A_198 : memref<1x125xi32, #tpu.memory_space<vmem>> -> memref<125xi32, #tpu.memory_space<vmem>>
      %dma_start3A_200 = arith.constant 0 : i32
      %dma_start3A_201 = arith.constant 0 : i32
      %dma_start3A_202 = tpu.memref_slice %arg10[%dma_start3A_200, %dma_start3A_201] : memref<10240x128xf32, #tpu.memory_space<vmem_shared>> -> memref<10240x128xf32, #tpu.memory_space<vmem_shared>>
      tpu.enqueue_indirect_dma source(%arg9 : memref<125x128xf32, #tpu.memory_space<vmem>>) target(%dma_start3A_202 : memref<10240x128xf32, #tpu.memory_space<vmem_shared>>) offsets(%dma_start3A_199 : memref<125xi32, #tpu.memory_space<vmem>>) semaphore(%run_scoped3A_196 : memref<!tpu.dma_semaphore, #tpu.memory_space<semaphore_mem>>) {add = true}
      %dma_wait3A_203 = arith.constant 0 : i32
      %dma_wait3A_204 = tpu.memref_slice %arg7[%run_scoped3A_194, %dma_wait3A_203] : memref<10x125xi32, #tpu.memory_space<vmem>> -> memref<1x125xi32, #tpu.memory_space<vmem>>
      %dma_wait3A_205 = tpu.memref_squeeze %dma_wait3A_204 : memref<1x125xi32, #tpu.memory_space<vmem>> -> memref<125xi32, #tpu.memory_space<vmem>>
      %dma_wait3A_206 = arith.constant 0 : i32
      %dma_wait3A_207 = arith.constant 0 : i32
      %dma_wait3A_208 = tpu.memref_slice %arg10[%dma_wait3A_206, %dma_wait3A_207] : memref<10240x128xf32, #tpu.memory_space<vmem_shared>> -> memref<10240x128xf32, #tpu.memory_space<vmem_shared>>
      tpu.wait_indirect_dma semaphore(%run_scoped3A_196 : memref<!tpu.dma_semaphore, #tpu.memory_space<semaphore_mem>>) src(%arg9 : memref<125x128xf32, #tpu.memory_space<vmem>>) dst(%dma_wait3A_208 : memref<10240x128xf32, #tpu.memory_space<vmem_shared>>)
      tpu.yield
    }) : () -> ()
    %barrier3A_195 = arith.constant 0 : index
    tpu.barrier barrier_id(%barrier3A_195)
    "tpu.region"() ({
      %run_scoped3A_196 = tpu.sem_alloc : memref<!tpu.dma_semaphore, #tpu.memory_space<semaphore_mem>>
      %dma_start3A_197 = arith.constant 0 : i32
      %dma_start3A_198 = tpu.memref_slice %arg5[%arg0, %mul3A_2, %dma_start3A_197] : memref<2x10240x128xf32, #tpu.memory_space<hbm>> -> memref<1x640x128xf32, #tpu.memory_space<hbm>>
      %dma_start3A_199 = tpu.memref_squeeze %dma_start3A_198 : memref<1x640x128xf32, #tpu.memory_space<hbm>> -> memref<640x128xf32, #tpu.memory_space<hbm>>
      %dma_start3A_200 = arith.constant 0 : i32
      %dma_start3A_201 = tpu.memref_slice %arg10[%mul3A_2, %dma_start3A_200] : memref<10240x128xf32, #tpu.memory_space<vmem_shared>> -> memref<640x128xf32, #tpu.memory_space<vmem_shared>>
      tpu.enqueue_dma source(%dma_start3A_201 : memref<640x128xf32, #tpu.memory_space<vmem_shared>>) target(%dma_start3A_199 : memref<640x128xf32, #tpu.memory_space<hbm>>) target_semaphore(%run_scoped3A_196 : memref<!tpu.dma_semaphore, #tpu.memory_space<semaphore_mem>>)
      %dma_wait3A_202 = arith.constant 0 : i32
      %dma_wait3A_203 = tpu.memref_slice %arg5[%arg0, %mul3A_2, %dma_wait3A_202] : memref<2x10240x128xf32, #tpu.memory_space<hbm>> -> memref<1x640x128xf32, #tpu.memory_space<hbm>>
      %dma_wait3A_204 = tpu.memref_squeeze %dma_wait3A_203 : memref<1x640x128xf32, #tpu.memory_space<hbm>> -> memref<640x128xf32, #tpu.memory_space<hbm>>
      %dma_wait3A_205 = arith.constant 0 : i32
      %dma_wait3A_206 = tpu.memref_slice %arg10[%mul3A_2, %dma_wait3A_205] : memref<10240x128xf32, #tpu.memory_space<vmem_shared>> -> memref<640x128xf32, #tpu.memory_space<vmem_shared>>
      tpu.wait_dma2 semaphore(%run_scoped3A_196 : memref<!tpu.dma_semaphore, #tpu.memory_space<semaphore_mem>>) src(%dma_wait3A_206 : memref<640x128xf32, #tpu.memory_space<vmem_shared>>) dst(%dma_wait3A_204 : memref<640x128xf32, #tpu.memory_space<hbm>>)
      tpu.yield
    }) : () -> ()
    return
  }
}

#map = affine_map<(d0, d1) -> (0, 0)>
#map1 = affine_map<(d0, d1) -> (0, 0, 0, 0)>
#map2 = affine_map<(d0, d1) -> (0, 0, 0)>
module attributes {stable_mosaic.version = 14 : i64} {
  func.func @body(%arg0: i32, %arg1: i32, %arg2: memref<10000x128xf32, #tpu.memory_space<hbm>>, %arg3: memref<32x8x10x125xi32, #tpu.memory_space<hbm>>, %arg4: memref<640x128xf32, #tpu.memory_space<hbm>>, %arg5: memref<2x10240x128xf32, #tpu.memory_space<hbm>>, %arg6: memref<10x125xi32, #tpu.memory_space<vmem>>, %arg7: memref<10x125xi32, #tpu.memory_space<vmem>>, %arg8: memref<125x128xf32, #tpu.memory_space<vmem>>, %arg9: memref<125x128xf32, #tpu.memory_space<vmem>>, %arg10: memref<10240x128xf32, #tpu.memory_space<vmem_shared>>, %arg11: memref<!tpu.dma_semaphore, #tpu.memory_space<semaphore_mem>>, %arg12: memref<!tpu.dma_semaphore, #tpu.memory_space<semaphore_mem>>, %arg13: memref<!tpu.dma_semaphore, #tpu.memory_space<semaphore_mem>>, %arg14: memref<!tpu.dma_semaphore, #tpu.memory_space<semaphore_mem>>, %arg15: memref<!tpu.dma_semaphore, #tpu.memory_space<semaphore_mem>>) attributes {dimension_semantics = [#tpu.dimension_semantics<core_parallel>, #tpu.dimension_semantics<subcore_parallel>], iteration_bounds = array<i64: 2, 16>, scalar_prefetch = 0 : i64, scratch_operands = 10 : i64, tpu.core_type = #tpu.core_type<sc_vector_subcore>, window_params = [{transform_indices = #map}, {transform_indices = #map1}, {transform_indices = #map}, {transform_indices = #map2}]} {
    %mul3A = arith.constant 2 : i32
    %mul3A_0 = arith.muli %arg1, %mul3A : i32
    %add3A = arith.addi %mul3A_0, %arg0 : i32
    %mul3A_1 = arith.constant 640 : i32
    %mul3A_2 = arith.muli %arg1, %mul3A_1 : i32
    %dma_start3A = arith.constant 0 : i32
    %dma_start3A_3 = tpu.memref_slice %arg10[%mul3A_2, %dma_start3A] : memref<10240x128xf32, #tpu.memory_space<vmem_shared>> -> memref<640x128xf32, #tpu.memory_space<vmem_shared>>
    tpu.enqueue_dma source(%arg4 : memref<640x128xf32, #tpu.memory_space<hbm>>) target(%dma_start3A_3 : memref<640x128xf32, #tpu.memory_space<vmem_shared>>) target_semaphore(%arg15 : memref<!tpu.dma_semaphore, #tpu.memory_space<semaphore_mem>>)
    %dma_start3A_4 = arith.constant 0 : i32
    %dma_start3A_5 = arith.constant 0 : i32
    %dma_start3A_6 = arith.constant 0 : i32
    %dma_start3A_7 = tpu.memref_slice %arg3[%add3A, %dma_start3A_4, %dma_start3A_5, %dma_start3A_6] : memref<32x8x10x125xi32, #tpu.memory_space<hbm>> -> memref<1x1x10x125xi32, #tpu.memory_space<hbm>>
    %dma_start3A_8 = tpu.memref_squeeze %dma_start3A_7 : memref<1x1x10x125xi32, #tpu.memory_space<hbm>> -> memref<10x125xi32, #tpu.memory_space<hbm>>
    %dma_start3A_9 = arith.constant 0 : i32
    %dma_start3A_10 = arith.constant 0 : i32
    %dma_start3A_11 = tpu.memref_slice %arg3[%add3A, %dma_start3A_4, %dma_start3A_9, %dma_start3A_10] : memref<32x8x10x125xi32, #tpu.memory_space<hbm>> -> memref<1x1x10x125xi32, #tpu.memory_space<hbm>>
    %dma_start3A_12 = tpu.memref_squeeze %dma_start3A_11 : memref<1x1x10x125xi32, #tpu.memory_space<hbm>> -> memref<10x125xi32, #tpu.memory_space<hbm>>
    tpu.enqueue_dma source(%dma_start3A_12 : memref<10x125xi32, #tpu.memory_space<hbm>>) target(%arg6 : memref<10x125xi32, #tpu.memory_space<vmem>>) target_semaphore(%arg11 : memref<!tpu.dma_semaphore, #tpu.memory_space<semaphore_mem>>)
    %dma_wait3A = arith.constant 0 : i32
    %dma_wait3A_13 = arith.constant 0 : i32
    %dma_wait3A_14 = arith.constant 0 : i32
    %dma_wait3A_15 = tpu.memref_slice %arg3[%add3A, %dma_wait3A, %dma_wait3A_13, %dma_wait3A_14] : memref<32x8x10x125xi32, #tpu.memory_space<hbm>> -> memref<1x1x10x125xi32, #tpu.memory_space<hbm>>
    %dma_wait3A_16 = tpu.memref_squeeze %dma_wait3A_15 : memref<1x1x10x125xi32, #tpu.memory_space<hbm>> -> memref<10x125xi32, #tpu.memory_space<hbm>>
    %dma_wait3A_17 = arith.constant 0 : i32
    %dma_wait3A_18 = arith.constant 0 : i32
    %dma_wait3A_19 = tpu.memref_slice %arg3[%add3A, %dma_wait3A, %dma_wait3A_17, %dma_wait3A_18] : memref<32x8x10x125xi32, #tpu.memory_space<hbm>> -> memref<1x1x10x125xi32, #tpu.memory_space<hbm>>
    %dma_wait3A_20 = tpu.memref_squeeze %dma_wait3A_19 : memref<1x1x10x125xi32, #tpu.memory_space<hbm>> -> memref<10x125xi32, #tpu.memory_space<hbm>>
    tpu.wait_dma2 semaphore(%arg11 : memref<!tpu.dma_semaphore, #tpu.memory_space<semaphore_mem>>) src(%dma_wait3A_20 : memref<10x125xi32, #tpu.memory_space<hbm>>) dst(%arg6 : memref<10x125xi32, #tpu.memory_space<vmem>>)
    %dma_start3A_21 = arith.constant 0 : i32
    %dma_start3A_22 = arith.constant 0 : i32
    %dma_start3A_23 = tpu.memref_slice %arg6[%dma_start3A_21, %dma_start3A_22] : memref<10x125xi32, #tpu.memory_space<vmem>> -> memref<1x125xi32, #tpu.memory_space<vmem>>
    %dma_start3A_24 = tpu.memref_squeeze %dma_start3A_23 : memref<1x125xi32, #tpu.memory_space<vmem>> -> memref<125xi32, #tpu.memory_space<vmem>>
    %dma_start3A_25 = arith.constant 0 : i32
    %dma_start3A_26 = arith.constant 0 : i32
    %dma_start3A_27 = tpu.memref_slice %arg2[%dma_start3A_25, %dma_start3A_26] : memref<10000x128xf32, #tpu.memory_space<hbm>> -> memref<10000x128xf32, #tpu.memory_space<hbm>>
    tpu.enqueue_indirect_dma source(%dma_start3A_27 : memref<10000x128xf32, #tpu.memory_space<hbm>>) target(%arg8 : memref<125x128xf32, #tpu.memory_space<vmem>>) offsets(%dma_start3A_24 : memref<125xi32, #tpu.memory_space<vmem>>) semaphore(%arg13 : memref<!tpu.dma_semaphore, #tpu.memory_space<semaphore_mem>>)
    %dma_start3A_28 = arith.constant 1 : i32
    %dma_start3A_29 = arith.constant 0 : i32
    %dma_start3A_30 = arith.constant 0 : i32
    %dma_start3A_31 = tpu.memref_slice %arg3[%add3A, %dma_start3A_28, %dma_start3A_29, %dma_start3A_30] : memref<32x8x10x125xi32, #tpu.memory_space<hbm>> -> memref<1x1x10x125xi32, #tpu.memory_space<hbm>>
    %dma_start3A_32 = tpu.memref_squeeze %dma_start3A_31 : memref<1x1x10x125xi32, #tpu.memory_space<hbm>> -> memref<10x125xi32, #tpu.memory_space<hbm>>
    %dma_start3A_33 = arith.constant 0 : i32
    %dma_start3A_34 = arith.constant 0 : i32
    %dma_start3A_35 = tpu.memref_slice %arg3[%add3A, %dma_start3A_28, %dma_start3A_33, %dma_start3A_34] : memref<32x8x10x125xi32, #tpu.memory_space<hbm>> -> memref<1x1x10x125xi32, #tpu.memory_space<hbm>>
    %dma_start3A_36 = tpu.memref_squeeze %dma_start3A_35 : memref<1x1x10x125xi32, #tpu.memory_space<hbm>> -> memref<10x125xi32, #tpu.memory_space<hbm>>
    tpu.enqueue_dma source(%dma_start3A_36 : memref<10x125xi32, #tpu.memory_space<hbm>>) target(%arg7 : memref<10x125xi32, #tpu.memory_space<vmem>>) target_semaphore(%arg12 : memref<!tpu.dma_semaphore, #tpu.memory_space<semaphore_mem>>)
    %dma_wait3A_37 = arith.constant 0 : i32
    %dma_wait3A_38 = tpu.memref_slice %arg10[%mul3A_2, %dma_wait3A_37] : memref<10240x128xf32, #tpu.memory_space<vmem_shared>> -> memref<640x128xf32, #tpu.memory_space<vmem_shared>>
    tpu.wait_dma2 semaphore(%arg15 : memref<!tpu.dma_semaphore, #tpu.memory_space<semaphore_mem>>) src(%arg4 : memref<640x128xf32, #tpu.memory_space<hbm>>) dst(%dma_wait3A_38 : memref<640x128xf32, #tpu.memory_space<vmem_shared>>)
    %barrier3A = arith.constant 0 : index
    tpu.barrier barrier_id(%barrier3A)
    %scan3A = arith.constant 0 : i32
    %scan3A_39 = arith.constant 0 : i32
    %scan3A_40 = arith.constant 3 : i32
    %scan3A_41 = arith.addi %scan3A_39, %scan3A_40 : i32
    %scan3A_42 = arith.constant 1 : i32
    scf.for %scan3A_196 = %scan3A_39 to %scan3A_41 step %scan3A_42  : i32 {
      %dma_wait3A_197 = arith.constant 0 : i32
      %dma_wait3A_198 = arith.constant 0 : i32
      %dma_wait3A_199 = tpu.memref_slice %arg6[%dma_wait3A_197, %dma_wait3A_198] : memref<10x125xi32, #tpu.memory_space<vmem>> -> memref<1x125xi32, #tpu.memory_space<vmem>>
      %dma_wait3A_200 = tpu.memref_squeeze %dma_wait3A_199 : memref<1x125xi32, #tpu.memory_space<vmem>> -> memref<125xi32, #tpu.memory_space<vmem>>
      %dma_wait3A_201 = arith.constant 0 : i32
      %dma_wait3A_202 = arith.constant 0 : i32
      %dma_wait3A_203 = tpu.memref_slice %arg2[%dma_wait3A_201, %dma_wait3A_202] : memref<10000x128xf32, #tpu.memory_space<hbm>> -> memref<10000x128xf32, #tpu.memory_space<hbm>>
      tpu.wait_indirect_dma semaphore(%arg13 : memref<!tpu.dma_semaphore, #tpu.memory_space<semaphore_mem>>) src(%dma_wait3A_203 : memref<10000x128xf32, #tpu.memory_space<hbm>>) dst(%arg8 : memref<125x128xf32, #tpu.memory_space<vmem>>)
      %dma_start3A_204 = arith.constant 2 : i32
      %dma_start3A_205 = arith.constant 0 : i32
      %dma_start3A_206 = tpu.memref_slice %arg6[%dma_start3A_204, %dma_start3A_205] : memref<10x125xi32, #tpu.memory_space<vmem>> -> memref<1x125xi32, #tpu.memory_space<vmem>>
      %dma_start3A_207 = tpu.memref_squeeze %dma_start3A_206 : memref<1x125xi32, #tpu.memory_space<vmem>> -> memref<125xi32, #tpu.memory_space<vmem>>
      %dma_start3A_208 = arith.constant 0 : i32
      %dma_start3A_209 = arith.constant 0 : i32
      %dma_start3A_210 = tpu.memref_slice %arg2[%dma_start3A_208, %dma_start3A_209] : memref<10000x128xf32, #tpu.memory_space<hbm>> -> memref<10000x128xf32, #tpu.memory_space<hbm>>
      tpu.enqueue_indirect_dma source(%dma_start3A_210 : memref<10000x128xf32, #tpu.memory_space<hbm>>) target(%arg9 : memref<125x128xf32, #tpu.memory_space<vmem>>) offsets(%dma_start3A_207 : memref<125xi32, #tpu.memory_space<vmem>>) semaphore(%arg14 : memref<!tpu.dma_semaphore, #tpu.memory_space<semaphore_mem>>)
      %run_scoped3A_211 = arith.constant 1 : i32
      "tpu.region"() ({
        %run_scoped3A_389 = tpu.sem_alloc : memref<!tpu.dma_semaphore, #tpu.memory_space<semaphore_mem>>
        %dma_start3A_390 = arith.constant 0 : i32
        %dma_start3A_391 = tpu.memref_slice %arg6[%run_scoped3A_211, %dma_start3A_390] : memref<10x125xi32, #tpu.memory_space<vmem>> -> memref<1x125xi32, #tpu.memory_space<vmem>>
        %dma_start3A_392 = tpu.memref_squeeze %dma_start3A_391 : memref<1x125xi32, #tpu.memory_space<vmem>> -> memref<125xi32, #tpu.memory_space<vmem>>
        %dma_start3A_393 = arith.constant 0 : i32
        %dma_start3A_394 = arith.constant 0 : i32
        %dma_start3A_395 = tpu.memref_slice %arg10[%dma_start3A_393, %dma_start3A_394] : memref<10240x128xf32, #tpu.memory_space<vmem_shared>> -> memref<10240x128xf32, #tpu.memory_space<vmem_shared>>
        tpu.enqueue_indirect_dma source(%arg8 : memref<125x128xf32, #tpu.memory_space<vmem>>) target(%dma_start3A_395 : memref<10240x128xf32, #tpu.memory_space<vmem_shared>>) offsets(%dma_start3A_392 : memref<125xi32, #tpu.memory_space<vmem>>) semaphore(%run_scoped3A_389 : memref<!tpu.dma_semaphore, #tpu.memory_space<semaphore_mem>>) {add = true}
        %dma_wait3A_396 = arith.constant 0 : i32
        %dma_wait3A_397 = tpu.memref_slice %arg6[%run_scoped3A_211, %dma_wait3A_396] : memref<10x125xi32, #tpu.memory_space<vmem>> -> memref<1x125xi32, #tpu.memory_space<vmem>>
        %dma_wait3A_398 = tpu.memref_squeeze %dma_wait3A_397 : memref<1x125xi32, #tpu.memory_space<vmem>> -> memref<125xi32, #tpu.memory_space<vmem>>
        %dma_wait3A_399 = arith.constant 0 : i32
        %dma_wait3A_400 = arith.constant 0 : i32
        %dma_wait3A_401 = tpu.memref_slice %arg10[%dma_wait3A_399, %dma_wait3A_400] : memref<10240x128xf32, #tpu.memory_space<vmem_shared>> -> memref<10240x128xf32, #tpu.memory_space<vmem_shared>>
        tpu.wait_indirect_dma semaphore(%run_scoped3A_389 : memref<!tpu.dma_semaphore, #tpu.memory_space<semaphore_mem>>) src(%arg8 : memref<125x128xf32, #tpu.memory_space<vmem>>) dst(%dma_wait3A_401 : memref<10240x128xf32, #tpu.memory_space<vmem_shared>>)
        tpu.yield
      }) : () -> ()
      %dma_wait3A_212 = arith.constant 2 : i32
      %dma_wait3A_213 = arith.constant 0 : i32
      %dma_wait3A_214 = tpu.memref_slice %arg6[%dma_wait3A_212, %dma_wait3A_213] : memref<10x125xi32, #tpu.memory_space<vmem>> -> memref<1x125xi32, #tpu.memory_space<vmem>>
      %dma_wait3A_215 = tpu.memref_squeeze %dma_wait3A_214 : memref<1x125xi32, #tpu.memory_space<vmem>> -> memref<125xi32, #tpu.memory_space<vmem>>
      %dma_wait3A_216 = arith.constant 0 : i32
      %dma_wait3A_217 = arith.constant 0 : i32
      %dma_wait3A_218 = tpu.memref_slice %arg2[%dma_wait3A_216, %dma_wait3A_217] : memref<10000x128xf32, #tpu.memory_space<hbm>> -> memref<10000x128xf32, #tpu.memory_space<hbm>>
      tpu.wait_indirect_dma semaphore(%arg14 : memref<!tpu.dma_semaphore, #tpu.memory_space<semaphore_mem>>) src(%dma_wait3A_218 : memref<10000x128xf32, #tpu.memory_space<hbm>>) dst(%arg9 : memref<125x128xf32, #tpu.memory_space<vmem>>)
      %dma_start3A_219 = arith.constant 4 : i32
      %dma_start3A_220 = arith.constant 0 : i32
      %dma_start3A_221 = tpu.memref_slice %arg6[%dma_start3A_219, %dma_start3A_220] : memref<10x125xi32, #tpu.memory_space<vmem>> -> memref<1x125xi32, #tpu.memory_space<vmem>>
      %dma_start3A_222 = tpu.memref_squeeze %dma_start3A_221 : memref<1x125xi32, #tpu.memory_space<vmem>> -> memref<125xi32, #tpu.memory_space<vmem>>
      %dma_start3A_223 = arith.constant 0 : i32
      %dma_start3A_224 = arith.constant 0 : i32
      %dma_start3A_225 = tpu.memref_slice %arg2[%dma_start3A_223, %dma_start3A_224] : memref<10000x128xf32, #tpu.memory_space<hbm>> -> memref<10000x128xf32, #tpu.memory_space<hbm>>
      tpu.enqueue_indirect_dma source(%dma_start3A_225 : memref<10000x128xf32, #tpu.memory_space<hbm>>) target(%arg8 : memref<125x128xf32, #tpu.memory_space<vmem>>) offsets(%dma_start3A_222 : memref<125xi32, #tpu.memory_space<vmem>>) semaphore(%arg13 : memref<!tpu.dma_semaphore, #tpu.memory_space<semaphore_mem>>)
      %run_scoped3A_226 = arith.constant 3 : i32
      "tpu.region"() ({
        %run_scoped3A_389 = tpu.sem_alloc : memref<!tpu.dma_semaphore, #tpu.memory_space<semaphore_mem>>
        %dma_start3A_390 = arith.constant 0 : i32
        %dma_start3A_391 = tpu.memref_slice %arg6[%run_scoped3A_226, %dma_start3A_390] : memref<10x125xi32, #tpu.memory_space<vmem>> -> memref<1x125xi32, #tpu.memory_space<vmem>>
        %dma_start3A_392 = tpu.memref_squeeze %dma_start3A_391 : memref<1x125xi32, #tpu.memory_space<vmem>> -> memref<125xi32, #tpu.memory_space<vmem>>
        %dma_start3A_393 = arith.constant 0 : i32
        %dma_start3A_394 = arith.constant 0 : i32
        %dma_start3A_395 = tpu.memref_slice %arg10[%dma_start3A_393, %dma_start3A_394] : memref<10240x128xf32, #tpu.memory_space<vmem_shared>> -> memref<10240x128xf32, #tpu.memory_space<vmem_shared>>
        tpu.enqueue_indirect_dma source(%arg9 : memref<125x128xf32, #tpu.memory_space<vmem>>) target(%dma_start3A_395 : memref<10240x128xf32, #tpu.memory_space<vmem_shared>>) offsets(%dma_start3A_392 : memref<125xi32, #tpu.memory_space<vmem>>) semaphore(%run_scoped3A_389 : memref<!tpu.dma_semaphore, #tpu.memory_space<semaphore_mem>>) {add = true}
        %dma_wait3A_396 = arith.constant 0 : i32
        %dma_wait3A_397 = tpu.memref_slice %arg6[%run_scoped3A_226, %dma_wait3A_396] : memref<10x125xi32, #tpu.memory_space<vmem>> -> memref<1x125xi32, #tpu.memory_space<vmem>>
        %dma_wait3A_398 = tpu.memref_squeeze %dma_wait3A_397 : memref<1x125xi32, #tpu.memory_space<vmem>> -> memref<125xi32, #tpu.memory_space<vmem>>
        %dma_wait3A_399 = arith.constant 0 : i32
        %dma_wait3A_400 = arith.constant 0 : i32
        %dma_wait3A_401 = tpu.memref_slice %arg10[%dma_wait3A_399, %dma_wait3A_400] : memref<10240x128xf32, #tpu.memory_space<vmem_shared>> -> memref<10240x128xf32, #tpu.memory_space<vmem_shared>>
        tpu.wait_indirect_dma semaphore(%run_scoped3A_389 : memref<!tpu.dma_semaphore, #tpu.memory_space<semaphore_mem>>) src(%arg9 : memref<125x128xf32, #tpu.memory_space<vmem>>) dst(%dma_wait3A_401 : memref<10240x128xf32, #tpu.memory_space<vmem_shared>>)
        tpu.yield
      }) : () -> ()
      %dma_wait3A_227 = arith.constant 4 : i32
      %dma_wait3A_228 = arith.constant 0 : i32
      %dma_wait3A_229 = tpu.memref_slice %arg6[%dma_wait3A_227, %dma_wait3A_228] : memref<10x125xi32, #tpu.memory_space<vmem>> -> memref<1x125xi32, #tpu.memory_space<vmem>>
      %dma_wait3A_230 = tpu.memref_squeeze %dma_wait3A_229 : memref<1x125xi32, #tpu.memory_space<vmem>> -> memref<125xi32, #tpu.memory_space<vmem>>
      %dma_wait3A_231 = arith.constant 0 : i32
      %dma_wait3A_232 = arith.constant 0 : i32
      %dma_wait3A_233 = tpu.memref_slice %arg2[%dma_wait3A_231, %dma_wait3A_232] : memref<10000x128xf32, #tpu.memory_space<hbm>> -> memref<10000x128xf32, #tpu.memory_space<hbm>>
      tpu.wait_indirect_dma semaphore(%arg13 : memref<!tpu.dma_semaphore, #tpu.memory_space<semaphore_mem>>) src(%dma_wait3A_233 : memref<10000x128xf32, #tpu.memory_space<hbm>>) dst(%arg8 : memref<125x128xf32, #tpu.memory_space<vmem>>)
      %dma_start3A_234 = arith.constant 6 : i32
      %dma_start3A_235 = arith.constant 0 : i32
      %dma_start3A_236 = tpu.memref_slice %arg6[%dma_start3A_234, %dma_start3A_235] : memref<10x125xi32, #tpu.memory_space<vmem>> -> memref<1x125xi32, #tpu.memory_space<vmem>>
      %dma_start3A_237 = tpu.memref_squeeze %dma_start3A_236 : memref<1x125xi32, #tpu.memory_space<vmem>> -> memref<125xi32, #tpu.memory_space<vmem>>
      %dma_start3A_238 = arith.constant 0 : i32
      %dma_start3A_239 = arith.constant 0 : i32
      %dma_start3A_240 = tpu.memref_slice %arg2[%dma_start3A_238, %dma_start3A_239] : memref<10000x128xf32, #tpu.memory_space<hbm>> -> memref<10000x128xf32, #tpu.memory_space<hbm>>
      tpu.enqueue_indirect_dma source(%dma_start3A_240 : memref<10000x128xf32, #tpu.memory_space<hbm>>) target(%arg9 : memref<125x128xf32, #tpu.memory_space<vmem>>) offsets(%dma_start3A_237 : memref<125xi32, #tpu.memory_space<vmem>>) semaphore(%arg14 : memref<!tpu.dma_semaphore, #tpu.memory_space<semaphore_mem>>)
      %run_scoped3A_241 = arith.constant 5 : i32
      "tpu.region"() ({
        %run_scoped3A_389 = tpu.sem_alloc : memref<!tpu.dma_semaphore, #tpu.memory_space<semaphore_mem>>
        %dma_start3A_390 = arith.constant 0 : i32
        %dma_start3A_391 = tpu.memref_slice %arg6[%run_scoped3A_241, %dma_start3A_390] : memref<10x125xi32, #tpu.memory_space<vmem>> -> memref<1x125xi32, #tpu.memory_space<vmem>>
        %dma_start3A_392 = tpu.memref_squeeze %dma_start3A_391 : memref<1x125xi32, #tpu.memory_space<vmem>> -> memref<125xi32, #tpu.memory_space<vmem>>
        %dma_start3A_393 = arith.constant 0 : i32
        %dma_start3A_394 = arith.constant 0 : i32
        %dma_start3A_395 = tpu.memref_slice %arg10[%dma_start3A_393, %dma_start3A_394] : memref<10240x128xf32, #tpu.memory_space<vmem_shared>> -> memref<10240x128xf32, #tpu.memory_space<vmem_shared>>
        tpu.enqueue_indirect_dma source(%arg8 : memref<125x128xf32, #tpu.memory_space<vmem>>) target(%dma_start3A_395 : memref<10240x128xf32, #tpu.memory_space<vmem_shared>>) offsets(%dma_start3A_392 : memref<125xi32, #tpu.memory_space<vmem>>) semaphore(%run_scoped3A_389 : memref<!tpu.dma_semaphore, #tpu.memory_space<semaphore_mem>>) {add = true}
        %dma_wait3A_396 = arith.constant 0 : i32
        %dma_wait3A_397 = tpu.memref_slice %arg6[%run_scoped3A_241, %dma_wait3A_396] : memref<10x125xi32, #tpu.memory_space<vmem>> -> memref<1x125xi32, #tpu.memory_space<vmem>>
        %dma_wait3A_398 = tpu.memref_squeeze %dma_wait3A_397 : memref<1x125xi32, #tpu.memory_space<vmem>> -> memref<125xi32, #tpu.memory_space<vmem>>
        %dma_wait3A_399 = arith.constant 0 : i32
        %dma_wait3A_400 = arith.constant 0 : i32
        %dma_wait3A_401 = tpu.memref_slice %arg10[%dma_wait3A_399, %dma_wait3A_400] : memref<10240x128xf32, #tpu.memory_space<vmem_shared>> -> memref<10240x128xf32, #tpu.memory_space<vmem_shared>>
        tpu.wait_indirect_dma semaphore(%run_scoped3A_389 : memref<!tpu.dma_semaphore, #tpu.memory_space<semaphore_mem>>) src(%arg8 : memref<125x128xf32, #tpu.memory_space<vmem>>) dst(%dma_wait3A_401 : memref<10240x128xf32, #tpu.memory_space<vmem_shared>>)
        tpu.yield
      }) : () -> ()
      %dma_wait3A_242 = arith.constant 6 : i32
      %dma_wait3A_243 = arith.constant 0 : i32
      %dma_wait3A_244 = tpu.memref_slice %arg6[%dma_wait3A_242, %dma_wait3A_243] : memref<10x125xi32, #tpu.memory_space<vmem>> -> memref<1x125xi32, #tpu.memory_space<vmem>>
      %dma_wait3A_245 = tpu.memref_squeeze %dma_wait3A_244 : memref<1x125xi32, #tpu.memory_space<vmem>> -> memref<125xi32, #tpu.memory_space<vmem>>
      %dma_wait3A_246 = arith.constant 0 : i32
      %dma_wait3A_247 = arith.constant 0 : i32
      %dma_wait3A_248 = tpu.memref_slice %arg2[%dma_wait3A_246, %dma_wait3A_247] : memref<10000x128xf32, #tpu.memory_space<hbm>> -> memref<10000x128xf32, #tpu.memory_space<hbm>>
      tpu.wait_indirect_dma semaphore(%arg14 : memref<!tpu.dma_semaphore, #tpu.memory_space<semaphore_mem>>) src(%dma_wait3A_248 : memref<10000x128xf32, #tpu.memory_space<hbm>>) dst(%arg9 : memref<125x128xf32, #tpu.memory_space<vmem>>)
      %dma_start3A_249 = arith.constant 8 : i32
      %dma_start3A_250 = arith.constant 0 : i32
      %dma_start3A_251 = tpu.memref_slice %arg6[%dma_start3A_249, %dma_start3A_250] : memref<10x125xi32, #tpu.memory_space<vmem>> -> memref<1x125xi32, #tpu.memory_space<vmem>>
      %dma_start3A_252 = tpu.memref_squeeze %dma_start3A_251 : memref<1x125xi32, #tpu.memory_space<vmem>> -> memref<125xi32, #tpu.memory_space<vmem>>
      %dma_start3A_253 = arith.constant 0 : i32
      %dma_start3A_254 = arith.constant 0 : i32
      %dma_start3A_255 = tpu.memref_slice %arg2[%dma_start3A_253, %dma_start3A_254] : memref<10000x128xf32, #tpu.memory_space<hbm>> -> memref<10000x128xf32, #tpu.memory_space<hbm>>
      tpu.enqueue_indirect_dma source(%dma_start3A_255 : memref<10000x128xf32, #tpu.memory_space<hbm>>) target(%arg8 : memref<125x128xf32, #tpu.memory_space<vmem>>) offsets(%dma_start3A_252 : memref<125xi32, #tpu.memory_space<vmem>>) semaphore(%arg13 : memref<!tpu.dma_semaphore, #tpu.memory_space<semaphore_mem>>)
      %run_scoped3A_256 = arith.constant 7 : i32
      "tpu.region"() ({
        %run_scoped3A_389 = tpu.sem_alloc : memref<!tpu.dma_semaphore, #tpu.memory_space<semaphore_mem>>
        %dma_start3A_390 = arith.constant 0 : i32
        %dma_start3A_391 = tpu.memref_slice %arg6[%run_scoped3A_256, %dma_start3A_390] : memref<10x125xi32, #tpu.memory_space<vmem>> -> memref<1x125xi32, #tpu.memory_space<vmem>>
        %dma_start3A_392 = tpu.memref_squeeze %dma_start3A_391 : memref<1x125xi32, #tpu.memory_space<vmem>> -> memref<125xi32, #tpu.memory_space<vmem>>
        %dma_start3A_393 = arith.constant 0 : i32
        %dma_start3A_394 = arith.constant 0 : i32
        %dma_start3A_395 = tpu.memref_slice %arg10[%dma_start3A_393, %dma_start3A_394] : memref<10240x128xf32, #tpu.memory_space<vmem_shared>> -> memref<10240x128xf32, #tpu.memory_space<vmem_shared>>
        tpu.enqueue_indirect_dma source(%arg9 : memref<125x128xf32, #tpu.memory_space<vmem>>) target(%dma_start3A_395 : memref<10240x128xf32, #tpu.memory_space<vmem_shared>>) offsets(%dma_start3A_392 : memref<125xi32, #tpu.memory_space<vmem>>) semaphore(%run_scoped3A_389 : memref<!tpu.dma_semaphore, #tpu.memory_space<semaphore_mem>>) {add = true}
        %dma_wait3A_396 = arith.constant 0 : i32
        %dma_wait3A_397 = tpu.memref_slice %arg6[%run_scoped3A_256, %dma_wait3A_396] : memref<10x125xi32, #tpu.memory_space<vmem>> -> memref<1x125xi32, #tpu.memory_space<vmem>>
        %dma_wait3A_398 = tpu.memref_squeeze %dma_wait3A_397 : memref<1x125xi32, #tpu.memory_space<vmem>> -> memref<125xi32, #tpu.memory_space<vmem>>
        %dma_wait3A_399 = arith.constant 0 : i32
        %dma_wait3A_400 = arith.constant 0 : i32
        %dma_wait3A_401 = tpu.memref_slice %arg10[%dma_wait3A_399, %dma_wait3A_400] : memref<10240x128xf32, #tpu.memory_space<vmem_shared>> -> memref<10240x128xf32, #tpu.memory_space<vmem_shared>>
        tpu.wait_indirect_dma semaphore(%run_scoped3A_389 : memref<!tpu.dma_semaphore, #tpu.memory_space<semaphore_mem>>) src(%arg9 : memref<125x128xf32, #tpu.memory_space<vmem>>) dst(%dma_wait3A_401 : memref<10240x128xf32, #tpu.memory_space<vmem_shared>>)
        tpu.yield
      }) : () -> ()
      %dma_wait3A_257 = arith.constant 8 : i32
      %dma_wait3A_258 = arith.constant 0 : i32
      %dma_wait3A_259 = tpu.memref_slice %arg6[%dma_wait3A_257, %dma_wait3A_258] : memref<10x125xi32, #tpu.memory_space<vmem>> -> memref<1x125xi32, #tpu.memory_space<vmem>>
      %dma_wait3A_260 = tpu.memref_squeeze %dma_wait3A_259 : memref<1x125xi32, #tpu.memory_space<vmem>> -> memref<125xi32, #tpu.memory_space<vmem>>
      %dma_wait3A_261 = arith.constant 0 : i32
      %dma_wait3A_262 = arith.constant 0 : i32
      %dma_wait3A_263 = tpu.memref_slice %arg2[%dma_wait3A_261, %dma_wait3A_262] : memref<10000x128xf32, #tpu.memory_space<hbm>> -> memref<10000x128xf32, #tpu.memory_space<hbm>>
      tpu.wait_indirect_dma semaphore(%arg13 : memref<!tpu.dma_semaphore, #tpu.memory_space<semaphore_mem>>) src(%dma_wait3A_263 : memref<10000x128xf32, #tpu.memory_space<hbm>>) dst(%arg8 : memref<125x128xf32, #tpu.memory_space<vmem>>)
      %dma_wait3A_264 = arith.constant 0 : i32
      %dma_wait3A_265 = arith.constant 0 : i32
      %dma_wait3A_266 = arith.constant 0 : i32
      %dma_wait3A_267 = tpu.memref_slice %arg3[%add3A, %dma_wait3A_264, %dma_wait3A_265, %dma_wait3A_266] : memref<32x8x10x125xi32, #tpu.memory_space<hbm>> -> memref<1x1x10x125xi32, #tpu.memory_space<hbm>>
      %dma_wait3A_268 = tpu.memref_squeeze %dma_wait3A_267 : memref<1x1x10x125xi32, #tpu.memory_space<hbm>> -> memref<10x125xi32, #tpu.memory_space<hbm>>
      %dma_wait3A_269 = arith.constant 0 : i32
      %dma_wait3A_270 = arith.constant 0 : i32
      %dma_wait3A_271 = tpu.memref_slice %arg3[%add3A, %dma_wait3A_264, %dma_wait3A_269, %dma_wait3A_270] : memref<32x8x10x125xi32, #tpu.memory_space<hbm>> -> memref<1x1x10x125xi32, #tpu.memory_space<hbm>>
      %dma_wait3A_272 = tpu.memref_squeeze %dma_wait3A_271 : memref<1x1x10x125xi32, #tpu.memory_space<hbm>> -> memref<10x125xi32, #tpu.memory_space<hbm>>
      tpu.wait_dma2 semaphore(%arg12 : memref<!tpu.dma_semaphore, #tpu.memory_space<semaphore_mem>>) src(%dma_wait3A_272 : memref<10x125xi32, #tpu.memory_space<hbm>>) dst(%arg7 : memref<10x125xi32, #tpu.memory_space<vmem>>)
      %dma_start3A_273 = arith.constant 0 : i32
      %dma_start3A_274 = arith.constant 0 : i32
      %dma_start3A_275 = tpu.memref_slice %arg7[%dma_start3A_273, %dma_start3A_274] : memref<10x125xi32, #tpu.memory_space<vmem>> -> memref<1x125xi32, #tpu.memory_space<vmem>>
      %dma_start3A_276 = tpu.memref_squeeze %dma_start3A_275 : memref<1x125xi32, #tpu.memory_space<vmem>> -> memref<125xi32, #tpu.memory_space<vmem>>
      %dma_start3A_277 = arith.constant 0 : i32
      %dma_start3A_278 = arith.constant 0 : i32
      %dma_start3A_279 = tpu.memref_slice %arg2[%dma_start3A_277, %dma_start3A_278] : memref<10000x128xf32, #tpu.memory_space<hbm>> -> memref<10000x128xf32, #tpu.memory_space<hbm>>
      tpu.enqueue_indirect_dma source(%dma_start3A_279 : memref<10000x128xf32, #tpu.memory_space<hbm>>) target(%arg9 : memref<125x128xf32, #tpu.memory_space<vmem>>) offsets(%dma_start3A_276 : memref<125xi32, #tpu.memory_space<vmem>>) semaphore(%arg14 : memref<!tpu.dma_semaphore, #tpu.memory_space<semaphore_mem>>)
      %run_scoped3A_280 = arith.constant 9 : i32
      "tpu.region"() ({
        %run_scoped3A_389 = tpu.sem_alloc : memref<!tpu.dma_semaphore, #tpu.memory_space<semaphore_mem>>
        %dma_start3A_390 = arith.constant 0 : i32
        %dma_start3A_391 = tpu.memref_slice %arg6[%run_scoped3A_280, %dma_start3A_390] : memref<10x125xi32, #tpu.memory_space<vmem>> -> memref<1x125xi32, #tpu.memory_space<vmem>>
        %dma_start3A_392 = tpu.memref_squeeze %dma_start3A_391 : memref<1x125xi32, #tpu.memory_space<vmem>> -> memref<125xi32, #tpu.memory_space<vmem>>
        %dma_start3A_393 = arith.constant 0 : i32
        %dma_start3A_394 = arith.constant 0 : i32
        %dma_start3A_395 = tpu.memref_slice %arg10[%dma_start3A_393, %dma_start3A_394] : memref<10240x128xf32, #tpu.memory_space<vmem_shared>> -> memref<10240x128xf32, #tpu.memory_space<vmem_shared>>
        tpu.enqueue_indirect_dma source(%arg8 : memref<125x128xf32, #tpu.memory_space<vmem>>) target(%dma_start3A_395 : memref<10240x128xf32, #tpu.memory_space<vmem_shared>>) offsets(%dma_start3A_392 : memref<125xi32, #tpu.memory_space<vmem>>) semaphore(%run_scoped3A_389 : memref<!tpu.dma_semaphore, #tpu.memory_space<semaphore_mem>>) {add = true}
        %dma_wait3A_396 = arith.constant 0 : i32
        %dma_wait3A_397 = tpu.memref_slice %arg6[%run_scoped3A_280, %dma_wait3A_396] : memref<10x125xi32, #tpu.memory_space<vmem>> -> memref<1x125xi32, #tpu.memory_space<vmem>>
        %dma_wait3A_398 = tpu.memref_squeeze %dma_wait3A_397 : memref<1x125xi32, #tpu.memory_space<vmem>> -> memref<125xi32, #tpu.memory_space<vmem>>
        %dma_wait3A_399 = arith.constant 0 : i32
        %dma_wait3A_400 = arith.constant 0 : i32
        %dma_wait3A_401 = tpu.memref_slice %arg10[%dma_wait3A_399, %dma_wait3A_400] : memref<10240x128xf32, #tpu.memory_space<vmem_shared>> -> memref<10240x128xf32, #tpu.memory_space<vmem_shared>>
        tpu.wait_indirect_dma semaphore(%run_scoped3A_389 : memref<!tpu.dma_semaphore, #tpu.memory_space<semaphore_mem>>) src(%arg8 : memref<125x128xf32, #tpu.memory_space<vmem>>) dst(%dma_wait3A_401 : memref<10240x128xf32, #tpu.memory_space<vmem_shared>>)
        tpu.yield
      }) : () -> ()
      %mul3A_281 = arith.constant 2 : i32
      %mul3A_282 = arith.muli %mul3A_281, %scan3A_196 : i32
      %add3A_283 = arith.constant 2 : i32
      %add3A_284 = arith.addi %mul3A_282, %add3A_283 : i32
      %dma_start3A_285 = arith.constant 0 : i32
      %dma_start3A_286 = arith.constant 0 : i32
      %dma_start3A_287 = tpu.memref_slice %arg3[%add3A, %add3A_284, %dma_start3A_285, %dma_start3A_286] : memref<32x8x10x125xi32, #tpu.memory_space<hbm>> -> memref<1x1x10x125xi32, #tpu.memory_space<hbm>>
      %dma_start3A_288 = tpu.memref_squeeze %dma_start3A_287 : memref<1x1x10x125xi32, #tpu.memory_space<hbm>> -> memref<10x125xi32, #tpu.memory_space<hbm>>
      %dma_start3A_289 = arith.constant 0 : i32
      %dma_start3A_290 = arith.constant 0 : i32
      %dma_start3A_291 = tpu.memref_slice %arg3[%add3A, %add3A_284, %dma_start3A_289, %dma_start3A_290] : memref<32x8x10x125xi32, #tpu.memory_space<hbm>> -> memref<1x1x10x125xi32, #tpu.memory_space<hbm>>
      %dma_start3A_292 = tpu.memref_squeeze %dma_start3A_291 : memref<1x1x10x125xi32, #tpu.memory_space<hbm>> -> memref<10x125xi32, #tpu.memory_space<hbm>>
      tpu.enqueue_dma source(%dma_start3A_292 : memref<10x125xi32, #tpu.memory_space<hbm>>) target(%arg6 : memref<10x125xi32, #tpu.memory_space<vmem>>) target_semaphore(%arg11 : memref<!tpu.dma_semaphore, #tpu.memory_space<semaphore_mem>>)
      %dma_wait3A_293 = arith.constant 0 : i32
      %dma_wait3A_294 = arith.constant 0 : i32
      %dma_wait3A_295 = tpu.memref_slice %arg7[%dma_wait3A_293, %dma_wait3A_294] : memref<10x125xi32, #tpu.memory_space<vmem>> -> memref<1x125xi32, #tpu.memory_space<vmem>>
      %dma_wait3A_296 = tpu.memref_squeeze %dma_wait3A_295 : memref<1x125xi32, #tpu.memory_space<vmem>> -> memref<125xi32, #tpu.memory_space<vmem>>
      %dma_wait3A_297 = arith.constant 0 : i32
      %dma_wait3A_298 = arith.constant 0 : i32
      %dma_wait3A_299 = tpu.memref_slice %arg2[%dma_wait3A_297, %dma_wait3A_298] : memref<10000x128xf32, #tpu.memory_space<hbm>> -> memref<10000x128xf32, #tpu.memory_space<hbm>>
      tpu.wait_indirect_dma semaphore(%arg14 : memref<!tpu.dma_semaphore, #tpu.memory_space<semaphore_mem>>) src(%dma_wait3A_299 : memref<10000x128xf32, #tpu.memory_space<hbm>>) dst(%arg9 : memref<125x128xf32, #tpu.memory_space<vmem>>)
      %dma_start3A_300 = arith.constant 2 : i32
      %dma_start3A_301 = arith.constant 0 : i32
      %dma_start3A_302 = tpu.memref_slice %arg7[%dma_start3A_300, %dma_start3A_301] : memref<10x125xi32, #tpu.memory_space<vmem>> -> memref<1x125xi32, #tpu.memory_space<vmem>>
      %dma_start3A_303 = tpu.memref_squeeze %dma_start3A_302 : memref<1x125xi32, #tpu.memory_space<vmem>> -> memref<125xi32, #tpu.memory_space<vmem>>
      %dma_start3A_304 = arith.constant 0 : i32
      %dma_start3A_305 = arith.constant 0 : i32
      %dma_start3A_306 = tpu.memref_slice %arg2[%dma_start3A_304, %dma_start3A_305] : memref<10000x128xf32, #tpu.memory_space<hbm>> -> memref<10000x128xf32, #tpu.memory_space<hbm>>
      tpu.enqueue_indirect_dma source(%dma_start3A_306 : memref<10000x128xf32, #tpu.memory_space<hbm>>) target(%arg8 : memref<125x128xf32, #tpu.memory_space<vmem>>) offsets(%dma_start3A_303 : memref<125xi32, #tpu.memory_space<vmem>>) semaphore(%arg13 : memref<!tpu.dma_semaphore, #tpu.memory_space<semaphore_mem>>)
      %run_scoped3A_307 = arith.constant 1 : i32
      "tpu.region"() ({
        %run_scoped3A_389 = tpu.sem_alloc : memref<!tpu.dma_semaphore, #tpu.memory_space<semaphore_mem>>
        %dma_start3A_390 = arith.constant 0 : i32
        %dma_start3A_391 = tpu.memref_slice %arg7[%run_scoped3A_307, %dma_start3A_390] : memref<10x125xi32, #tpu.memory_space<vmem>> -> memref<1x125xi32, #tpu.memory_space<vmem>>
        %dma_start3A_392 = tpu.memref_squeeze %dma_start3A_391 : memref<1x125xi32, #tpu.memory_space<vmem>> -> memref<125xi32, #tpu.memory_space<vmem>>
        %dma_start3A_393 = arith.constant 0 : i32
        %dma_start3A_394 = arith.constant 0 : i32
        %dma_start3A_395 = tpu.memref_slice %arg10[%dma_start3A_393, %dma_start3A_394] : memref<10240x128xf32, #tpu.memory_space<vmem_shared>> -> memref<10240x128xf32, #tpu.memory_space<vmem_shared>>
        tpu.enqueue_indirect_dma source(%arg9 : memref<125x128xf32, #tpu.memory_space<vmem>>) target(%dma_start3A_395 : memref<10240x128xf32, #tpu.memory_space<vmem_shared>>) offsets(%dma_start3A_392 : memref<125xi32, #tpu.memory_space<vmem>>) semaphore(%run_scoped3A_389 : memref<!tpu.dma_semaphore, #tpu.memory_space<semaphore_mem>>) {add = true}
        %dma_wait3A_396 = arith.constant 0 : i32
        %dma_wait3A_397 = tpu.memref_slice %arg7[%run_scoped3A_307, %dma_wait3A_396] : memref<10x125xi32, #tpu.memory_space<vmem>> -> memref<1x125xi32, #tpu.memory_space<vmem>>
        %dma_wait3A_398 = tpu.memref_squeeze %dma_wait3A_397 : memref<1x125xi32, #tpu.memory_space<vmem>> -> memref<125xi32, #tpu.memory_space<vmem>>
        %dma_wait3A_399 = arith.constant 0 : i32
        %dma_wait3A_400 = arith.constant 0 : i32
        %dma_wait3A_401 = tpu.memref_slice %arg10[%dma_wait3A_399, %dma_wait3A_400] : memref<10240x128xf32, #tpu.memory_space<vmem_shared>> -> memref<10240x128xf32, #tpu.memory_space<vmem_shared>>
        tpu.wait_indirect_dma semaphore(%run_scoped3A_389 : memref<!tpu.dma_semaphore, #tpu.memory_space<semaphore_mem>>) src(%arg9 : memref<125x128xf32, #tpu.memory_space<vmem>>) dst(%dma_wait3A_401 : memref<10240x128xf32, #tpu.memory_space<vmem_shared>>)
        tpu.yield
      }) : () -> ()
      %dma_wait3A_308 = arith.constant 2 : i32
      %dma_wait3A_309 = arith.constant 0 : i32
      %dma_wait3A_310 = tpu.memref_slice %arg7[%dma_wait3A_308, %dma_wait3A_309] : memref<10x125xi32, #tpu.memory_space<vmem>> -> memref<1x125xi32, #tpu.memory_space<vmem>>
      %dma_wait3A_311 = tpu.memref_squeeze %dma_wait3A_310 : memref<1x125xi32, #tpu.memory_space<vmem>> -> memref<125xi32, #tpu.memory_space<vmem>>
      %dma_wait3A_312 = arith.constant 0 : i32
      %dma_wait3A_313 = arith.constant 0 : i32
      %dma_wait3A_314 = tpu.memref_slice %arg2[%dma_wait3A_312, %dma_wait3A_313] : memref<10000x128xf32, #tpu.memory_space<hbm>> -> memref<10000x128xf32, #tpu.memory_space<hbm>>
      tpu.wait_indirect_dma semaphore(%arg13 : memref<!tpu.dma_semaphore, #tpu.memory_space<semaphore_mem>>) src(%dma_wait3A_314 : memref<10000x128xf32, #tpu.memory_space<hbm>>) dst(%arg8 : memref<125x128xf32, #tpu.memory_space<vmem>>)
      %dma_start3A_315 = arith.constant 4 : i32
      %dma_start3A_316 = arith.constant 0 : i32
      %dma_start3A_317 = tpu.memref_slice %arg7[%dma_start3A_315, %dma_start3A_316] : memref<10x125xi32, #tpu.memory_space<vmem>> -> memref<1x125xi32, #tpu.memory_space<vmem>>
      %dma_start3A_318 = tpu.memref_squeeze %dma_start3A_317 : memref<1x125xi32, #tpu.memory_space<vmem>> -> memref<125xi32, #tpu.memory_space<vmem>>
      %dma_start3A_319 = arith.constant 0 : i32
      %dma_start3A_320 = arith.constant 0 : i32
      %dma_start3A_321 = tpu.memref_slice %arg2[%dma_start3A_319, %dma_start3A_320] : memref<10000x128xf32, #tpu.memory_space<hbm>> -> memref<10000x128xf32, #tpu.memory_space<hbm>>
      tpu.enqueue_indirect_dma source(%dma_start3A_321 : memref<10000x128xf32, #tpu.memory_space<hbm>>) target(%arg9 : memref<125x128xf32, #tpu.memory_space<vmem>>) offsets(%dma_start3A_318 : memref<125xi32, #tpu.memory_space<vmem>>) semaphore(%arg14 : memref<!tpu.dma_semaphore, #tpu.memory_space<semaphore_mem>>)
      %run_scoped3A_322 = arith.constant 3 : i32
      "tpu.region"() ({
        %run_scoped3A_389 = tpu.sem_alloc : memref<!tpu.dma_semaphore, #tpu.memory_space<semaphore_mem>>
        %dma_start3A_390 = arith.constant 0 : i32
        %dma_start3A_391 = tpu.memref_slice %arg7[%run_scoped3A_322, %dma_start3A_390] : memref<10x125xi32, #tpu.memory_space<vmem>> -> memref<1x125xi32, #tpu.memory_space<vmem>>
        %dma_start3A_392 = tpu.memref_squeeze %dma_start3A_391 : memref<1x125xi32, #tpu.memory_space<vmem>> -> memref<125xi32, #tpu.memory_space<vmem>>
        %dma_start3A_393 = arith.constant 0 : i32
        %dma_start3A_394 = arith.constant 0 : i32
        %dma_start3A_395 = tpu.memref_slice %arg10[%dma_start3A_393, %dma_start3A_394] : memref<10240x128xf32, #tpu.memory_space<vmem_shared>> -> memref<10240x128xf32, #tpu.memory_space<vmem_shared>>
        tpu.enqueue_indirect_dma source(%arg8 : memref<125x128xf32, #tpu.memory_space<vmem>>) target(%dma_start3A_395 : memref<10240x128xf32, #tpu.memory_space<vmem_shared>>) offsets(%dma_start3A_392 : memref<125xi32, #tpu.memory_space<vmem>>) semaphore(%run_scoped3A_389 : memref<!tpu.dma_semaphore, #tpu.memory_space<semaphore_mem>>) {add = true}
        %dma_wait3A_396 = arith.constant 0 : i32
        %dma_wait3A_397 = tpu.memref_slice %arg7[%run_scoped3A_322, %dma_wait3A_396] : memref<10x125xi32, #tpu.memory_space<vmem>> -> memref<1x125xi32, #tpu.memory_space<vmem>>
        %dma_wait3A_398 = tpu.memref_squeeze %dma_wait3A_397 : memref<1x125xi32, #tpu.memory_space<vmem>> -> memref<125xi32, #tpu.memory_space<vmem>>
        %dma_wait3A_399 = arith.constant 0 : i32
        %dma_wait3A_400 = arith.constant 0 : i32
        %dma_wait3A_401 = tpu.memref_slice %arg10[%dma_wait3A_399, %dma_wait3A_400] : memref<10240x128xf32, #tpu.memory_space<vmem_shared>> -> memref<10240x128xf32, #tpu.memory_space<vmem_shared>>
        tpu.wait_indirect_dma semaphore(%run_scoped3A_389 : memref<!tpu.dma_semaphore, #tpu.memory_space<semaphore_mem>>) src(%arg8 : memref<125x128xf32, #tpu.memory_space<vmem>>) dst(%dma_wait3A_401 : memref<10240x128xf32, #tpu.memory_space<vmem_shared>>)
        tpu.yield
      }) : () -> ()
      %dma_wait3A_323 = arith.constant 4 : i32
      %dma_wait3A_324 = arith.constant 0 : i32
      %dma_wait3A_325 = tpu.memref_slice %arg7[%dma_wait3A_323, %dma_wait3A_324] : memref<10x125xi32, #tpu.memory_space<vmem>> -> memref<1x125xi32, #tpu.memory_space<vmem>>
      %dma_wait3A_326 = tpu.memref_squeeze %dma_wait3A_325 : memref<1x125xi32, #tpu.memory_space<vmem>> -> memref<125xi32, #tpu.memory_space<vmem>>
      %dma_wait3A_327 = arith.constant 0 : i32
      %dma_wait3A_328 = arith.constant 0 : i32
      %dma_wait3A_329 = tpu.memref_slice %arg2[%dma_wait3A_327, %dma_wait3A_328] : memref<10000x128xf32, #tpu.memory_space<hbm>> -> memref<10000x128xf32, #tpu.memory_space<hbm>>
      tpu.wait_indirect_dma semaphore(%arg14 : memref<!tpu.dma_semaphore, #tpu.memory_space<semaphore_mem>>) src(%dma_wait3A_329 : memref<10000x128xf32, #tpu.memory_space<hbm>>) dst(%arg9 : memref<125x128xf32, #tpu.memory_space<vmem>>)
      %dma_start3A_330 = arith.constant 6 : i32
      %dma_start3A_331 = arith.constant 0 : i32
      %dma_start3A_332 = tpu.memref_slice %arg7[%dma_start3A_330, %dma_start3A_331] : memref<10x125xi32, #tpu.memory_space<vmem>> -> memref<1x125xi32, #tpu.memory_space<vmem>>
      %dma_start3A_333 = tpu.memref_squeeze %dma_start3A_332 : memref<1x125xi32, #tpu.memory_space<vmem>> -> memref<125xi32, #tpu.memory_space<vmem>>
      %dma_start3A_334 = arith.constant 0 : i32
      %dma_start3A_335 = arith.constant 0 : i32
      %dma_start3A_336 = tpu.memref_slice %arg2[%dma_start3A_334, %dma_start3A_335] : memref<10000x128xf32, #tpu.memory_space<hbm>> -> memref<10000x128xf32, #tpu.memory_space<hbm>>
      tpu.enqueue_indirect_dma source(%dma_start3A_336 : memref<10000x128xf32, #tpu.memory_space<hbm>>) target(%arg8 : memref<125x128xf32, #tpu.memory_space<vmem>>) offsets(%dma_start3A_333 : memref<125xi32, #tpu.memory_space<vmem>>) semaphore(%arg13 : memref<!tpu.dma_semaphore, #tpu.memory_space<semaphore_mem>>)
      %run_scoped3A_337 = arith.constant 5 : i32
      "tpu.region"() ({
        %run_scoped3A_389 = tpu.sem_alloc : memref<!tpu.dma_semaphore, #tpu.memory_space<semaphore_mem>>
        %dma_start3A_390 = arith.constant 0 : i32
        %dma_start3A_391 = tpu.memref_slice %arg7[%run_scoped3A_337, %dma_start3A_390] : memref<10x125xi32, #tpu.memory_space<vmem>> -> memref<1x125xi32, #tpu.memory_space<vmem>>
        %dma_start3A_392 = tpu.memref_squeeze %dma_start3A_391 : memref<1x125xi32, #tpu.memory_space<vmem>> -> memref<125xi32, #tpu.memory_space<vmem>>
        %dma_start3A_393 = arith.constant 0 : i32
        %dma_start3A_394 = arith.constant 0 : i32
        %dma_start3A_395 = tpu.memref_slice %arg10[%dma_start3A_393, %dma_start3A_394] : memref<10240x128xf32, #tpu.memory_space<vmem_shared>> -> memref<10240x128xf32, #tpu.memory_space<vmem_shared>>
        tpu.enqueue_indirect_dma source(%arg9 : memref<125x128xf32, #tpu.memory_space<vmem>>) target(%dma_start3A_395 : memref<10240x128xf32, #tpu.memory_space<vmem_shared>>) offsets(%dma_start3A_392 : memref<125xi32, #tpu.memory_space<vmem>>) semaphore(%run_scoped3A_389 : memref<!tpu.dma_semaphore, #tpu.memory_space<semaphore_mem>>) {add = true}
        %dma_wait3A_396 = arith.constant 0 : i32
        %dma_wait3A_397 = tpu.memref_slice %arg7[%run_scoped3A_337, %dma_wait3A_396] : memref<10x125xi32, #tpu.memory_space<vmem>> -> memref<1x125xi32, #tpu.memory_space<vmem>>
        %dma_wait3A_398 = tpu.memref_squeeze %dma_wait3A_397 : memref<1x125xi32, #tpu.memory_space<vmem>> -> memref<125xi32, #tpu.memory_space<vmem>>
        %dma_wait3A_399 = arith.constant 0 : i32
        %dma_wait3A_400 = arith.constant 0 : i32
        %dma_wait3A_401 = tpu.memref_slice %arg10[%dma_wait3A_399, %dma_wait3A_400] : memref<10240x128xf32, #tpu.memory_space<vmem_shared>> -> memref<10240x128xf32, #tpu.memory_space<vmem_shared>>
        tpu.wait_indirect_dma semaphore(%run_scoped3A_389 : memref<!tpu.dma_semaphore, #tpu.memory_space<semaphore_mem>>) src(%arg9 : memref<125x128xf32, #tpu.memory_space<vmem>>) dst(%dma_wait3A_401 : memref<10240x128xf32, #tpu.memory_space<vmem_shared>>)
        tpu.yield
      }) : () -> ()
      %dma_wait3A_338 = arith.constant 6 : i32
      %dma_wait3A_339 = arith.constant 0 : i32
      %dma_wait3A_340 = tpu.memref_slice %arg7[%dma_wait3A_338, %dma_wait3A_339] : memref<10x125xi32, #tpu.memory_space<vmem>> -> memref<1x125xi32, #tpu.memory_space<vmem>>
      %dma_wait3A_341 = tpu.memref_squeeze %dma_wait3A_340 : memref<1x125xi32, #tpu.memory_space<vmem>> -> memref<125xi32, #tpu.memory_space<vmem>>
      %dma_wait3A_342 = arith.constant 0 : i32
      %dma_wait3A_343 = arith.constant 0 : i32
      %dma_wait3A_344 = tpu.memref_slice %arg2[%dma_wait3A_342, %dma_wait3A_343] : memref<10000x128xf32, #tpu.memory_space<hbm>> -> memref<10000x128xf32, #tpu.memory_space<hbm>>
      tpu.wait_indirect_dma semaphore(%arg13 : memref<!tpu.dma_semaphore, #tpu.memory_space<semaphore_mem>>) src(%dma_wait3A_344 : memref<10000x128xf32, #tpu.memory_space<hbm>>) dst(%arg8 : memref<125x128xf32, #tpu.memory_space<vmem>>)
      %dma_start3A_345 = arith.constant 8 : i32
      %dma_start3A_346 = arith.constant 0 : i32
      %dma_start3A_347 = tpu.memref_slice %arg7[%dma_start3A_345, %dma_start3A_346] : memref<10x125xi32, #tpu.memory_space<vmem>> -> memref<1x125xi32, #tpu.memory_space<vmem>>
      %dma_start3A_348 = tpu.memref_squeeze %dma_start3A_347 : memref<1x125xi32, #tpu.memory_space<vmem>> -> memref<125xi32, #tpu.memory_space<vmem>>
      %dma_start3A_349 = arith.constant 0 : i32
      %dma_start3A_350 = arith.constant 0 : i32
      %dma_start3A_351 = tpu.memref_slice %arg2[%dma_start3A_349, %dma_start3A_350] : memref<10000x128xf32, #tpu.memory_space<hbm>> -> memref<10000x128xf32, #tpu.memory_space<hbm>>
      tpu.enqueue_indirect_dma source(%dma_start3A_351 : memref<10000x128xf32, #tpu.memory_space<hbm>>) target(%arg9 : memref<125x128xf32, #tpu.memory_space<vmem>>) offsets(%dma_start3A_348 : memref<125xi32, #tpu.memory_space<vmem>>) semaphore(%arg14 : memref<!tpu.dma_semaphore, #tpu.memory_space<semaphore_mem>>)
      %run_scoped3A_352 = arith.constant 7 : i32
      "tpu.region"() ({
        %run_scoped3A_389 = tpu.sem_alloc : memref<!tpu.dma_semaphore, #tpu.memory_space<semaphore_mem>>
        %dma_start3A_390 = arith.constant 0 : i32
        %dma_start3A_391 = tpu.memref_slice %arg7[%run_scoped3A_352, %dma_start3A_390] : memref<10x125xi32, #tpu.memory_space<vmem>> -> memref<1x125xi32, #tpu.memory_space<vmem>>
        %dma_start3A_392 = tpu.memref_squeeze %dma_start3A_391 : memref<1x125xi32, #tpu.memory_space<vmem>> -> memref<125xi32, #tpu.memory_space<vmem>>
        %dma_start3A_393 = arith.constant 0 : i32
        %dma_start3A_394 = arith.constant 0 : i32
        %dma_start3A_395 = tpu.memref_slice %arg10[%dma_start3A_393, %dma_start3A_394] : memref<10240x128xf32, #tpu.memory_space<vmem_shared>> -> memref<10240x128xf32, #tpu.memory_space<vmem_shared>>
        tpu.enqueue_indirect_dma source(%arg8 : memref<125x128xf32, #tpu.memory_space<vmem>>) target(%dma_start3A_395 : memref<10240x128xf32, #tpu.memory_space<vmem_shared>>) offsets(%dma_start3A_392 : memref<125xi32, #tpu.memory_space<vmem>>) semaphore(%run_scoped3A_389 : memref<!tpu.dma_semaphore, #tpu.memory_space<semaphore_mem>>) {add = true}
        %dma_wait3A_396 = arith.constant 0 : i32
        %dma_wait3A_397 = tpu.memref_slice %arg7[%run_scoped3A_352, %dma_wait3A_396] : memref<10x125xi32, #tpu.memory_space<vmem>> -> memref<1x125xi32, #tpu.memory_space<vmem>>
        %dma_wait3A_398 = tpu.memref_squeeze %dma_wait3A_397 : memref<1x125xi32, #tpu.memory_space<vmem>> -> memref<125xi32, #tpu.memory_space<vmem>>
        %dma_wait3A_399 = arith.constant 0 : i32
        %dma_wait3A_400 = arith.constant 0 : i32
        %dma_wait3A_401 = tpu.memref_slice %arg10[%dma_wait3A_399, %dma_wait3A_400] : memref<10240x128xf32, #tpu.memory_space<vmem_shared>> -> memref<10240x128xf32, #tpu.memory_space<vmem_shared>>
        tpu.wait_indirect_dma semaphore(%run_scoped3A_389 : memref<!tpu.dma_semaphore, #tpu.memory_space<semaphore_mem>>) src(%arg8 : memref<125x128xf32, #tpu.memory_space<vmem>>) dst(%dma_wait3A_401 : memref<10240x128xf32, #tpu.memory_space<vmem_shared>>)
        tpu.yield
      }) : () -> ()
      %dma_wait3A_353 = arith.constant 8 : i32
      %dma_wait3A_354 = arith.constant 0 : i32
      %dma_wait3A_355 = tpu.memref_slice %arg7[%dma_wait3A_353, %dma_wait3A_354] : memref<10x125xi32, #tpu.memory_space<vmem>> -> memref<1x125xi32, #tpu.memory_space<vmem>>
      %dma_wait3A_356 = tpu.memref_squeeze %dma_wait3A_355 : memref<1x125xi32, #tpu.memory_space<vmem>> -> memref<125xi32, #tpu.memory_space<vmem>>
      %dma_wait3A_357 = arith.constant 0 : i32
      %dma_wait3A_358 = arith.constant 0 : i32
      %dma_wait3A_359 = tpu.memref_slice %arg2[%dma_wait3A_357, %dma_wait3A_358] : memref<10000x128xf32, #tpu.memory_space<hbm>> -> memref<10000x128xf32, #tpu.memory_space<hbm>>
      tpu.wait_indirect_dma semaphore(%arg14 : memref<!tpu.dma_semaphore, #tpu.memory_space<semaphore_mem>>) src(%dma_wait3A_359 : memref<10000x128xf32, #tpu.memory_space<hbm>>) dst(%arg9 : memref<125x128xf32, #tpu.memory_space<vmem>>)
      %dma_wait3A_360 = arith.constant 0 : i32
      %dma_wait3A_361 = arith.constant 0 : i32
      %dma_wait3A_362 = arith.constant 0 : i32
      %dma_wait3A_363 = tpu.memref_slice %arg3[%add3A, %dma_wait3A_360, %dma_wait3A_361, %dma_wait3A_362] : memref<32x8x10x125xi32, #tpu.memory_space<hbm>> -> memref<1x1x10x125xi32, #tpu.memory_space<hbm>>
      %dma_wait3A_364 = tpu.memref_squeeze %dma_wait3A_363 : memref<1x1x10x125xi32, #tpu.memory_space<hbm>> -> memref<10x125xi32, #tpu.memory_space<hbm>>
      %dma_wait3A_365 = arith.constant 0 : i32
      %dma_wait3A_366 = arith.constant 0 : i32
      %dma_wait3A_367 = tpu.memref_slice %arg3[%add3A, %dma_wait3A_360, %dma_wait3A_365, %dma_wait3A_366] : memref<32x8x10x125xi32, #tpu.memory_space<hbm>> -> memref<1x1x10x125xi32, #tpu.memory_space<hbm>>
      %dma_wait3A_368 = tpu.memref_squeeze %dma_wait3A_367 : memref<1x1x10x125xi32, #tpu.memory_space<hbm>> -> memref<10x125xi32, #tpu.memory_space<hbm>>
      tpu.wait_dma2 semaphore(%arg11 : memref<!tpu.dma_semaphore, #tpu.memory_space<semaphore_mem>>) src(%dma_wait3A_368 : memref<10x125xi32, #tpu.memory_space<hbm>>) dst(%arg6 : memref<10x125xi32, #tpu.memory_space<vmem>>)
      %dma_start3A_369 = arith.constant 0 : i32
      %dma_start3A_370 = arith.constant 0 : i32
      %dma_start3A_371 = tpu.memref_slice %arg6[%dma_start3A_369, %dma_start3A_370] : memref<10x125xi32, #tpu.memory_space<vmem>> -> memref<1x125xi32, #tpu.memory_space<vmem>>
      %dma_start3A_372 = tpu.memref_squeeze %dma_start3A_371 : memref<1x125xi32, #tpu.memory_space<vmem>> -> memref<125xi32, #tpu.memory_space<vmem>>
      %dma_start3A_373 = arith.constant 0 : i32
      %dma_start3A_374 = arith.constant 0 : i32
      %dma_start3A_375 = tpu.memref_slice %arg2[%dma_start3A_373, %dma_start3A_374] : memref<10000x128xf32, #tpu.memory_space<hbm>> -> memref<10000x128xf32, #tpu.memory_space<hbm>>
      tpu.enqueue_indirect_dma source(%dma_start3A_375 : memref<10000x128xf32, #tpu.memory_space<hbm>>) target(%arg8 : memref<125x128xf32, #tpu.memory_space<vmem>>) offsets(%dma_start3A_372 : memref<125xi32, #tpu.memory_space<vmem>>) semaphore(%arg13 : memref<!tpu.dma_semaphore, #tpu.memory_space<semaphore_mem>>)
      %run_scoped3A_376 = arith.constant 9 : i32
      "tpu.region"() ({
        %run_scoped3A_389 = tpu.sem_alloc : memref<!tpu.dma_semaphore, #tpu.memory_space<semaphore_mem>>
        %dma_start3A_390 = arith.constant 0 : i32
        %dma_start3A_391 = tpu.memref_slice %arg7[%run_scoped3A_376, %dma_start3A_390] : memref<10x125xi32, #tpu.memory_space<vmem>> -> memref<1x125xi32, #tpu.memory_space<vmem>>
        %dma_start3A_392 = tpu.memref_squeeze %dma_start3A_391 : memref<1x125xi32, #tpu.memory_space<vmem>> -> memref<125xi32, #tpu.memory_space<vmem>>
        %dma_start3A_393 = arith.constant 0 : i32
        %dma_start3A_394 = arith.constant 0 : i32
        %dma_start3A_395 = tpu.memref_slice %arg10[%dma_start3A_393, %dma_start3A_394] : memref<10240x128xf32, #tpu.memory_space<vmem_shared>> -> memref<10240x128xf32, #tpu.memory_space<vmem_shared>>
        tpu.enqueue_indirect_dma source(%arg9 : memref<125x128xf32, #tpu.memory_space<vmem>>) target(%dma_start3A_395 : memref<10240x128xf32, #tpu.memory_space<vmem_shared>>) offsets(%dma_start3A_392 : memref<125xi32, #tpu.memory_space<vmem>>) semaphore(%run_scoped3A_389 : memref<!tpu.dma_semaphore, #tpu.memory_space<semaphore_mem>>) {add = true}
        %dma_wait3A_396 = arith.constant 0 : i32
        %dma_wait3A_397 = tpu.memref_slice %arg7[%run_scoped3A_376, %dma_wait3A_396] : memref<10x125xi32, #tpu.memory_space<vmem>> -> memref<1x125xi32, #tpu.memory_space<vmem>>
        %dma_wait3A_398 = tpu.memref_squeeze %dma_wait3A_397 : memref<1x125xi32, #tpu.memory_space<vmem>> -> memref<125xi32, #tpu.memory_space<vmem>>
        %dma_wait3A_399 = arith.constant 0 : i32
        %dma_wait3A_400 = arith.constant 0 : i32
        %dma_wait3A_401 = tpu.memref_slice %arg10[%dma_wait3A_399, %dma_wait3A_400] : memref<10240x128xf32, #tpu.memory_space<vmem_shared>> -> memref<10240x128xf32, #tpu.memory_space<vmem_shared>>
        tpu.wait_indirect_dma semaphore(%run_scoped3A_389 : memref<!tpu.dma_semaphore, #tpu.memory_space<semaphore_mem>>) src(%arg9 : memref<125x128xf32, #tpu.memory_space<vmem>>) dst(%dma_wait3A_401 : memref<10240x128xf32, #tpu.memory_space<vmem_shared>>)
        tpu.yield
      }) : () -> ()
      %mul3A_377 = arith.constant 2 : i32
      %mul3A_378 = arith.muli %mul3A_377, %scan3A_196 : i32
      %add3A_379 = arith.constant 3 : i32
      %add3A_380 = arith.addi %mul3A_378, %add3A_379 : i32
      %dma_start3A_381 = arith.constant 0 : i32
      %dma_start3A_382 = arith.constant 0 : i32
      %dma_start3A_383 = tpu.memref_slice %arg3[%add3A, %add3A_380, %dma_start3A_381, %dma_start3A_382] : memref<32x8x10x125xi32, #tpu.memory_space<hbm>> -> memref<1x1x10x125xi32, #tpu.memory_space<hbm>>
      %dma_start3A_384 = tpu.memref_squeeze %dma_start3A_383 : memref<1x1x10x125xi32, #tpu.memory_space<hbm>> -> memref<10x125xi32, #tpu.memory_space<hbm>>
      %dma_start3A_385 = arith.constant 0 : i32
      %dma_start3A_386 = arith.constant 0 : i32
      %dma_start3A_387 = tpu.memref_slice %arg3[%add3A, %add3A_380, %dma_start3A_385, %dma_start3A_386] : memref<32x8x10x125xi32, #tpu.memory_space<hbm>> -> memref<1x1x10x125xi32, #tpu.memory_space<hbm>>
      %dma_start3A_388 = tpu.memref_squeeze %dma_start3A_387 : memref<1x1x10x125xi32, #tpu.memory_space<hbm>> -> memref<10x125xi32, #tpu.memory_space<hbm>>
      tpu.enqueue_dma source(%dma_start3A_388 : memref<10x125xi32, #tpu.memory_space<hbm>>) target(%arg7 : memref<10x125xi32, #tpu.memory_space<vmem>>) target_semaphore(%arg12 : memref<!tpu.dma_semaphore, #tpu.memory_space<semaphore_mem>>)
    }
    %scan3A_43 = arith.constant 3 : i32
    %dma_wait3A_44 = arith.constant 0 : i32
    %dma_wait3A_45 = arith.constant 0 : i32
    %dma_wait3A_46 = tpu.memref_slice %arg6[%dma_wait3A_44, %dma_wait3A_45] : memref<10x125xi32, #tpu.memory_space<vmem>> -> memref<1x125xi32, #tpu.memory_space<vmem>>
    %dma_wait3A_47 = tpu.memref_squeeze %dma_wait3A_46 : memref<1x125xi32, #tpu.memory_space<vmem>> -> memref<125xi32, #tpu.memory_space<vmem>>
    %dma_wait3A_48 = arith.constant 0 : i32
    %dma_wait3A_49 = arith.constant 0 : i32
    %dma_wait3A_50 = tpu.memref_slice %arg2[%dma_wait3A_48, %dma_wait3A_49] : memref<10000x128xf32, #tpu.memory_space<hbm>> -> memref<10000x128xf32, #tpu.memory_space<hbm>>
    tpu.wait_indirect_dma semaphore(%arg13 : memref<!tpu.dma_semaphore, #tpu.memory_space<semaphore_mem>>) src(%dma_wait3A_50 : memref<10000x128xf32, #tpu.memory_space<hbm>>) dst(%arg8 : memref<125x128xf32, #tpu.memory_space<vmem>>)
    %dma_start3A_51 = arith.constant 2 : i32
    %dma_start3A_52 = arith.constant 0 : i32
    %dma_start3A_53 = tpu.memref_slice %arg6[%dma_start3A_51, %dma_start3A_52] : memref<10x125xi32, #tpu.memory_space<vmem>> -> memref<1x125xi32, #tpu.memory_space<vmem>>
    %dma_start3A_54 = tpu.memref_squeeze %dma_start3A_53 : memref<1x125xi32, #tpu.memory_space<vmem>> -> memref<125xi32, #tpu.memory_space<vmem>>
    %dma_start3A_55 = arith.constant 0 : i32
    %dma_start3A_56 = arith.constant 0 : i32
    %dma_start3A_57 = tpu.memref_slice %arg2[%dma_start3A_55, %dma_start3A_56] : memref<10000x128xf32, #tpu.memory_space<hbm>> -> memref<10000x128xf32, #tpu.memory_space<hbm>>
    tpu.enqueue_indirect_dma source(%dma_start3A_57 : memref<10000x128xf32, #tpu.memory_space<hbm>>) target(%arg9 : memref<125x128xf32, #tpu.memory_space<vmem>>) offsets(%dma_start3A_54 : memref<125xi32, #tpu.memory_space<vmem>>) semaphore(%arg14 : memref<!tpu.dma_semaphore, #tpu.memory_space<semaphore_mem>>)
    %run_scoped3A = arith.constant 1 : i32
    "tpu.region"() ({
      %run_scoped3A_196 = tpu.sem_alloc : memref<!tpu.dma_semaphore, #tpu.memory_space<semaphore_mem>>
      %dma_start3A_197 = arith.constant 0 : i32
      %dma_start3A_198 = tpu.memref_slice %arg6[%run_scoped3A, %dma_start3A_197] : memref<10x125xi32, #tpu.memory_space<vmem>> -> memref<1x125xi32, #tpu.memory_space<vmem>>
      %dma_start3A_199 = tpu.memref_squeeze %dma_start3A_198 : memref<1x125xi32, #tpu.memory_space<vmem>> -> memref<125xi32, #tpu.memory_space<vmem>>
      %dma_start3A_200 = arith.constant 0 : i32
      %dma_start3A_201 = arith.constant 0 : i32
      %dma_start3A_202 = tpu.memref_slice %arg10[%dma_start3A_200, %dma_start3A_201] : memref<10240x128xf32, #tpu.memory_space<vmem_shared>> -> memref<10240x128xf32, #tpu.memory_space<vmem_shared>>
      tpu.enqueue_indirect_dma source(%arg8 : memref<125x128xf32, #tpu.memory_space<vmem>>) target(%dma_start3A_202 : memref<10240x128xf32, #tpu.memory_space<vmem_shared>>) offsets(%dma_start3A_199 : memref<125xi32, #tpu.memory_space<vmem>>) semaphore(%run_scoped3A_196 : memref<!tpu.dma_semaphore, #tpu.memory_space<semaphore_mem>>) {add = true}
      %dma_wait3A_203 = arith.constant 0 : i32
      %dma_wait3A_204 = tpu.memref_slice %arg6[%run_scoped3A, %dma_wait3A_203] : memref<10x125xi32, #tpu.memory_space<vmem>> -> memref<1x125xi32, #tpu.memory_space<vmem>>
      %dma_wait3A_205 = tpu.memref_squeeze %dma_wait3A_204 : memref<1x125xi32, #tpu.memory_space<vmem>> -> memref<125xi32, #tpu.memory_space<vmem>>
      %dma_wait3A_206 = arith.constant 0 : i32
      %dma_wait3A_207 = arith.constant 0 : i32
      %dma_wait3A_208 = tpu.memref_slice %arg10[%dma_wait3A_206, %dma_wait3A_207] : memref<10240x128xf32, #tpu.memory_space<vmem_shared>> -> memref<10240x128xf32, #tpu.memory_space<vmem_shared>>
      tpu.wait_indirect_dma semaphore(%run_scoped3A_196 : memref<!tpu.dma_semaphore, #tpu.memory_space<semaphore_mem>>) src(%arg8 : memref<125x128xf32, #tpu.memory_space<vmem>>) dst(%dma_wait3A_208 : memref<10240x128xf32, #tpu.memory_space<vmem_shared>>)
      tpu.yield
    }) : () -> ()
    %dma_wait3A_58 = arith.constant 2 : i32
    %dma_wait3A_59 = arith.constant 0 : i32
    %dma_wait3A_60 = tpu.memref_slice %arg6[%dma_wait3A_58, %dma_wait3A_59] : memref<10x125xi32, #tpu.memory_space<vmem>> -> memref<1x125xi32, #tpu.memory_space<vmem>>
    %dma_wait3A_61 = tpu.memref_squeeze %dma_wait3A_60 : memref<1x125xi32, #tpu.memory_space<vmem>> -> memref<125xi32, #tpu.memory_space<vmem>>
    %dma_wait3A_62 = arith.constant 0 : i32
    %dma_wait3A_63 = arith.constant 0 : i32
    %dma_wait3A_64 = tpu.memref_slice %arg2[%dma_wait3A_62, %dma_wait3A_63] : memref<10000x128xf32, #tpu.memory_space<hbm>> -> memref<10000x128xf32, #tpu.memory_space<hbm>>
    tpu.wait_indirect_dma semaphore(%arg14 : memref<!tpu.dma_semaphore, #tpu.memory_space<semaphore_mem>>) src(%dma_wait3A_64 : memref<10000x128xf32, #tpu.memory_space<hbm>>) dst(%arg9 : memref<125x128xf32, #tpu.memory_space<vmem>>)
    %dma_start3A_65 = arith.constant 4 : i32
    %dma_start3A_66 = arith.constant 0 : i32
    %dma_start3A_67 = tpu.memref_slice %arg6[%dma_start3A_65, %dma_start3A_66] : memref<10x125xi32, #tpu.memory_space<vmem>> -> memref<1x125xi32, #tpu.memory_space<vmem>>
    %dma_start3A_68 = tpu.memref_squeeze %dma_start3A_67 : memref<1x125xi32, #tpu.memory_space<vmem>> -> memref<125xi32, #tpu.memory_space<vmem>>
    %dma_start3A_69 = arith.constant 0 : i32
    %dma_start3A_70 = arith.constant 0 : i32
    %dma_start3A_71 = tpu.memref_slice %arg2[%dma_start3A_69, %dma_start3A_70] : memref<10000x128xf32, #tpu.memory_space<hbm>> -> memref<10000x128xf32, #tpu.memory_space<hbm>>
    tpu.enqueue_indirect_dma source(%dma_start3A_71 : memref<10000x128xf32, #tpu.memory_space<hbm>>) target(%arg8 : memref<125x128xf32, #tpu.memory_space<vmem>>) offsets(%dma_start3A_68 : memref<125xi32, #tpu.memory_space<vmem>>) semaphore(%arg13 : memref<!tpu.dma_semaphore, #tpu.memory_space<semaphore_mem>>)
    %run_scoped3A_72 = arith.constant 3 : i32
    "tpu.region"() ({
      %run_scoped3A_196 = tpu.sem_alloc : memref<!tpu.dma_semaphore, #tpu.memory_space<semaphore_mem>>
      %dma_start3A_197 = arith.constant 0 : i32
      %dma_start3A_198 = tpu.memref_slice %arg6[%run_scoped3A_72, %dma_start3A_197] : memref<10x125xi32, #tpu.memory_space<vmem>> -> memref<1x125xi32, #tpu.memory_space<vmem>>
      %dma_start3A_199 = tpu.memref_squeeze %dma_start3A_198 : memref<1x125xi32, #tpu.memory_space<vmem>> -> memref<125xi32, #tpu.memory_space<vmem>>
      %dma_start3A_200 = arith.constant 0 : i32
      %dma_start3A_201 = arith.constant 0 : i32
      %dma_start3A_202 = tpu.memref_slice %arg10[%dma_start3A_200, %dma_start3A_201] : memref<10240x128xf32, #tpu.memory_space<vmem_shared>> -> memref<10240x128xf32, #tpu.memory_space<vmem_shared>>
      tpu.enqueue_indirect_dma source(%arg9 : memref<125x128xf32, #tpu.memory_space<vmem>>) target(%dma_start3A_202 : memref<10240x128xf32, #tpu.memory_space<vmem_shared>>) offsets(%dma_start3A_199 : memref<125xi32, #tpu.memory_space<vmem>>) semaphore(%run_scoped3A_196 : memref<!tpu.dma_semaphore, #tpu.memory_space<semaphore_mem>>) {add = true}
      %dma_wait3A_203 = arith.constant 0 : i32
      %dma_wait3A_204 = tpu.memref_slice %arg6[%run_scoped3A_72, %dma_wait3A_203] : memref<10x125xi32, #tpu.memory_space<vmem>> -> memref<1x125xi32, #tpu.memory_space<vmem>>
      %dma_wait3A_205 = tpu.memref_squeeze %dma_wait3A_204 : memref<1x125xi32, #tpu.memory_space<vmem>> -> memref<125xi32, #tpu.memory_space<vmem>>
      %dma_wait3A_206 = arith.constant 0 : i32
      %dma_wait3A_207 = arith.constant 0 : i32
      %dma_wait3A_208 = tpu.memref_slice %arg10[%dma_wait3A_206, %dma_wait3A_207] : memref<10240x128xf32, #tpu.memory_space<vmem_shared>> -> memref<10240x128xf32, #tpu.memory_space<vmem_shared>>
      tpu.wait_indirect_dma semaphore(%run_scoped3A_196 : memref<!tpu.dma_semaphore, #tpu.memory_space<semaphore_mem>>) src(%arg9 : memref<125x128xf32, #tpu.memory_space<vmem>>) dst(%dma_wait3A_208 : memref<10240x128xf32, #tpu.memory_space<vmem_shared>>)
      tpu.yield
    }) : () -> ()
    %dma_wait3A_73 = arith.constant 4 : i32
    %dma_wait3A_74 = arith.constant 0 : i32
    %dma_wait3A_75 = tpu.memref_slice %arg6[%dma_wait3A_73, %dma_wait3A_74] : memref<10x125xi32, #tpu.memory_space<vmem>> -> memref<1x125xi32, #tpu.memory_space<vmem>>
    %dma_wait3A_76 = tpu.memref_squeeze %dma_wait3A_75 : memref<1x125xi32, #tpu.memory_space<vmem>> -> memref<125xi32, #tpu.memory_space<vmem>>
    %dma_wait3A_77 = arith.constant 0 : i32
    %dma_wait3A_78 = arith.constant 0 : i32
    %dma_wait3A_79 = tpu.memref_slice %arg2[%dma_wait3A_77, %dma_wait3A_78] : memref<10000x128xf32, #tpu.memory_space<hbm>> -> memref<10000x128xf32, #tpu.memory_space<hbm>>
    tpu.wait_indirect_dma semaphore(%arg13 : memref<!tpu.dma_semaphore, #tpu.memory_space<semaphore_mem>>) src(%dma_wait3A_79 : memref<10000x128xf32, #tpu.memory_space<hbm>>) dst(%arg8 : memref<125x128xf32, #tpu.memory_space<vmem>>)
    %dma_start3A_80 = arith.constant 6 : i32
    %dma_start3A_81 = arith.constant 0 : i32
    %dma_start3A_82 = tpu.memref_slice %arg6[%dma_start3A_80, %dma_start3A_81] : memref<10x125xi32, #tpu.memory_space<vmem>> -> memref<1x125xi32, #tpu.memory_space<vmem>>
    %dma_start3A_83 = tpu.memref_squeeze %dma_start3A_82 : memref<1x125xi32, #tpu.memory_space<vmem>> -> memref<125xi32, #tpu.memory_space<vmem>>
    %dma_start3A_84 = arith.constant 0 : i32
    %dma_start3A_85 = arith.constant 0 : i32
    %dma_start3A_86 = tpu.memref_slice %arg2[%dma_start3A_84, %dma_start3A_85] : memref<10000x128xf32, #tpu.memory_space<hbm>> -> memref<10000x128xf32, #tpu.memory_space<hbm>>
    tpu.enqueue_indirect_dma source(%dma_start3A_86 : memref<10000x128xf32, #tpu.memory_space<hbm>>) target(%arg9 : memref<125x128xf32, #tpu.memory_space<vmem>>) offsets(%dma_start3A_83 : memref<125xi32, #tpu.memory_space<vmem>>) semaphore(%arg14 : memref<!tpu.dma_semaphore, #tpu.memory_space<semaphore_mem>>)
    %run_scoped3A_87 = arith.constant 5 : i32
    "tpu.region"() ({
      %run_scoped3A_196 = tpu.sem_alloc : memref<!tpu.dma_semaphore, #tpu.memory_space<semaphore_mem>>
      %dma_start3A_197 = arith.constant 0 : i32
      %dma_start3A_198 = tpu.memref_slice %arg6[%run_scoped3A_87, %dma_start3A_197] : memref<10x125xi32, #tpu.memory_space<vmem>> -> memref<1x125xi32, #tpu.memory_space<vmem>>
      %dma_start3A_199 = tpu.memref_squeeze %dma_start3A_198 : memref<1x125xi32, #tpu.memory_space<vmem>> -> memref<125xi32, #tpu.memory_space<vmem>>
      %dma_start3A_200 = arith.constant 0 : i32
      %dma_start3A_201 = arith.constant 0 : i32
      %dma_start3A_202 = tpu.memref_slice %arg10[%dma_start3A_200, %dma_start3A_201] : memref<10240x128xf32, #tpu.memory_space<vmem_shared>> -> memref<10240x128xf32, #tpu.memory_space<vmem_shared>>
      tpu.enqueue_indirect_dma source(%arg8 : memref<125x128xf32, #tpu.memory_space<vmem>>) target(%dma_start3A_202 : memref<10240x128xf32, #tpu.memory_space<vmem_shared>>) offsets(%dma_start3A_199 : memref<125xi32, #tpu.memory_space<vmem>>) semaphore(%run_scoped3A_196 : memref<!tpu.dma_semaphore, #tpu.memory_space<semaphore_mem>>) {add = true}
      %dma_wait3A_203 = arith.constant 0 : i32
      %dma_wait3A_204 = tpu.memref_slice %arg6[%run_scoped3A_87, %dma_wait3A_203] : memref<10x125xi32, #tpu.memory_space<vmem>> -> memref<1x125xi32, #tpu.memory_space<vmem>>
      %dma_wait3A_205 = tpu.memref_squeeze %dma_wait3A_204 : memref<1x125xi32, #tpu.memory_space<vmem>> -> memref<125xi32, #tpu.memory_space<vmem>>
      %dma_wait3A_206 = arith.constant 0 : i32
      %dma_wait3A_207 = arith.constant 0 : i32
      %dma_wait3A_208 = tpu.memref_slice %arg10[%dma_wait3A_206, %dma_wait3A_207] : memref<10240x128xf32, #tpu.memory_space<vmem_shared>> -> memref<10240x128xf32, #tpu.memory_space<vmem_shared>>
      tpu.wait_indirect_dma semaphore(%run_scoped3A_196 : memref<!tpu.dma_semaphore, #tpu.memory_space<semaphore_mem>>) src(%arg8 : memref<125x128xf32, #tpu.memory_space<vmem>>) dst(%dma_wait3A_208 : memref<10240x128xf32, #tpu.memory_space<vmem_shared>>)
      tpu.yield
    }) : () -> ()
    %dma_wait3A_88 = arith.constant 6 : i32
    %dma_wait3A_89 = arith.constant 0 : i32
    %dma_wait3A_90 = tpu.memref_slice %arg6[%dma_wait3A_88, %dma_wait3A_89] : memref<10x125xi32, #tpu.memory_space<vmem>> -> memref<1x125xi32, #tpu.memory_space<vmem>>
    %dma_wait3A_91 = tpu.memref_squeeze %dma_wait3A_90 : memref<1x125xi32, #tpu.memory_space<vmem>> -> memref<125xi32, #tpu.memory_space<vmem>>
    %dma_wait3A_92 = arith.constant 0 : i32
    %dma_wait3A_93 = arith.constant 0 : i32
    %dma_wait3A_94 = tpu.memref_slice %arg2[%dma_wait3A_92, %dma_wait3A_93] : memref<10000x128xf32, #tpu.memory_space<hbm>> -> memref<10000x128xf32, #tpu.memory_space<hbm>>
    tpu.wait_indirect_dma semaphore(%arg14 : memref<!tpu.dma_semaphore, #tpu.memory_space<semaphore_mem>>) src(%dma_wait3A_94 : memref<10000x128xf32, #tpu.memory_space<hbm>>) dst(%arg9 : memref<125x128xf32, #tpu.memory_space<vmem>>)
    %dma_start3A_95 = arith.constant 8 : i32
    %dma_start3A_96 = arith.constant 0 : i32
    %dma_start3A_97 = tpu.memref_slice %arg6[%dma_start3A_95, %dma_start3A_96] : memref<10x125xi32, #tpu.memory_space<vmem>> -> memref<1x125xi32, #tpu.memory_space<vmem>>
    %dma_start3A_98 = tpu.memref_squeeze %dma_start3A_97 : memref<1x125xi32, #tpu.memory_space<vmem>> -> memref<125xi32, #tpu.memory_space<vmem>>
    %dma_start3A_99 = arith.constant 0 : i32
    %dma_start3A_100 = arith.constant 0 : i32
    %dma_start3A_101 = tpu.memref_slice %arg2[%dma_start3A_99, %dma_start3A_100] : memref<10000x128xf32, #tpu.memory_space<hbm>> -> memref<10000x128xf32, #tpu.memory_space<hbm>>
    tpu.enqueue_indirect_dma source(%dma_start3A_101 : memref<10000x128xf32, #tpu.memory_space<hbm>>) target(%arg8 : memref<125x128xf32, #tpu.memory_space<vmem>>) offsets(%dma_start3A_98 : memref<125xi32, #tpu.memory_space<vmem>>) semaphore(%arg13 : memref<!tpu.dma_semaphore, #tpu.memory_space<semaphore_mem>>)
    %run_scoped3A_102 = arith.constant 7 : i32
    "tpu.region"() ({
      %run_scoped3A_196 = tpu.sem_alloc : memref<!tpu.dma_semaphore, #tpu.memory_space<semaphore_mem>>
      %dma_start3A_197 = arith.constant 0 : i32
      %dma_start3A_198 = tpu.memref_slice %arg6[%run_scoped3A_102, %dma_start3A_197] : memref<10x125xi32, #tpu.memory_space<vmem>> -> memref<1x125xi32, #tpu.memory_space<vmem>>
      %dma_start3A_199 = tpu.memref_squeeze %dma_start3A_198 : memref<1x125xi32, #tpu.memory_space<vmem>> -> memref<125xi32, #tpu.memory_space<vmem>>
      %dma_start3A_200 = arith.constant 0 : i32
      %dma_start3A_201 = arith.constant 0 : i32
      %dma_start3A_202 = tpu.memref_slice %arg10[%dma_start3A_200, %dma_start3A_201] : memref<10240x128xf32, #tpu.memory_space<vmem_shared>> -> memref<10240x128xf32, #tpu.memory_space<vmem_shared>>
      tpu.enqueue_indirect_dma source(%arg9 : memref<125x128xf32, #tpu.memory_space<vmem>>) target(%dma_start3A_202 : memref<10240x128xf32, #tpu.memory_space<vmem_shared>>) offsets(%dma_start3A_199 : memref<125xi32, #tpu.memory_space<vmem>>) semaphore(%run_scoped3A_196 : memref<!tpu.dma_semaphore, #tpu.memory_space<semaphore_mem>>) {add = true}
      %dma_wait3A_203 = arith.constant 0 : i32
      %dma_wait3A_204 = tpu.memref_slice %arg6[%run_scoped3A_102, %dma_wait3A_203] : memref<10x125xi32, #tpu.memory_space<vmem>> -> memref<1x125xi32, #tpu.memory_space<vmem>>
      %dma_wait3A_205 = tpu.memref_squeeze %dma_wait3A_204 : memref<1x125xi32, #tpu.memory_space<vmem>> -> memref<125xi32, #tpu.memory_space<vmem>>
      %dma_wait3A_206 = arith.constant 0 : i32
      %dma_wait3A_207 = arith.constant 0 : i32
      %dma_wait3A_208 = tpu.memref_slice %arg10[%dma_wait3A_206, %dma_wait3A_207] : memref<10240x128xf32, #tpu.memory_space<vmem_shared>> -> memref<10240x128xf32, #tpu.memory_space<vmem_shared>>
      tpu.wait_indirect_dma semaphore(%run_scoped3A_196 : memref<!tpu.dma_semaphore, #tpu.memory_space<semaphore_mem>>) src(%arg9 : memref<125x128xf32, #tpu.memory_space<vmem>>) dst(%dma_wait3A_208 : memref<10240x128xf32, #tpu.memory_space<vmem_shared>>)
      tpu.yield
    }) : () -> ()
    %dma_wait3A_103 = arith.constant 8 : i32
    %dma_wait3A_104 = arith.constant 0 : i32
    %dma_wait3A_105 = tpu.memref_slice %arg6[%dma_wait3A_103, %dma_wait3A_104] : memref<10x125xi32, #tpu.memory_space<vmem>> -> memref<1x125xi32, #tpu.memory_space<vmem>>
    %dma_wait3A_106 = tpu.memref_squeeze %dma_wait3A_105 : memref<1x125xi32, #tpu.memory_space<vmem>> -> memref<125xi32, #tpu.memory_space<vmem>>
    %dma_wait3A_107 = arith.constant 0 : i32
    %dma_wait3A_108 = arith.constant 0 : i32
    %dma_wait3A_109 = tpu.memref_slice %arg2[%dma_wait3A_107, %dma_wait3A_108] : memref<10000x128xf32, #tpu.memory_space<hbm>> -> memref<10000x128xf32, #tpu.memory_space<hbm>>
    tpu.wait_indirect_dma semaphore(%arg13 : memref<!tpu.dma_semaphore, #tpu.memory_space<semaphore_mem>>) src(%dma_wait3A_109 : memref<10000x128xf32, #tpu.memory_space<hbm>>) dst(%arg8 : memref<125x128xf32, #tpu.memory_space<vmem>>)
    %dma_wait3A_110 = arith.constant 0 : i32
    %dma_wait3A_111 = arith.constant 0 : i32
    %dma_wait3A_112 = arith.constant 0 : i32
    %dma_wait3A_113 = tpu.memref_slice %arg3[%add3A, %dma_wait3A_110, %dma_wait3A_111, %dma_wait3A_112] : memref<32x8x10x125xi32, #tpu.memory_space<hbm>> -> memref<1x1x10x125xi32, #tpu.memory_space<hbm>>
    %dma_wait3A_114 = tpu.memref_squeeze %dma_wait3A_113 : memref<1x1x10x125xi32, #tpu.memory_space<hbm>> -> memref<10x125xi32, #tpu.memory_space<hbm>>
    %dma_wait3A_115 = arith.constant 0 : i32
    %dma_wait3A_116 = arith.constant 0 : i32
    %dma_wait3A_117 = tpu.memref_slice %arg3[%add3A, %dma_wait3A_110, %dma_wait3A_115, %dma_wait3A_116] : memref<32x8x10x125xi32, #tpu.memory_space<hbm>> -> memref<1x1x10x125xi32, #tpu.memory_space<hbm>>
    %dma_wait3A_118 = tpu.memref_squeeze %dma_wait3A_117 : memref<1x1x10x125xi32, #tpu.memory_space<hbm>> -> memref<10x125xi32, #tpu.memory_space<hbm>>
    tpu.wait_dma2 semaphore(%arg12 : memref<!tpu.dma_semaphore, #tpu.memory_space<semaphore_mem>>) src(%dma_wait3A_118 : memref<10x125xi32, #tpu.memory_space<hbm>>) dst(%arg7 : memref<10x125xi32, #tpu.memory_space<vmem>>)
    %dma_start3A_119 = arith.constant 0 : i32
    %dma_start3A_120 = arith.constant 0 : i32
    %dma_start3A_121 = tpu.memref_slice %arg7[%dma_start3A_119, %dma_start3A_120] : memref<10x125xi32, #tpu.memory_space<vmem>> -> memref<1x125xi32, #tpu.memory_space<vmem>>
    %dma_start3A_122 = tpu.memref_squeeze %dma_start3A_121 : memref<1x125xi32, #tpu.memory_space<vmem>> -> memref<125xi32, #tpu.memory_space<vmem>>
    %dma_start3A_123 = arith.constant 0 : i32
    %dma_start3A_124 = arith.constant 0 : i32
    %dma_start3A_125 = tpu.memref_slice %arg2[%dma_start3A_123, %dma_start3A_124] : memref<10000x128xf32, #tpu.memory_space<hbm>> -> memref<10000x128xf32, #tpu.memory_space<hbm>>
    tpu.enqueue_indirect_dma source(%dma_start3A_125 : memref<10000x128xf32, #tpu.memory_space<hbm>>) target(%arg9 : memref<125x128xf32, #tpu.memory_space<vmem>>) offsets(%dma_start3A_122 : memref<125xi32, #tpu.memory_space<vmem>>) semaphore(%arg14 : memref<!tpu.dma_semaphore, #tpu.memory_space<semaphore_mem>>)
    %run_scoped3A_126 = arith.constant 9 : i32
    "tpu.region"() ({
      %run_scoped3A_196 = tpu.sem_alloc : memref<!tpu.dma_semaphore, #tpu.memory_space<semaphore_mem>>
      %dma_start3A_197 = arith.constant 0 : i32
      %dma_start3A_198 = tpu.memref_slice %arg6[%run_scoped3A_126, %dma_start3A_197] : memref<10x125xi32, #tpu.memory_space<vmem>> -> memref<1x125xi32, #tpu.memory_space<vmem>>
      %dma_start3A_199 = tpu.memref_squeeze %dma_start3A_198 : memref<1x125xi32, #tpu.memory_space<vmem>> -> memref<125xi32, #tpu.memory_space<vmem>>
      %dma_start3A_200 = arith.constant 0 : i32
      %dma_start3A_201 = arith.constant 0 : i32
      %dma_start3A_202 = tpu.memref_slice %arg10[%dma_start3A_200, %dma_start3A_201] : memref<10240x128xf32, #tpu.memory_space<vmem_shared>> -> memref<10240x128xf32, #tpu.memory_space<vmem_shared>>
      tpu.enqueue_indirect_dma source(%arg8 : memref<125x128xf32, #tpu.memory_space<vmem>>) target(%dma_start3A_202 : memref<10240x128xf32, #tpu.memory_space<vmem_shared>>) offsets(%dma_start3A_199 : memref<125xi32, #tpu.memory_space<vmem>>) semaphore(%run_scoped3A_196 : memref<!tpu.dma_semaphore, #tpu.memory_space<semaphore_mem>>) {add = true}
      %dma_wait3A_203 = arith.constant 0 : i32
      %dma_wait3A_204 = tpu.memref_slice %arg6[%run_scoped3A_126, %dma_wait3A_203] : memref<10x125xi32, #tpu.memory_space<vmem>> -> memref<1x125xi32, #tpu.memory_space<vmem>>
      %dma_wait3A_205 = tpu.memref_squeeze %dma_wait3A_204 : memref<1x125xi32, #tpu.memory_space<vmem>> -> memref<125xi32, #tpu.memory_space<vmem>>
      %dma_wait3A_206 = arith.constant 0 : i32
      %dma_wait3A_207 = arith.constant 0 : i32
      %dma_wait3A_208 = tpu.memref_slice %arg10[%dma_wait3A_206, %dma_wait3A_207] : memref<10240x128xf32, #tpu.memory_space<vmem_shared>> -> memref<10240x128xf32, #tpu.memory_space<vmem_shared>>
      tpu.wait_indirect_dma semaphore(%run_scoped3A_196 : memref<!tpu.dma_semaphore, #tpu.memory_space<semaphore_mem>>) src(%arg8 : memref<125x128xf32, #tpu.memory_space<vmem>>) dst(%dma_wait3A_208 : memref<10240x128xf32, #tpu.memory_space<vmem_shared>>)
      tpu.yield
    }) : () -> ()
    %dma_wait3A_127 = arith.constant 0 : i32
    %dma_wait3A_128 = arith.constant 0 : i32
    %dma_wait3A_129 = tpu.memref_slice %arg7[%dma_wait3A_127, %dma_wait3A_128] : memref<10x125xi32, #tpu.memory_space<vmem>> -> memref<1x125xi32, #tpu.memory_space<vmem>>
    %dma_wait3A_130 = tpu.memref_squeeze %dma_wait3A_129 : memref<1x125xi32, #tpu.memory_space<vmem>> -> memref<125xi32, #tpu.memory_space<vmem>>
    %dma_wait3A_131 = arith.constant 0 : i32
    %dma_wait3A_132 = arith.constant 0 : i32
    %dma_wait3A_133 = tpu.memref_slice %arg2[%dma_wait3A_131, %dma_wait3A_132] : memref<10000x128xf32, #tpu.memory_space<hbm>> -> memref<10000x128xf32, #tpu.memory_space<hbm>>
    tpu.wait_indirect_dma semaphore(%arg14 : memref<!tpu.dma_semaphore, #tpu.memory_space<semaphore_mem>>) src(%dma_wait3A_133 : memref<10000x128xf32, #tpu.memory_space<hbm>>) dst(%arg9 : memref<125x128xf32, #tpu.memory_space<vmem>>)
    %dma_start3A_134 = arith.constant 2 : i32
    %dma_start3A_135 = arith.constant 0 : i32
    %dma_start3A_136 = tpu.memref_slice %arg7[%dma_start3A_134, %dma_start3A_135] : memref<10x125xi32, #tpu.memory_space<vmem>> -> memref<1x125xi32, #tpu.memory_space<vmem>>
    %dma_start3A_137 = tpu.memref_squeeze %dma_start3A_136 : memref<1x125xi32, #tpu.memory_space<vmem>> -> memref<125xi32, #tpu.memory_space<vmem>>
    %dma_start3A_138 = arith.constant 0 : i32
    %dma_start3A_139 = arith.constant 0 : i32
    %dma_start3A_140 = tpu.memref_slice %arg2[%dma_start3A_138, %dma_start3A_139] : memref<10000x128xf32, #tpu.memory_space<hbm>> -> memref<10000x128xf32, #tpu.memory_space<hbm>>
    tpu.enqueue_indirect_dma source(%dma_start3A_140 : memref<10000x128xf32, #tpu.memory_space<hbm>>) target(%arg8 : memref<125x128xf32, #tpu.memory_space<vmem>>) offsets(%dma_start3A_137 : memref<125xi32, #tpu.memory_space<vmem>>) semaphore(%arg13 : memref<!tpu.dma_semaphore, #tpu.memory_space<semaphore_mem>>)
    %run_scoped3A_141 = arith.constant 1 : i32
    "tpu.region"() ({
      %run_scoped3A_196 = tpu.sem_alloc : memref<!tpu.dma_semaphore, #tpu.memory_space<semaphore_mem>>
      %dma_start3A_197 = arith.constant 0 : i32
      %dma_start3A_198 = tpu.memref_slice %arg7[%run_scoped3A_141, %dma_start3A_197] : memref<10x125xi32, #tpu.memory_space<vmem>> -> memref<1x125xi32, #tpu.memory_space<vmem>>
      %dma_start3A_199 = tpu.memref_squeeze %dma_start3A_198 : memref<1x125xi32, #tpu.memory_space<vmem>> -> memref<125xi32, #tpu.memory_space<vmem>>
      %dma_start3A_200 = arith.constant 0 : i32
      %dma_start3A_201 = arith.constant 0 : i32
      %dma_start3A_202 = tpu.memref_slice %arg10[%dma_start3A_200, %dma_start3A_201] : memref<10240x128xf32, #tpu.memory_space<vmem_shared>> -> memref<10240x128xf32, #tpu.memory_space<vmem_shared>>
      tpu.enqueue_indirect_dma source(%arg9 : memref<125x128xf32, #tpu.memory_space<vmem>>) target(%dma_start3A_202 : memref<10240x128xf32, #tpu.memory_space<vmem_shared>>) offsets(%dma_start3A_199 : memref<125xi32, #tpu.memory_space<vmem>>) semaphore(%run_scoped3A_196 : memref<!tpu.dma_semaphore, #tpu.memory_space<semaphore_mem>>) {add = true}
      %dma_wait3A_203 = arith.constant 0 : i32
      %dma_wait3A_204 = tpu.memref_slice %arg7[%run_scoped3A_141, %dma_wait3A_203] : memref<10x125xi32, #tpu.memory_space<vmem>> -> memref<1x125xi32, #tpu.memory_space<vmem>>
      %dma_wait3A_205 = tpu.memref_squeeze %dma_wait3A_204 : memref<1x125xi32, #tpu.memory_space<vmem>> -> memref<125xi32, #tpu.memory_space<vmem>>
      %dma_wait3A_206 = arith.constant 0 : i32
      %dma_wait3A_207 = arith.constant 0 : i32
      %dma_wait3A_208 = tpu.memref_slice %arg10[%dma_wait3A_206, %dma_wait3A_207] : memref<10240x128xf32, #tpu.memory_space<vmem_shared>> -> memref<10240x128xf32, #tpu.memory_space<vmem_shared>>
      tpu.wait_indirect_dma semaphore(%run_scoped3A_196 : memref<!tpu.dma_semaphore, #tpu.memory_space<semaphore_mem>>) src(%arg9 : memref<125x128xf32, #tpu.memory_space<vmem>>) dst(%dma_wait3A_208 : memref<10240x128xf32, #tpu.memory_space<vmem_shared>>)
      tpu.yield
    }) : () -> ()
    %dma_wait3A_142 = arith.constant 2 : i32
    %dma_wait3A_143 = arith.constant 0 : i32
    %dma_wait3A_144 = tpu.memref_slice %arg7[%dma_wait3A_142, %dma_wait3A_143] : memref<10x125xi32, #tpu.memory_space<vmem>> -> memref<1x125xi32, #tpu.memory_space<vmem>>
    %dma_wait3A_145 = tpu.memref_squeeze %dma_wait3A_144 : memref<1x125xi32, #tpu.memory_space<vmem>> -> memref<125xi32, #tpu.memory_space<vmem>>
    %dma_wait3A_146 = arith.constant 0 : i32
    %dma_wait3A_147 = arith.constant 0 : i32
    %dma_wait3A_148 = tpu.memref_slice %arg2[%dma_wait3A_146, %dma_wait3A_147] : memref<10000x128xf32, #tpu.memory_space<hbm>> -> memref<10000x128xf32, #tpu.memory_space<hbm>>
    tpu.wait_indirect_dma semaphore(%arg13 : memref<!tpu.dma_semaphore, #tpu.memory_space<semaphore_mem>>) src(%dma_wait3A_148 : memref<10000x128xf32, #tpu.memory_space<hbm>>) dst(%arg8 : memref<125x128xf32, #tpu.memory_space<vmem>>)
    %dma_start3A_149 = arith.constant 4 : i32
    %dma_start3A_150 = arith.constant 0 : i32
    %dma_start3A_151 = tpu.memref_slice %arg7[%dma_start3A_149, %dma_start3A_150] : memref<10x125xi32, #tpu.memory_space<vmem>> -> memref<1x125xi32, #tpu.memory_space<vmem>>
    %dma_start3A_152 = tpu.memref_squeeze %dma_start3A_151 : memref<1x125xi32, #tpu.memory_space<vmem>> -> memref<125xi32, #tpu.memory_space<vmem>>
    %dma_start3A_153 = arith.constant 0 : i32
    %dma_start3A_154 = arith.constant 0 : i32
    %dma_start3A_155 = tpu.memref_slice %arg2[%dma_start3A_153, %dma_start3A_154] : memref<10000x128xf32, #tpu.memory_space<hbm>> -> memref<10000x128xf32, #tpu.memory_space<hbm>>
    tpu.enqueue_indirect_dma source(%dma_start3A_155 : memref<10000x128xf32, #tpu.memory_space<hbm>>) target(%arg9 : memref<125x128xf32, #tpu.memory_space<vmem>>) offsets(%dma_start3A_152 : memref<125xi32, #tpu.memory_space<vmem>>) semaphore(%arg14 : memref<!tpu.dma_semaphore, #tpu.memory_space<semaphore_mem>>)
    %run_scoped3A_156 = arith.constant 3 : i32
    "tpu.region"() ({
      %run_scoped3A_196 = tpu.sem_alloc : memref<!tpu.dma_semaphore, #tpu.memory_space<semaphore_mem>>
      %dma_start3A_197 = arith.constant 0 : i32
      %dma_start3A_198 = tpu.memref_slice %arg7[%run_scoped3A_156, %dma_start3A_197] : memref<10x125xi32, #tpu.memory_space<vmem>> -> memref<1x125xi32, #tpu.memory_space<vmem>>
      %dma_start3A_199 = tpu.memref_squeeze %dma_start3A_198 : memref<1x125xi32, #tpu.memory_space<vmem>> -> memref<125xi32, #tpu.memory_space<vmem>>
      %dma_start3A_200 = arith.constant 0 : i32
      %dma_start3A_201 = arith.constant 0 : i32
      %dma_start3A_202 = tpu.memref_slice %arg10[%dma_start3A_200, %dma_start3A_201] : memref<10240x128xf32, #tpu.memory_space<vmem_shared>> -> memref<10240x128xf32, #tpu.memory_space<vmem_shared>>
      tpu.enqueue_indirect_dma source(%arg8 : memref<125x128xf32, #tpu.memory_space<vmem>>) target(%dma_start3A_202 : memref<10240x128xf32, #tpu.memory_space<vmem_shared>>) offsets(%dma_start3A_199 : memref<125xi32, #tpu.memory_space<vmem>>) semaphore(%run_scoped3A_196 : memref<!tpu.dma_semaphore, #tpu.memory_space<semaphore_mem>>) {add = true}
      %dma_wait3A_203 = arith.constant 0 : i32
      %dma_wait3A_204 = tpu.memref_slice %arg7[%run_scoped3A_156, %dma_wait3A_203] : memref<10x125xi32, #tpu.memory_space<vmem>> -> memref<1x125xi32, #tpu.memory_space<vmem>>
      %dma_wait3A_205 = tpu.memref_squeeze %dma_wait3A_204 : memref<1x125xi32, #tpu.memory_space<vmem>> -> memref<125xi32, #tpu.memory_space<vmem>>
      %dma_wait3A_206 = arith.constant 0 : i32
      %dma_wait3A_207 = arith.constant 0 : i32
      %dma_wait3A_208 = tpu.memref_slice %arg10[%dma_wait3A_206, %dma_wait3A_207] : memref<10240x128xf32, #tpu.memory_space<vmem_shared>> -> memref<10240x128xf32, #tpu.memory_space<vmem_shared>>
      tpu.wait_indirect_dma semaphore(%run_scoped3A_196 : memref<!tpu.dma_semaphore, #tpu.memory_space<semaphore_mem>>) src(%arg8 : memref<125x128xf32, #tpu.memory_space<vmem>>) dst(%dma_wait3A_208 : memref<10240x128xf32, #tpu.memory_space<vmem_shared>>)
      tpu.yield
    }) : () -> ()
    %dma_wait3A_157 = arith.constant 4 : i32
    %dma_wait3A_158 = arith.constant 0 : i32
    %dma_wait3A_159 = tpu.memref_slice %arg7[%dma_wait3A_157, %dma_wait3A_158] : memref<10x125xi32, #tpu.memory_space<vmem>> -> memref<1x125xi32, #tpu.memory_space<vmem>>
    %dma_wait3A_160 = tpu.memref_squeeze %dma_wait3A_159 : memref<1x125xi32, #tpu.memory_space<vmem>> -> memref<125xi32, #tpu.memory_space<vmem>>
    %dma_wait3A_161 = arith.constant 0 : i32
    %dma_wait3A_162 = arith.constant 0 : i32
    %dma_wait3A_163 = tpu.memref_slice %arg2[%dma_wait3A_161, %dma_wait3A_162] : memref<10000x128xf32, #tpu.memory_space<hbm>> -> memref<10000x128xf32, #tpu.memory_space<hbm>>
    tpu.wait_indirect_dma semaphore(%arg14 : memref<!tpu.dma_semaphore, #tpu.memory_space<semaphore_mem>>) src(%dma_wait3A_163 : memref<10000x128xf32, #tpu.memory_space<hbm>>) dst(%arg9 : memref<125x128xf32, #tpu.memory_space<vmem>>)
    %dma_start3A_164 = arith.constant 6 : i32
    %dma_start3A_165 = arith.constant 0 : i32
    %dma_start3A_166 = tpu.memref_slice %arg7[%dma_start3A_164, %dma_start3A_165] : memref<10x125xi32, #tpu.memory_space<vmem>> -> memref<1x125xi32, #tpu.memory_space<vmem>>
    %dma_start3A_167 = tpu.memref_squeeze %dma_start3A_166 : memref<1x125xi32, #tpu.memory_space<vmem>> -> memref<125xi32, #tpu.memory_space<vmem>>
    %dma_start3A_168 = arith.constant 0 : i32
    %dma_start3A_169 = arith.constant 0 : i32
    %dma_start3A_170 = tpu.memref_slice %arg2[%dma_start3A_168, %dma_start3A_169] : memref<10000x128xf32, #tpu.memory_space<hbm>> -> memref<10000x128xf32, #tpu.memory_space<hbm>>
    tpu.enqueue_indirect_dma source(%dma_start3A_170 : memref<10000x128xf32, #tpu.memory_space<hbm>>) target(%arg8 : memref<125x128xf32, #tpu.memory_space<vmem>>) offsets(%dma_start3A_167 : memref<125xi32, #tpu.memory_space<vmem>>) semaphore(%arg13 : memref<!tpu.dma_semaphore, #tpu.memory_space<semaphore_mem>>)
    %run_scoped3A_171 = arith.constant 5 : i32
    "tpu.region"() ({
      %run_scoped3A_196 = tpu.sem_alloc : memref<!tpu.dma_semaphore, #tpu.memory_space<semaphore_mem>>
      %dma_start3A_197 = arith.constant 0 : i32
      %dma_start3A_198 = tpu.memref_slice %arg7[%run_scoped3A_171, %dma_start3A_197] : memref<10x125xi32, #tpu.memory_space<vmem>> -> memref<1x125xi32, #tpu.memory_space<vmem>>
      %dma_start3A_199 = tpu.memref_squeeze %dma_start3A_198 : memref<1x125xi32, #tpu.memory_space<vmem>> -> memref<125xi32, #tpu.memory_space<vmem>>
      %dma_start3A_200 = arith.constant 0 : i32
      %dma_start3A_201 = arith.constant 0 : i32
      %dma_start3A_202 = tpu.memref_slice %arg10[%dma_start3A_200, %dma_start3A_201] : memref<10240x128xf32, #tpu.memory_space<vmem_shared>> -> memref<10240x128xf32, #tpu.memory_space<vmem_shared>>
      tpu.enqueue_indirect_dma source(%arg9 : memref<125x128xf32, #tpu.memory_space<vmem>>) target(%dma_start3A_202 : memref<10240x128xf32, #tpu.memory_space<vmem_shared>>) offsets(%dma_start3A_199 : memref<125xi32, #tpu.memory_space<vmem>>) semaphore(%run_scoped3A_196 : memref<!tpu.dma_semaphore, #tpu.memory_space<semaphore_mem>>) {add = true}
      %dma_wait3A_203 = arith.constant 0 : i32
      %dma_wait3A_204 = tpu.memref_slice %arg7[%run_scoped3A_171, %dma_wait3A_203] : memref<10x125xi32, #tpu.memory_space<vmem>> -> memref<1x125xi32, #tpu.memory_space<vmem>>
      %dma_wait3A_205 = tpu.memref_squeeze %dma_wait3A_204 : memref<1x125xi32, #tpu.memory_space<vmem>> -> memref<125xi32, #tpu.memory_space<vmem>>
      %dma_wait3A_206 = arith.constant 0 : i32
      %dma_wait3A_207 = arith.constant 0 : i32
      %dma_wait3A_208 = tpu.memref_slice %arg10[%dma_wait3A_206, %dma_wait3A_207] : memref<10240x128xf32, #tpu.memory_space<vmem_shared>> -> memref<10240x128xf32, #tpu.memory_space<vmem_shared>>
      tpu.wait_indirect_dma semaphore(%run_scoped3A_196 : memref<!tpu.dma_semaphore, #tpu.memory_space<semaphore_mem>>) src(%arg9 : memref<125x128xf32, #tpu.memory_space<vmem>>) dst(%dma_wait3A_208 : memref<10240x128xf32, #tpu.memory_space<vmem_shared>>)
      tpu.yield
    }) : () -> ()
    %dma_wait3A_172 = arith.constant 6 : i32
    %dma_wait3A_173 = arith.constant 0 : i32
    %dma_wait3A_174 = tpu.memref_slice %arg7[%dma_wait3A_172, %dma_wait3A_173] : memref<10x125xi32, #tpu.memory_space<vmem>> -> memref<1x125xi32, #tpu.memory_space<vmem>>
    %dma_wait3A_175 = tpu.memref_squeeze %dma_wait3A_174 : memref<1x125xi32, #tpu.memory_space<vmem>> -> memref<125xi32, #tpu.memory_space<vmem>>
    %dma_wait3A_176 = arith.constant 0 : i32
    %dma_wait3A_177 = arith.constant 0 : i32
    %dma_wait3A_178 = tpu.memref_slice %arg2[%dma_wait3A_176, %dma_wait3A_177] : memref<10000x128xf32, #tpu.memory_space<hbm>> -> memref<10000x128xf32, #tpu.memory_space<hbm>>
    tpu.wait_indirect_dma semaphore(%arg13 : memref<!tpu.dma_semaphore, #tpu.memory_space<semaphore_mem>>) src(%dma_wait3A_178 : memref<10000x128xf32, #tpu.memory_space<hbm>>) dst(%arg8 : memref<125x128xf32, #tpu.memory_space<vmem>>)
    %dma_start3A_179 = arith.constant 8 : i32
    %dma_start3A_180 = arith.constant 0 : i32
    %dma_start3A_181 = tpu.memref_slice %arg7[%dma_start3A_179, %dma_start3A_180] : memref<10x125xi32, #tpu.memory_space<vmem>> -> memref<1x125xi32, #tpu.memory_space<vmem>>
    %dma_start3A_182 = tpu.memref_squeeze %dma_start3A_181 : memref<1x125xi32, #tpu.memory_space<vmem>> -> memref<125xi32, #tpu.memory_space<vmem>>
    %dma_start3A_183 = arith.constant 0 : i32
    %dma_start3A_184 = arith.constant 0 : i32
    %dma_start3A_185 = tpu.memref_slice %arg2[%dma_start3A_183, %dma_start3A_184] : memref<10000x128xf32, #tpu.memory_space<hbm>> -> memref<10000x128xf32, #tpu.memory_space<hbm>>
    tpu.enqueue_indirect_dma source(%dma_start3A_185 : memref<10000x128xf32, #tpu.memory_space<hbm>>) target(%arg9 : memref<125x128xf32, #tpu.memory_space<vmem>>) offsets(%dma_start3A_182 : memref<125xi32, #tpu.memory_space<vmem>>) semaphore(%arg14 : memref<!tpu.dma_semaphore, #tpu.memory_space<semaphore_mem>>)
    %run_scoped3A_186 = arith.constant 7 : i32
    "tpu.region"() ({
      %run_scoped3A_196 = tpu.sem_alloc : memref<!tpu.dma_semaphore, #tpu.memory_space<semaphore_mem>>
      %dma_start3A_197 = arith.constant 0 : i32
      %dma_start3A_198 = tpu.memref_slice %arg7[%run_scoped3A_186, %dma_start3A_197] : memref<10x125xi32, #tpu.memory_space<vmem>> -> memref<1x125xi32, #tpu.memory_space<vmem>>
      %dma_start3A_199 = tpu.memref_squeeze %dma_start3A_198 : memref<1x125xi32, #tpu.memory_space<vmem>> -> memref<125xi32, #tpu.memory_space<vmem>>
      %dma_start3A_200 = arith.constant 0 : i32
      %dma_start3A_201 = arith.constant 0 : i32
      %dma_start3A_202 = tpu.memref_slice %arg10[%dma_start3A_200, %dma_start3A_201] : memref<10240x128xf32, #tpu.memory_space<vmem_shared>> -> memref<10240x128xf32, #tpu.memory_space<vmem_shared>>
      tpu.enqueue_indirect_dma source(%arg8 : memref<125x128xf32, #tpu.memory_space<vmem>>) target(%dma_start3A_202 : memref<10240x128xf32, #tpu.memory_space<vmem_shared>>) offsets(%dma_start3A_199 : memref<125xi32, #tpu.memory_space<vmem>>) semaphore(%run_scoped3A_196 : memref<!tpu.dma_semaphore, #tpu.memory_space<semaphore_mem>>) {add = true}
      %dma_wait3A_203 = arith.constant 0 : i32
      %dma_wait3A_204 = tpu.memref_slice %arg7[%run_scoped3A_186, %dma_wait3A_203] : memref<10x125xi32, #tpu.memory_space<vmem>> -> memref<1x125xi32, #tpu.memory_space<vmem>>
      %dma_wait3A_205 = tpu.memref_squeeze %dma_wait3A_204 : memref<1x125xi32, #tpu.memory_space<vmem>> -> memref<125xi32, #tpu.memory_space<vmem>>
      %dma_wait3A_206 = arith.constant 0 : i32
      %dma_wait3A_207 = arith.constant 0 : i32
      %dma_wait3A_208 = tpu.memref_slice %arg10[%dma_wait3A_206, %dma_wait3A_207] : memref<10240x128xf32, #tpu.memory_space<vmem_shared>> -> memref<10240x128xf32, #tpu.memory_space<vmem_shared>>
      tpu.wait_indirect_dma semaphore(%run_scoped3A_196 : memref<!tpu.dma_semaphore, #tpu.memory_space<semaphore_mem>>) src(%arg8 : memref<125x128xf32, #tpu.memory_space<vmem>>) dst(%dma_wait3A_208 : memref<10240x128xf32, #tpu.memory_space<vmem_shared>>)
      tpu.yield
    }) : () -> ()
    %dma_wait3A_187 = arith.constant 8 : i32
    %dma_wait3A_188 = arith.constant 0 : i32
    %dma_wait3A_189 = tpu.memref_slice %arg7[%dma_wait3A_187, %dma_wait3A_188] : memref<10x125xi32, #tpu.memory_space<vmem>> -> memref<1x125xi32, #tpu.memory_space<vmem>>
    %dma_wait3A_190 = tpu.memref_squeeze %dma_wait3A_189 : memref<1x125xi32, #tpu.memory_space<vmem>> -> memref<125xi32, #tpu.memory_space<vmem>>
    %dma_wait3A_191 = arith.constant 0 : i32
    %dma_wait3A_192 = arith.constant 0 : i32
    %dma_wait3A_193 = tpu.memref_slice %arg2[%dma_wait3A_191, %dma_wait3A_192] : memref<10000x128xf32, #tpu.memory_space<hbm>> -> memref<10000x128xf32, #tpu.memory_space<hbm>>
    tpu.wait_indirect_dma semaphore(%arg14 : memref<!tpu.dma_semaphore, #tpu.memory_space<semaphore_mem>>) src(%dma_wait3A_193 : memref<10000x128xf32, #tpu.memory_space<hbm>>) dst(%arg9 : memref<125x128xf32, #tpu.memory_space<vmem>>)
    %run_scoped3A_194 = arith.constant 9 : i32
    "tpu.region"() ({
      %run_scoped3A_196 = tpu.sem_alloc : memref<!tpu.dma_semaphore, #tpu.memory_space<semaphore_mem>>
      %dma_start3A_197 = arith.constant 0 : i32
      %dma_start3A_198 = tpu.memref_slice %arg7[%run_scoped3A_194, %dma_start3A_197] : memref<10x125xi32, #tpu.memory_space<vmem>> -> memref<1x125xi32, #tpu.memory_space<vmem>>
      %dma_start3A_199 = tpu.memref_squeeze %dma_start3A_198 : memref<1x125xi32, #tpu.memory_space<vmem>> -> memref<125xi32, #tpu.memory_space<vmem>>
      %dma_start3A_200 = arith.constant 0 : i32
      %dma_start3A_201 = arith.constant 0 : i32
      %dma_start3A_202 = tpu.memref_slice %arg10[%dma_start3A_200, %dma_start3A_201] : memref<10240x128xf32, #tpu.memory_space<vmem_shared>> -> memref<10240x128xf32, #tpu.memory_space<vmem_shared>>
      tpu.enqueue_indirect_dma source(%arg9 : memref<125x128xf32, #tpu.memory_space<vmem>>) target(%dma_start3A_202 : memref<10240x128xf32, #tpu.memory_space<vmem_shared>>) offsets(%dma_start3A_199 : memref<125xi32, #tpu.memory_space<vmem>>) semaphore(%run_scoped3A_196 : memref<!tpu.dma_semaphore, #tpu.memory_space<semaphore_mem>>) {add = true}
      %dma_wait3A_203 = arith.constant 0 : i32
      %dma_wait3A_204 = tpu.memref_slice %arg7[%run_scoped3A_194, %dma_wait3A_203] : memref<10x125xi32, #tpu.memory_space<vmem>> -> memref<1x125xi32, #tpu.memory_space<vmem>>
      %dma_wait3A_205 = tpu.memref_squeeze %dma_wait3A_204 : memref<1x125xi32, #tpu.memory_space<vmem>> -> memref<125xi32, #tpu.memory_space<vmem>>
      %dma_wait3A_206 = arith.constant 0 : i32
      %dma_wait3A_207 = arith.constant 0 : i32
      %dma_wait3A_208 = tpu.memref_slice %arg10[%dma_wait3A_206, %dma_wait3A_207] : memref<10240x128xf32, #tpu.memory_space<vmem_shared>> -> memref<10240x128xf32, #tpu.memory_space<vmem_shared>>
      tpu.wait_indirect_dma semaphore(%run_scoped3A_196 : memref<!tpu.dma_semaphore, #tpu.memory_space<semaphore_mem>>) src(%arg9 : memref<125x128xf32, #tpu.memory_space<vmem>>) dst(%dma_wait3A_208 : memref<10240x128xf32, #tpu.memory_space<vmem_shared>>)
      tpu.yield
    }) : () -> ()
    %barrier3A_195 = arith.constant 0 : index
    tpu.barrier barrier_id(%barrier3A_195)
    "tpu.region"() ({
      %run_scoped3A_196 = tpu.sem_alloc : memref<!tpu.dma_semaphore, #tpu.memory_space<semaphore_mem>>
      %dma_start3A_197 = arith.constant 0 : i32
      %dma_start3A_198 = tpu.memref_slice %arg5[%arg0, %mul3A_2, %dma_start3A_197] : memref<2x10240x128xf32, #tpu.memory_space<hbm>> -> memref<1x640x128xf32, #tpu.memory_space<hbm>>
      %dma_start3A_199 = tpu.memref_squeeze %dma_start3A_198 : memref<1x640x128xf32, #tpu.memory_space<hbm>> -> memref<640x128xf32, #tpu.memory_space<hbm>>
      %dma_start3A_200 = arith.constant 0 : i32
      %dma_start3A_201 = tpu.memref_slice %arg10[%mul3A_2, %dma_start3A_200] : memref<10240x128xf32, #tpu.memory_space<vmem_shared>> -> memref<640x128xf32, #tpu.memory_space<vmem_shared>>
      tpu.enqueue_dma source(%dma_start3A_201 : memref<640x128xf32, #tpu.memory_space<vmem_shared>>) target(%dma_start3A_199 : memref<640x128xf32, #tpu.memory_space<hbm>>) target_semaphore(%run_scoped3A_196 : memref<!tpu.dma_semaphore, #tpu.memory_space<semaphore_mem>>)
      %dma_wait3A_202 = arith.constant 0 : i32
      %dma_wait3A_203 = tpu.memref_slice %arg5[%arg0, %mul3A_2, %dma_wait3A_202] : memref<2x10240x128xf32, #tpu.memory_space<hbm>> -> memref<1x640x128xf32, #tpu.memory_space<hbm>>
      %dma_wait3A_204 = tpu.memref_squeeze %dma_wait3A_203 : memref<1x640x128xf32, #tpu.memory_space<hbm>> -> memref<640x128xf32, #tpu.memory_space<hbm>>
      %dma_wait3A_205 = arith.constant 0 : i32
      %dma_wait3A_206 = tpu.memref_slice %arg10[%mul3A_2, %dma_wait3A_205] : memref<10240x128xf32, #tpu.memory_space<vmem_shared>> -> memref<640x128xf32, #tpu.memory_space<vmem_shared>>
      tpu.wait_dma2 semaphore(%run_scoped3A_196 : memref<!tpu.dma_semaphore, #tpu.memory_space<semaphore_mem>>) src(%dma_wait3A_206 : memref<640x128xf32, #tpu.memory_space<vmem_shared>>) dst(%dma_wait3A_204 : memref<640x128xf32, #tpu.memory_space<hbm>>)
      tpu.yield
    }) : () -> ()
    return
  }
}

module attributes {stable_mosaic.version = 14 : i64} {
  func.func @_tc_in_body(%arg0: i32, %arg1: memref<5000x256xf32, #tpu.memory_space<vmem>>, %arg2: memref<256x128xf32, #tpu.memory_space<vmem>>, %arg3: memref<256x128xf32, #tpu.memory_space<vmem>>, %arg4: memref<1x128xf32, #tpu.memory_space<vmem>>, %arg5: memref<5000x128xf32, #tpu.memory_space<vmem>>, %arg6: memref<5000x128xf32, #tpu.memory_space<vmem>>) attributes {dimension_semantics = [#tpu.dimension_semantics<arbitrary>], iteration_bounds = array<i64: 2>, scalar_prefetch = 0 : i64, scratch_operands = 0 : i64, tpu.core_type = #tpu.core_type<tc>, window_params = [{transform_indices = @transform_0, window_bounds = array<i64: 5000, 256>}, {pipeline_mode = #tpu.pipeline_mode<synchronous>, transform_indices = @transform_1, window_bounds = array<i64: 256, 128>}, {pipeline_mode = #tpu.pipeline_mode<synchronous>, transform_indices = @transform_2, window_bounds = array<i64: 256, 128>}, {pipeline_mode = #tpu.pipeline_mode<synchronous>, transform_indices = @transform_3, window_bounds = array<i64: 1, 128>}, {transform_indices = @transform_4, window_bounds = array<i64: 5000, 128>}, {transform_indices = @transform_5, window_bounds = array<i64: 5000, 128>}]} {
    %get3A = arith.constant 0 : index
    %get3A_0 = arith.constant 0 : index
    %get3A_1 = vector.load %arg1[%get3A, %get3A_0] : memref<5000x256xf32, #tpu.memory_space<vmem>>, vector<5000x256xf32>
    %get3A_2 = arith.constant 0 : index
    %get3A_3 = arith.constant 0 : index
    %get3A_4 = vector.load %arg2[%get3A_2, %get3A_3] : memref<256x128xf32, #tpu.memory_space<vmem>>, vector<256x128xf32>
    %get3A_5 = arith.constant 0 : index
    %get3A_6 = arith.constant 0 : index
    %get3A_7 = vector.load %arg3[%get3A_5, %get3A_6] : memref<256x128xf32, #tpu.memory_space<vmem>>, vector<256x128xf32>
    %concatenate3A = tpu.concatenate %get3A_4, %get3A_7 in 1 : vector<256x128xf32>, vector<256x128xf32> -> vector<256x256xf32>
    %dot_general3A = arith.constant dense<0.000000e+00> : vector<5000x256xf32>
    %dot_general3A_8 = tpu.matmul %get3A_1, %concatenate3A, %dot_general3A {dimension_numbers = #tpu.dot_dimension_numbers<[1], [0], [0], [1], [0, 0, 1, 1], [], []>, transpose_lhs_hint = false} : vector<5000x256xf32>, vector<256x256xf32>, vector<5000x256xf32> -> vector<5000x256xf32>
    %get3A_9 = arith.constant 0 : index
    %get3A_10 = arith.constant 0 : index
    %get3A_11 = vector.load %arg4[%get3A_9, %get3A_10] : memref<1x128xf32, #tpu.memory_space<vmem>>, vector<1x128xf32>
    %mul3A = arith.constant 0.999994993 : f32
    %mul3A_12 = vector.broadcast %mul3A : f32 to vector<1x128xf32>
    %mul3A_13 = arith.mulf %get3A_11, %mul3A_12 : vector<1x128xf32>
    %slice3A = vector.extract_strided_slice %dot_general3A_8 {offsets = [0, 0], sizes = [5000, 128], strides = [1, 1]} : vector<5000x256xf32> to vector<5000x128xf32>
    %mul3A_14 = vector.broadcast %mul3A_13 : vector<1x128xf32> to vector<5000x128xf32>
    %mul3A_15 = arith.mulf %slice3A, %mul3A_14 : vector<5000x128xf32>
    %swap3A = arith.constant 0 : index
    %swap3A_16 = arith.constant 0 : index
    %swap3A_17 = vector.load %arg5[%swap3A, %swap3A_16] : memref<5000x128xf32, #tpu.memory_space<vmem>>, vector<5000x128xf32>
    tpu.vector_store %arg5[%swap3A, %swap3A_16], %mul3A_15 {strides = array<i32>} : memref<5000x128xf32, #tpu.memory_space<vmem>>, vector<5000x128xf32>,
    %slice3A_18 = vector.extract_strided_slice %dot_general3A_8 {offsets = [0, 128], sizes = [5000, 128], strides = [1, 1]} : vector<5000x256xf32> to vector<5000x128xf32>
    %mul3A_19 = vector.broadcast %mul3A_13 : vector<1x128xf32> to vector<5000x128xf32>
    %mul3A_20 = arith.mulf %slice3A_18, %mul3A_19 : vector<5000x128xf32>
    %swap3A_21 = arith.constant 0 : index
    %swap3A_22 = arith.constant 0 : index
    %swap3A_23 = vector.load %arg6[%swap3A_21, %swap3A_22] : memref<5000x128xf32, #tpu.memory_space<vmem>>, vector<5000x128xf32>
    tpu.vector_store %arg6[%swap3A_21, %swap3A_22], %mul3A_20 {strides = array<i32>} : memref<5000x128xf32, #tpu.memory_space<vmem>>, vector<5000x128xf32>,
    return
  }
  func.func @transform_0(%arg0: i32) -> (i32, i32) {
    %c0_i32 = arith.constant 0 : i32
    %c0_i32_0 = arith.constant 0 : i32
    return %arg0, %c0_i32 : i32, i32
  }
  func.func @transform_1(%arg0: i32) -> (i32, i32) {
    %c0_i32 = arith.constant 0 : i32
    %c0_i32_0 = arith.constant 0 : i32
    %c0_i32_1 = arith.constant 0 : i32
    return %c0_i32, %c0_i32_0 : i32, i32
  }
  func.func @transform_2(%arg0: i32) -> (i32, i32) {
    %c0_i32 = arith.constant 0 : i32
    %c0_i32_0 = arith.constant 0 : i32
    %c0_i32_1 = arith.constant 0 : i32
    return %c0_i32, %c0_i32_0 : i32, i32
  }
  func.func @transform_3(%arg0: i32) -> (i32, i32) {
    %c0_i32 = arith.constant 0 : i32
    %c0_i32_0 = arith.constant 0 : i32
    %c0_i32_1 = arith.constant 0 : i32
    return %c0_i32, %c0_i32_0 : i32, i32
  }
  func.func @transform_4(%arg0: i32) -> (i32, i32) {
    %c0_i32 = arith.constant 0 : i32
    %c0_i32_0 = arith.constant 0 : i32
    return %arg0, %c0_i32 : i32, i32
  }
  func.func @transform_5(%arg0: i32) -> (i32, i32) {
    %c0_i32 = arith.constant 0 : i32
    %c0_i32_0 = arith.constant 0 : i32
    return %arg0, %c0_i32 : i32, i32
  }
}

module attributes {stable_mosaic.version = 14 : i64} {
  func.func @_tc_cnt_body(%arg0: i32, %arg1: memref<32x10240xf32, #tpu.memory_space<vmem>>, %arg2: memref<10240x1xf32, #tpu.memory_space<vmem>>) attributes {dimension_semantics = [#tpu.dimension_semantics<arbitrary>], iteration_bounds = array<i64: 1>, scalar_prefetch = 0 : i64, scratch_operands = 0 : i64, tpu.core_type = #tpu.core_type<tc>, window_params = [{pipeline_mode = #tpu.pipeline_mode<synchronous>, transform_indices = @transform_0, window_bounds = array<i64: 32, 10240>}, {pipeline_mode = #tpu.pipeline_mode<synchronous>, transform_indices = @transform_1, window_bounds = array<i64: 10240, 1>}]} {
    %get3A = arith.constant 0 : index
    %get3A_0 = arith.constant 0 : index
    %get3A_1 = vector.load %arg1[%get3A, %get3A_0] : memref<32x10240xf32, #tpu.memory_space<vmem>>, vector<32x10240xf32>
    %reduce_sum3A = arith.constant dense<0.000000e+00> : vector<10240xf32>
    %reduce_sum3A_2 = vector.multi_reduction <add>, %get3A_1, %reduce_sum3A [0] : vector<32x10240xf32> to vector<10240xf32>
    %max3A = arith.constant 1.000000e+00 : f32
    %max3A_3 = vector.broadcast %max3A : f32 to vector<10240xf32>
    %max3A_4 = arith.maximumf %reduce_sum3A_2, %max3A_3 : vector<10240xf32>
    %div3A = arith.constant 1.000000e+00 : f32
    %div3A_5 = vector.broadcast %div3A : f32 to vector<10240xf32>
    %div3A_6 = arith.divf %div3A_5, %max3A_4 : vector<10240xf32>
    %reshape3A = vector.shape_cast %div3A_6 : vector<10240xf32> to vector<10240x1xf32>
    %swap3A = arith.constant 0 : index
    %swap3A_7 = arith.constant 0 : index
    %swap3A_8 = vector.load %arg2[%swap3A, %swap3A_7] : memref<10240x1xf32, #tpu.memory_space<vmem>>, vector<10240x1xf32>
    tpu.vector_store %arg2[%swap3A, %swap3A_7], %reshape3A {strides = array<i32>} : memref<10240x1xf32, #tpu.memory_space<vmem>>, vector<10240x1xf32>,
    return
  }
  func.func @transform_0(%arg0: i32) -> (i32, i32) {
    %c0_i32 = arith.constant 0 : i32
    %c0_i32_0 = arith.constant 0 : i32
    %c0_i32_1 = arith.constant 0 : i32
    return %c0_i32, %c0_i32_0 : i32, i32
  }
  func.func @transform_1(%arg0: i32) -> (i32, i32) {
    %c0_i32 = arith.constant 0 : i32
    %c0_i32_0 = arith.constant 0 : i32
    %c0_i32_1 = arith.constant 0 : i32
    return %c0_i32, %c0_i32_0 : i32, i32
  }
}

module attributes {stable_mosaic.version = 14 : i64} {
  func.func @_tc_mid_body(%arg0: i32, %arg1: memref<2x5000x128xf32, #tpu.memory_space<vmem>>, %arg2: memref<5000x1xf32, #tpu.memory_space<vmem>>, %arg3: memref<5000x128xf32, #tpu.memory_space<vmem>>, %arg4: memref<1x128xf32, #tpu.memory_space<vmem>>, %arg5: memref<1x128xf32, #tpu.memory_space<vmem>>, %arg6: memref<1x128xf32, #tpu.memory_space<vmem>>, %arg7: memref<128x128xf32, #tpu.memory_space<vmem>>, %arg8: memref<128x128xf32, #tpu.memory_space<vmem>>, %arg9: memref<1x128xf32, #tpu.memory_space<vmem>>, %arg10: memref<5000x128xf32, #tpu.memory_space<vmem>>, %arg11: memref<5000x128xf32, #tpu.memory_space<vmem>>) attributes {dimension_semantics = [#tpu.dimension_semantics<arbitrary>], iteration_bounds = array<i64: 2>, scalar_prefetch = 0 : i64, scratch_operands = 0 : i64, tpu.core_type = #tpu.core_type<tc>, window_params = [{transform_indices = @transform_0, window_bounds = array<i64: 2, 5000, 128>}, {transform_indices = @transform_1, window_bounds = array<i64: 5000, 1>}, {transform_indices = @transform_2, window_bounds = array<i64: 5000, 128>}, {pipeline_mode = #tpu.pipeline_mode<synchronous>, transform_indices = @transform_3, window_bounds = array<i64: 1, 128>}, {pipeline_mode = #tpu.pipeline_mode<synchronous>, transform_indices = @transform_4, window_bounds = array<i64: 1, 128>}, {pipeline_mode = #tpu.pipeline_mode<synchronous>, transform_indices = @transform_5, window_bounds = array<i64: 1, 128>}, {pipeline_mode = #tpu.pipeline_mode<synchronous>, transform_indices = @transform_6, window_bounds = array<i64: 128, 128>}, {pipeline_mode = #tpu.pipeline_mode<synchronous>, transform_indices = @transform_7, window_bounds = array<i64: 128, 128>}, {pipeline_mode = #tpu.pipeline_mode<synchronous>, transform_indices = @transform_8, window_bounds = array<i64: 1, 128>}, {transform_indices = @transform_9, window_bounds = array<i64: 5000, 128>}, {transform_indices = @transform_10, window_bounds = array<i64: 5000, 128>}]} {
    %get3A = arith.constant 0 : index
    %get3A_0 = arith.constant 0 : index
    %get3A_1 = vector.load %arg5[%get3A, %get3A_0] : memref<1x128xf32, #tpu.memory_space<vmem>>, vector<1x128xf32>
    %get3A_2 = arith.constant 0 : index
    %get3A_3 = arith.constant 0 : index
    %get3A_4 = vector.load %arg4[%get3A_2, %get3A_3] : memref<1x128xf32, #tpu.memory_space<vmem>>, vector<1x128xf32>
    %mul3A = arith.constant 0.999994993 : f32
    %mul3A_5 = vector.broadcast %mul3A : f32 to vector<1x128xf32>
    %mul3A_6 = arith.mulf %get3A_4, %mul3A_5 : vector<1x128xf32>
    %mul3A_7 = arith.mulf %get3A_1, %mul3A_6 : vector<1x128xf32>
    %get3A_8 = arith.constant 0 : index
    %get3A_9 = arith.constant 0 : index
    %get3A_10 = vector.load %arg6[%get3A_8, %get3A_9] : memref<1x128xf32, #tpu.memory_space<vmem>>, vector<1x128xf32>
    %add3A = arith.addf %mul3A_7, %get3A_10 : vector<1x128xf32>
    %get3A_11 = arith.constant 0 : index
    %get3A_12 = arith.constant 0 : index
    %get3A_13 = arith.constant 0 : index
    %get3A_14 = vector.load %arg1[%get3A_11, %get3A_12, %get3A_13] : memref<2x5000x128xf32, #tpu.memory_space<vmem>>, vector<1x5000x128xf32>
    %get3A_15 = vector.shape_cast %get3A_14 : vector<1x5000x128xf32> to vector<5000x128xf32>
    %get3A_16 = arith.constant 1 : index
    %get3A_17 = arith.constant 0 : index
    %get3A_18 = arith.constant 0 : index
    %get3A_19 = vector.load %arg1[%get3A_16, %get3A_17, %get3A_18] : memref<2x5000x128xf32, #tpu.memory_space<vmem>>, vector<1x5000x128xf32>
    %get3A_20 = vector.shape_cast %get3A_19 : vector<1x5000x128xf32> to vector<5000x128xf32>
    %add3A_21 = arith.addf %get3A_15, %get3A_20 : vector<5000x128xf32>
    %get3A_22 = arith.constant 0 : index
    %get3A_23 = arith.constant 0 : index
    %get3A_24 = vector.load %arg2[%get3A_22, %get3A_23] : memref<5000x1xf32, #tpu.memory_space<vmem>>, vector<5000x1xf32>
    %mul3A_25 = vector.broadcast %get3A_24 : vector<5000x1xf32> to vector<5000x128xf32>
    %mul3A_26 = arith.mulf %add3A_21, %mul3A_25 : vector<5000x128xf32>
    %get3A_27 = arith.constant 0 : index
    %get3A_28 = arith.constant 0 : index
    %get3A_29 = vector.load %arg3[%get3A_27, %get3A_28] : memref<5000x128xf32, #tpu.memory_space<vmem>>, vector<5000x128xf32>
    %add3A_30 = arith.addf %mul3A_26, %get3A_29 : vector<5000x128xf32>
    %add3A_31 = vector.broadcast %add3A : vector<1x128xf32> to vector<5000x128xf32>
    %add3A_32 = arith.addf %add3A_30, %add3A_31 : vector<5000x128xf32>
    %max3A = arith.constant 0.000000e+00 : f32
    %max3A_33 = vector.broadcast %max3A : f32 to vector<5000x128xf32>
    %max3A_34 = arith.maximumf %add3A_32, %max3A_33 : vector<5000x128xf32>
    %get3A_35 = arith.constant 0 : index
    %get3A_36 = arith.constant 0 : index
    %get3A_37 = vector.load %arg7[%get3A_35, %get3A_36] : memref<128x128xf32, #tpu.memory_space<vmem>>, vector<128x128xf32>
    %get3A_38 = arith.constant 0 : index
    %get3A_39 = arith.constant 0 : index
    %get3A_40 = vector.load %arg8[%get3A_38, %get3A_39] : memref<128x128xf32, #tpu.memory_space<vmem>>, vector<128x128xf32>
    %concatenate3A = tpu.concatenate %get3A_37, %get3A_40 in 1 : vector<128x128xf32>, vector<128x128xf32> -> vector<128x256xf32>
    %dot_general3A = arith.constant dense<0.000000e+00> : vector<5000x256xf32>
    %dot_general3A_41 = tpu.matmul %max3A_34, %concatenate3A, %dot_general3A {dimension_numbers = #tpu.dot_dimension_numbers<[1], [0], [0], [1], [0, 0, 1, 1], [], []>, transpose_lhs_hint = false} : vector<5000x128xf32>, vector<128x256xf32>, vector<5000x256xf32> -> vector<5000x256xf32>
    %get3A_42 = arith.constant 0 : index
    %get3A_43 = arith.constant 0 : index
    %get3A_44 = vector.load %arg9[%get3A_42, %get3A_43] : memref<1x128xf32, #tpu.memory_space<vmem>>, vector<1x128xf32>
    %mul3A_45 = arith.constant 0.999994993 : f32
    %mul3A_46 = vector.broadcast %mul3A_45 : f32 to vector<1x128xf32>
    %mul3A_47 = arith.mulf %get3A_44, %mul3A_46 : vector<1x128xf32>
    %slice3A = vector.extract_strided_slice %dot_general3A_41 {offsets = [0, 0], sizes = [5000, 128], strides = [1, 1]} : vector<5000x256xf32> to vector<5000x128xf32>
    %mul3A_48 = vector.broadcast %mul3A_47 : vector<1x128xf32> to vector<5000x128xf32>
    %mul3A_49 = arith.mulf %slice3A, %mul3A_48 : vector<5000x128xf32>
    %swap3A = arith.constant 0 : index
    %swap3A_50 = arith.constant 0 : index
    %swap3A_51 = vector.load %arg10[%swap3A, %swap3A_50] : memref<5000x128xf32, #tpu.memory_space<vmem>>, vector<5000x128xf32>
    tpu.vector_store %arg10[%swap3A, %swap3A_50], %mul3A_49 {strides = array<i32>} : memref<5000x128xf32, #tpu.memory_space<vmem>>, vector<5000x128xf32>,
    %slice3A_52 = vector.extract_strided_slice %dot_general3A_41 {offsets = [0, 128], sizes = [5000, 128], strides = [1, 1]} : vector<5000x256xf32> to vector<5000x128xf32>
    %mul3A_53 = vector.broadcast %mul3A_47 : vector<1x128xf32> to vector<5000x128xf32>
    %mul3A_54 = arith.mulf %slice3A_52, %mul3A_53 : vector<5000x128xf32>
    %swap3A_55 = arith.constant 0 : index
    %swap3A_56 = arith.constant 0 : index
    %swap3A_57 = vector.load %arg11[%swap3A_55, %swap3A_56] : memref<5000x128xf32, #tpu.memory_space<vmem>>, vector<5000x128xf32>
    tpu.vector_store %arg11[%swap3A_55, %swap3A_56], %mul3A_54 {strides = array<i32>} : memref<5000x128xf32, #tpu.memory_space<vmem>>, vector<5000x128xf32>,
    return
  }
  func.func @transform_0(%arg0: i32) -> (i32, i32, i32) {
    %c0_i32 = arith.constant 0 : i32
    %c0_i32_0 = arith.constant 0 : i32
    %c0_i32_1 = arith.constant 0 : i32
    return %c0_i32, %arg0, %c0_i32_0 : i32, i32, i32
  }
  func.func @transform_1(%arg0: i32) -> (i32, i32) {
    %c0_i32 = arith.constant 0 : i32
    %c0_i32_0 = arith.constant 0 : i32
    return %arg0, %c0_i32 : i32, i32
  }
  func.func @transform_2(%arg0: i32) -> (i32, i32) {
    %c0_i32 = arith.constant 0 : i32
    %c0_i32_0 = arith.constant 0 : i32
    return %arg0, %c0_i32 : i32, i32
  }
  func.func @transform_3(%arg0: i32) -> (i32, i32) {
    %c0_i32 = arith.constant 0 : i32
    %c0_i32_0 = arith.constant 0 : i32
    %c0_i32_1 = arith.constant 0 : i32
    return %c0_i32, %c0_i32_0 : i32, i32
  }
  func.func @transform_4(%arg0: i32) -> (i32, i32) {
    %c0_i32 = arith.constant 0 : i32
    %c0_i32_0 = arith.constant 0 : i32
    %c0_i32_1 = arith.constant 0 : i32
    return %c0_i32, %c0_i32_0 : i32, i32
  }
  func.func @transform_5(%arg0: i32) -> (i32, i32) {
    %c0_i32 = arith.constant 0 : i32
    %c0_i32_0 = arith.constant 0 : i32
    %c0_i32_1 = arith.constant 0 : i32
    return %c0_i32, %c0_i32_0 : i32, i32
  }
  func.func @transform_6(%arg0: i32) -> (i32, i32) {
    %c0_i32 = arith.constant 0 : i32
    %c0_i32_0 = arith.constant 0 : i32
    %c0_i32_1 = arith.constant 0 : i32
    return %c0_i32, %c0_i32_0 : i32, i32
  }
  func.func @transform_7(%arg0: i32) -> (i32, i32) {
    %c0_i32 = arith.constant 0 : i32
    %c0_i32_0 = arith.constant 0 : i32
    %c0_i32_1 = arith.constant 0 : i32
    return %c0_i32, %c0_i32_0 : i32, i32
  }
  func.func @transform_8(%arg0: i32) -> (i32, i32) {
    %c0_i32 = arith.constant 0 : i32
    %c0_i32_0 = arith.constant 0 : i32
    %c0_i32_1 = arith.constant 0 : i32
    return %c0_i32, %c0_i32_0 : i32, i32
  }
  func.func @transform_9(%arg0: i32) -> (i32, i32) {
    %c0_i32 = arith.constant 0 : i32
    %c0_i32_0 = arith.constant 0 : i32
    return %arg0, %c0_i32 : i32, i32
  }
  func.func @transform_10(%arg0: i32) -> (i32, i32) {
    %c0_i32 = arith.constant 0 : i32
    %c0_i32_0 = arith.constant 0 : i32
    return %arg0, %c0_i32 : i32, i32
  }
}

module attributes {stable_mosaic.version = 14 : i64} {
  func.func @_tc_mid_body(%arg0: i32, %arg1: memref<2x5000x128xf32, #tpu.memory_space<vmem>>, %arg2: memref<5000x1xf32, #tpu.memory_space<vmem>>, %arg3: memref<5000x128xf32, #tpu.memory_space<vmem>>, %arg4: memref<1x128xf32, #tpu.memory_space<vmem>>, %arg5: memref<1x128xf32, #tpu.memory_space<vmem>>, %arg6: memref<1x128xf32, #tpu.memory_space<vmem>>, %arg7: memref<128x64xf32, #tpu.memory_space<vmem>>, %arg8: memref<128x64xf32, #tpu.memory_space<vmem>>, %arg9: memref<1x64xf32, #tpu.memory_space<vmem>>, %arg10: memref<5000x128xf32, #tpu.memory_space<vmem>>, %arg11: memref<5000x64xf32, #tpu.memory_space<vmem>>) attributes {dimension_semantics = [#tpu.dimension_semantics<arbitrary>], iteration_bounds = array<i64: 2>, scalar_prefetch = 0 : i64, scratch_operands = 0 : i64, tpu.core_type = #tpu.core_type<tc>, window_params = [{transform_indices = @transform_0, window_bounds = array<i64: 2, 5000, 128>}, {transform_indices = @transform_1, window_bounds = array<i64: 5000, 1>}, {transform_indices = @transform_2, window_bounds = array<i64: 5000, 128>}, {pipeline_mode = #tpu.pipeline_mode<synchronous>, transform_indices = @transform_3, window_bounds = array<i64: 1, 128>}, {pipeline_mode = #tpu.pipeline_mode<synchronous>, transform_indices = @transform_4, window_bounds = array<i64: 1, 128>}, {pipeline_mode = #tpu.pipeline_mode<synchronous>, transform_indices = @transform_5, window_bounds = array<i64: 1, 128>}, {pipeline_mode = #tpu.pipeline_mode<synchronous>, transform_indices = @transform_6, window_bounds = array<i64: 128, 64>}, {pipeline_mode = #tpu.pipeline_mode<synchronous>, transform_indices = @transform_7, window_bounds = array<i64: 128, 64>}, {pipeline_mode = #tpu.pipeline_mode<synchronous>, transform_indices = @transform_8, window_bounds = array<i64: 1, 64>}, {transform_indices = @transform_9, window_bounds = array<i64: 5000, 128>}, {transform_indices = @transform_10, window_bounds = array<i64: 5000, 64>}]} {
    %get3A = arith.constant 0 : index
    %get3A_0 = arith.constant 0 : index
    %get3A_1 = vector.load %arg5[%get3A, %get3A_0] : memref<1x128xf32, #tpu.memory_space<vmem>>, vector<1x128xf32>
    %get3A_2 = arith.constant 0 : index
    %get3A_3 = arith.constant 0 : index
    %get3A_4 = vector.load %arg4[%get3A_2, %get3A_3] : memref<1x128xf32, #tpu.memory_space<vmem>>, vector<1x128xf32>
    %mul3A = arith.constant 0.999994993 : f32
    %mul3A_5 = vector.broadcast %mul3A : f32 to vector<1x128xf32>
    %mul3A_6 = arith.mulf %get3A_4, %mul3A_5 : vector<1x128xf32>
    %mul3A_7 = arith.mulf %get3A_1, %mul3A_6 : vector<1x128xf32>
    %get3A_8 = arith.constant 0 : index
    %get3A_9 = arith.constant 0 : index
    %get3A_10 = vector.load %arg6[%get3A_8, %get3A_9] : memref<1x128xf32, #tpu.memory_space<vmem>>, vector<1x128xf32>
    %add3A = arith.addf %mul3A_7, %get3A_10 : vector<1x128xf32>
    %get3A_11 = arith.constant 0 : index
    %get3A_12 = arith.constant 0 : index
    %get3A_13 = arith.constant 0 : index
    %get3A_14 = vector.load %arg1[%get3A_11, %get3A_12, %get3A_13] : memref<2x5000x128xf32, #tpu.memory_space<vmem>>, vector<1x5000x128xf32>
    %get3A_15 = vector.shape_cast %get3A_14 : vector<1x5000x128xf32> to vector<5000x128xf32>
    %get3A_16 = arith.constant 1 : index
    %get3A_17 = arith.constant 0 : index
    %get3A_18 = arith.constant 0 : index
    %get3A_19 = vector.load %arg1[%get3A_16, %get3A_17, %get3A_18] : memref<2x5000x128xf32, #tpu.memory_space<vmem>>, vector<1x5000x128xf32>
    %get3A_20 = vector.shape_cast %get3A_19 : vector<1x5000x128xf32> to vector<5000x128xf32>
    %add3A_21 = arith.addf %get3A_15, %get3A_20 : vector<5000x128xf32>
    %get3A_22 = arith.constant 0 : index
    %get3A_23 = arith.constant 0 : index
    %get3A_24 = vector.load %arg2[%get3A_22, %get3A_23] : memref<5000x1xf32, #tpu.memory_space<vmem>>, vector<5000x1xf32>
    %mul3A_25 = vector.broadcast %get3A_24 : vector<5000x1xf32> to vector<5000x128xf32>
    %mul3A_26 = arith.mulf %add3A_21, %mul3A_25 : vector<5000x128xf32>
    %get3A_27 = arith.constant 0 : index
    %get3A_28 = arith.constant 0 : index
    %get3A_29 = vector.load %arg3[%get3A_27, %get3A_28] : memref<5000x128xf32, #tpu.memory_space<vmem>>, vector<5000x128xf32>
    %add3A_30 = arith.addf %mul3A_26, %get3A_29 : vector<5000x128xf32>
    %add3A_31 = vector.broadcast %add3A : vector<1x128xf32> to vector<5000x128xf32>
    %add3A_32 = arith.addf %add3A_30, %add3A_31 : vector<5000x128xf32>
    %max3A = arith.constant 0.000000e+00 : f32
    %max3A_33 = vector.broadcast %max3A : f32 to vector<5000x128xf32>
    %max3A_34 = arith.maximumf %add3A_32, %max3A_33 : vector<5000x128xf32>
    %get3A_35 = arith.constant 0 : index
    %get3A_36 = arith.constant 0 : index
    %get3A_37 = vector.load %arg7[%get3A_35, %get3A_36] : memref<128x64xf32, #tpu.memory_space<vmem>>, vector<128x64xf32>
    %get3A_38 = arith.constant 0 : index
    %get3A_39 = arith.constant 0 : index
    %get3A_40 = vector.load %arg8[%get3A_38, %get3A_39] : memref<128x64xf32, #tpu.memory_space<vmem>>, vector<128x64xf32>
    %concatenate3A = tpu.concatenate %get3A_37, %get3A_40 in 1 : vector<128x64xf32>, vector<128x64xf32> -> vector<128x128xf32>
    %dot_general3A = arith.constant dense<0.000000e+00> : vector<5000x128xf32>
    %dot_general3A_41 = tpu.matmul %max3A_34, %concatenate3A, %dot_general3A {dimension_numbers = #tpu.dot_dimension_numbers<[1], [0], [0], [1], [0, 0, 1, 1], [], []>, transpose_lhs_hint = false} : vector<5000x128xf32>, vector<128x128xf32>, vector<5000x128xf32> -> vector<5000x128xf32>
    %get3A_42 = arith.constant 0 : index
    %get3A_43 = arith.constant 0 : index
    %get3A_44 = vector.load %arg9[%get3A_42, %get3A_43] : memref<1x64xf32, #tpu.memory_space<vmem>>, vector<1x64xf32>
    %mul3A_45 = arith.constant 0.999994993 : f32
    %mul3A_46 = vector.broadcast %mul3A_45 : f32 to vector<1x64xf32>
    %mul3A_47 = arith.mulf %get3A_44, %mul3A_46 : vector<1x64xf32>
    %broadcast_in_dim3A = arith.constant 0.000000e+00 : f32
    %broadcast_in_dim3A_48 = vector.broadcast %broadcast_in_dim3A : f32 to vector<5000x64xf32>
    %slice3A = vector.extract_strided_slice %dot_general3A_41 {offsets = [0, 0], sizes = [5000, 64], strides = [1, 1]} : vector<5000x128xf32> to vector<5000x64xf32>
    %mul3A_49 = vector.broadcast %mul3A_47 : vector<1x64xf32> to vector<5000x64xf32>
    %mul3A_50 = arith.mulf %slice3A, %mul3A_49 : vector<5000x64xf32>
    %concatenate3A_51 = tpu.concatenate %mul3A_50, %broadcast_in_dim3A_48 in 1 : vector<5000x64xf32>, vector<5000x64xf32> -> vector<5000x128xf32>
    %swap3A = arith.constant 0 : index
    %swap3A_52 = arith.constant 0 : index
    %swap3A_53 = vector.load %arg10[%swap3A, %swap3A_52] : memref<5000x128xf32, #tpu.memory_space<vmem>>, vector<5000x128xf32>
    tpu.vector_store %arg10[%swap3A, %swap3A_52], %concatenate3A_51 {strides = array<i32>} : memref<5000x128xf32, #tpu.memory_space<vmem>>, vector<5000x128xf32>,
    %slice3A_54 = vector.extract_strided_slice %dot_general3A_41 {offsets = [0, 64], sizes = [5000, 64], strides = [1, 1]} : vector<5000x128xf32> to vector<5000x64xf32>
    %mul3A_55 = vector.broadcast %mul3A_47 : vector<1x64xf32> to vector<5000x64xf32>
    %mul3A_56 = arith.mulf %slice3A_54, %mul3A_55 : vector<5000x64xf32>
    %swap3A_57 = arith.constant 0 : index
    %swap3A_58 = arith.constant 0 : index
    %swap3A_59 = vector.load %arg11[%swap3A_57, %swap3A_58] : memref<5000x64xf32, #tpu.memory_space<vmem>>, vector<5000x64xf32>
    tpu.vector_store %arg11[%swap3A_57, %swap3A_58], %mul3A_56 {strides = array<i32>} : memref<5000x64xf32, #tpu.memory_space<vmem>>, vector<5000x64xf32>,
    return
  }
  func.func @transform_0(%arg0: i32) -> (i32, i32, i32) {
    %c0_i32 = arith.constant 0 : i32
    %c0_i32_0 = arith.constant 0 : i32
    %c0_i32_1 = arith.constant 0 : i32
    return %c0_i32, %arg0, %c0_i32_0 : i32, i32, i32
  }
  func.func @transform_1(%arg0: i32) -> (i32, i32) {
    %c0_i32 = arith.constant 0 : i32
    %c0_i32_0 = arith.constant 0 : i32
    return %arg0, %c0_i32 : i32, i32
  }
  func.func @transform_2(%arg0: i32) -> (i32, i32) {
    %c0_i32 = arith.constant 0 : i32
    %c0_i32_0 = arith.constant 0 : i32
    return %arg0, %c0_i32 : i32, i32
  }
  func.func @transform_3(%arg0: i32) -> (i32, i32) {
    %c0_i32 = arith.constant 0 : i32
    %c0_i32_0 = arith.constant 0 : i32
    %c0_i32_1 = arith.constant 0 : i32
    return %c0_i32, %c0_i32_0 : i32, i32
  }
  func.func @transform_4(%arg0: i32) -> (i32, i32) {
    %c0_i32 = arith.constant 0 : i32
    %c0_i32_0 = arith.constant 0 : i32
    %c0_i32_1 = arith.constant 0 : i32
    return %c0_i32, %c0_i32_0 : i32, i32
  }
  func.func @transform_5(%arg0: i32) -> (i32, i32) {
    %c0_i32 = arith.constant 0 : i32
    %c0_i32_0 = arith.constant 0 : i32
    %c0_i32_1 = arith.constant 0 : i32
    return %c0_i32, %c0_i32_0 : i32, i32
  }
  func.func @transform_6(%arg0: i32) -> (i32, i32) {
    %c0_i32 = arith.constant 0 : i32
    %c0_i32_0 = arith.constant 0 : i32
    %c0_i32_1 = arith.constant 0 : i32
    return %c0_i32, %c0_i32_0 : i32, i32
  }
  func.func @transform_7(%arg0: i32) -> (i32, i32) {
    %c0_i32 = arith.constant 0 : i32
    %c0_i32_0 = arith.constant 0 : i32
    %c0_i32_1 = arith.constant 0 : i32
    return %c0_i32, %c0_i32_0 : i32, i32
  }
  func.func @transform_8(%arg0: i32) -> (i32, i32) {
    %c0_i32 = arith.constant 0 : i32
    %c0_i32_0 = arith.constant 0 : i32
    %c0_i32_1 = arith.constant 0 : i32
    return %c0_i32, %c0_i32_0 : i32, i32
  }
  func.func @transform_9(%arg0: i32) -> (i32, i32) {
    %c0_i32 = arith.constant 0 : i32
    %c0_i32_0 = arith.constant 0 : i32
    return %arg0, %c0_i32 : i32, i32
  }
  func.func @transform_10(%arg0: i32) -> (i32, i32) {
    %c0_i32 = arith.constant 0 : i32
    %c0_i32_0 = arith.constant 0 : i32
    return %arg0, %c0_i32 : i32, i32
  }
}

module attributes {stable_mosaic.version = 14 : i64} {
  func.func @_tc_head_body(%arg0: i32, %arg1: memref<2x5000x128xf32, #tpu.memory_space<vmem>>, %arg2: memref<5000x1xf32, #tpu.memory_space<vmem>>, %arg3: memref<5000x64xf32, #tpu.memory_space<vmem>>, %arg4: memref<1x64xf32, #tpu.memory_space<vmem>>, %arg5: memref<1x64xf32, #tpu.memory_space<vmem>>, %arg6: memref<1x64xf32, #tpu.memory_space<vmem>>, %arg7: memref<64x32xf32, #tpu.memory_space<vmem>>, %arg8: memref<1x32xf32, #tpu.memory_space<vmem>>, %arg9: memref<32x3xf32, #tpu.memory_space<vmem>>, %arg10: memref<1x3xf32, #tpu.memory_space<vmem>>, %arg11: memref<5000x3xf32, #tpu.memory_space<vmem>>) attributes {dimension_semantics = [#tpu.dimension_semantics<arbitrary>], iteration_bounds = array<i64: 2>, scalar_prefetch = 0 : i64, scratch_operands = 0 : i64, tpu.core_type = #tpu.core_type<tc>, window_params = [{transform_indices = @transform_0, window_bounds = array<i64: 2, 5000, 128>}, {transform_indices = @transform_1, window_bounds = array<i64: 5000, 1>}, {transform_indices = @transform_2, window_bounds = array<i64: 5000, 64>}, {pipeline_mode = #tpu.pipeline_mode<synchronous>, transform_indices = @transform_3, window_bounds = array<i64: 1, 64>}, {pipeline_mode = #tpu.pipeline_mode<synchronous>, transform_indices = @transform_4, window_bounds = array<i64: 1, 64>}, {pipeline_mode = #tpu.pipeline_mode<synchronous>, transform_indices = @transform_5, window_bounds = array<i64: 1, 64>}, {pipeline_mode = #tpu.pipeline_mode<synchronous>, transform_indices = @transform_6, window_bounds = array<i64: 64, 32>}, {pipeline_mode = #tpu.pipeline_mode<synchronous>, transform_indices = @transform_7, window_bounds = array<i64: 1, 32>}, {pipeline_mode = #tpu.pipeline_mode<synchronous>, transform_indices = @transform_8, window_bounds = array<i64: 32, 3>}, {pipeline_mode = #tpu.pipeline_mode<synchronous>, transform_indices = @transform_9, window_bounds = array<i64: 1, 3>}, {transform_indices = @transform_10, window_bounds = array<i64: 5000, 3>}]} {
    %get3A = arith.constant 0 : index
    %get3A_0 = arith.constant 0 : index
    %get3A_1 = vector.load %arg5[%get3A, %get3A_0] : memref<1x64xf32, #tpu.memory_space<vmem>>, vector<1x64xf32>
    %get3A_2 = arith.constant 0 : index
    %get3A_3 = arith.constant 0 : index
    %get3A_4 = vector.load %arg4[%get3A_2, %get3A_3] : memref<1x64xf32, #tpu.memory_space<vmem>>, vector<1x64xf32>
    %mul3A = arith.constant 0.999994993 : f32
    %mul3A_5 = vector.broadcast %mul3A : f32 to vector<1x64xf32>
    %mul3A_6 = arith.mulf %get3A_4, %mul3A_5 : vector<1x64xf32>
    %mul3A_7 = arith.mulf %get3A_1, %mul3A_6 : vector<1x64xf32>
    %get3A_8 = arith.constant 0 : index
    %get3A_9 = arith.constant 0 : index
    %get3A_10 = vector.load %arg6[%get3A_8, %get3A_9] : memref<1x64xf32, #tpu.memory_space<vmem>>, vector<1x64xf32>
    %add3A = arith.addf %mul3A_7, %get3A_10 : vector<1x64xf32>
    %get3A_11 = arith.constant 0 : index
    %get3A_12 = arith.constant 0 : index
    %get3A_13 = arith.constant 0 : index
    %get3A_14 = vector.load %arg1[%get3A_11, %get3A_12, %get3A_13] : memref<2x5000x128xf32, #tpu.memory_space<vmem>>, vector<1x5000x128xf32>
    %get3A_15 = vector.shape_cast %get3A_14 : vector<1x5000x128xf32> to vector<5000x128xf32>
    %slice3A = vector.extract_strided_slice %get3A_15 {offsets = [0, 0], sizes = [5000, 64], strides = [1, 1]} : vector<5000x128xf32> to vector<5000x64xf32>
    %get3A_16 = arith.constant 1 : index
    %get3A_17 = arith.constant 0 : index
    %get3A_18 = arith.constant 0 : index
    %get3A_19 = vector.load %arg1[%get3A_16, %get3A_17, %get3A_18] : memref<2x5000x128xf32, #tpu.memory_space<vmem>>, vector<1x5000x128xf32>
    %get3A_20 = vector.shape_cast %get3A_19 : vector<1x5000x128xf32> to vector<5000x128xf32>
    %slice3A_21 = vector.extract_strided_slice %get3A_20 {offsets = [0, 0], sizes = [5000, 64], strides = [1, 1]} : vector<5000x128xf32> to vector<5000x64xf32>
    %add3A_22 = arith.addf %slice3A, %slice3A_21 : vector<5000x64xf32>
    %get3A_23 = arith.constant 0 : index
    %get3A_24 = arith.constant 0 : index
    %get3A_25 = vector.load %arg2[%get3A_23, %get3A_24] : memref<5000x1xf32, #tpu.memory_space<vmem>>, vector<5000x1xf32>
    %mul3A_26 = vector.broadcast %get3A_25 : vector<5000x1xf32> to vector<5000x64xf32>
    %mul3A_27 = arith.mulf %add3A_22, %mul3A_26 : vector<5000x64xf32>
    %get3A_28 = arith.constant 0 : index
    %get3A_29 = arith.constant 0 : index
    %get3A_30 = vector.load %arg3[%get3A_28, %get3A_29] : memref<5000x64xf32, #tpu.memory_space<vmem>>, vector<5000x64xf32>
    %add3A_31 = arith.addf %mul3A_27, %get3A_30 : vector<5000x64xf32>
    %add3A_32 = vector.broadcast %add3A : vector<1x64xf32> to vector<5000x64xf32>
    %add3A_33 = arith.addf %add3A_31, %add3A_32 : vector<5000x64xf32>
    %max3A = arith.constant 0.000000e+00 : f32
    %max3A_34 = vector.broadcast %max3A : f32 to vector<5000x64xf32>
    %max3A_35 = arith.maximumf %add3A_33, %max3A_34 : vector<5000x64xf32>
    %get3A_36 = arith.constant 0 : index
    %get3A_37 = arith.constant 0 : index
    %get3A_38 = vector.load %arg7[%get3A_36, %get3A_37] : memref<64x32xf32, #tpu.memory_space<vmem>>, vector<64x32xf32>
    %dot_general3A = arith.constant dense<0.000000e+00> : vector<5000x32xf32>
    %dot_general3A_39 = tpu.matmul %max3A_35, %get3A_38, %dot_general3A {dimension_numbers = #tpu.dot_dimension_numbers<[1], [0], [0], [1], [0, 0, 1, 1], [], []>, transpose_lhs_hint = false} : vector<5000x64xf32>, vector<64x32xf32>, vector<5000x32xf32> -> vector<5000x32xf32>
    %get3A_40 = arith.constant 0 : index
    %get3A_41 = arith.constant 0 : index
    %get3A_42 = vector.load %arg8[%get3A_40, %get3A_41] : memref<1x32xf32, #tpu.memory_space<vmem>>, vector<1x32xf32>
    %add3A_43 = vector.broadcast %get3A_42 : vector<1x32xf32> to vector<5000x32xf32>
    %add3A_44 = arith.addf %dot_general3A_39, %add3A_43 : vector<5000x32xf32>
    %max3A_45 = arith.constant 0.000000e+00 : f32
    %max3A_46 = vector.broadcast %max3A_45 : f32 to vector<5000x32xf32>
    %max3A_47 = arith.maximumf %add3A_44, %max3A_46 : vector<5000x32xf32>
    %get3A_48 = arith.constant 0 : index
    %get3A_49 = arith.constant 0 : index
    %get3A_50 = vector.load %arg9[%get3A_48, %get3A_49] : memref<32x3xf32, #tpu.memory_space<vmem>>, vector<32x3xf32>
    %dot_general3A_51 = arith.constant dense<0.000000e+00> : vector<5000x3xf32>
    %dot_general3A_52 = tpu.matmul %max3A_47, %get3A_50, %dot_general3A_51 {dimension_numbers = #tpu.dot_dimension_numbers<[1], [0], [0], [1], [0, 0, 1, 1], [], []>, transpose_lhs_hint = false} : vector<5000x32xf32>, vector<32x3xf32>, vector<5000x3xf32> -> vector<5000x3xf32>
    %get3A_53 = arith.constant 0 : index
    %get3A_54 = arith.constant 0 : index
    %get3A_55 = vector.load %arg10[%get3A_53, %get3A_54] : memref<1x3xf32, #tpu.memory_space<vmem>>, vector<1x3xf32>
    %add3A_56 = vector.broadcast %get3A_55 : vector<1x3xf32> to vector<5000x3xf32>
    %add3A_57 = arith.addf %dot_general3A_52, %add3A_56 : vector<5000x3xf32>
    %swap3A = arith.constant 0 : index
    %swap3A_58 = arith.constant 0 : index
    %swap3A_59 = vector.load %arg11[%swap3A, %swap3A_58] : memref<5000x3xf32, #tpu.memory_space<vmem>>, vector<5000x3xf32>
    tpu.vector_store %arg11[%swap3A, %swap3A_58], %add3A_57 {strides = array<i32>} : memref<5000x3xf32, #tpu.memory_space<vmem>>, vector<5000x3xf32>,
    return
  }
  func.func @transform_0(%arg0: i32) -> (i32, i32, i32) {
    %c0_i32 = arith.constant 0 : i32
    %c0_i32_0 = arith.constant 0 : i32
    %c0_i32_1 = arith.constant 0 : i32
    return %c0_i32, %arg0, %c0_i32_0 : i32, i32, i32
  }
  func.func @transform_1(%arg0: i32) -> (i32, i32) {
    %c0_i32 = arith.constant 0 : i32
    %c0_i32_0 = arith.constant 0 : i32
    return %arg0, %c0_i32 : i32, i32
  }
  func.func @transform_2(%arg0: i32) -> (i32, i32) {
    %c0_i32 = arith.constant 0 : i32
    %c0_i32_0 = arith.constant 0 : i32
    return %arg0, %c0_i32 : i32, i32
  }
  func.func @transform_3(%arg0: i32) -> (i32, i32) {
    %c0_i32 = arith.constant 0 : i32
    %c0_i32_0 = arith.constant 0 : i32
    %c0_i32_1 = arith.constant 0 : i32
    return %c0_i32, %c0_i32_0 : i32, i32
  }
  func.func @transform_4(%arg0: i32) -> (i32, i32) {
    %c0_i32 = arith.constant 0 : i32
    %c0_i32_0 = arith.constant 0 : i32
    %c0_i32_1 = arith.constant 0 : i32
    return %c0_i32, %c0_i32_0 : i32, i32
  }
  func.func @transform_5(%arg0: i32) -> (i32, i32) {
    %c0_i32 = arith.constant 0 : i32
    %c0_i32_0 = arith.constant 0 : i32
    %c0_i32_1 = arith.constant 0 : i32
    return %c0_i32, %c0_i32_0 : i32, i32
  }
  func.func @transform_6(%arg0: i32) -> (i32, i32) {
    %c0_i32 = arith.constant 0 : i32
    %c0_i32_0 = arith.constant 0 : i32
    %c0_i32_1 = arith.constant 0 : i32
    return %c0_i32, %c0_i32_0 : i32, i32
  }
  func.func @transform_7(%arg0: i32) -> (i32, i32) {
    %c0_i32 = arith.constant 0 : i32
    %c0_i32_0 = arith.constant 0 : i32
    %c0_i32_1 = arith.constant 0 : i32
    return %c0_i32, %c0_i32_0 : i32, i32
  }
  func.func @transform_8(%arg0: i32) -> (i32, i32) {
    %c0_i32 = arith.constant 0 : i32
    %c0_i32_0 = arith.constant 0 : i32
    %c0_i32_1 = arith.constant 0 : i32
    return %c0_i32, %c0_i32_0 : i32, i32
  }
  func.func @transform_9(%arg0: i32) -> (i32, i32) {
    %c0_i32 = arith.constant 0 : i32
    %c0_i32_0 = arith.constant 0 : i32
    %c0_i32_1 = arith.constant 0 : i32
    return %c0_i32, %c0_i32_0 : i32, i32
  }
  func.func @transform_10(%arg0: i32) -> (i32, i32) {
    %c0_i32 = arith.constant 0 : i32
    %c0_i32_0 = arith.constant 0 : i32
    return %arg0, %c0_i32 : i32, i32
  }
}

</mosaic_0001>

<sc_bundles>
// kernel: kernel.11.cloned.1.call-start
scs
__scs_entry_jumppad:
0x0: {  	(pc) =	sbr.rel $0x88, $3  }
0x1: {  	(tag) =	ssettag $0x0;
	lr =	simm.s32 $0x1  }
0x2: {  	[smem:$0x3F8C] =	sst lr;
	_ =	strace $0xD0000000  }
0x3: {  	_ = 	snop  }
0x4: {  	_ = 	snop  }
0x5: {  	_ = 	snop  }
0x6: {  	_ = 	snop  }
0x7: {  	_ = 	snop  }
__scs_overlays_trampoline_lowered:
0x8: {  	[smem:$0x3F9B] =	sst s0  }
0x9: {  	[smem:$0x3F9C] =	sst s1  }
0xa: {  	[smem:$0x3F9D] =	sst s2  }
0xb: {  	[smem:$0x3F9E] =	sst s3  }
0xc: {  	[smem:$0x3F9F] =	sst s4  }
0xd: {  	[smem:$0x3FA0] =	sst s5  }
0xe: {  	[smem:$0x3FA1] =	sst s6  }
0xf: {  	[smem:$0x3FA2] =	sst s7  }
0x10: {  	[smem:$0x3FA3] =	sst s8  }
0x11: {  	[smem:$0x3FA4] =	sst s9;
	s0 =	simm.s32 @!p0 $0x0  }
0x12: {  	s1 =	sld [smem:$0x3F8A];
	s0 =	simm.s32 @p0 $0x1  }
0x13: {  	[smem:$0x3FA5] =	sst s0;
	s0 =	simm.s32 @!p1 $0x0  }
0x14: {  	s2 =	sld [smem:$0x3F89];
	s0 =	simm.s32 @p1 $0x1  }
0x15: {  	[smem:$0x3FA6] =	sst s0;
	s0 =	simm.s32 @!p2 $0x0  }
0x16: {  	s3 =	sld [smem:$0x3FDB];
	s0 =	simm.s32 @p2 $0x1  }
0x17: {  	s4 =	simm.s32 $0x1BF5;
	[smem:$0x3FA8] =	sst s0  }
0x18: {  	s0 =	sld [smem:$0x3F8B];
	_ =	swait.ge [sflag:s4], $0x0  }
0x19: {  	s7 =	sld [smem:$0x3F8C]  }
0x1a: {  	s8 =	sadd.s32 $0xFFFFE003, lr  }
0x1b: {  	s9 =	sadd.s32 $0xFFFFFEF7, lr;
	s5 =	simm.s32 $0xFFFFFFFF;
	p2 =	slt.u32 s8, $0xFFFFF086  }
0x1c: {  	p1 =	slt.u32 s9, $0xF7A;
	s5 =	simm.s32 @!p2 $0x0  }
0x1d: {  	s5 =	simm.s32 @p1 $0x1;
	p0 =	seq.s32 s7, s2  }
0x1e: {  	s7 =	smul.u32 @!p0 $0xF7A, s2;
	p2 =	seq.s32 @!p0 s5, $0x0  }
0x1f: {  	s9 =	smul.u32 $0xF7A, s1;
	s8 =	simm.s32 @!p0 $0x1BF5;
	p2 =	por !p2, p0  }
0x20: {  	[sflag:s8] =	ssyncset.s32 @!p0 $0xFFFFF086;
	s6 =	sadd.s32 @!p0 s3, s7;
	s7 =	simm.s32 @!p0 $0x108  }
0x21: {  	s3 =	sadd.s32 s3, s9;
	s6 =	sadd.s32 @!p0 $0x88, s6;
	s7 =	simm.s32 @p2 $0x1082  }
0x22: {  	[simem:s7], [sflag:s8] =	dma.local @!p0 [hbm:s6], $0xF7A  }
0x23: {  	s9 =	sor.u32 $0xD0000000, s2;
	s6 =	simm.s32 $0x108;
	_ =	swait.ge @!p0 [sflag:s8], $0x0  }
0x24: {  	s3 =	sadd.s32 $0x88, s3;
	s6 =	simm.s32 @!p1 $0x1082;
	[sflag:s4] =	ssyncset.s32 $0xFFFFF086  }
0x25: {  	[simem:s6], [sflag:s4] =	dma.local [hbm:s3], $0xF7A  }
0x26: {  	[smem:$0x3F8C] =	sst s1;
	(tag) =	ssettag s2;
	_ =	strace s9  }
0x27: {  	s1 =	sld [smem:$0x3F9C]  }
0x28: {  	s2 =	sld [smem:$0x3F9D]  }
0x29: {  	s4 =	sld [smem:$0x3F9F]  }
0x2a: {  	p0 =	seq.s32 s5, $0x0;
	s5 =	sld [smem:$0x3FA0]  }
0x2b: {  	s6 =	sld [smem:$0x3FA1]  }
0x2c: {  	s7 =	sld [smem:$0x3FA2]  }
0x2d: {  	s3 =	simm.s32 $0x108;
	s8 =	sld [smem:$0x3FA3]  }
0x2e: {  	s3 =	simm.s32 @!p0 $0x1082;
	s9 =	sld [smem:$0x3FA4]  }
0x2f: {  	lr =	sadd.s32 s0, s3;
	s0 =	sld [smem:$0x3F9B]  }
0x30: {  	s3 =	sld [smem:$0x3F9E]  }
0x31: {  	[smem:$0x3FA7] =	sst s10  }
0x32: {  	s10 =	sld [smem:$0x3FA5];
	_ =	sdelay $0x3  }
0x33: {  	p0 =	seq.s32 s10, $0x1;
	s10 =	sld [smem:$0x3FA7];
	_ =	sdelay $0x3  }
0x34: {  	[smem:$0x3FA7] =	sst s10  }
0x35: {  	s10 =	sld [smem:$0x3FA6];
	_ =	sdelay $0x3  }
0x36: {  	p1 =	seq.s32 s10, $0x1;
	s10 =	sld [smem:$0x3FA7];
	_ =	sdelay $0x3  }
0x37: {  	[smem:$0x3FA7] =	sst s10  }
0x38: {  	s10 =	sld [smem:$0x3FA8]  }
0x39: {  	_ = 	snop;
	(pc) =	sbr.ind lr, $3  }
0x3a: {  	_ = 	snop  }
0x3b: {  	_ = 	snop  }
0x3c: {  	p2 =	seq.s32 s10, $0x1;
	s10 =	sld [smem:$0x3FA7]  }
0x3d: {  	_ =	shalt  }
0x3e: {  	_ =	shalt  }
0x3f: {  	_ =	shalt  }
0x40: {  	_ =	shalt  }
0x41: {  	_ =	shalt  }
0x42: {  	_ =	shalt  }
0x43: {  	_ =	shalt  }
0x44: {  	_ =	shalt  }
0x45: {  	_ =	shalt  }
0x46: {  	_ =	shalt  }
0x47: {  	_ =	shalt  }
0x48: {  	_ =	shalt  }
0x49: {  	_ =	shalt  }
0x4a: {  	_ =	shalt  }
0x4b: {  	_ =	shalt  }
0x4c: {  	_ =	shalt  }
0x4d: {  	_ =	shalt  }
0x4e: {  	_ =	shalt  }
0x4f: {  	_ =	shalt  }
0x50: {  	_ =	shalt  }
0x51: {  	_ =	shalt  }
0x52: {  	_ =	shalt  }
0x53: {  	_ =	shalt  }
0x54: {  	_ =	shalt  }
0x55: {  	_ =	shalt  }
0x56: {  	_ =	shalt  }
0x57: {  	_ =	shalt  }
0x58: {  	_ =	shalt  }
0x59: {  	_ =	shalt  }
0x5a: {  	_ =	shalt  }
0x5b: {  	_ =	shalt  }
0x5c: {  	_ =	shalt  }
0x5d: {  	_ =	shalt  }
0x5e: {  	_ =	shalt  }
0x5f: {  	_ =	shalt  }
0x60: {  	_ =	shalt  }
0x61: {  	_ =	shalt  }
0x62: {  	_ =	shalt  }
0x63: {  	_ =	shalt  }
0x64: {  	_ =	shalt  }
0x65: {  	_ =	shalt  }
0x66: {  	_ =	shalt  }
0x67: {  	_ =	shalt  }
0x68: {  	_ =	shalt  }
0x69: {  	_ =	shalt  }
0x6a: {  	_ =	shalt  }
0x6b: {  	_ =	shalt  }
0x6c: {  	_ =	shalt  }
0x6d: {  	_ =	shalt  }
0x6e: {  	_ =	shalt  }
0x6f: {  	_ =	shalt  }
0x70: {  	_ =	shalt  }
0x71: {  	_ =	shalt  }
0x72: {  	_ =	shalt  }
0x73: {  	_ =	shalt  }
0x74: {  	_ =	shalt  }
0x75: {  	_ =	shalt  }
0x76: {  	_ =	shalt  }
0x77: {  	_ =	shalt  }
0x78: {  	_ =	shalt  }
0x79: {  	_ =	shalt  }
0x7a: {  	_ =	shalt  }
0x7b: {  	_ =	shalt  }
0x7c: {  	_ =	shalt  }
0x7d: {  	_ =	shalt  }
0x7e: {  	_ =	shalt  }
0x7f: {  	_ =	shalt  }
0x80: {  	_ =	shalt  }
0x81: {  	_ =	shalt  }
0x82: {  	_ =	shalt  }
0x83: {  	_ =	shalt  }
0x84: {  	_ =	shalt  }
0x85: {  	_ =	shalt  }
0x86: {  	_ =	shalt  }
0x87: {  	_ =	shalt  }
.Lfunc_end0:
.L_simem_size_0:
called_computation_lowered:
.L_overlay_start_0:
0x88: {  	s2 =	sld [smem:$0x3FD9]  }
0x89: {  	s3 =	sld [smem:$0x3FFE];
	_ =	sdelay $0x1  }
0x8a: {  	s1 =	srdreg.scid  }
0x8b: {  	s0 =	sand.u32 $0x1, s1  }
0x8c: {  	s16 =	sshll.u32 s0, $0xA;
	s2 =	sadd.s32 s3, s2  }
0x8d: {  	s2 =	sadd.s32 s2, s16  }
0x8e: {  	[smem:$0x3FB3] =	sst s2  }
0x8f: {  	_ = 	snop  }
0x90: {  	(tm) =	ssettm $0x1  }
0x91: {  	s17 =	sld [smem:$0x3FFB];
	_ =	sdelay $0x3  }
0x92: {  	_ =	strace s17  }
0x93: {  	s2 =	sld [smem:$0x3FFC];
	_ =	sdelay $0x3  }
0x94: {  	_ =	strace s2  }
0x95: {  	s2 =	sld [smem:$0x3FFD];
	_ =	sdelay $0x3  }
0x96: {  	_ =	strace s2  }
0x97: {  	_ =	strace $0x8FFFFFFF  }
0x98: {  	s18 =	sld [smem:$0x3FDB];
	_ =	sdelay $0x1  }
0x99: {  	s19 =	simm.s32 $_scs_section_size  }
0x9a: {  	s4 =	simm.s32 $_size__tile_overlayer_lowered;
	s5 =	simm.s32 $_tile_overlayer_lowered  }
0x9b: {  	s22 =	simm.s32 $0x1BFF;
	s21 =	sshll.u32 s5, $0x1;
	s2 =	sadd.s32 s19, s18  }
0x9c: {  	s6 =	simm.s32 $0x0;
	s20 =	sshll.u32 s4, $0x1;
	s4 =	sadd.s32 s21, s2  }
0x9d: {  	[timem:s6], [sflag:s22] =	dma.local [hbm:s4], s20  }
0x9e: {  	_ =	swait.ge [sflag:s22], s20  }
0x9f: {  	s3 =	ssub.s32 $0x0, s20;
	[sflag:s22] =	ssyncset.done $0x0  }
0xa0: {  	[sflag:s22] =	ssyncadd.s32 s3;
	_ =	sdelay $0x1  }
0xa1: {  	s23 =	simm.s32 $0x1B8B  }
0xa2: {  	_ =	swait.ge [sflag:s23], $0x1  }
0xa3: {  	[sflag:s23] =	ssyncset.done $0x0  }
0xa4: {  	s25 =	simm.s32 $0x1B8E;
	s24 =	sld [smem:$0x3FFE];
	[sflag:s23] =	ssyncadd.s32 $0xFFFFFFFF  }
0xa5: {  	s26 =	simm.s32 $execute0_lowered;
	[smem:$0x3FD2] =	sst s25  }
0xa6: {  	s4 =	sshll.u32 s26, $0x1;
	_ =	strace $0x80000046;
	[dreg:$0x1] =	wrdreg $0xFFFFFFFF  }
0xa7: {  	s28 =	simm.s32 $_size_execute0_lowered;
	s2 =	sadd.s32 s2, s4;
	[dreg:$0x0] =	wrdreg $0x0  }
0xa8: {  	s4 =	sshll.u32 s28, $0x1;
	[dreg:$0x2] =	wrdreg s2  }
0xa9: {  	[dreg:$0x3] =	wrdreg s4  }
0xaa: {  	[dreg:$0x4] =	wrdreg $0xC0  }
0xab: {  	_ =	task [dreg:s6], $0x5FFFF  }
0xac: {  	[dreg:$0x1] =	wrdreg $0xFFFFFFFF  }
0xad: {  	[dreg:$0x0] =	wrdreg $0x60  }
0xae: {  	[dreg:$0x2] =	wrdreg s24  }
0xaf: {  	[dreg:$0x3] =	wrdreg $0x9  }
0xb0: {  	_ =	task.clear_ibuf [dreg:s6], $0x4FFFF;
	_ =	strace $0x90000046  }
0xb1: {  	s29 =	simm.s32 $0x9;
	_ =	strace $0x80000048  }
0xb2: {  	_ =	swait.ge [sflag:s29], $0x1  }
0xb3: {  	[sflag:s29] =	ssyncadd.s32 $0xFFFFFFFF  }
0xb4: {  	_ =	strace $0x90000048  }
0xb5: {  	_ =	sfence  }
0xb6: {  	s30 =	sld [smem:$0x0];
	_ =	sdelay $0x2  }
0xb7: {  	s31 =	sshll.u32 s1, $0xD;
	s1 =	sshrl.u32 s1, $0x2  }
0xb8: {  	s3 =	sand.u32 $0x4000, s31;
	s1 =	sadd.s32 s1, s30  }
0xb9: {  	s0 =	sor.u32 s3, s0;
	s1 =	sshll.u32 s1, $0x11  }
0xba: {  	s0 =	sor.u32 s1, s0  }
0xbb: {  	s0 =	sadd.s32 $0x8F2B, s0  }
0xbc: {  	[sflag:s0] =	ssyncadd.remote.s32 $0x1  }
0xbd: {  	_ =	sfence.sel $0xFFFF  }
0xbe: {  	[dreg:$0x0] =	wrdreg $0xFFFFFFFF;
	(pc) =	sbr.abs _section_cstart, $3  }
0xbf: {  	[dreg:$0x1] =	wrdreg $0xFFFFFFFF  }
0xc0: {  	_ =	task.clear_ibuf [dreg:s6], $0x2FFFF;
	_ =	strace $0x9FFFFFFF  }
0xc1: {  	(tm) =	ssettm $0x7FFFFFFF  }
tec
execute0_lowered:
.L_overlay_start_1:
0x0: {  	(tag) =	ssettag $0x1  }
0x1: {  	s1 =	srdreg.scid  }
0x2: {  	s0 =	stileid.u32;
	s5 =	rddreg [dreg:$0x0]  }
0x3: {  	s2 =	simm.s32 $0x0;
	s8 =	simm.s32 $0x80;
	s9 =	simm.s32 $0x400  }
0x4: {  	s10 =	simm.s32 $0x0;
	s3 =	sand.u32 $0x1, s1;
	s29 =	sshll.u32 s0, $0x1  }
0x5: {  	s30 =	sshrl.u32 s0, $0x2;
	s1 =	rddreg [dreg:$0x1];
	s4 =	sor.u32 s3, s29  }
0x6: {  	[smem:$0x7FF] =	sst s2;
	s6 =	smul.u32 $0x14000, s30;
	s7 =	sshll.u32 s4, $0x7  }
0x7: {  	s3 =	ssub.s32 $0x2, s3;
	s4 =	smul.u32 $0x280, s4;
	s7 =	sand.u32 $0x380, s7  }
0x8: {  	_ =	strace $0x80000047;
	s31 =	sshrl.u32 s3, $0x1;
	s6 =	sor.u32 s6, s7  }
0x9: {  	s4 =	sadd.s32 s4, s5;
	s7 =	simm.s32 $0x1400;
	s6 =	sshrl.u32 s6, $0x3  }
0xa: {  	s5 =	sadd.s32 s6, s5;
	s6 =	ssub.s32 s3, s31;
	s3 =	sadd.s32 $0x4800, s4  }
0xb: {  	v0 =	vimm.f32 $0.0e+00;
	v1 =	vimm.f32 $1.000000000e+00;
	vm0 =	vcmask $0x3F0C;
	s4 =	sadd.s32 $0x9800, s5;
	s5 =	smax.u32 s6, $0x1;
	s6 =	simm.s32 $0x1  }
.LBB2_1:
0xc: {  	[tilespmem:s2], [sflag:$0x1] =	stream.linear.gather [hbm4b:s3+s2], $0x1400, $0x38;
	[tilespmem:$0x3C00] =	vst v63  }
0xd: {  	_ =	swait.ge [sflag:s6], $0x1400  }
0xe: {  	[sflag:s6] =	ssyncset.done $0x0  }
0xf: {  	s11 =	simm.s32 $0x0;
	[sflag:s6] =	ssyncadd.s32 $0xFFFFEC00  }
.LBB2_2:
0x10: {  	p0 =	sne.s32 s11, $0x9FC0  }
.Ltmp0:
0x11: {  	_ = 	snop;
	(pc) =	sbr.rel @p0 .LBB2_2-.Ltmp0, $3  }
0x12: {  	_ =	sdelay $0x1  }
0x13: {  	s12 =	sshra.s32 s11, $0x2  }
0x14: {  	s11 =	sadd.s32 $0x40, s11;
	[tilespmem:s12+$0x1400] =	vst v0  }
0x15: {  	s11 =	simm.s32 $0x0  }
.LBB2_4:
0x16: {  	s12 =	sshra.s32 s11, $0x2  }
0x17: {  	v2 =	vld [tilespmem:s12+$0x0];
	_ =	sdelay $0x7  }
0x18: {  	[tilespmem:v2+s7+$0x0] =	vst.idx.add.f32.msk $0xffff, v1  }
0x19: {  	v2 =	vld [tilespmem:s12+$0x10];
	_ =	sdelay $0x7  }
0x1a: {  	[tilespmem:v2+s7+$0x0] =	vst.idx.add.f32.msk $0xffff, v1  }
0x1b: {  	v2 =	vld [tilespmem:s12+$0x20];
	_ =	sdelay $0x7  }
0x1c: {  	[tilespmem:v2+s7+$0x0] =	vst.idx.add.f32.msk $0xffff, v1  }
0x1d: {  	v2 =	vld [tilespmem:s12+$0x30];
	_ =	sdelay $0x7  }
0x1e: {  	[tilespmem:v2+s7+$0x0] =	vst.idx.add.f32.msk $0xffff, v1  }
0x1f: {  	v2 =	vld [tilespmem:s12+$0x40];
	_ =	sdelay $0x7  }
0x20: {  	[tilespmem:v2+s7+$0x0] =	vst.idx.add.f32.msk $0xffff, v1  }
0x21: {  	v2 =	vld [tilespmem:s12+$0x50];
	_ =	sdelay $0x7  }
0x22: {  	[tilespmem:v2+s7+$0x0] =	vst.idx.add.f32.msk $0xffff, v1  }
0x23: {  	v2 =	vld [tilespmem:s12+$0x60];
	_ =	sdelay $0x7  }
0x24: {  	[tilespmem:v2+s7+$0x0] =	vst.idx.add.f32.msk $0xffff, v1  }
0x25: {  	v2 =	vld [tilespmem:s12+$0x6D];
	_ =	sdelay $0x2  }
0x26: {  	p0 =	sne.s32 s11, $0x4E00  }
.Ltmp1:
0x27: {  	_ = 	snop;
	(pc) =	sbr.rel @p0 .LBB2_4-.Ltmp1, $2  }
0x28: {  	_ =	sdelay $0x2  }
0x29: {  	s11 =	sadd.s32 $0x200, s11;
	[tilespmem:v2+s7+$0x0] =	vst.idx.add.f32.msk vm0, v1  }
0x2a: {  	s10 =	sadd.s32 $0x1, s10  }
0x2b: {  	p0 =	sne.s32 s10, s5  }
.Ltmp2:
0x2c: {  	_ = 	snop;
	(pc) =	sbr.rel @p0 .LBB2_1-.Ltmp2, $4  }
0x2d: {  	[hbm4b:s4+s8] =	stream.strided.scatter [tilespmem:s7], [sflag:$0x1], $0x2800, s9, s8, $0x38;
	[tilespmem:$0x3C00] =	vst v63  }
0x2e: {  	_ =	swait.ge [sflag:s6], $0x2800  }
0x2f: {  	[sflag:s6] =	ssyncset.done $0x0  }
0x30: {  	[sflag:s6] =	ssyncadd.s32 $0xFFFFD800  }
0x31: {  	_ =	sfence.sel $0x180000  }
0x32: {  	[bflag:$0x0] =	sbarrier.arrive $0xFFFF  }
0x33: {  	p0 =	sne.s32 s0, $0x0;
	_ =	strace $0x90000047  }
0x34: {  	s0 =	sadd.s32 @!p0 $0x100000, s1;
	[bflag:$0x2] =	sbarrier.arrive $0xFFFF  }
0x35: {  	[sflag:s0] =	ssyncadd.tile.s32 @!p0 $0x1;
	_ =	shalt  }
.Lfunc_end2:
_tile_overlayer_lowered:
.L_overlay_start_2:
0x36: {  	(tag) =	ssettag $0x2  }
0x37: {  	s0 =	rddreg [dreg:$0x0];
	s2 =	stileid.u32  }
0x38: {  	s1 =	rddreg [dreg:$0x1];
	p0 =	sne.s32 s2, $0x0  }
0x39: {  	s3 =	rddreg [dreg:$0x2];
	[bflag:$0x3] =	sbarrier.arrive $0xFFFF;
	s2 =	simm.s32 @!p0 $0x1C01  }
0x3a: {  	[timem:s3], [sflag:s2] =	dma.local @!p0 [hbm:s0], s1  }
0x3b: {  	s0 =	simm.s32 @!p0 $0x1  }
0x3c: {  	_ =	swait.ge @!p0 [sflag:s0], s1  }
0x3d: {  	s1 =	ssub.s32 @!p0 $0x0, s1;
	[sflag:s0] =	ssyncset.done @!p0 $0x0  }
0x3e: {  	[sflag:s0] =	ssyncadd.s32 @!p0 s1  }
0x3f: {  	[bflag:$0x3] =	sbarrier.arrive $0xFFFF  }
0x40: {  	_ =	shalt  }

// kernel: kernel.14.cloned.1.call-start
scs
__scs_entry_jumppad:
0x0: {  	(pc) =	sbr.rel $0x88, $3  }
0x1: {  	(tag) =	ssettag $0x0;
	lr =	simm.s32 $0x1  }
0x2: {  	[smem:$0x3F8C] =	sst lr;
	_ =	strace $0xD0000000  }
0x3: {  	_ = 	snop  }
0x4: {  	_ = 	snop  }
0x5: {  	_ = 	snop  }
0x6: {  	_ = 	snop  }
0x7: {  	_ = 	snop  }
__scs_overlays_trampoline_lowered:
0x8: {  	[smem:$0x3F9B] =	sst s0  }
0x9: {  	[smem:$0x3F9C] =	sst s1  }
0xa: {  	[smem:$0x3F9D] =	sst s2  }
0xb: {  	[smem:$0x3F9E] =	sst s3  }
0xc: {  	[smem:$0x3F9F] =	sst s4  }
0xd: {  	[smem:$0x3FA0] =	sst s5  }
0xe: {  	[smem:$0x3FA1] =	sst s6  }
0xf: {  	[smem:$0x3FA2] =	sst s7  }
0x10: {  	[smem:$0x3FA3] =	sst s8  }
0x11: {  	[smem:$0x3FA4] =	sst s9;
	s0 =	simm.s32 @!p0 $0x0  }
0x12: {  	s1 =	sld [smem:$0x3F8A];
	s0 =	simm.s32 @p0 $0x1  }
0x13: {  	[smem:$0x3FA5] =	sst s0;
	s0 =	simm.s32 @!p1 $0x0  }
0x14: {  	s2 =	sld [smem:$0x3F89];
	s0 =	simm.s32 @p1 $0x1  }
0x15: {  	[smem:$0x3FA6] =	sst s0;
	s0 =	simm.s32 @!p2 $0x0  }
0x16: {  	s3 =	sld [smem:$0x3FDB];
	s0 =	simm.s32 @p2 $0x1  }
0x17: {  	s4 =	simm.s32 $0x1BF5;
	[smem:$0x3FA8] =	sst s0  }
0x18: {  	s0 =	sld [smem:$0x3F8B];
	_ =	swait.ge [sflag:s4], $0x0  }
0x19: {  	s7 =	sld [smem:$0x3F8C]  }
0x1a: {  	s8 =	sadd.s32 $0xFFFFE003, lr  }
0x1b: {  	s9 =	sadd.s32 $0xFFFFFEF7, lr;
	s5 =	simm.s32 $0xFFFFFFFF;
	p2 =	slt.u32 s8, $0xFFFFF086  }
0x1c: {  	p1 =	slt.u32 s9, $0xF7A;
	s5 =	simm.s32 @!p2 $0x0  }
0x1d: {  	s5 =	simm.s32 @p1 $0x1;
	p0 =	seq.s32 s7, s2  }
0x1e: {  	s7 =	smul.u32 @!p0 $0xF7A, s2;
	p2 =	seq.s32 @!p0 s5, $0x0  }
0x1f: {  	s9 =	smul.u32 $0xF7A, s1;
	s8 =	simm.s32 @!p0 $0x1BF5;
	p2 =	por !p2, p0  }
0x20: {  	[sflag:s8] =	ssyncset.s32 @!p0 $0xFFFFF086;
	s6 =	sadd.s32 @!p0 s3, s7;
	s7 =	simm.s32 @!p0 $0x108  }
0x21: {  	s3 =	sadd.s32 s3, s9;
	s6 =	sadd.s32 @!p0 $0x88, s6;
	s7 =	simm.s32 @p2 $0x1082  }
0x22: {  	[simem:s7], [sflag:s8] =	dma.local @!p0 [hbm:s6], $0xF7A  }
0x23: {  	s9 =	sor.u32 $0xD0000000, s2;
	s6 =	simm.s32 $0x108;
	_ =	swait.ge @!p0 [sflag:s8], $0x0  }
0x24: {  	s3 =	sadd.s32 $0x88, s3;
	s6 =	simm.s32 @!p1 $0x1082;
	[sflag:s4] =	ssyncset.s32 $0xFFFFF086  }
0x25: {  	[simem:s6], [sflag:s4] =	dma.local [hbm:s3], $0xF7A  }
0x26: {  	[smem:$0x3F8C] =	sst s1;
	(tag) =	ssettag s2;
	_ =	strace s9  }
0x27: {  	s1 =	sld [smem:$0x3F9C]  }
0x28: {  	s2 =	sld [smem:$0x3F9D]  }
0x29: {  	s4 =	sld [smem:$0x3F9F]  }
0x2a: {  	p0 =	seq.s32 s5, $0x0;
	s5 =	sld [smem:$0x3FA0]  }
0x2b: {  	s6 =	sld [smem:$0x3FA1]  }
0x2c: {  	s7 =	sld [smem:$0x3FA2]  }
0x2d: {  	s3 =	simm.s32 $0x108;
	s8 =	sld [smem:$0x3FA3]  }
0x2e: {  	s3 =	simm.s32 @!p0 $0x1082;
	s9 =	sld [smem:$0x3FA4]  }
0x2f: {  	lr =	sadd.s32 s0, s3;
	s0 =	sld [smem:$0x3F9B]  }
0x30: {  	s3 =	sld [smem:$0x3F9E]  }
0x31: {  	[smem:$0x3FA7] =	sst s10  }
0x32: {  	s10 =	sld [smem:$0x3FA5];
	_ =	sdelay $0x3  }
0x33: {  	p0 =	seq.s32 s10, $0x1;
	s10 =	sld [smem:$0x3FA7];
	_ =	sdelay $0x3  }
0x34: {  	[smem:$0x3FA7] =	sst s10  }
0x35: {  	s10 =	sld [smem:$0x3FA6];
	_ =	sdelay $0x3  }
0x36: {  	p1 =	seq.s32 s10, $0x1;
	s10 =	sld [smem:$0x3FA7];
	_ =	sdelay $0x3  }
0x37: {  	[smem:$0x3FA7] =	sst s10  }
0x38: {  	s10 =	sld [smem:$0x3FA8]  }
0x39: {  	_ = 	snop;
	(pc) =	sbr.ind lr, $3  }
0x3a: {  	_ = 	snop  }
0x3b: {  	_ = 	snop  }
0x3c: {  	p2 =	seq.s32 s10, $0x1;
	s10 =	sld [smem:$0x3FA7]  }
0x3d: {  	_ =	shalt  }
0x3e: {  	_ =	shalt  }
0x3f: {  	_ =	shalt  }
0x40: {  	_ =	shalt  }
0x41: {  	_ =	shalt  }
0x42: {  	_ =	shalt  }
0x43: {  	_ =	shalt  }
0x44: {  	_ =	shalt  }
0x45: {  	_ =	shalt  }
0x46: {  	_ =	shalt  }
0x47: {  	_ =	shalt  }
0x48: {  	_ =	shalt  }
0x49: {  	_ =	shalt  }
0x4a: {  	_ =	shalt  }
0x4b: {  	_ =	shalt  }
0x4c: {  	_ =	shalt  }
0x4d: {  	_ =	shalt  }
0x4e: {  	_ =	shalt  }
0x4f: {  	_ =	shalt  }
0x50: {  	_ =	shalt  }
0x51: {  	_ =	shalt  }
0x52: {  	_ =	shalt  }
0x53: {  	_ =	shalt  }
0x54: {  	_ =	shalt  }
0x55: {  	_ =	shalt  }
0x56: {  	_ =	shalt  }
0x57: {  	_ =	shalt  }
0x58: {  	_ =	shalt  }
0x59: {  	_ =	shalt  }
0x5a: {  	_ =	shalt  }
0x5b: {  	_ =	shalt  }
0x5c: {  	_ =	shalt  }
0x5d: {  	_ =	shalt  }
0x5e: {  	_ =	shalt  }
0x5f: {  	_ =	shalt  }
0x60: {  	_ =	shalt  }
0x61: {  	_ =	shalt  }
0x62: {  	_ =	shalt  }
0x63: {  	_ =	shalt  }
0x64: {  	_ =	shalt  }
0x65: {  	_ =	shalt  }
0x66: {  	_ =	shalt  }
0x67: {  	_ =	shalt  }
0x68: {  	_ =	shalt  }
0x69: {  	_ =	shalt  }
0x6a: {  	_ =	shalt  }
0x6b: {  	_ =	shalt  }
0x6c: {  	_ =	shalt  }
0x6d: {  	_ =	shalt  }
0x6e: {  	_ =	shalt  }
0x6f: {  	_ =	shalt  }
0x70: {  	_ =	shalt  }
0x71: {  	_ =	shalt  }
0x72: {  	_ =	shalt  }
0x73: {  	_ =	shalt  }
0x74: {  	_ =	shalt  }
0x75: {  	_ =	shalt  }
0x76: {  	_ =	shalt  }
0x77: {  	_ =	shalt  }
0x78: {  	_ =	shalt  }
0x79: {  	_ =	shalt  }
0x7a: {  	_ =	shalt  }
0x7b: {  	_ =	shalt  }
0x7c: {  	_ =	shalt  }
0x7d: {  	_ =	shalt  }
0x7e: {  	_ =	shalt  }
0x7f: {  	_ =	shalt  }
0x80: {  	_ =	shalt  }
0x81: {  	_ =	shalt  }
0x82: {  	_ =	shalt  }
0x83: {  	_ =	shalt  }
0x84: {  	_ =	shalt  }
0x85: {  	_ =	shalt  }
0x86: {  	_ =	shalt  }
0x87: {  	_ =	shalt  }
.Lfunc_end0:
.L_simem_size_0:
called_computation.1_lowered:
.L_overlay_start_0:
0x88: {  	s2 =	sld [smem:$0x3FD9]  }
0x89: {  	s3 =	sld [smem:$0x3FFE];
	_ =	sdelay $0x1  }
0x8a: {  	s1 =	srdreg.scid  }
0x8b: {  	s0 =	sand.u32 $0x1, s1  }
0x8c: {  	s17 =	sshll.u32 s0, $0xA;
	s2 =	sadd.s32 s3, s2  }
0x8d: {  	s2 =	sadd.s32 s2, s17  }
0x8e: {  	[smem:$0x3FB3] =	sst s2  }
0x8f: {  	_ = 	snop  }
0x90: {  	(tm) =	ssettm $0x1  }
0x91: {  	s18 =	sld [smem:$0x3FFB];
	_ =	sdelay $0x3  }
0x92: {  	_ =	strace s18  }
0x93: {  	s2 =	sld [smem:$0x3FFC];
	_ =	sdelay $0x3  }
0x94: {  	_ =	strace s2  }
0x95: {  	s2 =	sld [smem:$0x3FFD];
	_ =	sdelay $0x3  }
0x96: {  	_ =	strace s2  }
0x97: {  	_ =	strace $0x8FFFFFFF  }
0x98: {  	s19 =	sld [smem:$0x3FDB];
	_ =	sdelay $0x1  }
0x99: {  	s20 =	simm.s32 $_scs_section_size  }
0x9a: {  	s4 =	simm.s32 $_size__tile_overlayer_lowered;
	s5 =	simm.s32 $_tile_overlayer_lowered  }
0x9b: {  	s6 =	simm.s32 $0x1BFF;
	s21 =	sshll.u32 s5, $0x1;
	s3 =	sadd.s32 s20, s19  }
0x9c: {  	s22 =	simm.s32 $0x0;
	s4 =	sshll.u32 s4, $0x1;
	s5 =	sadd.s32 s21, s3  }
0x9d: {  	[timem:s22], [sflag:s6] =	dma.local [hbm:s5], s4  }
0x9e: {  	_ =	swait.ge [sflag:s6], s4  }
0x9f: {  	s4 =	ssub.s32 $0x0, s4;
	[sflag:s6] =	ssyncset.done $0x0  }
0xa0: {  	[sflag:s6] =	ssyncadd.s32 s4;
	_ =	sdelay $0x1  }
0xa1: {  	s23 =	simm.s32 $0x1B8B  }
0xa2: {  	_ =	swait.ge [sflag:s23], $0x1  }
0xa3: {  	[sflag:s23] =	ssyncset.done $0x0  }
0xa4: {  	[sflag:s23] =	ssyncadd.s32 $0xFFFFFFFF  }
0xa5: {  	s4 =	sld [smem:$0x0]  }
0xa6: {  	s5 =	sand.u32 $0xFFFFFFFE, s1  }
0xa7: {  	p0 =	sne.s32 s1, s5  }
0xa8: {  	s5 =	sshll.u32 @p0 s5, $0xE  }
0xa9: {  	s5 =	sadd.s32 @p0 $0x11B8D, s5;
	s6 =	sshll.u32 @p0 s4, $0x11  }
0xaa: {  	s5 =	sor.u32 @p0 s6, s5  }
0xab: {  	[sflag:s5] =	ssyncadd.remote.s32 @p0 $0x1;
	_ =	sdelay $0x1  }
0xac: {  	s5 =	simm.s32 @p0 $0x1B8D  }
0xad: {  	_ =	swait.eq @p0 [sflag:s5], $0x1  }
0xae: {  	[sflag:s5] =	ssyncadd.s32 @p0 $0xFFFFFFFF  }
0xaf: {  	s6 =	sshll.u32 @!p0 s1, $0xE  }
0xb0: {  	s6 =	sor.u32 @!p0 $0x4000, s6;
	s5 =	simm.s32 @!p0 $0x1B8D  }
0xb1: {  	s4 =	sshll.u32 @!p0 s4, $0x11;
	s6 =	sadd.s32 @!p0 $0x11B8D, s6;
	_ =	swait.eq @!p0 [sflag:s5], $0x1  }
0xb2: {  	s4 =	sor.u32 @!p0 s4, s6;
	[sflag:s5] =	ssyncadd.s32 @!p0 $0xFFFFFFFF  }
0xb3: {  	s25 =	simm.s32 $0x1B8E;
	s24 =	sld [smem:$0x3FFE];
	[sflag:s4] =	ssyncadd.remote.s32 @!p0 $0x1  }
0xb4: {  	s26 =	simm.s32 $execute0_lowered;
	[smem:$0x3FD2] =	sst s25  }
0xb5: {  	s5 =	sshll.u32 s26, $0x1;
	_ =	strace $0x80000049;
	[dreg:$0x1] =	wrdreg $0xFFFFFFFF  }
0xb6: {  	s28 =	simm.s32 $_size_execute0_lowered;
	s3 =	sadd.s32 s3, s5;
	[dreg:$0x0] =	wrdreg $0x0  }
0xb7: {  	s5 =	sshll.u32 s28, $0x1;
	[dreg:$0x2] =	wrdreg s3  }
0xb8: {  	[dreg:$0x3] =	wrdreg s5  }
0xb9: {  	[dreg:$0x4] =	wrdreg $0xC0  }
0xba: {  	_ =	task [dreg:s22], $0x5FFFF  }
0xbb: {  	[dreg:$0x1] =	wrdreg $0xFFFFFFFF  }
0xbc: {  	[dreg:$0x0] =	wrdreg $0x60  }
0xbd: {  	[dreg:$0x2] =	wrdreg s24  }
0xbe: {  	[dreg:$0x3] =	wrdreg $0x90000  }
0xbf: {  	[dreg:$0x4] =	wrdreg $0xA  }
0xc0: {  	_ =	task.clear_ibuf [dreg:s22], $0x5FFFF;
	_ =	strace $0x90000049  }
0xc1: {  	s29 =	simm.s32 $0xA;
	_ =	strace $0x8000004B  }
0xc2: {  	_ =	swait.ge [sflag:s29], $0x1  }
0xc3: {  	[sflag:s29] =	ssyncadd.s32 $0xFFFFFFFF  }
0xc4: {  	_ =	strace $0x9000004B  }
0xc5: {  	_ =	sfence  }
0xc6: {  	s30 =	sld [smem:$0x0];
	_ =	sdelay $0x2  }
0xc7: {  	s31 =	sshll.u32 s1, $0xD;
	s1 =	sshrl.u32 s1, $0x2  }
0xc8: {  	s4 =	sand.u32 $0x4000, s31;
	s1 =	sadd.s32 s1, s30  }
0xc9: {  	s0 =	sor.u32 s4, s0;
	s1 =	sshll.u32 s1, $0x11  }
0xca: {  	s0 =	sor.u32 s1, s0  }
0xcb: {  	s0 =	sadd.s32 $0x8F2B, s0  }
0xcc: {  	[sflag:s0] =	ssyncadd.remote.s32 $0x1  }
0xcd: {  	_ =	sfence.sel $0xFFFF  }
0xce: {  	[dreg:$0x0] =	wrdreg $0xFFFFFFFF;
	(pc) =	sbr.abs _section_cstart, $3  }
0xcf: {  	[dreg:$0x1] =	wrdreg $0xFFFFFFFF  }
0xd0: {  	_ =	task.clear_ibuf [dreg:s22], $0x2FFFF;
	_ =	strace $0x9FFFFFFF  }
0xd1: {  	(tm) =	ssettm $0x7FFFFFFF  }
tec
execute0_lowered:
.L_overlay_start_1:
0x0: {  	(tag) =	ssettag $0x1  }
0x1: {  	s0 =	rddreg [dreg:$0x0]  }
0x2: {  	s1 =	rddreg [dreg:$0x1];
	s2 =	srdreg.scid  }
0x3: {  	s3 =	simm.s32 $0x0;
	s9 =	stileid.u32;
	s13 =	simm.s32 $0x1  }
0x4: {  	s14 =	simm.s32 $0x7D;
	s15 =	simm.s32 $0x1000;
	s16 =	simm.s32 $0x800  }
0x5: {  	s28 =	simm.s32 $0x280;
	s29 =	simm.s32 $0x400;
	s30 =	simm.s32 $0x380  }
0x6: {  	s31 =	simm.s32 $0x2;
	s10 =	simm.s32 $0xA80;
	s11 =	simm.s32 $0xC00  }
0x7: {  	s17 =	simm.s32 $0xC80;
	s2 =	sand.u32 $0x1, s2;
	[smem:$0x7FF] =	sst s3  }
0x8: {  	s6 =	smul.u32 $0x14000, s9;
	s4 =	sadd.s32 $0x23800, s0;
	s7 =	sadd.s32 $0x13800, s0  }
0x9: {  	s18 =	sadd.s32 $0x4AA00, s0;
	s8 =	smul.u32 $0x50000, s9;
	s21 =	sshll.u32 s9, $0xF  }
0xa: {  	s9 =	sshll.u32 s9, $0x6;
	s5 =	smul.u32 $0x140000, s2;
	_ =	strace $0x8000004A  }
0xb: {  	[dreg:$0x5] =	wrdreg s18;
	s19 =	ssub.s32 $0x2, s2;
	s2 =	sshll.u32 s2, $0xE  }
0xc: {  	[dreg:$0x6] =	wrdreg s9;
	s23 =	sor.u32 $0x1C05, s9;
	s18 =	simm.s32 $0x3  }
0xd: {  	s20 =	sshrl.u32 s19, $0x1;
	s8 =	sshrl.u32 s8, $0x2;
	s2 =	sor.u32 s2, s21  }
0xe: {  	[dreg:$0x7] =	wrdreg s23;
	s23 =	simm.s32 $0x4;
	s5 =	sadd.s32 s6, s5  }
0xf: {  	s22 =	sadd.s32 s8, s1;
	s24 =	sor.u32 $0x1800, s2;
	s25 =	sshrl.u32 s2, $0x3  }
0x10: {  	s2 =	sor.u32 $0x1000, s2;
	s6 =	simm.s32 $0xB00;
	s5 =	sshrl.u32 s5, $0x3  }
0x11: {  	s8 =	sshrl.u32 s24, $0x3;
	s9 =	sadd.s32 s7, s25;
	s2 =	sshrl.u32 s2, $0x3  }
0x12: {  	s21 =	sshrl.u32 s22, $0x3;
	s22 =	simm.s32 $0x6;
	s24 =	simm.s32 $0x200  }
0x13: {  	s25 =	simm.s32 $0x180;
	s0 =	sadd.s32 s5, s0;
	s5 =	ssub.s32 s19, s20  }
0x14: {  	s8 =	sadd.s32 s8, s7;
	[dreg:$0x8] =	wrdreg s9;
	s9 =	sadd.s32 $0x100, s9  }
0x15: {  	s2 =	sadd.s32 s2, s7;
	s20 =	simm.s32 $0x5000;
	[dreg:$0xc] =	wrdreg s21  }
0x16: {  	s7 =	simm.s32 $0xA00;
	s19 =	simm.s32 $0x0;
	[dreg:$0x9] =	wrdreg s9  }
0x17: {  	[dreg:$0x3] =	wrdreg s8;
	s0 =	sadd.s32 $0x4D200, s0;
	s26 =	smax.u32 s5, $0x1  }
0x18: {  	[dreg:$0x4] =	wrdreg s2;
	s2 =	simm.s32 $0x900;
	s5 =	simm.s32 $0x880  }
0x19: {  	s9 =	simm.s32 $0x980;
	s8 =	simm.s32 $0xB80;
	[dreg:$0xa] =	wrdreg s0  }
0x1a: {  	[dreg:$0xb] =	wrdreg s26;
	s26 =	simm.s32 $0x300;
	s0 =	simm.s32 $0x480  }
.LBB2_1:
0x1b: {  	[dreg:$0xd] =	wrdreg s19  }
0x1c: {  	s12 =	rddreg [dreg:$0x5]  }
0x1d: {  	s19 =	rddreg [dreg:$0x7]  }
0x1e: {  	[spmem:s21], [sflag:s19] =	dma.local [hbm:s12], $0x2800  }
0x1f: {  	s12 =	rddreg [dreg:$0x8]  }
0x20: {  	[tilespmem:s3], [sflag:$0x1] =	stream.linear.gather [hbm4b:s12+s3], $0x500, $0x38;
	[tilespmem:$0x1D000] =	vst v63  }
0x21: {  	_ =	swait.ge [sflag:s13], $0x500  }
0x22: {  	[sflag:s13] =	ssyncset.done $0x0  }
0x23: {  	[sflag:s13] =	ssyncadd.s32 $0xFFFFFB00  }
0x24: {  	[tilespmem:s15], [sflag:$0x3] =	stream.indirect.gather [hbm4b:s4+s14], $0x80, s3, s14, $0xb8;
	[tilespmem:$0x1D000] =	vst v63  }
0x25: {  	s21 =	simm.s32 $0x5;
	s19 =	rddreg [dreg:$0x9]  }
0x26: {  	[tilespmem:s16], [sflag:$0x2] =	stream.linear.gather [hbm4b:s19+s3], $0x500, $0x38;
	[tilespmem:$0x1D000] =	vst v63  }
0x27: {  	_ =	swait.ge [sflag:s21], $0x2800  }
0x28: {  	[sflag:s21] =	ssyncset.done $0x0  }
0x29: {  	[sflag:s21] =	ssyncadd.s32 $0xFFFFD800  }
0x2a: {  	[bflag:$0x0] =	sbarrier.arrive $0xFFFF  }
0x2b: {  	_ =	swait.ge [sflag:s18], $0x3E80  }
0x2c: {  	[sflag:s18] =	ssyncset.done $0x0  }
0x2d: {  	s19 =	simm.s32 $0x100;
	[sflag:s18] =	ssyncadd.s32 $0xFFFFC180  }
0x2e: {  	[tilespmem:s20], [sflag:$0x4] =	stream.indirect.gather [hbm4b:s4+s14], $0x80, s19, s14, $0xb8;
	[tilespmem:$0x1D000] =	vst v63  }
0x2f: {  	s21 =	simm.s32 $0x80  }
0x30: {  	[spmem:s1] =	stream.indirect.scatter.add.f32 [tilespmem:s15], [sflag:$0x6], $0x80, s21, s14, $0xb8;
	[tilespmem:$0x1D000] =	vst v63  }
0x31: {  	_ =	swait.ge [sflag:s22], $0x3E80  }
0x32: {  	[sflag:s22] =	ssyncset.done $0x0  }
0x33: {  	[sflag:s22] =	ssyncadd.s32 $0xFFFFC180  }
0x34: {  	_ =	swait.ge [sflag:s23], $0x3E80  }
0x35: {  	[sflag:s23] =	ssyncset.done $0x0  }
0x36: {  	[sflag:s23] =	ssyncadd.s32 $0xFFFFC180  }
0x37: {  	[tilespmem:s15], [sflag:$0x3] =	stream.indirect.gather [hbm4b:s4+s14], $0x80, s24, s14, $0xb8;
	[tilespmem:$0x1D000] =	vst v63  }
0x38: {  	_ = 	snop  }
0x39: {  	[spmem:s1] =	stream.indirect.scatter.add.f32 [tilespmem:s20], [sflag:$0x6], $0x80, s25, s14, $0xb8;
	[tilespmem:$0x1D000] =	vst v63  }
0x3a: {  	_ =	swait.ge [sflag:s22], $0x3E80  }
0x3b: {  	[sflag:s22] =	ssyncset.done $0x0  }
0x3c: {  	[sflag:s22] =	ssyncadd.s32 $0xFFFFC180  }
0x3d: {  	_ =	swait.ge [sflag:s18], $0x3E80  }
0x3e: {  	[sflag:s18] =	ssyncset.done $0x0  }
0x3f: {  	[sflag:s18] =	ssyncadd.s32 $0xFFFFC180  }
0x40: {  	[tilespmem:s20], [sflag:$0x4] =	stream.indirect.gather [hbm4b:s4+s14], $0x80, s26, s14, $0xb8;
	[tilespmem:$0x1D000] =	vst v63  }
0x41: {  	_ = 	snop  }
0x42: {  	[spmem:s1] =	stream.indirect.scatter.add.f32 [tilespmem:s15], [sflag:$0x6], $0x80, s28, s14, $0xb8;
	[tilespmem:$0x1D000] =	vst v63  }
0x43: {  	_ =	swait.ge [sflag:s22], $0x3E80  }
0x44: {  	[sflag:s22] =	ssyncset.done $0x0  }
0x45: {  	[sflag:s22] =	ssyncadd.s32 $0xFFFFC180  }
0x46: {  	_ =	swait.ge [sflag:s23], $0x3E80  }
0x47: {  	[sflag:s23] =	ssyncset.done $0x0  }
0x48: {  	[sflag:s23] =	ssyncadd.s32 $0xFFFFC180  }
0x49: {  	[tilespmem:s15], [sflag:$0x3] =	stream.indirect.gather [hbm4b:s4+s14], $0x80, s29, s14, $0xb8;
	[tilespmem:$0x1D000] =	vst v63  }
0x4a: {  	_ = 	snop  }
0x4b: {  	[spmem:s1] =	stream.indirect.scatter.add.f32 [tilespmem:s20], [sflag:$0x6], $0x80, s30, s14, $0xb8;
	[tilespmem:$0x1D000] =	vst v63  }
0x4c: {  	_ =	swait.ge [sflag:s22], $0x3E80  }
0x4d: {  	[sflag:s22] =	ssyncset.done $0x0  }
0x4e: {  	[sflag:s22] =	ssyncadd.s32 $0xFFFFC180  }
0x4f: {  	_ =	swait.ge [sflag:s18], $0x3E80  }
0x50: {  	[sflag:s18] =	ssyncset.done $0x0  }
0x51: {  	[sflag:s18] =	ssyncadd.s32 $0xFFFFC180  }
0x52: {  	_ =	swait.ge [sflag:s31], $0x500  }
0x53: {  	[sflag:s31] =	ssyncset.done $0x0  }
0x54: {  	[sflag:s31] =	ssyncadd.s32 $0xFFFFFB00  }
0x55: {  	[tilespmem:s20], [sflag:$0x4] =	stream.indirect.gather [hbm4b:s4+s14], $0x80, s16, s14, $0xb8;
	[tilespmem:$0x1D000] =	vst v63  }
0x56: {  	_ = 	snop  }
0x57: {  	[spmem:s1] =	stream.indirect.scatter.add.f32 [tilespmem:s15], [sflag:$0x6], $0x80, s0, s14, $0xb8;
	[tilespmem:$0x1D000] =	vst v63  }
0x58: {  	_ =	swait.ge [sflag:s22], $0x3E80  }
0x59: {  	s19 =	rddreg [dreg:$0x4];
	[sflag:s22] =	ssyncset.done $0x0  }
0x5a: {  	[sflag:s22] =	ssyncadd.s32 $0xFFFFC180;
	s12 =	sadd.s32 $0x0, s19  }
0x5b: {  	[tilespmem:s3], [sflag:$0x1] =	stream.linear.gather [hbm4b:s12+s3], $0x500, $0x38;
	[tilespmem:$0x1D000] =	vst v63  }
0x5c: {  	_ =	swait.ge [sflag:s23], $0x3E80  }
0x5d: {  	[sflag:s23] =	ssyncset.done $0x0  }
0x5e: {  	[sflag:s23] =	ssyncadd.s32 $0xFFFFC180  }
0x5f: {  	[tilespmem:s15], [sflag:$0x3] =	stream.indirect.gather [hbm4b:s4+s14], $0x80, s2, s14, $0xb8;
	[tilespmem:$0x1D000] =	vst v63  }
0x60: {  	_ = 	snop  }
0x61: {  	[spmem:s1] =	stream.indirect.scatter.add.f32 [tilespmem:s20], [sflag:$0x6], $0x80, s5, s14, $0xb8;
	[tilespmem:$0x1D000] =	vst v63  }
0x62: {  	_ =	swait.ge [sflag:s22], $0x3E80  }
0x63: {  	[sflag:s22] =	ssyncset.done $0x0  }
0x64: {  	[sflag:s22] =	ssyncadd.s32 $0xFFFFC180  }
0x65: {  	_ =	swait.ge [sflag:s18], $0x3E80  }
0x66: {  	[sflag:s18] =	ssyncset.done $0x0  }
0x67: {  	[sflag:s18] =	ssyncadd.s32 $0xFFFFC180  }
0x68: {  	[tilespmem:s20], [sflag:$0x4] =	stream.indirect.gather [hbm4b:s4+s14], $0x80, s7, s14, $0xb8;
	[tilespmem:$0x1D000] =	vst v63  }
0x69: {  	_ = 	snop  }
0x6a: {  	[spmem:s1] =	stream.indirect.scatter.add.f32 [tilespmem:s15], [sflag:$0x6], $0x80, s9, s14, $0xb8;
	[tilespmem:$0x1D000] =	vst v63  }
0x6b: {  	_ =	swait.ge [sflag:s22], $0x3E80  }
0x6c: {  	[sflag:s22] =	ssyncset.done $0x0  }
0x6d: {  	[sflag:s22] =	ssyncadd.s32 $0xFFFFC180  }
0x6e: {  	_ =	swait.ge [sflag:s23], $0x3E80  }
0x6f: {  	[sflag:s23] =	ssyncset.done $0x0  }
0x70: {  	[sflag:s23] =	ssyncadd.s32 $0xFFFFC180  }
0x71: {  	[tilespmem:s15], [sflag:$0x3] =	stream.indirect.gather [hbm4b:s4+s14], $0x80, s6, s14, $0xb8;
	[tilespmem:$0x1D000] =	vst v63  }
0x72: {  	_ = 	snop  }
0x73: {  	[spmem:s1] =	stream.indirect.scatter.add.f32 [tilespmem:s20], [sflag:$0x6], $0x80, s10, s14, $0xb8;
	[tilespmem:$0x1D000] =	vst v63  }
0x74: {  	_ =	swait.ge [sflag:s22], $0x3E80  }
0x75: {  	[sflag:s22] =	ssyncset.done $0x0  }
0x76: {  	[sflag:s22] =	ssyncadd.s32 $0xFFFFC180  }
0x77: {  	_ =	swait.ge [sflag:s18], $0x3E80  }
0x78: {  	[sflag:s18] =	ssyncset.done $0x0  }
0x79: {  	[sflag:s18] =	ssyncadd.s32 $0xFFFFC180  }
0x7a: {  	[tilespmem:s20], [sflag:$0x4] =	stream.indirect.gather [hbm4b:s4+s14], $0x80, s11, s14, $0xb8;
	[tilespmem:$0x1D000] =	vst v63  }
0x7b: {  	_ = 	snop  }
0x7c: {  	[spmem:s1] =	stream.indirect.scatter.add.f32 [tilespmem:s15], [sflag:$0x6], $0x80, s8, s14, $0xb8;
	[tilespmem:$0x1D000] =	vst v63  }
0x7d: {  	_ =	swait.ge [sflag:s22], $0x3E80  }
0x7e: {  	[sflag:s22] =	ssyncset.done $0x0  }
0x7f: {  	[sflag:s22] =	ssyncadd.s32 $0xFFFFC180  }
0x80: {  	_ =	swait.ge [sflag:s23], $0x3E80  }
0x81: {  	[sflag:s23] =	ssyncset.done $0x0  }
0x82: {  	[sflag:s23] =	ssyncadd.s32 $0xFFFFC180  }
0x83: {  	_ =	swait.ge [sflag:s13], $0x500  }
0x84: {  	[sflag:s13] =	ssyncset.done $0x0  }
0x85: {  	[sflag:s13] =	ssyncadd.s32 $0xFFFFFB00  }
0x86: {  	[tilespmem:s15], [sflag:$0x3] =	stream.indirect.gather [hbm4b:s4+s14], $0x80, s3, s14, $0xb8;
	[tilespmem:$0x1D000] =	vst v63  }
0x87: {  	_ = 	snop  }
0x88: {  	[spmem:s1] =	stream.indirect.scatter.add.f32 [tilespmem:s20], [sflag:$0x6], $0x80, s17, s14, $0xb8;
	[tilespmem:$0x1D000] =	vst v63  }
0x89: {  	_ =	swait.ge [sflag:s22], $0x3E80  }
0x8a: {  	s21 =	rddreg [dreg:$0x3];
	[sflag:s22] =	ssyncset.done $0x0  }
0x8b: {  	s12 =	simm.s32 $0x200;
	[sflag:s22] =	ssyncadd.s32 $0xFFFFC180;
	s19 =	sadd.s32 $0x0, s21  }
.LBB2_2:
0x8c: {  	[tilespmem:s16], [sflag:$0x2] =	stream.linear.gather [hbm4b:s19+s3], $0x500, $0x38;
	[tilespmem:$0x1D000] =	vst v63  }
0x8d: {  	_ =	swait.ge [sflag:s18], $0x3E80  }
0x8e: {  	[sflag:s18] =	ssyncset.done $0x0  }
0x8f: {  	s21 =	simm.s32 $0x100;
	[sflag:s18] =	ssyncadd.s32 $0xFFFFC180  }
0x90: {  	[tilespmem:s20], [sflag:$0x4] =	stream.indirect.gather [hbm4b:s4+s14], $0x80, s21, s14, $0xb8;
	[tilespmem:$0x1D000] =	vst v63  }
0x91: {  	s21 =	simm.s32 $0x80  }
0x92: {  	[spmem:s1] =	stream.indirect.scatter.add.f32 [tilespmem:s15], [sflag:$0x6], $0x80, s21, s14, $0xb8;
	[tilespmem:$0x1D000] =	vst v63  }
0x93: {  	_ =	swait.ge [sflag:s22], $0x3E80  }
0x94: {  	[sflag:s22] =	ssyncset.done $0x0  }
0x95: {  	[sflag:s22] =	ssyncadd.s32 $0xFFFFC180  }
0x96: {  	_ =	swait.ge [sflag:s23], $0x3E80  }
0x97: {  	[sflag:s23] =	ssyncset.done $0x0  }
0x98: {  	[sflag:s23] =	ssyncadd.s32 $0xFFFFC180  }
0x99: {  	[tilespmem:s15], [sflag:$0x3] =	stream.indirect.gather [hbm4b:s4+s14], $0x80, s24, s14, $0xb8;
	[tilespmem:$0x1D000] =	vst v63  }
0x9a: {  	_ = 	snop  }
0x9b: {  	[spmem:s1] =	stream.indirect.scatter.add.f32 [tilespmem:s20], [sflag:$0x6], $0x80, s25, s14, $0xb8;
	[tilespmem:$0x1D000] =	vst v63  }
0x9c: {  	_ =	swait.ge [sflag:s22], $0x3E80  }
0x9d: {  	[sflag:s22] =	ssyncset.done $0x0  }
0x9e: {  	[sflag:s22] =	ssyncadd.s32 $0xFFFFC180  }
0x9f: {  	_ =	swait.ge [sflag:s18], $0x3E80  }
0xa0: {  	[sflag:s18] =	ssyncset.done $0x0  }
0xa1: {  	[sflag:s18] =	ssyncadd.s32 $0xFFFFC180  }
0xa2: {  	[tilespmem:s20], [sflag:$0x4] =	stream.indirect.gather [hbm4b:s4+s14], $0x80, s26, s14, $0xb8;
	[tilespmem:$0x1D000] =	vst v63  }
0xa3: {  	_ = 	snop  }
0xa4: {  	[spmem:s1] =	stream.indirect.scatter.add.f32 [tilespmem:s15], [sflag:$0x6], $0x80, s28, s14, $0xb8;
	[tilespmem:$0x1D000] =	vst v63  }
0xa5: {  	_ =	swait.ge [sflag:s22], $0x3E80  }
0xa6: {  	[sflag:s22] =	ssyncset.done $0x0  }
0xa7: {  	[sflag:s22] =	ssyncadd.s32 $0xFFFFC180  }
0xa8: {  	_ =	swait.ge [sflag:s23], $0x3E80  }
0xa9: {  	[sflag:s23] =	ssyncset.done $0x0  }
0xaa: {  	[sflag:s23] =	ssyncadd.s32 $0xFFFFC180  }
0xab: {  	[tilespmem:s15], [sflag:$0x3] =	stream.indirect.gather [hbm4b:s4+s14], $0x80, s29, s14, $0xb8;
	[tilespmem:$0x1D000] =	vst v63  }
0xac: {  	_ = 	snop  }
0xad: {  	[spmem:s1] =	stream.indirect.scatter.add.f32 [tilespmem:s20], [sflag:$0x6], $0x80, s30, s14, $0xb8;
	[tilespmem:$0x1D000] =	vst v63  }
0xae: {  	_ =	swait.ge [sflag:s22], $0x3E80  }
0xaf: {  	[sflag:s22] =	ssyncset.done $0x0  }
0xb0: {  	[sflag:s22] =	ssyncadd.s32 $0xFFFFC180  }
0xb1: {  	_ =	swait.ge [sflag:s18], $0x3E80  }
0xb2: {  	[sflag:s18] =	ssyncset.done $0x0  }
0xb3: {  	[sflag:s18] =	ssyncadd.s32 $0xFFFFC180  }
0xb4: {  	_ =	swait.ge [sflag:s31], $0x500  }
0xb5: {  	[sflag:s31] =	ssyncset.done $0x0  }
0xb6: {  	[sflag:s31] =	ssyncadd.s32 $0xFFFFFB00  }
0xb7: {  	[tilespmem:s20], [sflag:$0x4] =	stream.indirect.gather [hbm4b:s4+s14], $0x80, s16, s14, $0xb8;
	[tilespmem:$0x1D000] =	vst v63  }
0xb8: {  	_ = 	snop  }
0xb9: {  	[spmem:s1] =	stream.indirect.scatter.add.f32 [tilespmem:s15], [sflag:$0x6], $0x80, s0, s14, $0xb8;
	[tilespmem:$0x1D000] =	vst v63  }
0xba: {  	_ =	swait.ge [sflag:s22], $0x3E80  }
0xbb: {  	s19 =	smov.u32 s12;
	s21 =	rddreg [dreg:$0x4];
	[sflag:s22] =	ssyncset.done $0x0  }
0xbc: {  	[sflag:s22] =	ssyncadd.s32 $0xFFFFC180;
	s21 =	sadd.s32 s19, s21  }
0xbd: {  	[tilespmem:s3], [sflag:$0x1] =	stream.linear.gather [hbm4b:s21+s3], $0x500, $0x38;
	[tilespmem:$0x1D000] =	vst v63  }
0xbe: {  	_ =	swait.ge [sflag:s23], $0x3E80  }
0xbf: {  	[sflag:s23] =	ssyncset.done $0x0  }
0xc0: {  	[sflag:s23] =	ssyncadd.s32 $0xFFFFC180  }
0xc1: {  	[tilespmem:s15], [sflag:$0x3] =	stream.indirect.gather [hbm4b:s4+s14], $0x80, s2, s14, $0xb8;
	[tilespmem:$0x1D000] =	vst v63  }
0xc2: {  	_ = 	snop  }
0xc3: {  	[spmem:s1] =	stream.indirect.scatter.add.f32 [tilespmem:s20], [sflag:$0x6], $0x80, s5, s14, $0xb8;
	[tilespmem:$0x1D000] =	vst v63  }
0xc4: {  	_ =	swait.ge [sflag:s22], $0x3E80  }
0xc5: {  	[sflag:s22] =	ssyncset.done $0x0  }
0xc6: {  	[sflag:s22] =	ssyncadd.s32 $0xFFFFC180  }
0xc7: {  	_ =	swait.ge [sflag:s18], $0x3E80  }
0xc8: {  	[sflag:s18] =	ssyncset.done $0x0  }
0xc9: {  	[sflag:s18] =	ssyncadd.s32 $0xFFFFC180  }
0xca: {  	[tilespmem:s20], [sflag:$0x4] =	stream.indirect.gather [hbm4b:s4+s14], $0x80, s7, s14, $0xb8;
	[tilespmem:$0x1D000] =	vst v63  }
0xcb: {  	_ = 	snop  }
0xcc: {  	[spmem:s1] =	stream.indirect.scatter.add.f32 [tilespmem:s15], [sflag:$0x6], $0x80, s9, s14, $0xb8;
	[tilespmem:$0x1D000] =	vst v63  }
0xcd: {  	_ =	swait.ge [sflag:s22], $0x3E80  }
0xce: {  	[sflag:s22] =	ssyncset.done $0x0  }
0xcf: {  	[sflag:s22] =	ssyncadd.s32 $0xFFFFC180  }
0xd0: {  	_ =	swait.ge [sflag:s23], $0x3E80  }
0xd1: {  	[sflag:s23] =	ssyncset.done $0x0  }
0xd2: {  	[sflag:s23] =	ssyncadd.s32 $0xFFFFC180  }
0xd3: {  	[tilespmem:s15], [sflag:$0x3] =	stream.indirect.gather [hbm4b:s4+s14], $0x80, s6, s14, $0xb8;
	[tilespmem:$0x1D000] =	vst v63  }
0xd4: {  	_ = 	snop  }
0xd5: {  	[spmem:s1] =	stream.indirect.scatter.add.f32 [tilespmem:s20], [sflag:$0x6], $0x80, s10, s14, $0xb8;
	[tilespmem:$0x1D000] =	vst v63  }
0xd6: {  	_ =	swait.ge [sflag:s22], $0x3E80  }
0xd7: {  	[sflag:s22] =	ssyncset.done $0x0  }
0xd8: {  	[sflag:s22] =	ssyncadd.s32 $0xFFFFC180  }
0xd9: {  	_ =	swait.ge [sflag:s18], $0x3E80  }
0xda: {  	[sflag:s18] =	ssyncset.done $0x0  }
0xdb: {  	[sflag:s18] =	ssyncadd.s32 $0xFFFFC180  }
0xdc: {  	[tilespmem:s20], [sflag:$0x4] =	stream.indirect.gather [hbm4b:s4+s14], $0x80, s11, s14, $0xb8;
	[tilespmem:$0x1D000] =	vst v63  }
0xdd: {  	_ = 	snop  }
0xde: {  	[spmem:s1] =	stream.indirect.scatter.add.f32 [tilespmem:s15], [sflag:$0x6], $0x80, s8, s14, $0xb8;
	[tilespmem:$0x1D000] =	vst v63  }
0xdf: {  	_ =	swait.ge [sflag:s22], $0x3E80  }
0xe0: {  	[sflag:s22] =	ssyncset.done $0x0  }
0xe1: {  	[sflag:s22] =	ssyncadd.s32 $0xFFFFC180  }
0xe2: {  	_ =	swait.ge [sflag:s23], $0x3E80  }
0xe3: {  	[sflag:s23] =	ssyncset.done $0x0  }
0xe4: {  	[sflag:s23] =	ssyncadd.s32 $0xFFFFC180  }
0xe5: {  	_ =	swait.ge [sflag:s13], $0x500  }
0xe6: {  	[sflag:s13] =	ssyncset.done $0x0  }
0xe7: {  	p0 =	sne.s32 s12, $0x400;
	[sflag:s13] =	ssyncadd.s32 $0xFFFFFB00  }
0xe8: {  	[tilespmem:s15], [sflag:$0x3] =	stream.indirect.gather [hbm4b:s4+s14], $0x80, s3, s14, $0xb8;
	[tilespmem:$0x1D000] =	vst v63  }
.Ltmp0:
0xe9: {  	_ = 	snop;
	(pc) =	sbr.rel @p0 .LBB2_2-.Ltmp0, $4  }
0xea: {  	[spmem:s1] =	stream.indirect.scatter.add.f32 [tilespmem:s20], [sflag:$0x6], $0x80, s17, s14, $0xb8;
	[tilespmem:$0x1D000] =	vst v63  }
0xeb: {  	_ =	swait.ge [sflag:s22], $0x3E80  }
0xec: {  	[sflag:s22] =	ssyncset.done $0x0;
	s21 =	rddreg [dreg:$0x3]  }
0xed: {  	s12 =	sadd.s32 $0x200, s12;
	[sflag:s22] =	ssyncadd.s32 $0xFFFFC180;
	s19 =	sadd.s32 s19, s21  }
0xee: {  	[tilespmem:s16], [sflag:$0x2] =	stream.linear.gather [hbm4b:s19+s3], $0x500, $0x38;
	[tilespmem:$0x1D000] =	vst v63  }
0xef: {  	_ =	swait.ge [sflag:s18], $0x3E80  }
0xf0: {  	[sflag:s18] =	ssyncset.done $0x0  }
0xf1: {  	s12 =	simm.s32 $0x100;
	[sflag:s18] =	ssyncadd.s32 $0xFFFFC180  }
0xf2: {  	[tilespmem:s20], [sflag:$0x4] =	stream.indirect.gather [hbm4b:s4+s14], $0x80, s12, s14, $0xb8;
	[tilespmem:$0x1D000] =	vst v63  }
0xf3: {  	s19 =	simm.s32 $0x80  }
0xf4: {  	[spmem:s1] =	stream.indirect.scatter.add.f32 [tilespmem:s15], [sflag:$0x6], $0x80, s19, s14, $0xb8;
	[tilespmem:$0x1D000] =	vst v63  }
0xf5: {  	_ =	swait.ge [sflag:s22], $0x3E80  }
0xf6: {  	[sflag:s22] =	ssyncset.done $0x0  }
0xf7: {  	[sflag:s22] =	ssyncadd.s32 $0xFFFFC180  }
0xf8: {  	_ =	swait.ge [sflag:s23], $0x3E80  }
0xf9: {  	[sflag:s23] =	ssyncset.done $0x0  }
0xfa: {  	[sflag:s23] =	ssyncadd.s32 $0xFFFFC180  }
0xfb: {  	[tilespmem:s15], [sflag:$0x3] =	stream.indirect.gather [hbm4b:s4+s14], $0x80, s24, s14, $0xb8;
	[tilespmem:$0x1D000] =	vst v63  }
0xfc: {  	_ = 	snop  }
0xfd: {  	[spmem:s1] =	stream.indirect.scatter.add.f32 [tilespmem:s20], [sflag:$0x6], $0x80, s25, s14, $0xb8;
	[tilespmem:$0x1D000] =	vst v63  }
0xfe: {  	_ =	swait.ge [sflag:s22], $0x3E80  }
0xff: {  	[sflag:s22] =	ssyncset.done $0x0  }
0x100: {  	[sflag:s22] =	ssyncadd.s32 $0xFFFFC180  }
0x101: {  	_ =	swait.ge [sflag:s18], $0x3E80  }
0x102: {  	[sflag:s18] =	ssyncset.done $0x0  }
0x103: {  	[sflag:s18] =	ssyncadd.s32 $0xFFFFC180  }
0x104: {  	[tilespmem:s20], [sflag:$0x4] =	stream.indirect.gather [hbm4b:s4+s14], $0x80, s26, s14, $0xb8;
	[tilespmem:$0x1D000] =	vst v63  }
0x105: {  	_ = 	snop  }
0x106: {  	[spmem:s1] =	stream.indirect.scatter.add.f32 [tilespmem:s15], [sflag:$0x6], $0x80, s28, s14, $0xb8;
	[tilespmem:$0x1D000] =	vst v63  }
0x107: {  	_ =	swait.ge [sflag:s22], $0x3E80  }
0x108: {  	[sflag:s22] =	ssyncset.done $0x0  }
0x109: {  	[sflag:s22] =	ssyncadd.s32 $0xFFFFC180  }
0x10a: {  	_ =	swait.ge [sflag:s23], $0x3E80  }
0x10b: {  	[sflag:s23] =	ssyncset.done $0x0  }
0x10c: {  	[sflag:s23] =	ssyncadd.s32 $0xFFFFC180  }
0x10d: {  	[tilespmem:s15], [sflag:$0x3] =	stream.indirect.gather [hbm4b:s4+s14], $0x80, s29, s14, $0xb8;
	[tilespmem:$0x1D000] =	vst v63  }
0x10e: {  	_ = 	snop  }
0x10f: {  	[spmem:s1] =	stream.indirect.scatter.add.f32 [tilespmem:s20], [sflag:$0x6], $0x80, s30, s14, $0xb8;
	[tilespmem:$0x1D000] =	vst v63  }
0x110: {  	_ =	swait.ge [sflag:s22], $0x3E80  }
0x111: {  	[sflag:s22] =	ssyncset.done $0x0  }
0x112: {  	[sflag:s22] =	ssyncadd.s32 $0xFFFFC180  }
0x113: {  	_ =	swait.ge [sflag:s18], $0x3E80  }
0x114: {  	[sflag:s18] =	ssyncset.done $0x0  }
0x115: {  	[sflag:s18] =	ssyncadd.s32 $0xFFFFC180  }
0x116: {  	_ =	swait.ge [sflag:s31], $0x500  }
0x117: {  	[sflag:s31] =	ssyncset.done $0x0  }
0x118: {  	[sflag:s31] =	ssyncadd.s32 $0xFFFFFB00  }
0x119: {  	[tilespmem:s20], [sflag:$0x4] =	stream.indirect.gather [hbm4b:s4+s14], $0x80, s16, s14, $0xb8;
	[tilespmem:$0x1D000] =	vst v63  }
0x11a: {  	_ = 	snop  }
0x11b: {  	[spmem:s1] =	stream.indirect.scatter.add.f32 [tilespmem:s15], [sflag:$0x6], $0x80, s0, s14, $0xb8;
	[tilespmem:$0x1D000] =	vst v63  }
0x11c: {  	_ =	swait.ge [sflag:s22], $0x3E80  }
0x11d: {  	[sflag:s22] =	ssyncset.done $0x0  }
0x11e: {  	[sflag:s22] =	ssyncadd.s32 $0xFFFFC180  }
0x11f: {  	_ =	swait.ge [sflag:s23], $0x3E80  }
0x120: {  	[sflag:s23] =	ssyncset.done $0x0  }
0x121: {  	[sflag:s23] =	ssyncadd.s32 $0xFFFFC180  }
0x122: {  	[tilespmem:s15], [sflag:$0x3] =	stream.indirect.gather [hbm4b:s4+s14], $0x80, s2, s14, $0xb8;
	[tilespmem:$0x1D000] =	vst v63  }
0x123: {  	_ = 	snop  }
0x124: {  	[spmem:s1] =	stream.indirect.scatter.add.f32 [tilespmem:s20], [sflag:$0x6], $0x80, s5, s14, $0xb8;
	[tilespmem:$0x1D000] =	vst v63  }
0x125: {  	_ =	swait.ge [sflag:s22], $0x3E80  }
0x126: {  	[sflag:s22] =	ssyncset.done $0x0  }
0x127: {  	[sflag:s22] =	ssyncadd.s32 $0xFFFFC180  }
0x128: {  	_ =	swait.ge [sflag:s18], $0x3E80  }
0x129: {  	[sflag:s18] =	ssyncset.done $0x0  }
0x12a: {  	[sflag:s18] =	ssyncadd.s32 $0xFFFFC180  }
0x12b: {  	[tilespmem:s20], [sflag:$0x4] =	stream.indirect.gather [hbm4b:s4+s14], $0x80, s7, s14, $0xb8;
	[tilespmem:$0x1D000] =	vst v63  }
0x12c: {  	_ = 	snop  }
0x12d: {  	[spmem:s1] =	stream.indirect.scatter.add.f32 [tilespmem:s15], [sflag:$0x6], $0x80, s9, s14, $0xb8;
	[tilespmem:$0x1D000] =	vst v63  }
0x12e: {  	_ =	swait.ge [sflag:s22], $0x3E80  }
0x12f: {  	[sflag:s22] =	ssyncset.done $0x0  }
0x130: {  	[sflag:s22] =	ssyncadd.s32 $0xFFFFC180  }
0x131: {  	_ =	swait.ge [sflag:s23], $0x3E80  }
0x132: {  	[sflag:s23] =	ssyncset.done $0x0  }
0x133: {  	[sflag:s23] =	ssyncadd.s32 $0xFFFFC180  }
0x134: {  	[tilespmem:s15], [sflag:$0x3] =	stream.indirect.gather [hbm4b:s4+s14], $0x80, s6, s14, $0xb8;
	[tilespmem:$0x1D000] =	vst v63  }
0x135: {  	_ = 	snop  }
0x136: {  	[spmem:s1] =	stream.indirect.scatter.add.f32 [tilespmem:s20], [sflag:$0x6], $0x80, s10, s14, $0xb8;
	[tilespmem:$0x1D000] =	vst v63  }
0x137: {  	_ =	swait.ge [sflag:s22], $0x3E80  }
0x138: {  	[sflag:s22] =	ssyncset.done $0x0  }
0x139: {  	[sflag:s22] =	ssyncadd.s32 $0xFFFFC180  }
0x13a: {  	_ =	swait.ge [sflag:s18], $0x3E80  }
0x13b: {  	[sflag:s18] =	ssyncset.done $0x0  }
0x13c: {  	[sflag:s18] =	ssyncadd.s32 $0xFFFFC180  }
0x13d: {  	[tilespmem:s20], [sflag:$0x4] =	stream.indirect.gather [hbm4b:s4+s14], $0x80, s11, s14, $0xb8;
	[tilespmem:$0x1D000] =	vst v63  }
0x13e: {  	_ = 	snop  }
0x13f: {  	[spmem:s1] =	stream.indirect.scatter.add.f32 [tilespmem:s15], [sflag:$0x6], $0x80, s8, s14, $0xb8;
	[tilespmem:$0x1D000] =	vst v63  }
0x140: {  	_ =	swait.ge [sflag:s22], $0x3E80  }
0x141: {  	[sflag:s22] =	ssyncset.done $0x0  }
0x142: {  	[sflag:s22] =	ssyncadd.s32 $0xFFFFC180  }
0x143: {  	_ =	swait.ge [sflag:s23], $0x3E80  }
0x144: {  	[sflag:s23] =	ssyncset.done $0x0  }
0x145: {  	[sflag:s23] =	ssyncadd.s32 $0xFFFFC180  }
0x146: {  	[spmem:s1] =	stream.indirect.scatter.add.f32 [tilespmem:s20], [sflag:$0x6], $0x80, s17, s14, $0xb8;
	[tilespmem:$0x1D000] =	vst v63  }
0x147: {  	_ =	swait.ge [sflag:s22], $0x3E80  }
0x148: {  	[sflag:s22] =	ssyncset.done $0x0  }
0x149: {  	[sflag:s22] =	ssyncadd.s32 $0xFFFFC180  }
0x14a: {  	[bflag:$0x0] =	sbarrier.arrive $0xFFFF  }
0x14b: {  	s21 =	rddreg [dreg:$0x6]  }
0x14c: {  	s19 =	rddreg [dreg:$0xa]  }
0x14d: {  	s12 =	sor.u32 $0x1C06, s21;
	s21 =	rddreg [dreg:$0xc]  }
0x14e: {  	[hbm:s19], [sflag:s12] =	dma.local [spmem:s21], $0x2800  }
0x14f: {  	_ =	swait.ge [sflag:s22], $0x2800  }
0x150: {  	s12 =	rddreg [dreg:$0xd]  }
0x151: {  	s19 =	sadd.s32 $0x1, s12;
	s12 =	rddreg [dreg:$0xb]  }
0x152: {  	p0 =	sne.s32 s19, s12  }
.Ltmp1:
0x153: {  	_ = 	snop;
	(pc) =	sbr.rel @p0 .LBB2_1-.Ltmp1, $3  }
0x154: {  	_ =	sdelay $0x1  }
0x155: {  	[sflag:s22] =	ssyncset.done $0x0  }
0x156: {  	[sflag:s22] =	ssyncadd.s32 $0xFFFFD800  }
0x157: {  	_ =	sfence.sel $0x180000  }
0x158: {  	[bflag:$0x0] =	sbarrier.arrive $0xFFFF  }
0x159: {  	_ =	strace $0x9000004A  }
0x15a: {  	s0 =	stileid.u32;
	[bflag:$0x2] =	sbarrier.arrive $0xFFFF  }
0x15b: {  	p0 =	sne.s32 s0, $0x0;
	s0 =	rddreg [dreg:$0x2]  }
0x15c: {  	s0 =	sadd.s32 @!p0 $0x100000, s0  }
0x15d: {  	[sflag:s0] =	ssyncadd.tile.s32 @!p0 $0x1;
	_ =	shalt  }
.Lfunc_end2:
_tile_overlayer_lowered:
.L_overlay_start_2:
0x15e: {  	(tag) =	ssettag $0x2  }
0x15f: {  	s0 =	rddreg [dreg:$0x0];
	s2 =	stileid.u32  }
0x160: {  	s1 =	rddreg [dreg:$0x1];
	p0 =	sne.s32 s2, $0x0  }
0x161: {  	s3 =	rddreg [dreg:$0x2];
	[bflag:$0x3] =	sbarrier.arrive $0xFFFF;
	s2 =	simm.s32 @!p0 $0x1C06  }
0x162: {  	[timem:s3], [sflag:s2] =	dma.local @!p0 [hbm:s0], s1  }
0x163: {  	s0 =	simm.s32 @!p0 $0x6  }
0x164: {  	_ =	swait.ge @!p0 [sflag:s0], s1  }
0x165: {  	s1 =	ssub.s32 @!p0 $0x0, s1;
	[sflag:s0] =	ssyncset.done @!p0 $0x0  }
0x166: {  	[sflag:s0] =	ssyncadd.s32 @!p0 s1  }
0x167: {  	[bflag:$0x3] =	sbarrier.arrive $0xFFFF  }
0x168: {  	_ =	shalt  }

// kernel: kernel.17.cloned.1.call-start
scs
__scs_entry_jumppad:
0x0: {  	(pc) =	sbr.rel $0x88, $3  }
0x1: {  	(tag) =	ssettag $0x0;
	lr =	simm.s32 $0x1  }
0x2: {  	[smem:$0x3F8C] =	sst lr;
	_ =	strace $0xD0000000  }
0x3: {  	_ = 	snop  }
0x4: {  	_ = 	snop  }
0x5: {  	_ = 	snop  }
0x6: {  	_ = 	snop  }
0x7: {  	_ = 	snop  }
__scs_overlays_trampoline_lowered:
0x8: {  	[smem:$0x3F9B] =	sst s0  }
0x9: {  	[smem:$0x3F9C] =	sst s1  }
0xa: {  	[smem:$0x3F9D] =	sst s2  }
0xb: {  	[smem:$0x3F9E] =	sst s3  }
0xc: {  	[smem:$0x3F9F] =	sst s4  }
0xd: {  	[smem:$0x3FA0] =	sst s5  }
0xe: {  	[smem:$0x3FA1] =	sst s6  }
0xf: {  	[smem:$0x3FA2] =	sst s7  }
0x10: {  	[smem:$0x3FA3] =	sst s8  }
0x11: {  	[smem:$0x3FA4] =	sst s9;
	s0 =	simm.s32 @!p0 $0x0  }
0x12: {  	s1 =	sld [smem:$0x3F8A];
	s0 =	simm.s32 @p0 $0x1  }
0x13: {  	[smem:$0x3FA5] =	sst s0;
	s0 =	simm.s32 @!p1 $0x0  }
0x14: {  	s2 =	sld [smem:$0x3F89];
	s0 =	simm.s32 @p1 $0x1  }
0x15: {  	[smem:$0x3FA6] =	sst s0;
	s0 =	simm.s32 @!p2 $0x0  }
0x16: {  	s3 =	sld [smem:$0x3FDB];
	s0 =	simm.s32 @p2 $0x1  }
0x17: {  	s4 =	simm.s32 $0x1BF5;
	[smem:$0x3FA8] =	sst s0  }
0x18: {  	s0 =	sld [smem:$0x3F8B];
	_ =	swait.ge [sflag:s4], $0x0  }
0x19: {  	s7 =	sld [smem:$0x3F8C]  }
0x1a: {  	s8 =	sadd.s32 $0xFFFFE003, lr  }
0x1b: {  	s9 =	sadd.s32 $0xFFFFFEF7, lr;
	s5 =	simm.s32 $0xFFFFFFFF;
	p2 =	slt.u32 s8, $0xFFFFF086  }
0x1c: {  	p1 =	slt.u32 s9, $0xF7A;
	s5 =	simm.s32 @!p2 $0x0  }
0x1d: {  	s5 =	simm.s32 @p1 $0x1;
	p0 =	seq.s32 s7, s2  }
0x1e: {  	s7 =	smul.u32 @!p0 $0xF7A, s2;
	p2 =	seq.s32 @!p0 s5, $0x0  }
0x1f: {  	s9 =	smul.u32 $0xF7A, s1;
	s8 =	simm.s32 @!p0 $0x1BF5;
	p2 =	por !p2, p0  }
0x20: {  	[sflag:s8] =	ssyncset.s32 @!p0 $0xFFFFF086;
	s6 =	sadd.s32 @!p0 s3, s7;
	s7 =	simm.s32 @!p0 $0x108  }
0x21: {  	s3 =	sadd.s32 s3, s9;
	s6 =	sadd.s32 @!p0 $0x88, s6;
	s7 =	simm.s32 @p2 $0x1082  }
0x22: {  	[simem:s7], [sflag:s8] =	dma.local @!p0 [hbm:s6], $0xF7A  }
0x23: {  	s9 =	sor.u32 $0xD0000000, s2;
	s6 =	simm.s32 $0x108;
	_ =	swait.ge @!p0 [sflag:s8], $0x0  }
0x24: {  	s3 =	sadd.s32 $0x88, s3;
	s6 =	simm.s32 @!p1 $0x1082;
	[sflag:s4] =	ssyncset.s32 $0xFFFFF086  }
0x25: {  	[simem:s6], [sflag:s4] =	dma.local [hbm:s3], $0xF7A  }
0x26: {  	[smem:$0x3F8C] =	sst s1;
	(tag) =	ssettag s2;
	_ =	strace s9  }
0x27: {  	s1 =	sld [smem:$0x3F9C]  }
0x28: {  	s2 =	sld [smem:$0x3F9D]  }
0x29: {  	s4 =	sld [smem:$0x3F9F]  }
0x2a: {  	p0 =	seq.s32 s5, $0x0;
	s5 =	sld [smem:$0x3FA0]  }
0x2b: {  	s6 =	sld [smem:$0x3FA1]  }
0x2c: {  	s7 =	sld [smem:$0x3FA2]  }
0x2d: {  	s3 =	simm.s32 $0x108;
	s8 =	sld [smem:$0x3FA3]  }
0x2e: {  	s3 =	simm.s32 @!p0 $0x1082;
	s9 =	sld [smem:$0x3FA4]  }
0x2f: {  	lr =	sadd.s32 s0, s3;
	s0 =	sld [smem:$0x3F9B]  }
0x30: {  	s3 =	sld [smem:$0x3F9E]  }
0x31: {  	[smem:$0x3FA7] =	sst s10  }
0x32: {  	s10 =	sld [smem:$0x3FA5];
	_ =	sdelay $0x3  }
0x33: {  	p0 =	seq.s32 s10, $0x1;
	s10 =	sld [smem:$0x3FA7];
	_ =	sdelay $0x3  }
0x34: {  	[smem:$0x3FA7] =	sst s10  }
0x35: {  	s10 =	sld [smem:$0x3FA6];
	_ =	sdelay $0x3  }
0x36: {  	p1 =	seq.s32 s10, $0x1;
	s10 =	sld [smem:$0x3FA7];
	_ =	sdelay $0x3  }
0x37: {  	[smem:$0x3FA7] =	sst s10  }
0x38: {  	s10 =	sld [smem:$0x3FA8]  }
0x39: {  	_ = 	snop;
	(pc) =	sbr.ind lr, $3  }
0x3a: {  	_ = 	snop  }
0x3b: {  	_ = 	snop  }
0x3c: {  	p2 =	seq.s32 s10, $0x1;
	s10 =	sld [smem:$0x3FA7]  }
0x3d: {  	_ =	shalt  }
0x3e: {  	_ =	shalt  }
0x3f: {  	_ =	shalt  }
0x40: {  	_ =	shalt  }
0x41: {  	_ =	shalt  }
0x42: {  	_ =	shalt  }
0x43: {  	_ =	shalt  }
0x44: {  	_ =	shalt  }
0x45: {  	_ =	shalt  }
0x46: {  	_ =	shalt  }
0x47: {  	_ =	shalt  }
0x48: {  	_ =	shalt  }
0x49: {  	_ =	shalt  }
0x4a: {  	_ =	shalt  }
0x4b: {  	_ =	shalt  }
0x4c: {  	_ =	shalt  }
0x4d: {  	_ =	shalt  }
0x4e: {  	_ =	shalt  }
0x4f: {  	_ =	shalt  }
0x50: {  	_ =	shalt  }
0x51: {  	_ =	shalt  }
0x52: {  	_ =	shalt  }
0x53: {  	_ =	shalt  }
0x54: {  	_ =	shalt  }
0x55: {  	_ =	shalt  }
0x56: {  	_ =	shalt  }
0x57: {  	_ =	shalt  }
0x58: {  	_ =	shalt  }
0x59: {  	_ =	shalt  }
0x5a: {  	_ =	shalt  }
0x5b: {  	_ =	shalt  }
0x5c: {  	_ =	shalt  }
0x5d: {  	_ =	shalt  }
0x5e: {  	_ =	shalt  }
0x5f: {  	_ =	shalt  }
0x60: {  	_ =	shalt  }
0x61: {  	_ =	shalt  }
0x62: {  	_ =	shalt  }
0x63: {  	_ =	shalt  }
0x64: {  	_ =	shalt  }
0x65: {  	_ =	shalt  }
0x66: {  	_ =	shalt  }
0x67: {  	_ =	shalt  }
0x68: {  	_ =	shalt  }
0x69: {  	_ =	shalt  }
0x6a: {  	_ =	shalt  }
0x6b: {  	_ =	shalt  }
0x6c: {  	_ =	shalt  }
0x6d: {  	_ =	shalt  }
0x6e: {  	_ =	shalt  }
0x6f: {  	_ =	shalt  }
0x70: {  	_ =	shalt  }
0x71: {  	_ =	shalt  }
0x72: {  	_ =	shalt  }
0x73: {  	_ =	shalt  }
0x74: {  	_ =	shalt  }
0x75: {  	_ =	shalt  }
0x76: {  	_ =	shalt  }
0x77: {  	_ =	shalt  }
0x78: {  	_ =	shalt  }
0x79: {  	_ =	shalt  }
0x7a: {  	_ =	shalt  }
0x7b: {  	_ =	shalt  }
0x7c: {  	_ =	shalt  }
0x7d: {  	_ =	shalt  }
0x7e: {  	_ =	shalt  }
0x7f: {  	_ =	shalt  }
0x80: {  	_ =	shalt  }
0x81: {  	_ =	shalt  }
0x82: {  	_ =	shalt  }
0x83: {  	_ =	shalt  }
0x84: {  	_ =	shalt  }
0x85: {  	_ =	shalt  }
0x86: {  	_ =	shalt  }
0x87: {  	_ =	shalt  }
.Lfunc_end0:
.L_simem_size_0:
called_computation.2_lowered:
.L_overlay_start_0:
0x88: {  	s2 =	sld [smem:$0x3FD9]  }
0x89: {  	s3 =	sld [smem:$0x3FFE];
	_ =	sdelay $0x1  }
0x8a: {  	s1 =	srdreg.scid  }
0x8b: {  	s0 =	sand.u32 $0x1, s1  }
0x8c: {  	s16 =	sshll.u32 s0, $0xA;
	s2 =	sadd.s32 s3, s2  }
0x8d: {  	s2 =	sadd.s32 s2, s16  }
0x8e: {  	[smem:$0x3FB3] =	sst s2  }
0x8f: {  	_ = 	snop  }
0x90: {  	(tm) =	ssettm $0x1  }
0x91: {  	s17 =	sld [smem:$0x3FFB];
	_ =	sdelay $0x3  }
0x92: {  	_ =	strace s17  }
0x93: {  	s2 =	sld [smem:$0x3FFC];
	_ =	sdelay $0x3  }
0x94: {  	_ =	strace s2  }
0x95: {  	s2 =	sld [smem:$0x3FFD];
	_ =	sdelay $0x3  }
0x96: {  	_ =	strace s2  }
0x97: {  	_ =	strace $0x8FFFFFFF  }
0x98: {  	s18 =	sld [smem:$0x3FDB];
	_ =	sdelay $0x1  }
0x99: {  	s19 =	simm.s32 $_scs_section_size  }
0x9a: {  	s4 =	simm.s32 $_size__tile_overlayer_lowered;
	s5 =	simm.s32 $_tile_overlayer_lowered  }
0x9b: {  	s22 =	simm.s32 $0x1BFF;
	s21 =	sshll.u32 s5, $0x1;
	s2 =	sadd.s32 s19, s18  }
0x9c: {  	s6 =	simm.s32 $0x0;
	s20 =	sshll.u32 s4, $0x1;
	s4 =	sadd.s32 s21, s2  }
0x9d: {  	[timem:s6], [sflag:s22] =	dma.local [hbm:s4], s20  }
0x9e: {  	_ =	swait.ge [sflag:s22], s20  }
0x9f: {  	s3 =	ssub.s32 $0x0, s20;
	[sflag:s22] =	ssyncset.done $0x0  }
0xa0: {  	[sflag:s22] =	ssyncadd.s32 s3;
	_ =	sdelay $0x1  }
0xa1: {  	s23 =	simm.s32 $0x1B8B  }
0xa2: {  	_ =	swait.ge [sflag:s23], $0x1  }
0xa3: {  	[sflag:s23] =	ssyncset.done $0x0  }
0xa4: {  	s25 =	simm.s32 $0x1B8E;
	s24 =	sld [smem:$0x3FFE];
	[sflag:s23] =	ssyncadd.s32 $0xFFFFFFFF  }
0xa5: {  	s26 =	simm.s32 $execute0_lowered;
	[smem:$0x3FD2] =	sst s25  }
0xa6: {  	s4 =	sshll.u32 s26, $0x1;
	_ =	strace $0x8000004C;
	[dreg:$0x1] =	wrdreg $0xFFFFFFFF  }
0xa7: {  	s28 =	simm.s32 $_size_execute0_lowered;
	s2 =	sadd.s32 s2, s4;
	[dreg:$0x0] =	wrdreg $0x0  }
0xa8: {  	s4 =	sshll.u32 s28, $0x1;
	[dreg:$0x2] =	wrdreg s2  }
0xa9: {  	[dreg:$0x3] =	wrdreg s4  }
0xaa: {  	[dreg:$0x4] =	wrdreg $0xC0  }
0xab: {  	_ =	task [dreg:s6], $0x5FFFF  }
0xac: {  	[dreg:$0x1] =	wrdreg $0xFFFFFFFF  }
0xad: {  	[dreg:$0x0] =	wrdreg $0x60  }
0xae: {  	[dreg:$0x2] =	wrdreg s24  }
0xaf: {  	[dreg:$0x3] =	wrdreg $0x90000  }
0xb0: {  	[dreg:$0x4] =	wrdreg $0x9  }
0xb1: {  	_ =	task.clear_ibuf [dreg:s6], $0x5FFFF;
	_ =	strace $0x9000004C  }
0xb2: {  	s29 =	simm.s32 $0x9;
	_ =	strace $0x8000004E  }
0xb3: {  	_ =	swait.ge [sflag:s29], $0x1  }
0xb4: {  	[sflag:s29] =	ssyncadd.s32 $0xFFFFFFFF  }
0xb5: {  	_ =	strace $0x9000004E  }
0xb6: {  	_ =	sfence  }
0xb7: {  	s30 =	sld [smem:$0x0];
	_ =	sdelay $0x2  }
0xb8: {  	s31 =	sshll.u32 s1, $0xD;
	s1 =	sshrl.u32 s1, $0x2  }
0xb9: {  	s3 =	sand.u32 $0x4000, s31;
	s1 =	sadd.s32 s1, s30  }
0xba: {  	s0 =	sor.u32 s3, s0;
	s1 =	sshll.u32 s1, $0x11  }
0xbb: {  	s0 =	sor.u32 s1, s0  }
0xbc: {  	s0 =	sadd.s32 $0x8F2B, s0  }
0xbd: {  	[sflag:s0] =	ssyncadd.remote.s32 $0x1  }
0xbe: {  	_ =	sfence.sel $0xFFFF  }
0xbf: {  	[dreg:$0x0] =	wrdreg $0xFFFFFFFF;
	(pc) =	sbr.abs _section_cstart, $3  }
0xc0: {  	[dreg:$0x1] =	wrdreg $0xFFFFFFFF  }
0xc1: {  	_ =	task.clear_ibuf [dreg:s6], $0x2FFFF;
	_ =	strace $0x9FFFFFFF  }
0xc2: {  	(tm) =	ssettm $0x7FFFFFFF  }
0xc3: {  	_ =	shalt  }
tec
execute0_lowered:
.L_overlay_start_1:
0x0: {  	(tag) =	ssettag $0x1  }
0x1: {  	s0 =	rddreg [dreg:$0x0]  }
0x2: {  	s1 =	rddreg [dreg:$0x1];
	s2 =	srdreg.scid  }
0x3: {  	s3 =	simm.s32 $0x0;
	s9 =	stileid.u32;
	s13 =	simm.s32 $0x1  }
0x4: {  	s14 =	simm.s32 $0x7D;
	s15 =	simm.s32 $0x1000;
	s16 =	simm.s32 $0x800  }
0x5: {  	s28 =	simm.s32 $0x280;
	s29 =	simm.s32 $0x400;
	s30 =	simm.s32 $0x380  }
0x6: {  	s31 =	simm.s32 $0x2;
	s10 =	simm.s32 $0xA80;
	s11 =	simm.s32 $0xC00  }
0x7: {  	s17 =	simm.s32 $0xC80;
	s2 =	sand.u32 $0x1, s2;
	[smem:$0x7FF] =	sst s3  }
0x8: {  	s6 =	smul.u32 $0x14000, s9;
	s4 =	sadd.s32 $0x23800, s0;
	s7 =	sadd.s32 $0x13800, s0  }
0x9: {  	s18 =	sadd.s32 $0x4AA00, s0;
	s8 =	smul.u32 $0x50000, s9;
	s21 =	sshll.u32 s9, $0xF  }
0xa: {  	s9 =	sshll.u32 s9, $0x6;
	s5 =	smul.u32 $0x140000, s2;
	_ =	strace $0x8000004D  }
0xb: {  	[dreg:$0x5] =	wrdreg s18;
	s19 =	ssub.s32 $0x2, s2;
	s2 =	sshll.u32 s2, $0xE  }
0xc: {  	[dreg:$0x6] =	wrdreg s9;
	s23 =	sor.u32 $0x1C05, s9;
	s18 =	simm.s32 $0x3  }
0xd: {  	s20 =	sshrl.u32 s19, $0x1;
	s8 =	sshrl.u32 s8, $0x2;
	s2 =	sor.u32 s2, s21  }
0xe: {  	[dreg:$0x7] =	wrdreg s23;
	s23 =	simm.s32 $0x4;
	s5 =	sadd.s32 s6, s5  }
0xf: {  	s22 =	sadd.s32 s8, s1;
	s24 =	sor.u32 $0x1800, s2;
	s25 =	sshrl.u32 s2, $0x3  }
0x10: {  	s2 =	sor.u32 $0x1000, s2;
	s6 =	simm.s32 $0xB00;
	s5 =	sshrl.u32 s5, $0x3  }
0x11: {  	s8 =	sshrl.u32 s24, $0x3;
	s9 =	sadd.s32 s7, s25;
	s2 =	sshrl.u32 s2, $0x3  }
0x12: {  	s21 =	sshrl.u32 s22, $0x3;
	s22 =	simm.s32 $0x6;
	s24 =	simm.s32 $0x200  }
0x13: {  	s25 =	simm.s32 $0x180;
	s0 =	sadd.s32 s5, s0;
	s5 =	ssub.s32 s19, s20  }
0x14: {  	s8 =	sadd.s32 s8, s7;
	[dreg:$0x8] =	wrdreg s9;
	s9 =	sadd.s32 $0x100, s9  }
0x15: {  	s2 =	sadd.s32 s2, s7;
	s20 =	simm.s32 $0x5000;
	[dreg:$0xc] =	wrdreg s21  }
0x16: {  	s7 =	simm.s32 $0xA00;
	s19 =	simm.s32 $0x0;
	[dreg:$0x9] =	wrdreg s9  }
0x17: {  	[dreg:$0x3] =	wrdreg s8;
	s0 =	sadd.s32 $0x4D200, s0;
	s26 =	smax.u32 s5, $0x1  }
0x18: {  	[dreg:$0x4] =	wrdreg s2;
	s2 =	simm.s32 $0x900;
	s5 =	simm.s32 $0x880  }
0x19: {  	s9 =	simm.s32 $0x980;
	s8 =	simm.s32 $0xB80;
	[dreg:$0xa] =	wrdreg s0  }
0x1a: {  	[dreg:$0xb] =	wrdreg s26;
	s26 =	simm.s32 $0x300;
	s0 =	simm.s32 $0x480  }
.LBB2_1:
0x1b: {  	[dreg:$0xd] =	wrdreg s19  }
0x1c: {  	s12 =	rddreg [dreg:$0x5]  }
0x1d: {  	s19 =	rddreg [dreg:$0x7]  }
0x1e: {  	[spmem:s21], [sflag:s19] =	dma.local [hbm:s12], $0x2800  }
0x1f: {  	s12 =	rddreg [dreg:$0x8]  }
0x20: {  	[tilespmem:s3], [sflag:$0x1] =	stream.linear.gather [hbm4b:s12+s3], $0x500, $0x38;
	[tilespmem:$0x1D000] =	vst v63  }
0x21: {  	_ =	swait.ge [sflag:s13], $0x500  }
0x22: {  	[sflag:s13] =	ssyncset.done $0x0  }
0x23: {  	[sflag:s13] =	ssyncadd.s32 $0xFFFFFB00  }
0x24: {  	[tilespmem:s15], [sflag:$0x3] =	stream.indirect.gather [hbm4b:s4+s14], $0x80, s3, s14, $0xb8;
	[tilespmem:$0x1D000] =	vst v63  }
0x25: {  	s21 =	simm.s32 $0x5;
	s19 =	rddreg [dreg:$0x9]  }
0x26: {  	[tilespmem:s16], [sflag:$0x2] =	stream.linear.gather [hbm4b:s19+s3], $0x500, $0x38;
	[tilespmem:$0x1D000] =	vst v63  }
0x27: {  	_ =	swait.ge [sflag:s21], $0x2800  }
0x28: {  	[sflag:s21] =	ssyncset.done $0x0  }
0x29: {  	[sflag:s21] =	ssyncadd.s32 $0xFFFFD800  }
0x2a: {  	[bflag:$0x0] =	sbarrier.arrive $0xFFFF  }
0x2b: {  	_ =	swait.ge [sflag:s18], $0x3E80  }
0x2c: {  	[sflag:s18] =	ssyncset.done $0x0  }
0x2d: {  	s19 =	simm.s32 $0x100;
	[sflag:s18] =	ssyncadd.s32 $0xFFFFC180  }
0x2e: {  	[tilespmem:s20], [sflag:$0x4] =	stream.indirect.gather [hbm4b:s4+s14], $0x80, s19, s14, $0xb8;
	[tilespmem:$0x1D000] =	vst v63  }
0x2f: {  	s21 =	simm.s32 $0x80  }
0x30: {  	[spmem:s1] =	stream.indirect.scatter.add.f32 [tilespmem:s15], [sflag:$0x6], $0x80, s21, s14, $0xb8;
	[tilespmem:$0x1D000] =	vst v63  }
0x31: {  	_ =	swait.ge [sflag:s22], $0x3E80  }
0x32: {  	[sflag:s22] =	ssyncset.done $0x0  }
0x33: {  	[sflag:s22] =	ssyncadd.s32 $0xFFFFC180  }
0x34: {  	_ =	swait.ge [sflag:s23], $0x3E80  }
0x35: {  	[sflag:s23] =	ssyncset.done $0x0  }
0x36: {  	[sflag:s23] =	ssyncadd.s32 $0xFFFFC180  }
0x37: {  	[tilespmem:s15], [sflag:$0x3] =	stream.indirect.gather [hbm4b:s4+s14], $0x80, s24, s14, $0xb8;
	[tilespmem:$0x1D000] =	vst v63  }
0x38: {  	_ = 	snop  }
0x39: {  	[spmem:s1] =	stream.indirect.scatter.add.f32 [tilespmem:s20], [sflag:$0x6], $0x80, s25, s14, $0xb8;
	[tilespmem:$0x1D000] =	vst v63  }
0x3a: {  	_ =	swait.ge [sflag:s22], $0x3E80  }
0x3b: {  	[sflag:s22] =	ssyncset.done $0x0  }
0x3c: {  	[sflag:s22] =	ssyncadd.s32 $0xFFFFC180  }
0x3d: {  	_ =	swait.ge [sflag:s18], $0x3E80  }
0x3e: {  	[sflag:s18] =	ssyncset.done $0x0  }
0x3f: {  	[sflag:s18] =	ssyncadd.s32 $0xFFFFC180  }
0x40: {  	[tilespmem:s20], [sflag:$0x4] =	stream.indirect.gather [hbm4b:s4+s14], $0x80, s26, s14, $0xb8;
	[tilespmem:$0x1D000] =	vst v63  }
0x41: {  	_ = 	snop  }
0x42: {  	[spmem:s1] =	stream.indirect.scatter.add.f32 [tilespmem:s15], [sflag:$0x6], $0x80, s28, s14, $0xb8;
	[tilespmem:$0x1D000] =	vst v63  }
0x43: {  	_ =	swait.ge [sflag:s22], $0x3E80  }
0x44: {  	[sflag:s22] =	ssyncset.done $0x0  }
0x45: {  	[sflag:s22] =	ssyncadd.s32 $0xFFFFC180  }
0x46: {  	_ =	swait.ge [sflag:s23], $0x3E80  }
0x47: {  	[sflag:s23] =	ssyncset.done $0x0  }
0x48: {  	[sflag:s23] =	ssyncadd.s32 $0xFFFFC180  }
0x49: {  	[tilespmem:s15], [sflag:$0x3] =	stream.indirect.gather [hbm4b:s4+s14], $0x80, s29, s14, $0xb8;
	[tilespmem:$0x1D000] =	vst v63  }
0x4a: {  	_ = 	snop  }
0x4b: {  	[spmem:s1] =	stream.indirect.scatter.add.f32 [tilespmem:s20], [sflag:$0x6], $0x80, s30, s14, $0xb8;
	[tilespmem:$0x1D000] =	vst v63  }
0x4c: {  	_ =	swait.ge [sflag:s22], $0x3E80  }
0x4d: {  	[sflag:s22] =	ssyncset.done $0x0  }
0x4e: {  	[sflag:s22] =	ssyncadd.s32 $0xFFFFC180  }
0x4f: {  	_ =	swait.ge [sflag:s18], $0x3E80  }
0x50: {  	[sflag:s18] =	ssyncset.done $0x0  }
0x51: {  	[sflag:s18] =	ssyncadd.s32 $0xFFFFC180  }
0x52: {  	_ =	swait.ge [sflag:s31], $0x500  }
0x53: {  	[sflag:s31] =	ssyncset.done $0x0  }
0x54: {  	[sflag:s31] =	ssyncadd.s32 $0xFFFFFB00  }
0x55: {  	[tilespmem:s20], [sflag:$0x4] =	stream.indirect.gather [hbm4b:s4+s14], $0x80, s16, s14, $0xb8;
	[tilespmem:$0x1D000] =	vst v63  }
0x56: {  	_ = 	snop  }
0x57: {  	[spmem:s1] =	stream.indirect.scatter.add.f32 [tilespmem:s15], [sflag:$0x6], $0x80, s0, s14, $0xb8;
	[tilespmem:$0x1D000] =	vst v63  }
0x58: {  	_ =	swait.ge [sflag:s22], $0x3E80  }
0x59: {  	s19 =	rddreg [dreg:$0x4];
	[sflag:s22] =	ssyncset.done $0x0  }
0x5a: {  	[sflag:s22] =	ssyncadd.s32 $0xFFFFC180;
	s12 =	sadd.s32 $0x0, s19  }
0x5b: {  	[tilespmem:s3], [sflag:$0x1] =	stream.linear.gather [hbm4b:s12+s3], $0x500, $0x38;
	[tilespmem:$0x1D000] =	vst v63  }
0x5c: {  	_ =	swait.ge [sflag:s23], $0x3E80  }
0x5d: {  	[sflag:s23] =	ssyncset.done $0x0  }
0x5e: {  	[sflag:s23] =	ssyncadd.s32 $0xFFFFC180  }
0x5f: {  	[tilespmem:s15], [sflag:$0x3] =	stream.indirect.gather [hbm4b:s4+s14], $0x80, s2, s14, $0xb8;
	[tilespmem:$0x1D000] =	vst v63  }
0x60: {  	_ = 	snop  }
0x61: {  	[spmem:s1] =	stream.indirect.scatter.add.f32 [tilespmem:s20], [sflag:$0x6], $0x80, s5, s14, $0xb8;
	[tilespmem:$0x1D000] =	vst v63  }
0x62: {  	_ =	swait.ge [sflag:s22], $0x3E80  }
0x63: {  	[sflag:s22] =	ssyncset.done $0x0  }
0x64: {  	[sflag:s22] =	ssyncadd.s32 $0xFFFFC180  }
0x65: {  	_ =	swait.ge [sflag:s18], $0x3E80  }
0x66: {  	[sflag:s18] =	ssyncset.done $0x0  }
0x67: {  	[sflag:s18] =	ssyncadd.s32 $0xFFFFC180  }
0x68: {  	[tilespmem:s20], [sflag:$0x4] =	stream.indirect.gather [hbm4b:s4+s14], $0x80, s7, s14, $0xb8;
	[tilespmem:$0x1D000] =	vst v63  }
0x69: {  	_ = 	snop  }
0x6a: {  	[spmem:s1] =	stream.indirect.scatter.add.f32 [tilespmem:s15], [sflag:$0x6], $0x80, s9, s14, $0xb8;
	[tilespmem:$0x1D000] =	vst v63  }
0x6b: {  	_ =	swait.ge [sflag:s22], $0x3E80  }
0x6c: {  	[sflag:s22] =	ssyncset.done $0x0  }
0x6d: {  	[sflag:s22] =	ssyncadd.s32 $0xFFFFC180  }
0x6e: {  	_ =	swait.ge [sflag:s23], $0x3E80  }
0x6f: {  	[sflag:s23] =	ssyncset.done $0x0  }
0x70: {  	[sflag:s23] =	ssyncadd.s32 $0xFFFFC180  }
0x71: {  	[tilespmem:s15], [sflag:$0x3] =	stream.indirect.gather [hbm4b:s4+s14], $0x80, s6, s14, $0xb8;
	[tilespmem:$0x1D000] =	vst v63  }
0x72: {  	_ = 	snop  }
0x73: {  	[spmem:s1] =	stream.indirect.scatter.add.f32 [tilespmem:s20], [sflag:$0x6], $0x80, s10, s14, $0xb8;
	[tilespmem:$0x1D000] =	vst v63  }
0x74: {  	_ =	swait.ge [sflag:s22], $0x3E80  }
0x75: {  	[sflag:s22] =	ssyncset.done $0x0  }
0x76: {  	[sflag:s22] =	ssyncadd.s32 $0xFFFFC180  }
0x77: {  	_ =	swait.ge [sflag:s18], $0x3E80  }
0x78: {  	[sflag:s18] =	ssyncset.done $0x0  }
0x79: {  	[sflag:s18] =	ssyncadd.s32 $0xFFFFC180  }
0x7a: {  	[tilespmem:s20], [sflag:$0x4] =	stream.indirect.gather [hbm4b:s4+s14], $0x80, s11, s14, $0xb8;
	[tilespmem:$0x1D000] =	vst v63  }
0x7b: {  	_ = 	snop  }
0x7c: {  	[spmem:s1] =	stream.indirect.scatter.add.f32 [tilespmem:s15], [sflag:$0x6], $0x80, s8, s14, $0xb8;
	[tilespmem:$0x1D000] =	vst v63  }
0x7d: {  	_ =	swait.ge [sflag:s22], $0x3E80  }
0x7e: {  	[sflag:s22] =	ssyncset.done $0x0  }
0x7f: {  	[sflag:s22] =	ssyncadd.s32 $0xFFFFC180  }
0x80: {  	_ =	swait.ge [sflag:s23], $0x3E80  }
0x81: {  	[sflag:s23] =	ssyncset.done $0x0  }
0x82: {  	[sflag:s23] =	ssyncadd.s32 $0xFFFFC180  }
0x83: {  	_ =	swait.ge [sflag:s13], $0x500  }
0x84: {  	[sflag:s13] =	ssyncset.done $0x0  }
0x85: {  	[sflag:s13] =	ssyncadd.s32 $0xFFFFFB00  }
0x86: {  	[tilespmem:s15], [sflag:$0x3] =	stream.indirect.gather [hbm4b:s4+s14], $0x80, s3, s14, $0xb8;
	[tilespmem:$0x1D000] =	vst v63  }
0x87: {  	_ = 	snop  }
0x88: {  	[spmem:s1] =	stream.indirect.scatter.add.f32 [tilespmem:s20], [sflag:$0x6], $0x80, s17, s14, $0xb8;
	[tilespmem:$0x1D000] =	vst v63  }
0x89: {  	_ =	swait.ge [sflag:s22], $0x3E80  }
0x8a: {  	s21 =	rddreg [dreg:$0x3];
	[sflag:s22] =	ssyncset.done $0x0  }
0x8b: {  	s12 =	simm.s32 $0x200;
	[sflag:s22] =	ssyncadd.s32 $0xFFFFC180;
	s19 =	sadd.s32 $0x0, s21  }
.LBB2_2:
0x8c: {  	[tilespmem:s16], [sflag:$0x2] =	stream.linear.gather [hbm4b:s19+s3], $0x500, $0x38;
	[tilespmem:$0x1D000] =	vst v63  }
0x8d: {  	_ =	swait.ge [sflag:s18], $0x3E80  }
0x8e: {  	[sflag:s18] =	ssyncset.done $0x0  }
0x8f: {  	s21 =	simm.s32 $0x100;
	[sflag:s18] =	ssyncadd.s32 $0xFFFFC180  }
0x90: {  	[tilespmem:s20], [sflag:$0x4] =	stream.indirect.gather [hbm4b:s4+s14], $0x80, s21, s14, $0xb8;
	[tilespmem:$0x1D000] =	vst v63  }
0x91: {  	s21 =	simm.s32 $0x80  }
0x92: {  	[spmem:s1] =	stream.indirect.scatter.add.f32 [tilespmem:s15], [sflag:$0x6], $0x80, s21, s14, $0xb8;
	[tilespmem:$0x1D000] =	vst v63  }
0x93: {  	_ =	swait.ge [sflag:s22], $0x3E80  }
0x94: {  	[sflag:s22] =	ssyncset.done $0x0  }
0x95: {  	[sflag:s22] =	ssyncadd.s32 $0xFFFFC180  }
0x96: {  	_ =	swait.ge [sflag:s23], $0x3E80  }
0x97: {  	[sflag:s23] =	ssyncset.done $0x0  }
0x98: {  	[sflag:s23] =	ssyncadd.s32 $0xFFFFC180  }
0x99: {  	[tilespmem:s15], [sflag:$0x3] =	stream.indirect.gather [hbm4b:s4+s14], $0x80, s24, s14, $0xb8;
	[tilespmem:$0x1D000] =	vst v63  }
0x9a: {  	_ = 	snop  }
0x9b: {  	[spmem:s1] =	stream.indirect.scatter.add.f32 [tilespmem:s20], [sflag:$0x6], $0x80, s25, s14, $0xb8;
	[tilespmem:$0x1D000] =	vst v63  }
0x9c: {  	_ =	swait.ge [sflag:s22], $0x3E80  }
0x9d: {  	[sflag:s22] =	ssyncset.done $0x0  }
0x9e: {  	[sflag:s22] =	ssyncadd.s32 $0xFFFFC180  }
0x9f: {  	_ =	swait.ge [sflag:s18], $0x3E80  }
0xa0: {  	[sflag:s18] =	ssyncset.done $0x0  }
0xa1: {  	[sflag:s18] =	ssyncadd.s32 $0xFFFFC180  }
0xa2: {  	[tilespmem:s20], [sflag:$0x4] =	stream.indirect.gather [hbm4b:s4+s14], $0x80, s26, s14, $0xb8;
	[tilespmem:$0x1D000] =	vst v63  }
0xa3: {  	_ = 	snop  }
0xa4: {  	[spmem:s1] =	stream.indirect.scatter.add.f32 [tilespmem:s15], [sflag:$0x6], $0x80, s28, s14, $0xb8;
	[tilespmem:$0x1D000] =	vst v63  }
0xa5: {  	_ =	swait.ge [sflag:s22], $0x3E80  }
0xa6: {  	[sflag:s22] =	ssyncset.done $0x0  }
0xa7: {  	[sflag:s22] =	ssyncadd.s32 $0xFFFFC180  }
0xa8: {  	_ =	swait.ge [sflag:s23], $0x3E80  }
0xa9: {  	[sflag:s23] =	ssyncset.done $0x0  }
0xaa: {  	[sflag:s23] =	ssyncadd.s32 $0xFFFFC180  }
0xab: {  	[tilespmem:s15], [sflag:$0x3] =	stream.indirect.gather [hbm4b:s4+s14], $0x80, s29, s14, $0xb8;
	[tilespmem:$0x1D000] =	vst v63  }
0xac: {  	_ = 	snop  }
0xad: {  	[spmem:s1] =	stream.indirect.scatter.add.f32 [tilespmem:s20], [sflag:$0x6], $0x80, s30, s14, $0xb8;
	[tilespmem:$0x1D000] =	vst v63  }
0xae: {  	_ =	swait.ge [sflag:s22], $0x3E80  }
0xaf: {  	[sflag:s22] =	ssyncset.done $0x0  }
0xb0: {  	[sflag:s22] =	ssyncadd.s32 $0xFFFFC180  }
0xb1: {  	_ =	swait.ge [sflag:s18], $0x3E80  }
0xb2: {  	[sflag:s18] =	ssyncset.done $0x0  }
0xb3: {  	[sflag:s18] =	ssyncadd.s32 $0xFFFFC180  }
0xb4: {  	_ =	swait.ge [sflag:s31], $0x500  }
0xb5: {  	[sflag:s31] =	ssyncset.done $0x0  }
0xb6: {  	[sflag:s31] =	ssyncadd.s32 $0xFFFFFB00  }
0xb7: {  	[tilespmem:s20], [sflag:$0x4] =	stream.indirect.gather [hbm4b:s4+s14], $0x80, s16, s14, $0xb8;
	[tilespmem:$0x1D000] =	vst v63  }
0xb8: {  	_ = 	snop  }
0xb9: {  	[spmem:s1] =	stream.indirect.scatter.add.f32 [tilespmem:s15], [sflag:$0x6], $0x80, s0, s14, $0xb8;
	[tilespmem:$0x1D000] =	vst v63  }
0xba: {  	_ =	swait.ge [sflag:s22], $0x3E80  }
0xbb: {  	s19 =	smov.u32 s12;
	s21 =	rddreg [dreg:$0x4];
	[sflag:s22] =	ssyncset.done $0x0  }
0xbc: {  	[sflag:s22] =	ssyncadd.s32 $0xFFFFC180;
	s21 =	sadd.s32 s19, s21  }
0xbd: {  	[tilespmem:s3], [sflag:$0x1] =	stream.linear.gather [hbm4b:s21+s3], $0x500, $0x38;
	[tilespmem:$0x1D000] =	vst v63  }
0xbe: {  	_ =	swait.ge [sflag:s23], $0x3E80  }
0xbf: {  	[sflag:s23] =	ssyncset.done $0x0  }
0xc0: {  	[sflag:s23] =	ssyncadd.s32 $0xFFFFC180  }
0xc1: {  	[tilespmem:s15], [sflag:$0x3] =	stream.indirect.gather [hbm4b:s4+s14], $0x80, s2, s14, $0xb8;
	[tilespmem:$0x1D000] =	vst v63  }
0xc2: {  	_ = 	snop  }
0xc3: {  	[spmem:s1] =	stream.indirect.scatter.add.f32 [tilespmem:s20], [sflag:$0x6], $0x80, s5, s14, $0xb8;
	[tilespmem:$0x1D000] =	vst v63  }
0xc4: {  	_ =	swait.ge [sflag:s22], $0x3E80  }
0xc5: {  	[sflag:s22] =	ssyncset.done $0x0  }
0xc6: {  	[sflag:s22] =	ssyncadd.s32 $0xFFFFC180  }
0xc7: {  	_ =	swait.ge [sflag:s18], $0x3E80  }
0xc8: {  	[sflag:s18] =	ssyncset.done $0x0  }
0xc9: {  	[sflag:s18] =	ssyncadd.s32 $0xFFFFC180  }
0xca: {  	[tilespmem:s20], [sflag:$0x4] =	stream.indirect.gather [hbm4b:s4+s14], $0x80, s7, s14, $0xb8;
	[tilespmem:$0x1D000] =	vst v63  }
0xcb: {  	_ = 	snop  }
0xcc: {  	[spmem:s1] =	stream.indirect.scatter.add.f32 [tilespmem:s15], [sflag:$0x6], $0x80, s9, s14, $0xb8;
	[tilespmem:$0x1D000] =	vst v63  }
0xcd: {  	_ =	swait.ge [sflag:s22], $0x3E80  }
0xce: {  	[sflag:s22] =	ssyncset.done $0x0  }
0xcf: {  	[sflag:s22] =	ssyncadd.s32 $0xFFFFC180  }
0xd0: {  	_ =	swait.ge [sflag:s23], $0x3E80  }
0xd1: {  	[sflag:s23] =	ssyncset.done $0x0  }
0xd2: {  	[sflag:s23] =	ssyncadd.s32 $0xFFFFC180  }
0xd3: {  	[tilespmem:s15], [sflag:$0x3] =	stream.indirect.gather [hbm4b:s4+s14], $0x80, s6, s14, $0xb8;
	[tilespmem:$0x1D000] =	vst v63  }
0xd4: {  	_ = 	snop  }
0xd5: {  	[spmem:s1] =	stream.indirect.scatter.add.f32 [tilespmem:s20], [sflag:$0x6], $0x80, s10, s14, $0xb8;
	[tilespmem:$0x1D000] =	vst v63  }
0xd6: {  	_ =	swait.ge [sflag:s22], $0x3E80  }
0xd7: {  	[sflag:s22] =	ssyncset.done $0x0  }
0xd8: {  	[sflag:s22] =	ssyncadd.s32 $0xFFFFC180  }
0xd9: {  	_ =	swait.ge [sflag:s18], $0x3E80  }
0xda: {  	[sflag:s18] =	ssyncset.done $0x0  }
0xdb: {  	[sflag:s18] =	ssyncadd.s32 $0xFFFFC180  }
0xdc: {  	[tilespmem:s20], [sflag:$0x4] =	stream.indirect.gather [hbm4b:s4+s14], $0x80, s11, s14, $0xb8;
	[tilespmem:$0x1D000] =	vst v63  }
0xdd: {  	_ = 	snop  }
0xde: {  	[spmem:s1] =	stream.indirect.scatter.add.f32 [tilespmem:s15], [sflag:$0x6], $0x80, s8, s14, $0xb8;
	[tilespmem:$0x1D000] =	vst v63  }
0xdf: {  	_ =	swait.ge [sflag:s22], $0x3E80  }
0xe0: {  	[sflag:s22] =	ssyncset.done $0x0  }
0xe1: {  	[sflag:s22] =	ssyncadd.s32 $0xFFFFC180  }
0xe2: {  	_ =	swait.ge [sflag:s23], $0x3E80  }
0xe3: {  	[sflag:s23] =	ssyncset.done $0x0  }
0xe4: {  	[sflag:s23] =	ssyncadd.s32 $0xFFFFC180  }
0xe5: {  	_ =	swait.ge [sflag:s13], $0x500  }
0xe6: {  	[sflag:s13] =	ssyncset.done $0x0  }
0xe7: {  	p0 =	sne.s32 s12, $0x400;
	[sflag:s13] =	ssyncadd.s32 $0xFFFFFB00  }
0xe8: {  	[tilespmem:s15], [sflag:$0x3] =	stream.indirect.gather [hbm4b:s4+s14], $0x80, s3, s14, $0xb8;
	[tilespmem:$0x1D000] =	vst v63  }
.Ltmp0:
0xe9: {  	_ = 	snop;
	(pc) =	sbr.rel @p0 .LBB2_2-.Ltmp0, $4  }
0xea: {  	[spmem:s1] =	stream.indirect.scatter.add.f32 [tilespmem:s20], [sflag:$0x6], $0x80, s17, s14, $0xb8;
	[tilespmem:$0x1D000] =	vst v63  }
0xeb: {  	_ =	swait.ge [sflag:s22], $0x3E80  }
0xec: {  	[sflag:s22] =	ssyncset.done $0x0;
	s21 =	rddreg [dreg:$0x3]  }
0xed: {  	s12 =	sadd.s32 $0x200, s12;
	[sflag:s22] =	ssyncadd.s32 $0xFFFFC180;
	s19 =	sadd.s32 s19, s21  }
0xee: {  	[tilespmem:s16], [sflag:$0x2] =	stream.linear.gather [hbm4b:s19+s3], $0x500, $0x38;
	[tilespmem:$0x1D000] =	vst v63  }
0xef: {  	_ =	swait.ge [sflag:s18], $0x3E80  }
0xf0: {  	[sflag:s18] =	ssyncset.done $0x0  }
0xf1: {  	s12 =	simm.s32 $0x100;
	[sflag:s18] =	ssyncadd.s32 $0xFFFFC180  }
0xf2: {  	[tilespmem:s20], [sflag:$0x4] =	stream.indirect.gather [hbm4b:s4+s14], $0x80, s12, s14, $0xb8;
	[tilespmem:$0x1D000] =	vst v63  }
0xf3: {  	s19 =	simm.s32 $0x80  }
0xf4: {  	[spmem:s1] =	stream.indirect.scatter.add.f32 [tilespmem:s15], [sflag:$0x6], $0x80, s19, s14, $0xb8;
	[tilespmem:$0x1D000] =	vst v63  }
0xf5: {  	_ =	swait.ge [sflag:s22], $0x3E80  }
0xf6: {  	[sflag:s22] =	ssyncset.done $0x0  }
0xf7: {  	[sflag:s22] =	ssyncadd.s32 $0xFFFFC180  }
0xf8: {  	_ =	swait.ge [sflag:s23], $0x3E80  }
0xf9: {  	[sflag:s23] =	ssyncset.done $0x0  }
0xfa: {  	[sflag:s23] =	ssyncadd.s32 $0xFFFFC180  }
0xfb: {  	[tilespmem:s15], [sflag:$0x3] =	stream.indirect.gather [hbm4b:s4+s14], $0x80, s24, s14, $0xb8;
	[tilespmem:$0x1D000] =	vst v63  }
0xfc: {  	_ = 	snop  }
0xfd: {  	[spmem:s1] =	stream.indirect.scatter.add.f32 [tilespmem:s20], [sflag:$0x6], $0x80, s25, s14, $0xb8;
	[tilespmem:$0x1D000] =	vst v63  }
0xfe: {  	_ =	swait.ge [sflag:s22], $0x3E80  }
0xff: {  	[sflag:s22] =	ssyncset.done $0x0  }
0x100: {  	[sflag:s22] =	ssyncadd.s32 $0xFFFFC180  }
0x101: {  	_ =	swait.ge [sflag:s18], $0x3E80  }
0x102: {  	[sflag:s18] =	ssyncset.done $0x0  }
0x103: {  	[sflag:s18] =	ssyncadd.s32 $0xFFFFC180  }
0x104: {  	[tilespmem:s20], [sflag:$0x4] =	stream.indirect.gather [hbm4b:s4+s14], $0x80, s26, s14, $0xb8;
	[tilespmem:$0x1D000] =	vst v63  }
0x105: {  	_ = 	snop  }
0x106: {  	[spmem:s1] =	stream.indirect.scatter.add.f32 [tilespmem:s15], [sflag:$0x6], $0x80, s28, s14, $0xb8;
	[tilespmem:$0x1D000] =	vst v63  }
0x107: {  	_ =	swait.ge [sflag:s22], $0x3E80  }
0x108: {  	[sflag:s22] =	ssyncset.done $0x0  }
0x109: {  	[sflag:s22] =	ssyncadd.s32 $0xFFFFC180  }
0x10a: {  	_ =	swait.ge [sflag:s23], $0x3E80  }
0x10b: {  	[sflag:s23] =	ssyncset.done $0x0  }
0x10c: {  	[sflag:s23] =	ssyncadd.s32 $0xFFFFC180  }
0x10d: {  	[tilespmem:s15], [sflag:$0x3] =	stream.indirect.gather [hbm4b:s4+s14], $0x80, s29, s14, $0xb8;
	[tilespmem:$0x1D000] =	vst v63  }
0x10e: {  	_ = 	snop  }
0x10f: {  	[spmem:s1] =	stream.indirect.scatter.add.f32 [tilespmem:s20], [sflag:$0x6], $0x80, s30, s14, $0xb8;
	[tilespmem:$0x1D000] =	vst v63  }
0x110: {  	_ =	swait.ge [sflag:s22], $0x3E80  }
0x111: {  	[sflag:s22] =	ssyncset.done $0x0  }
0x112: {  	[sflag:s22] =	ssyncadd.s32 $0xFFFFC180  }
0x113: {  	_ =	swait.ge [sflag:s18], $0x3E80  }
0x114: {  	[sflag:s18] =	ssyncset.done $0x0  }
0x115: {  	[sflag:s18] =	ssyncadd.s32 $0xFFFFC180  }
0x116: {  	_ =	swait.ge [sflag:s31], $0x500  }
0x117: {  	[sflag:s31] =	ssyncset.done $0x0  }
0x118: {  	[sflag:s31] =	ssyncadd.s32 $0xFFFFFB00  }
0x119: {  	[tilespmem:s20], [sflag:$0x4] =	stream.indirect.gather [hbm4b:s4+s14], $0x80, s16, s14, $0xb8;
	[tilespmem:$0x1D000] =	vst v63  }
0x11a: {  	_ = 	snop  }
0x11b: {  	[spmem:s1] =	stream.indirect.scatter.add.f32 [tilespmem:s15], [sflag:$0x6], $0x80, s0, s14, $0xb8;
	[tilespmem:$0x1D000] =	vst v63  }
0x11c: {  	_ =	swait.ge [sflag:s22], $0x3E80  }
0x11d: {  	[sflag:s22] =	ssyncset.done $0x0  }
0x11e: {  	[sflag:s22] =	ssyncadd.s32 $0xFFFFC180  }
0x11f: {  	_ =	swait.ge [sflag:s23], $0x3E80  }
0x120: {  	[sflag:s23] =	ssyncset.done $0x0  }
0x121: {  	[sflag:s23] =	ssyncadd.s32 $0xFFFFC180  }
0x122: {  	[tilespmem:s15], [sflag:$0x3] =	stream.indirect.gather [hbm4b:s4+s14], $0x80, s2, s14, $0xb8;
	[tilespmem:$0x1D000] =	vst v63  }
0x123: {  	_ = 	snop  }
0x124: {  	[spmem:s1] =	stream.indirect.scatter.add.f32 [tilespmem:s20], [sflag:$0x6], $0x80, s5, s14, $0xb8;
	[tilespmem:$0x1D000] =	vst v63  }
0x125: {  	_ =	swait.ge [sflag:s22], $0x3E80  }
0x126: {  	[sflag:s22] =	ssyncset.done $0x0  }
0x127: {  	[sflag:s22] =	ssyncadd.s32 $0xFFFFC180  }
0x128: {  	_ =	swait.ge [sflag:s18], $0x3E80  }
0x129: {  	[sflag:s18] =	ssyncset.done $0x0  }
0x12a: {  	[sflag:s18] =	ssyncadd.s32 $0xFFFFC180  }
0x12b: {  	[tilespmem:s20], [sflag:$0x4] =	stream.indirect.gather [hbm4b:s4+s14], $0x80, s7, s14, $0xb8;
	[tilespmem:$0x1D000] =	vst v63  }
0x12c: {  	_ = 	snop  }
0x12d: {  	[spmem:s1] =	stream.indirect.scatter.add.f32 [tilespmem:s15], [sflag:$0x6], $0x80, s9, s14, $0xb8;
	[tilespmem:$0x1D000] =	vst v63  }
0x12e: {  	_ =	swait.ge [sflag:s22], $0x3E80  }
0x12f: {  	[sflag:s22] =	ssyncset.done $0x0  }
0x130: {  	[sflag:s22] =	ssyncadd.s32 $0xFFFFC180  }
0x131: {  	_ =	swait.ge [sflag:s23], $0x3E80  }
0x132: {  	[sflag:s23] =	ssyncset.done $0x0  }
0x133: {  	[sflag:s23] =	ssyncadd.s32 $0xFFFFC180  }
0x134: {  	[tilespmem:s15], [sflag:$0x3] =	stream.indirect.gather [hbm4b:s4+s14], $0x80, s6, s14, $0xb8;
	[tilespmem:$0x1D000] =	vst v63  }
0x135: {  	_ = 	snop  }
0x136: {  	[spmem:s1] =	stream.indirect.scatter.add.f32 [tilespmem:s20], [sflag:$0x6], $0x80, s10, s14, $0xb8;
	[tilespmem:$0x1D000] =	vst v63  }
0x137: {  	_ =	swait.ge [sflag:s22], $0x3E80  }
0x138: {  	[sflag:s22] =	ssyncset.done $0x0  }
0x139: {  	[sflag:s22] =	ssyncadd.s32 $0xFFFFC180  }
0x13a: {  	_ =	swait.ge [sflag:s18], $0x3E80  }
0x13b: {  	[sflag:s18] =	ssyncset.done $0x0  }
0x13c: {  	[sflag:s18] =	ssyncadd.s32 $0xFFFFC180  }
0x13d: {  	[tilespmem:s20], [sflag:$0x4] =	stream.indirect.gather [hbm4b:s4+s14], $0x80, s11, s14, $0xb8;
	[tilespmem:$0x1D000] =	vst v63  }
0x13e: {  	_ = 	snop  }
0x13f: {  	[spmem:s1] =	stream.indirect.scatter.add.f32 [tilespmem:s15], [sflag:$0x6], $0x80, s8, s14, $0xb8;
	[tilespmem:$0x1D000] =	vst v63  }
0x140: {  	_ =	swait.ge [sflag:s22], $0x3E80  }
0x141: {  	[sflag:s22] =	ssyncset.done $0x0  }
0x142: {  	[sflag:s22] =	ssyncadd.s32 $0xFFFFC180  }
0x143: {  	_ =	swait.ge [sflag:s23], $0x3E80  }
0x144: {  	[sflag:s23] =	ssyncset.done $0x0  }
0x145: {  	[sflag:s23] =	ssyncadd.s32 $0xFFFFC180  }
0x146: {  	[spmem:s1] =	stream.indirect.scatter.add.f32 [tilespmem:s20], [sflag:$0x6], $0x80, s17, s14, $0xb8;
	[tilespmem:$0x1D000] =	vst v63  }
0x147: {  	_ =	swait.ge [sflag:s22], $0x3E80  }
0x148: {  	[sflag:s22] =	ssyncset.done $0x0  }
0x149: {  	[sflag:s22] =	ssyncadd.s32 $0xFFFFC180  }
0x14a: {  	[bflag:$0x0] =	sbarrier.arrive $0xFFFF  }
0x14b: {  	s21 =	rddreg [dreg:$0x6]  }
0x14c: {  	s19 =	rddreg [dreg:$0xa]  }
0x14d: {  	s12 =	sor.u32 $0x1C06, s21;
	s21 =	rddreg [dreg:$0xc]  }
0x14e: {  	[hbm:s19], [sflag:s12] =	dma.local [spmem:s21], $0x2800  }
0x14f: {  	_ =	swait.ge [sflag:s22], $0x2800  }
0x150: {  	s12 =	rddreg [dreg:$0xd]  }
0x151: {  	s19 =	sadd.s32 $0x1, s12;
	s12 =	rddreg [dreg:$0xb]  }
0x152: {  	p0 =	sne.s32 s19, s12  }
.Ltmp1:
0x153: {  	_ = 	snop;
	(pc) =	sbr.rel @p0 .LBB2_1-.Ltmp1, $3  }
0x154: {  	_ =	sdelay $0x1  }
0x155: {  	[sflag:s22] =	ssyncset.done $0x0  }
0x156: {  	[sflag:s22] =	ssyncadd.s32 $0xFFFFD800  }
0x157: {  	_ =	sfence.sel $0x180000  }
0x158: {  	[bflag:$0x0] =	sbarrier.arrive $0xFFFF  }
0x159: {  	_ =	strace $0x9000004D  }
0x15a: {  	s0 =	stileid.u32;
	[bflag:$0x2] =	sbarrier.arrive $0xFFFF  }
0x15b: {  	p0 =	sne.s32 s0, $0x0;
	s0 =	rddreg [dreg:$0x2]  }
0x15c: {  	s0 =	sadd.s32 @!p0 $0x100000, s0  }
0x15d: {  	[sflag:s0] =	ssyncadd.tile.s32 @!p0 $0x1;
	_ =	shalt  }
.Lfunc_end2:
_tile_overlayer_lowered:
.L_overlay_start_2:
0x15e: {  	(tag) =	ssettag $0x2  }
0x15f: {  	s0 =	rddreg [dreg:$0x0];
	s2 =	stileid.u32  }
0x160: {  	s1 =	rddreg [dreg:$0x1];
	p0 =	sne.s32 s2, $0x0  }
0x161: {  	s3 =	rddreg [dreg:$0x2];
	[bflag:$0x3] =	sbarrier.arrive $0xFFFF;
	s2 =	simm.s32 @!p0 $0x1C06  }
0x162: {  	[timem:s3], [sflag:s2] =	dma.local @!p0 [hbm:s0], s1  }
0x163: {  	s0 =	simm.s32 @!p0 $0x6  }
0x164: {  	_ =	swait.ge @!p0 [sflag:s0], s1  }
0x165: {  	s1 =	ssub.s32 @!p0 $0x0, s1;
	[sflag:s0] =	ssyncset.done @!p0 $0x0  }
0x166: {  	[sflag:s0] =	ssyncadd.s32 @!p0 s1  }
0x167: {  	[bflag:$0x3] =	sbarrier.arrive $0xFFFF  }
0x168: {  	_ =	shalt  }

// kernel: kernel.20.cloned.1.call-start
scs
__scs_entry_jumppad:
0x0: {  	(pc) =	sbr.rel $0x88, $3  }
0x1: {  	(tag) =	ssettag $0x0;
	lr =	simm.s32 $0x1  }
0x2: {  	[smem:$0x3F8C] =	sst lr;
	_ =	strace $0xD0000000  }
0x3: {  	_ = 	snop  }
0x4: {  	_ = 	snop  }
0x5: {  	_ = 	snop  }
0x6: {  	_ = 	snop  }
0x7: {  	_ = 	snop  }
__scs_overlays_trampoline_lowered:
0x8: {  	[smem:$0x3F9B] =	sst s0  }
0x9: {  	[smem:$0x3F9C] =	sst s1  }
0xa: {  	[smem:$0x3F9D] =	sst s2  }
0xb: {  	[smem:$0x3F9E] =	sst s3  }
0xc: {  	[smem:$0x3F9F] =	sst s4  }
0xd: {  	[smem:$0x3FA0] =	sst s5  }
0xe: {  	[smem:$0x3FA1] =	sst s6  }
0xf: {  	[smem:$0x3FA2] =	sst s7  }
0x10: {  	[smem:$0x3FA3] =	sst s8  }
0x11: {  	[smem:$0x3FA4] =	sst s9;
	s0 =	simm.s32 @!p0 $0x0  }
0x12: {  	s1 =	sld [smem:$0x3F8A];
	s0 =	simm.s32 @p0 $0x1  }
0x13: {  	[smem:$0x3FA5] =	sst s0;
	s0 =	simm.s32 @!p1 $0x0  }
0x14: {  	s2 =	sld [smem:$0x3F89];
	s0 =	simm.s32 @p1 $0x1  }
0x15: {  	[smem:$0x3FA6] =	sst s0;
	s0 =	simm.s32 @!p2 $0x0  }
0x16: {  	s3 =	sld [smem:$0x3FDB];
	s0 =	simm.s32 @p2 $0x1  }
0x17: {  	s4 =	simm.s32 $0x1BF5;
	[smem:$0x3FA8] =	sst s0  }
0x18: {  	s0 =	sld [smem:$0x3F8B];
	_ =	swait.ge [sflag:s4], $0x0  }
0x19: {  	s7 =	sld [smem:$0x3F8C]  }
0x1a: {  	s8 =	sadd.s32 $0xFFFFE003, lr  }
0x1b: {  	s9 =	sadd.s32 $0xFFFFFEF7, lr;
	s5 =	simm.s32 $0xFFFFFFFF;
	p2 =	slt.u32 s8, $0xFFFFF086  }
0x1c: {  	p1 =	slt.u32 s9, $0xF7A;
	s5 =	simm.s32 @!p2 $0x0  }
0x1d: {  	s5 =	simm.s32 @p1 $0x1;
	p0 =	seq.s32 s7, s2  }
0x1e: {  	s7 =	smul.u32 @!p0 $0xF7A, s2;
	p2 =	seq.s32 @!p0 s5, $0x0  }
0x1f: {  	s9 =	smul.u32 $0xF7A, s1;
	s8 =	simm.s32 @!p0 $0x1BF5;
	p2 =	por !p2, p0  }
0x20: {  	[sflag:s8] =	ssyncset.s32 @!p0 $0xFFFFF086;
	s6 =	sadd.s32 @!p0 s3, s7;
	s7 =	simm.s32 @!p0 $0x108  }
0x21: {  	s3 =	sadd.s32 s3, s9;
	s6 =	sadd.s32 @!p0 $0x88, s6;
	s7 =	simm.s32 @p2 $0x1082  }
0x22: {  	[simem:s7], [sflag:s8] =	dma.local @!p0 [hbm:s6], $0xF7A  }
0x23: {  	s9 =	sor.u32 $0xD0000000, s2;
	s6 =	simm.s32 $0x108;
	_ =	swait.ge @!p0 [sflag:s8], $0x0  }
0x24: {  	s3 =	sadd.s32 $0x88, s3;
	s6 =	simm.s32 @!p1 $0x1082;
	[sflag:s4] =	ssyncset.s32 $0xFFFFF086  }
0x25: {  	[simem:s6], [sflag:s4] =	dma.local [hbm:s3], $0xF7A  }
0x26: {  	[smem:$0x3F8C] =	sst s1;
	(tag) =	ssettag s2;
	_ =	strace s9  }
0x27: {  	s1 =	sld [smem:$0x3F9C]  }
0x28: {  	s2 =	sld [smem:$0x3F9D]  }
0x29: {  	s4 =	sld [smem:$0x3F9F]  }
0x2a: {  	p0 =	seq.s32 s5, $0x0;
	s5 =	sld [smem:$0x3FA0]  }
0x2b: {  	s6 =	sld [smem:$0x3FA1]  }
0x2c: {  	s7 =	sld [smem:$0x3FA2]  }
0x2d: {  	s3 =	simm.s32 $0x108;
	s8 =	sld [smem:$0x3FA3]  }
0x2e: {  	s3 =	simm.s32 @!p0 $0x1082;
	s9 =	sld [smem:$0x3FA4]  }
0x2f: {  	lr =	sadd.s32 s0, s3;
	s0 =	sld [smem:$0x3F9B]  }
0x30: {  	s3 =	sld [smem:$0x3F9E]  }
0x31: {  	[smem:$0x3FA7] =	sst s10  }
0x32: {  	s10 =	sld [smem:$0x3FA5];
	_ =	sdelay $0x3  }
0x33: {  	p0 =	seq.s32 s10, $0x1;
	s10 =	sld [smem:$0x3FA7];
	_ =	sdelay $0x3  }
0x34: {  	[smem:$0x3FA7] =	sst s10  }
0x35: {  	s10 =	sld [smem:$0x3FA6];
	_ =	sdelay $0x3  }
0x36: {  	p1 =	seq.s32 s10, $0x1;
	s10 =	sld [smem:$0x3FA7];
	_ =	sdelay $0x3  }
0x37: {  	[smem:$0x3FA7] =	sst s10  }
0x38: {  	s10 =	sld [smem:$0x3FA8]  }
0x39: {  	_ = 	snop;
	(pc) =	sbr.ind lr, $3  }
0x3a: {  	_ = 	snop  }
0x3b: {  	_ = 	snop  }
0x3c: {  	p2 =	seq.s32 s10, $0x1;
	s10 =	sld [smem:$0x3FA7]  }
0x3d: {  	_ =	shalt  }
0x3e: {  	_ =	shalt  }
0x3f: {  	_ =	shalt  }
0x40: {  	_ =	shalt  }
0x41: {  	_ =	shalt  }
0x42: {  	_ =	shalt  }
0x43: {  	_ =	shalt  }
0x44: {  	_ =	shalt  }
0x45: {  	_ =	shalt  }
0x46: {  	_ =	shalt  }
0x47: {  	_ =	shalt  }
0x48: {  	_ =	shalt  }
0x49: {  	_ =	shalt  }
0x4a: {  	_ =	shalt  }
0x4b: {  	_ =	shalt  }
0x4c: {  	_ =	shalt  }
0x4d: {  	_ =	shalt  }
0x4e: {  	_ =	shalt  }
0x4f: {  	_ =	shalt  }
0x50: {  	_ =	shalt  }
0x51: {  	_ =	shalt  }
0x52: {  	_ =	shalt  }
0x53: {  	_ =	shalt  }
0x54: {  	_ =	shalt  }
0x55: {  	_ =	shalt  }
0x56: {  	_ =	shalt  }
0x57: {  	_ =	shalt  }
0x58: {  	_ =	shalt  }
0x59: {  	_ =	shalt  }
0x5a: {  	_ =	shalt  }
0x5b: {  	_ =	shalt  }
0x5c: {  	_ =	shalt  }
0x5d: {  	_ =	shalt  }
0x5e: {  	_ =	shalt  }
0x5f: {  	_ =	shalt  }
0x60: {  	_ =	shalt  }
0x61: {  	_ =	shalt  }
0x62: {  	_ =	shalt  }
0x63: {  	_ =	shalt  }
0x64: {  	_ =	shalt  }
0x65: {  	_ =	shalt  }
0x66: {  	_ =	shalt  }
0x67: {  	_ =	shalt  }
0x68: {  	_ =	shalt  }
0x69: {  	_ =	shalt  }
0x6a: {  	_ =	shalt  }
0x6b: {  	_ =	shalt  }
0x6c: {  	_ =	shalt  }
0x6d: {  	_ =	shalt  }
0x6e: {  	_ =	shalt  }
0x6f: {  	_ =	shalt  }
0x70: {  	_ =	shalt  }
0x71: {  	_ =	shalt  }
0x72: {  	_ =	shalt  }
0x73: {  	_ =	shalt  }
0x74: {  	_ =	shalt  }
0x75: {  	_ =	shalt  }
0x76: {  	_ =	shalt  }
0x77: {  	_ =	shalt  }
0x78: {  	_ =	shalt  }
0x79: {  	_ =	shalt  }
0x7a: {  	_ =	shalt  }
0x7b: {  	_ =	shalt  }
0x7c: {  	_ =	shalt  }
0x7d: {  	_ =	shalt  }
0x7e: {  	_ =	shalt  }
0x7f: {  	_ =	shalt  }
0x80: {  	_ =	shalt  }
0x81: {  	_ =	shalt  }
0x82: {  	_ =	shalt  }
0x83: {  	_ =	shalt  }
0x84: {  	_ =	shalt  }
0x85: {  	_ =	shalt  }
0x86: {  	_ =	shalt  }
0x87: {  	_ =	shalt  }
.Lfunc_end0:
.L_simem_size_0:
called_computation.3_lowered:
.L_overlay_start_0:
0x88: {  	s2 =	sld [smem:$0x3FD9]  }
0x89: {  	s3 =	sld [smem:$0x3FFE];
	_ =	sdelay $0x1  }
0x8a: {  	s1 =	srdreg.scid  }
0x8b: {  	s0 =	sand.u32 $0x1, s1  }
0x8c: {  	s16 =	sshll.u32 s0, $0xA;
	s2 =	sadd.s32 s3, s2  }
0x8d: {  	s2 =	sadd.s32 s2, s16  }
0x8e: {  	[smem:$0x3FB3] =	sst s2  }
0x8f: {  	_ = 	snop  }
0x90: {  	(tm) =	ssettm $0x1  }
0x91: {  	s17 =	sld [smem:$0x3FFB];
	_ =	sdelay $0x3  }
0x92: {  	_ =	strace s17  }
0x93: {  	s2 =	sld [smem:$0x3FFC];
	_ =	sdelay $0x3  }
0x94: {  	_ =	strace s2  }
0x95: {  	s2 =	sld [smem:$0x3FFD];
	_ =	sdelay $0x3  }
0x96: {  	_ =	strace s2  }
0x97: {  	_ =	strace $0x8FFFFFFF  }
0x98: {  	s18 =	sld [smem:$0x3FDB];
	_ =	sdelay $0x1  }
0x99: {  	s19 =	simm.s32 $_scs_section_size  }
0x9a: {  	s4 =	simm.s32 $_size__tile_overlayer_lowered;
	s5 =	simm.s32 $_tile_overlayer_lowered  }
0x9b: {  	s22 =	simm.s32 $0x1BFF;
	s21 =	sshll.u32 s5, $0x1;
	s2 =	sadd.s32 s19, s18  }
0x9c: {  	s6 =	simm.s32 $0x0;
	s20 =	sshll.u32 s4, $0x1;
	s4 =	sadd.s32 s21, s2  }
0x9d: {  	[timem:s6], [sflag:s22] =	dma.local [hbm:s4], s20  }
0x9e: {  	_ =	swait.ge [sflag:s22], s20  }
0x9f: {  	s3 =	ssub.s32 $0x0, s20;
	[sflag:s22] =	ssyncset.done $0x0  }
0xa0: {  	[sflag:s22] =	ssyncadd.s32 s3;
	_ =	sdelay $0x1  }
0xa1: {  	s23 =	simm.s32 $0x1B8B  }
0xa2: {  	_ =	swait.ge [sflag:s23], $0x1  }
0xa3: {  	[sflag:s23] =	ssyncset.done $0x0  }
0xa4: {  	s25 =	simm.s32 $0x1B8E;
	s24 =	sld [smem:$0x3FFE];
	[sflag:s23] =	ssyncadd.s32 $0xFFFFFFFF  }
0xa5: {  	s26 =	simm.s32 $execute0_lowered;
	[smem:$0x3FD2] =	sst s25  }
0xa6: {  	s4 =	sshll.u32 s26, $0x1;
	_ =	strace $0x8000004F;
	[dreg:$0x1] =	wrdreg $0xFFFFFFFF  }
0xa7: {  	s28 =	simm.s32 $_size_execute0_lowered;
	s2 =	sadd.s32 s2, s4;
	[dreg:$0x0] =	wrdreg $0x0  }
0xa8: {  	s4 =	sshll.u32 s28, $0x1;
	[dreg:$0x2] =	wrdreg s2  }
0xa9: {  	[dreg:$0x3] =	wrdreg s4  }
0xaa: {  	[dreg:$0x4] =	wrdreg $0xC0  }
0xab: {  	_ =	task [dreg:s6], $0x5FFFF  }
0xac: {  	[dreg:$0x1] =	wrdreg $0xFFFFFFFF  }
0xad: {  	[dreg:$0x0] =	wrdreg $0x60  }
0xae: {  	[dreg:$0x2] =	wrdreg s24  }
0xaf: {  	[dreg:$0x3] =	wrdreg $0x90000  }
0xb0: {  	[dreg:$0x4] =	wrdreg $0x9  }
0xb1: {  	_ =	task.clear_ibuf [dreg:s6], $0x5FFFF;
	_ =	strace $0x9000004F  }
0xb2: {  	s29 =	simm.s32 $0x9;
	_ =	strace $0x80000051  }
0xb3: {  	_ =	swait.ge [sflag:s29], $0x1  }
0xb4: {  	[sflag:s29] =	ssyncadd.s32 $0xFFFFFFFF  }
0xb5: {  	_ =	strace $0x90000051  }
0xb6: {  	_ =	sfence  }
0xb7: {  	s30 =	sld [smem:$0x0];
	_ =	sdelay $0x2  }
0xb8: {  	s31 =	sshll.u32 s1, $0xD;
	s1 =	sshrl.u32 s1, $0x2  }
0xb9: {  	s3 =	sand.u32 $0x4000, s31;
	s1 =	sadd.s32 s1, s30  }
0xba: {  	s0 =	sor.u32 s3, s0;
	s1 =	sshll.u32 s1, $0x11  }
0xbb: {  	s0 =	sor.u32 s1, s0  }
0xbc: {  	s0 =	sadd.s32 $0x8F2B, s0  }
0xbd: {  	[sflag:s0] =	ssyncadd.remote.s32 $0x1  }
0xbe: {  	_ =	sfence.sel $0xFFFF  }
0xbf: {  	[dreg:$0x0] =	wrdreg $0xFFFFFFFF;
	(pc) =	sbr.abs _section_cstart, $3  }
0xc0: {  	[dreg:$0x1] =	wrdreg $0xFFFFFFFF  }
0xc1: {  	_ =	task.clear_ibuf [dreg:s6], $0x2FFFF;
	_ =	strace $0x9FFFFFFF  }
0xc2: {  	(tm) =	ssettm $0x7FFFFFFF  }
0xc3: {  	_ =	shalt  }
tec
execute0_lowered:
.L_overlay_start_1:
0x0: {  	(tag) =	ssettag $0x1  }
0x1: {  	s0 =	rddreg [dreg:$0x0]  }
0x2: {  	s1 =	rddreg [dreg:$0x1];
	s2 =	srdreg.scid  }
0x3: {  	s3 =	simm.s32 $0x0;
	s9 =	stileid.u32;
	s13 =	simm.s32 $0x1  }
0x4: {  	s14 =	simm.s32 $0x7D;
	s15 =	simm.s32 $0x1000;
	s16 =	simm.s32 $0x800  }
0x5: {  	s28 =	simm.s32 $0x280;
	s29 =	simm.s32 $0x400;
	s30 =	simm.s32 $0x380  }
0x6: {  	s31 =	simm.s32 $0x2;
	s10 =	simm.s32 $0xA80;
	s11 =	simm.s32 $0xC00  }
0x7: {  	s17 =	simm.s32 $0xC80;
	s2 =	sand.u32 $0x1, s2;
	[smem:$0x7FF] =	sst s3  }
0x8: {  	s6 =	smul.u32 $0x14000, s9;
	s4 =	sadd.s32 $0x23800, s0;
	s7 =	sadd.s32 $0x13800, s0  }
0x9: {  	s18 =	sadd.s32 $0x4AA00, s0;
	s8 =	smul.u32 $0x50000, s9;
	s21 =	sshll.u32 s9, $0xF  }
0xa: {  	s9 =	sshll.u32 s9, $0x6;
	s5 =	smul.u32 $0x140000, s2;
	_ =	strace $0x80000050  }
0xb: {  	[dreg:$0x5] =	wrdreg s18;
	s19 =	ssub.s32 $0x2, s2;
	s2 =	sshll.u32 s2, $0xE  }
0xc: {  	[dreg:$0x6] =	wrdreg s9;
	s23 =	sor.u32 $0x1C05, s9;
	s18 =	simm.s32 $0x3  }
0xd: {  	s20 =	sshrl.u32 s19, $0x1;
	s8 =	sshrl.u32 s8, $0x2;
	s2 =	sor.u32 s2, s21  }
0xe: {  	[dreg:$0x7] =	wrdreg s23;
	s23 =	simm.s32 $0x4;
	s5 =	sadd.s32 s6, s5  }
0xf: {  	s22 =	sadd.s32 s8, s1;
	s24 =	sor.u32 $0x1800, s2;
	s25 =	sshrl.u32 s2, $0x3  }
0x10: {  	s2 =	sor.u32 $0x1000, s2;
	s6 =	simm.s32 $0xB00;
	s5 =	sshrl.u32 s5, $0x3  }
0x11: {  	s8 =	sshrl.u32 s24, $0x3;
	s9 =	sadd.s32 s7, s25;
	s2 =	sshrl.u32 s2, $0x3  }
0x12: {  	s21 =	sshrl.u32 s22, $0x3;
	s22 =	simm.s32 $0x6;
	s24 =	simm.s32 $0x200  }
0x13: {  	s25 =	simm.s32 $0x180;
	s0 =	sadd.s32 s5, s0;
	s5 =	ssub.s32 s19, s20  }
0x14: {  	s8 =	sadd.s32 s8, s7;
	[dreg:$0x8] =	wrdreg s9;
	s9 =	sadd.s32 $0x100, s9  }
0x15: {  	s2 =	sadd.s32 s2, s7;
	s20 =	simm.s32 $0x5000;
	[dreg:$0xc] =	wrdreg s21  }
0x16: {  	s7 =	simm.s32 $0xA00;
	s19 =	simm.s32 $0x0;
	[dreg:$0x9] =	wrdreg s9  }
0x17: {  	[dreg:$0x3] =	wrdreg s8;
	s0 =	sadd.s32 $0x4D200, s0;
	s26 =	smax.u32 s5, $0x1  }
0x18: {  	[dreg:$0x4] =	wrdreg s2;
	s2 =	simm.s32 $0x900;
	s5 =	simm.s32 $0x880  }
0x19: {  	s9 =	simm.s32 $0x980;
	s8 =	simm.s32 $0xB80;
	[dreg:$0xa] =	wrdreg s0  }
0x1a: {  	[dreg:$0xb] =	wrdreg s26;
	s26 =	simm.s32 $0x300;
	s0 =	simm.s32 $0x480  }
.LBB2_1:
0x1b: {  	[dreg:$0xd] =	wrdreg s19  }
0x1c: {  	s12 =	rddreg [dreg:$0x5]  }
0x1d: {  	s19 =	rddreg [dreg:$0x7]  }
0x1e: {  	[spmem:s21], [sflag:s19] =	dma.local [hbm:s12], $0x2800  }
0x1f: {  	s12 =	rddreg [dreg:$0x8]  }
0x20: {  	[tilespmem:s3], [sflag:$0x1] =	stream.linear.gather [hbm4b:s12+s3], $0x500, $0x38;
	[tilespmem:$0x1D000] =	vst v63  }
0x21: {  	_ =	swait.ge [sflag:s13], $0x500  }
0x22: {  	[sflag:s13] =	ssyncset.done $0x0  }
0x23: {  	[sflag:s13] =	ssyncadd.s32 $0xFFFFFB00  }
0x24: {  	[tilespmem:s15], [sflag:$0x3] =	stream.indirect.gather [hbm4b:s4+s14], $0x80, s3, s14, $0xb8;
	[tilespmem:$0x1D000] =	vst v63  }
0x25: {  	s21 =	simm.s32 $0x5;
	s19 =	rddreg [dreg:$0x9]  }
0x26: {  	[tilespmem:s16], [sflag:$0x2] =	stream.linear.gather [hbm4b:s19+s3], $0x500, $0x38;
	[tilespmem:$0x1D000] =	vst v63  }
0x27: {  	_ =	swait.ge [sflag:s21], $0x2800  }
0x28: {  	[sflag:s21] =	ssyncset.done $0x0  }
0x29: {  	[sflag:s21] =	ssyncadd.s32 $0xFFFFD800  }
0x2a: {  	[bflag:$0x0] =	sbarrier.arrive $0xFFFF  }
0x2b: {  	_ =	swait.ge [sflag:s18], $0x3E80  }
0x2c: {  	[sflag:s18] =	ssyncset.done $0x0  }
0x2d: {  	s19 =	simm.s32 $0x100;
	[sflag:s18] =	ssyncadd.s32 $0xFFFFC180  }
0x2e: {  	[tilespmem:s20], [sflag:$0x4] =	stream.indirect.gather [hbm4b:s4+s14], $0x80, s19, s14, $0xb8;
	[tilespmem:$0x1D000] =	vst v63  }
0x2f: {  	s21 =	simm.s32 $0x80  }
0x30: {  	[spmem:s1] =	stream.indirect.scatter.add.f32 [tilespmem:s15], [sflag:$0x6], $0x80, s21, s14, $0xb8;
	[tilespmem:$0x1D000] =	vst v63  }
0x31: {  	_ =	swait.ge [sflag:s22], $0x3E80  }
0x32: {  	[sflag:s22] =	ssyncset.done $0x0  }
0x33: {  	[sflag:s22] =	ssyncadd.s32 $0xFFFFC180  }
0x34: {  	_ =	swait.ge [sflag:s23], $0x3E80  }
0x35: {  	[sflag:s23] =	ssyncset.done $0x0  }
0x36: {  	[sflag:s23] =	ssyncadd.s32 $0xFFFFC180  }
0x37: {  	[tilespmem:s15], [sflag:$0x3] =	stream.indirect.gather [hbm4b:s4+s14], $0x80, s24, s14, $0xb8;
	[tilespmem:$0x1D000] =	vst v63  }
0x38: {  	_ = 	snop  }
0x39: {  	[spmem:s1] =	stream.indirect.scatter.add.f32 [tilespmem:s20], [sflag:$0x6], $0x80, s25, s14, $0xb8;
	[tilespmem:$0x1D000] =	vst v63  }
0x3a: {  	_ =	swait.ge [sflag:s22], $0x3E80  }
0x3b: {  	[sflag:s22] =	ssyncset.done $0x0  }
0x3c: {  	[sflag:s22] =	ssyncadd.s32 $0xFFFFC180  }
0x3d: {  	_ =	swait.ge [sflag:s18], $0x3E80  }
0x3e: {  	[sflag:s18] =	ssyncset.done $0x0  }
0x3f: {  	[sflag:s18] =	ssyncadd.s32 $0xFFFFC180  }
0x40: {  	[tilespmem:s20], [sflag:$0x4] =	stream.indirect.gather [hbm4b:s4+s14], $0x80, s26, s14, $0xb8;
	[tilespmem:$0x1D000] =	vst v63  }
0x41: {  	_ = 	snop  }
0x42: {  	[spmem:s1] =	stream.indirect.scatter.add.f32 [tilespmem:s15], [sflag:$0x6], $0x80, s28, s14, $0xb8;
	[tilespmem:$0x1D000] =	vst v63  }
0x43: {  	_ =	swait.ge [sflag:s22], $0x3E80  }
0x44: {  	[sflag:s22] =	ssyncset.done $0x0  }
0x45: {  	[sflag:s22] =	ssyncadd.s32 $0xFFFFC180  }
0x46: {  	_ =	swait.ge [sflag:s23], $0x3E80  }
0x47: {  	[sflag:s23] =	ssyncset.done $0x0  }
0x48: {  	[sflag:s23] =	ssyncadd.s32 $0xFFFFC180  }
0x49: {  	[tilespmem:s15], [sflag:$0x3] =	stream.indirect.gather [hbm4b:s4+s14], $0x80, s29, s14, $0xb8;
	[tilespmem:$0x1D000] =	vst v63  }
0x4a: {  	_ = 	snop  }
0x4b: {  	[spmem:s1] =	stream.indirect.scatter.add.f32 [tilespmem:s20], [sflag:$0x6], $0x80, s30, s14, $0xb8;
	[tilespmem:$0x1D000] =	vst v63  }
0x4c: {  	_ =	swait.ge [sflag:s22], $0x3E80  }
0x4d: {  	[sflag:s22] =	ssyncset.done $0x0  }
0x4e: {  	[sflag:s22] =	ssyncadd.s32 $0xFFFFC180  }
0x4f: {  	_ =	swait.ge [sflag:s18], $0x3E80  }
0x50: {  	[sflag:s18] =	ssyncset.done $0x0  }
0x51: {  	[sflag:s18] =	ssyncadd.s32 $0xFFFFC180  }
0x52: {  	_ =	swait.ge [sflag:s31], $0x500  }
0x53: {  	[sflag:s31] =	ssyncset.done $0x0  }
0x54: {  	[sflag:s31] =	ssyncadd.s32 $0xFFFFFB00  }
0x55: {  	[tilespmem:s20], [sflag:$0x4] =	stream.indirect.gather [hbm4b:s4+s14], $0x80, s16, s14, $0xb8;
	[tilespmem:$0x1D000] =	vst v63  }
0x56: {  	_ = 	snop  }
0x57: {  	[spmem:s1] =	stream.indirect.scatter.add.f32 [tilespmem:s15], [sflag:$0x6], $0x80, s0, s14, $0xb8;
	[tilespmem:$0x1D000] =	vst v63  }
0x58: {  	_ =	swait.ge [sflag:s22], $0x3E80  }
0x59: {  	s19 =	rddreg [dreg:$0x4];
	[sflag:s22] =	ssyncset.done $0x0  }
0x5a: {  	[sflag:s22] =	ssyncadd.s32 $0xFFFFC180;
	s12 =	sadd.s32 $0x0, s19  }
0x5b: {  	[tilespmem:s3], [sflag:$0x1] =	stream.linear.gather [hbm4b:s12+s3], $0x500, $0x38;
	[tilespmem:$0x1D000] =	vst v63  }
0x5c: {  	_ =	swait.ge [sflag:s23], $0x3E80  }
0x5d: {  	[sflag:s23] =	ssyncset.done $0x0  }
0x5e: {  	[sflag:s23] =	ssyncadd.s32 $0xFFFFC180  }
0x5f: {  	[tilespmem:s15], [sflag:$0x3] =	stream.indirect.gather [hbm4b:s4+s14], $0x80, s2, s14, $0xb8;
	[tilespmem:$0x1D000] =	vst v63  }
0x60: {  	_ = 	snop  }
0x61: {  	[spmem:s1] =	stream.indirect.scatter.add.f32 [tilespmem:s20], [sflag:$0x6], $0x80, s5, s14, $0xb8;
	[tilespmem:$0x1D000] =	vst v63  }
0x62: {  	_ =	swait.ge [sflag:s22], $0x3E80  }
0x63: {  	[sflag:s22] =	ssyncset.done $0x0  }
0x64: {  	[sflag:s22] =	ssyncadd.s32 $0xFFFFC180  }
0x65: {  	_ =	swait.ge [sflag:s18], $0x3E80  }
0x66: {  	[sflag:s18] =	ssyncset.done $0x0  }
0x67: {  	[sflag:s18] =	ssyncadd.s32 $0xFFFFC180  }
0x68: {  	[tilespmem:s20], [sflag:$0x4] =	stream.indirect.gather [hbm4b:s4+s14], $0x80, s7, s14, $0xb8;
	[tilespmem:$0x1D000] =	vst v63  }
0x69: {  	_ = 	snop  }
0x6a: {  	[spmem:s1] =	stream.indirect.scatter.add.f32 [tilespmem:s15], [sflag:$0x6], $0x80, s9, s14, $0xb8;
	[tilespmem:$0x1D000] =	vst v63  }
0x6b: {  	_ =	swait.ge [sflag:s22], $0x3E80  }
0x6c: {  	[sflag:s22] =	ssyncset.done $0x0  }
0x6d: {  	[sflag:s22] =	ssyncadd.s32 $0xFFFFC180  }
0x6e: {  	_ =	swait.ge [sflag:s23], $0x3E80  }
0x6f: {  	[sflag:s23] =	ssyncset.done $0x0  }
0x70: {  	[sflag:s23] =	ssyncadd.s32 $0xFFFFC180  }
0x71: {  	[tilespmem:s15], [sflag:$0x3] =	stream.indirect.gather [hbm4b:s4+s14], $0x80, s6, s14, $0xb8;
	[tilespmem:$0x1D000] =	vst v63  }
0x72: {  	_ = 	snop  }
0x73: {  	[spmem:s1] =	stream.indirect.scatter.add.f32 [tilespmem:s20], [sflag:$0x6], $0x80, s10, s14, $0xb8;
	[tilespmem:$0x1D000] =	vst v63  }
0x74: {  	_ =	swait.ge [sflag:s22], $0x3E80  }
0x75: {  	[sflag:s22] =	ssyncset.done $0x0  }
0x76: {  	[sflag:s22] =	ssyncadd.s32 $0xFFFFC180  }
0x77: {  	_ =	swait.ge [sflag:s18], $0x3E80  }
0x78: {  	[sflag:s18] =	ssyncset.done $0x0  }
0x79: {  	[sflag:s18] =	ssyncadd.s32 $0xFFFFC180  }
0x7a: {  	[tilespmem:s20], [sflag:$0x4] =	stream.indirect.gather [hbm4b:s4+s14], $0x80, s11, s14, $0xb8;
	[tilespmem:$0x1D000] =	vst v63  }
0x7b: {  	_ = 	snop  }
0x7c: {  	[spmem:s1] =	stream.indirect.scatter.add.f32 [tilespmem:s15], [sflag:$0x6], $0x80, s8, s14, $0xb8;
	[tilespmem:$0x1D000] =	vst v63  }
0x7d: {  	_ =	swait.ge [sflag:s22], $0x3E80  }
0x7e: {  	[sflag:s22] =	ssyncset.done $0x0  }
0x7f: {  	[sflag:s22] =	ssyncadd.s32 $0xFFFFC180  }
0x80: {  	_ =	swait.ge [sflag:s23], $0x3E80  }
0x81: {  	[sflag:s23] =	ssyncset.done $0x0  }
0x82: {  	[sflag:s23] =	ssyncadd.s32 $0xFFFFC180  }
0x83: {  	_ =	swait.ge [sflag:s13], $0x500  }
0x84: {  	[sflag:s13] =	ssyncset.done $0x0  }
0x85: {  	[sflag:s13] =	ssyncadd.s32 $0xFFFFFB00  }
0x86: {  	[tilespmem:s15], [sflag:$0x3] =	stream.indirect.gather [hbm4b:s4+s14], $0x80, s3, s14, $0xb8;
	[tilespmem:$0x1D000] =	vst v63  }
0x87: {  	_ = 	snop  }
0x88: {  	[spmem:s1] =	stream.indirect.scatter.add.f32 [tilespmem:s20], [sflag:$0x6], $0x80, s17, s14, $0xb8;
	[tilespmem:$0x1D000] =	vst v63  }
0x89: {  	_ =	swait.ge [sflag:s22], $0x3E80  }
0x8a: {  	s21 =	rddreg [dreg:$0x3];
	[sflag:s22] =	ssyncset.done $0x0  }
0x8b: {  	s12 =	simm.s32 $0x200;
	[sflag:s22] =	ssyncadd.s32 $0xFFFFC180;
	s19 =	sadd.s32 $0x0, s21  }
.LBB2_2:
0x8c: {  	[tilespmem:s16], [sflag:$0x2] =	stream.linear.gather [hbm4b:s19+s3], $0x500, $0x38;
	[tilespmem:$0x1D000] =	vst v63  }
0x8d: {  	_ =	swait.ge [sflag:s18], $0x3E80  }
0x8e: {  	[sflag:s18] =	ssyncset.done $0x0  }
0x8f: {  	s21 =	simm.s32 $0x100;
	[sflag:s18] =	ssyncadd.s32 $0xFFFFC180  }
0x90: {  	[tilespmem:s20], [sflag:$0x4] =	stream.indirect.gather [hbm4b:s4+s14], $0x80, s21, s14, $0xb8;
	[tilespmem:$0x1D000] =	vst v63  }
0x91: {  	s21 =	simm.s32 $0x80  }
0x92: {  	[spmem:s1] =	stream.indirect.scatter.add.f32 [tilespmem:s15], [sflag:$0x6], $0x80, s21, s14, $0xb8;
	[tilespmem:$0x1D000] =	vst v63  }
0x93: {  	_ =	swait.ge [sflag:s22], $0x3E80  }
0x94: {  	[sflag:s22] =	ssyncset.done $0x0  }
0x95: {  	[sflag:s22] =	ssyncadd.s32 $0xFFFFC180  }
0x96: {  	_ =	swait.ge [sflag:s23], $0x3E80  }
0x97: {  	[sflag:s23] =	ssyncset.done $0x0  }
0x98: {  	[sflag:s23] =	ssyncadd.s32 $0xFFFFC180  }
0x99: {  	[tilespmem:s15], [sflag:$0x3] =	stream.indirect.gather [hbm4b:s4+s14], $0x80, s24, s14, $0xb8;
	[tilespmem:$0x1D000] =	vst v63  }
0x9a: {  	_ = 	snop  }
0x9b: {  	[spmem:s1] =	stream.indirect.scatter.add.f32 [tilespmem:s20], [sflag:$0x6], $0x80, s25, s14, $0xb8;
	[tilespmem:$0x1D000] =	vst v63  }
0x9c: {  	_ =	swait.ge [sflag:s22], $0x3E80  }
0x9d: {  	[sflag:s22] =	ssyncset.done $0x0  }
0x9e: {  	[sflag:s22] =	ssyncadd.s32 $0xFFFFC180  }
0x9f: {  	_ =	swait.ge [sflag:s18], $0x3E80  }
0xa0: {  	[sflag:s18] =	ssyncset.done $0x0  }
0xa1: {  	[sflag:s18] =	ssyncadd.s32 $0xFFFFC180  }
0xa2: {  	[tilespmem:s20], [sflag:$0x4] =	stream.indirect.gather [hbm4b:s4+s14], $0x80, s26, s14, $0xb8;
	[tilespmem:$0x1D000] =	vst v63  }
0xa3: {  	_ = 	snop  }
0xa4: {  	[spmem:s1] =	stream.indirect.scatter.add.f32 [tilespmem:s15], [sflag:$0x6], $0x80, s28, s14, $0xb8;
	[tilespmem:$0x1D000] =	vst v63  }
0xa5: {  	_ =	swait.ge [sflag:s22], $0x3E80  }
0xa6: {  	[sflag:s22] =	ssyncset.done $0x0  }
0xa7: {  	[sflag:s22] =	ssyncadd.s32 $0xFFFFC180  }
0xa8: {  	_ =	swait.ge [sflag:s23], $0x3E80  }
0xa9: {  	[sflag:s23] =	ssyncset.done $0x0  }
0xaa: {  	[sflag:s23] =	ssyncadd.s32 $0xFFFFC180  }
0xab: {  	[tilespmem:s15], [sflag:$0x3] =	stream.indirect.gather [hbm4b:s4+s14], $0x80, s29, s14, $0xb8;
	[tilespmem:$0x1D000] =	vst v63  }
0xac: {  	_ = 	snop  }
0xad: {  	[spmem:s1] =	stream.indirect.scatter.add.f32 [tilespmem:s20], [sflag:$0x6], $0x80, s30, s14, $0xb8;
	[tilespmem:$0x1D000] =	vst v63  }
0xae: {  	_ =	swait.ge [sflag:s22], $0x3E80  }
0xaf: {  	[sflag:s22] =	ssyncset.done $0x0  }
0xb0: {  	[sflag:s22] =	ssyncadd.s32 $0xFFFFC180  }
0xb1: {  	_ =	swait.ge [sflag:s18], $0x3E80  }
0xb2: {  	[sflag:s18] =	ssyncset.done $0x0  }
0xb3: {  	[sflag:s18] =	ssyncadd.s32 $0xFFFFC180  }
0xb4: {  	_ =	swait.ge [sflag:s31], $0x500  }
0xb5: {  	[sflag:s31] =	ssyncset.done $0x0  }
0xb6: {  	[sflag:s31] =	ssyncadd.s32 $0xFFFFFB00  }
0xb7: {  	[tilespmem:s20], [sflag:$0x4] =	stream.indirect.gather [hbm4b:s4+s14], $0x80, s16, s14, $0xb8;
	[tilespmem:$0x1D000] =	vst v63  }
0xb8: {  	_ = 	snop  }
0xb9: {  	[spmem:s1] =	stream.indirect.scatter.add.f32 [tilespmem:s15], [sflag:$0x6], $0x80, s0, s14, $0xb8;
	[tilespmem:$0x1D000] =	vst v63  }
0xba: {  	_ =	swait.ge [sflag:s22], $0x3E80  }
0xbb: {  	s19 =	smov.u32 s12;
	s21 =	rddreg [dreg:$0x4];
	[sflag:s22] =	ssyncset.done $0x0  }
0xbc: {  	[sflag:s22] =	ssyncadd.s32 $0xFFFFC180;
	s21 =	sadd.s32 s19, s21  }
0xbd: {  	[tilespmem:s3], [sflag:$0x1] =	stream.linear.gather [hbm4b:s21+s3], $0x500, $0x38;
	[tilespmem:$0x1D000] =	vst v63  }
0xbe: {  	_ =	swait.ge [sflag:s23], $0x3E80  }
0xbf: {  	[sflag:s23] =	ssyncset.done $0x0  }
0xc0: {  	[sflag:s23] =	ssyncadd.s32 $0xFFFFC180  }
0xc1: {  	[tilespmem:s15], [sflag:$0x3] =	stream.indirect.gather [hbm4b:s4+s14], $0x80, s2, s14, $0xb8;
	[tilespmem:$0x1D000] =	vst v63  }
0xc2: {  	_ = 	snop  }
0xc3: {  	[spmem:s1] =	stream.indirect.scatter.add.f32 [tilespmem:s20], [sflag:$0x6], $0x80, s5, s14, $0xb8;
	[tilespmem:$0x1D000] =	vst v63  }
0xc4: {  	_ =	swait.ge [sflag:s22], $0x3E80  }
0xc5: {  	[sflag:s22] =	ssyncset.done $0x0  }
0xc6: {  	[sflag:s22] =	ssyncadd.s32 $0xFFFFC180  }
0xc7: {  	_ =	swait.ge [sflag:s18], $0x3E80  }
0xc8: {  	[sflag:s18] =	ssyncset.done $0x0  }
0xc9: {  	[sflag:s18] =	ssyncadd.s32 $0xFFFFC180  }
0xca: {  	[tilespmem:s20], [sflag:$0x4] =	stream.indirect.gather [hbm4b:s4+s14], $0x80, s7, s14, $0xb8;
	[tilespmem:$0x1D000] =	vst v63  }
0xcb: {  	_ = 	snop  }
0xcc: {  	[spmem:s1] =	stream.indirect.scatter.add.f32 [tilespmem:s15], [sflag:$0x6], $0x80, s9, s14, $0xb8;
	[tilespmem:$0x1D000] =	vst v63  }
0xcd: {  	_ =	swait.ge [sflag:s22], $0x3E80  }
0xce: {  	[sflag:s22] =	ssyncset.done $0x0  }
0xcf: {  	[sflag:s22] =	ssyncadd.s32 $0xFFFFC180  }
0xd0: {  	_ =	swait.ge [sflag:s23], $0x3E80  }
0xd1: {  	[sflag:s23] =	ssyncset.done $0x0  }
0xd2: {  	[sflag:s23] =	ssyncadd.s32 $0xFFFFC180  }
0xd3: {  	[tilespmem:s15], [sflag:$0x3] =	stream.indirect.gather [hbm4b:s4+s14], $0x80, s6, s14, $0xb8;
	[tilespmem:$0x1D000] =	vst v63  }
0xd4: {  	_ = 	snop  }
0xd5: {  	[spmem:s1] =	stream.indirect.scatter.add.f32 [tilespmem:s20], [sflag:$0x6], $0x80, s10, s14, $0xb8;
	[tilespmem:$0x1D000] =	vst v63  }
0xd6: {  	_ =	swait.ge [sflag:s22], $0x3E80  }
0xd7: {  	[sflag:s22] =	ssyncset.done $0x0  }
0xd8: {  	[sflag:s22] =	ssyncadd.s32 $0xFFFFC180  }
0xd9: {  	_ =	swait.ge [sflag:s18], $0x3E80  }
0xda: {  	[sflag:s18] =	ssyncset.done $0x0  }
0xdb: {  	[sflag:s18] =	ssyncadd.s32 $0xFFFFC180  }
0xdc: {  	[tilespmem:s20], [sflag:$0x4] =	stream.indirect.gather [hbm4b:s4+s14], $0x80, s11, s14, $0xb8;
	[tilespmem:$0x1D000] =	vst v63  }
0xdd: {  	_ = 	snop  }
0xde: {  	[spmem:s1] =	stream.indirect.scatter.add.f32 [tilespmem:s15], [sflag:$0x6], $0x80, s8, s14, $0xb8;
	[tilespmem:$0x1D000] =	vst v63  }
0xdf: {  	_ =	swait.ge [sflag:s22], $0x3E80  }
0xe0: {  	[sflag:s22] =	ssyncset.done $0x0  }
0xe1: {  	[sflag:s22] =	ssyncadd.s32 $0xFFFFC180  }
0xe2: {  	_ =	swait.ge [sflag:s23], $0x3E80  }
0xe3: {  	[sflag:s23] =	ssyncset.done $0x0  }
0xe4: {  	[sflag:s23] =	ssyncadd.s32 $0xFFFFC180  }
0xe5: {  	_ =	swait.ge [sflag:s13], $0x500  }
0xe6: {  	[sflag:s13] =	ssyncset.done $0x0  }
0xe7: {  	p0 =	sne.s32 s12, $0x400;
	[sflag:s13] =	ssyncadd.s32 $0xFFFFFB00  }
0xe8: {  	[tilespmem:s15], [sflag:$0x3] =	stream.indirect.gather [hbm4b:s4+s14], $0x80, s3, s14, $0xb8;
	[tilespmem:$0x1D000] =	vst v63  }
.Ltmp0:
0xe9: {  	_ = 	snop;
	(pc) =	sbr.rel @p0 .LBB2_2-.Ltmp0, $4  }
0xea: {  	[spmem:s1] =	stream.indirect.scatter.add.f32 [tilespmem:s20], [sflag:$0x6], $0x80, s17, s14, $0xb8;
	[tilespmem:$0x1D000] =	vst v63  }
0xeb: {  	_ =	swait.ge [sflag:s22], $0x3E80  }
0xec: {  	[sflag:s22] =	ssyncset.done $0x0;
	s21 =	rddreg [dreg:$0x3]  }
0xed: {  	s12 =	sadd.s32 $0x200, s12;
	[sflag:s22] =	ssyncadd.s32 $0xFFFFC180;
	s19 =	sadd.s32 s19, s21  }
0xee: {  	[tilespmem:s16], [sflag:$0x2] =	stream.linear.gather [hbm4b:s19+s3], $0x500, $0x38;
	[tilespmem:$0x1D000] =	vst v63  }
0xef: {  	_ =	swait.ge [sflag:s18], $0x3E80  }
0xf0: {  	[sflag:s18] =	ssyncset.done $0x0  }
0xf1: {  	s12 =	simm.s32 $0x100;
	[sflag:s18] =	ssyncadd.s32 $0xFFFFC180  }
0xf2: {  	[tilespmem:s20], [sflag:$0x4] =	stream.indirect.gather [hbm4b:s4+s14], $0x80, s12, s14, $0xb8;
	[tilespmem:$0x1D000] =	vst v63  }
0xf3: {  	s19 =	simm.s32 $0x80  }
0xf4: {  	[spmem:s1] =	stream.indirect.scatter.add.f32 [tilespmem:s15], [sflag:$0x6], $0x80, s19, s14, $0xb8;
	[tilespmem:$0x1D000] =	vst v63  }
0xf5: {  	_ =	swait.ge [sflag:s22], $0x3E80  }
0xf6: {  	[sflag:s22] =	ssyncset.done $0x0  }
0xf7: {  	[sflag:s22] =	ssyncadd.s32 $0xFFFFC180  }
0xf8: {  	_ =	swait.ge [sflag:s23], $0x3E80  }
0xf9: {  	[sflag:s23] =	ssyncset.done $0x0  }
0xfa: {  	[sflag:s23] =	ssyncadd.s32 $0xFFFFC180  }
0xfb: {  	[tilespmem:s15], [sflag:$0x3] =	stream.indirect.gather [hbm4b:s4+s14], $0x80, s24, s14, $0xb8;
	[tilespmem:$0x1D000] =	vst v63  }
0xfc: {  	_ = 	snop  }
0xfd: {  	[spmem:s1] =	stream.indirect.scatter.add.f32 [tilespmem:s20], [sflag:$0x6], $0x80, s25, s14, $0xb8;
	[tilespmem:$0x1D000] =	vst v63  }
0xfe: {  	_ =	swait.ge [sflag:s22], $0x3E80  }
0xff: {  	[sflag:s22] =	ssyncset.done $0x0  }
0x100: {  	[sflag:s22] =	ssyncadd.s32 $0xFFFFC180  }
0x101: {  	_ =	swait.ge [sflag:s18], $0x3E80  }
0x102: {  	[sflag:s18] =	ssyncset.done $0x0  }
0x103: {  	[sflag:s18] =	ssyncadd.s32 $0xFFFFC180  }
0x104: {  	[tilespmem:s20], [sflag:$0x4] =	stream.indirect.gather [hbm4b:s4+s14], $0x80, s26, s14, $0xb8;
	[tilespmem:$0x1D000] =	vst v63  }
0x105: {  	_ = 	snop  }
0x106: {  	[spmem:s1] =	stream.indirect.scatter.add.f32 [tilespmem:s15], [sflag:$0x6], $0x80, s28, s14, $0xb8;
	[tilespmem:$0x1D000] =	vst v63  }
0x107: {  	_ =	swait.ge [sflag:s22], $0x3E80  }
0x108: {  	[sflag:s22] =	ssyncset.done $0x0  }
0x109: {  	[sflag:s22] =	ssyncadd.s32 $0xFFFFC180  }
0x10a: {  	_ =	swait.ge [sflag:s23], $0x3E80  }
0x10b: {  	[sflag:s23] =	ssyncset.done $0x0  }
0x10c: {  	[sflag:s23] =	ssyncadd.s32 $0xFFFFC180  }
0x10d: {  	[tilespmem:s15], [sflag:$0x3] =	stream.indirect.gather [hbm4b:s4+s14], $0x80, s29, s14, $0xb8;
	[tilespmem:$0x1D000] =	vst v63  }
0x10e: {  	_ = 	snop  }
0x10f: {  	[spmem:s1] =	stream.indirect.scatter.add.f32 [tilespmem:s20], [sflag:$0x6], $0x80, s30, s14, $0xb8;
	[tilespmem:$0x1D000] =	vst v63  }
0x110: {  	_ =	swait.ge [sflag:s22], $0x3E80  }
0x111: {  	[sflag:s22] =	ssyncset.done $0x0  }
0x112: {  	[sflag:s22] =	ssyncadd.s32 $0xFFFFC180  }
0x113: {  	_ =	swait.ge [sflag:s18], $0x3E80  }
0x114: {  	[sflag:s18] =	ssyncset.done $0x0  }
0x115: {  	[sflag:s18] =	ssyncadd.s32 $0xFFFFC180  }
0x116: {  	_ =	swait.ge [sflag:s31], $0x500  }
0x117: {  	[sflag:s31] =	ssyncset.done $0x0  }
0x118: {  	[sflag:s31] =	ssyncadd.s32 $0xFFFFFB00  }
0x119: {  	[tilespmem:s20], [sflag:$0x4] =	stream.indirect.gather [hbm4b:s4+s14], $0x80, s16, s14, $0xb8;
	[tilespmem:$0x1D000] =	vst v63  }
0x11a: {  	_ = 	snop  }
0x11b: {  	[spmem:s1] =	stream.indirect.scatter.add.f32 [tilespmem:s15], [sflag:$0x6], $0x80, s0, s14, $0xb8;
	[tilespmem:$0x1D000] =	vst v63  }
0x11c: {  	_ =	swait.ge [sflag:s22], $0x3E80  }
0x11d: {  	[sflag:s22] =	ssyncset.done $0x0  }
0x11e: {  	[sflag:s22] =	ssyncadd.s32 $0xFFFFC180  }
0x11f: {  	_ =	swait.ge [sflag:s23], $0x3E80  }
0x120: {  	[sflag:s23] =	ssyncset.done $0x0  }
0x121: {  	[sflag:s23] =	ssyncadd.s32 $0xFFFFC180  }
0x122: {  	[tilespmem:s15], [sflag:$0x3] =	stream.indirect.gather [hbm4b:s4+s14], $0x80, s2, s14, $0xb8;
	[tilespmem:$0x1D000] =	vst v63  }
0x123: {  	_ = 	snop  }
0x124: {  	[spmem:s1] =	stream.indirect.scatter.add.f32 [tilespmem:s20], [sflag:$0x6], $0x80, s5, s14, $0xb8;
	[tilespmem:$0x1D000] =	vst v63  }
0x125: {  	_ =	swait.ge [sflag:s22], $0x3E80  }
0x126: {  	[sflag:s22] =	ssyncset.done $0x0  }
0x127: {  	[sflag:s22] =	ssyncadd.s32 $0xFFFFC180  }
0x128: {  	_ =	swait.ge [sflag:s18], $0x3E80  }
0x129: {  	[sflag:s18] =	ssyncset.done $0x0  }
0x12a: {  	[sflag:s18] =	ssyncadd.s32 $0xFFFFC180  }
0x12b: {  	[tilespmem:s20], [sflag:$0x4] =	stream.indirect.gather [hbm4b:s4+s14], $0x80, s7, s14, $0xb8;
	[tilespmem:$0x1D000] =	vst v63  }
0x12c: {  	_ = 	snop  }
0x12d: {  	[spmem:s1] =	stream.indirect.scatter.add.f32 [tilespmem:s15], [sflag:$0x6], $0x80, s9, s14, $0xb8;
	[tilespmem:$0x1D000] =	vst v63  }
0x12e: {  	_ =	swait.ge [sflag:s22], $0x3E80  }
0x12f: {  	[sflag:s22] =	ssyncset.done $0x0  }
0x130: {  	[sflag:s22] =	ssyncadd.s32 $0xFFFFC180  }
0x131: {  	_ =	swait.ge [sflag:s23], $0x3E80  }
0x132: {  	[sflag:s23] =	ssyncset.done $0x0  }
0x133: {  	[sflag:s23] =	ssyncadd.s32 $0xFFFFC180  }
0x134: {  	[tilespmem:s15], [sflag:$0x3] =	stream.indirect.gather [hbm4b:s4+s14], $0x80, s6, s14, $0xb8;
	[tilespmem:$0x1D000] =	vst v63  }
0x135: {  	_ = 	snop  }
0x136: {  	[spmem:s1] =	stream.indirect.scatter.add.f32 [tilespmem:s20], [sflag:$0x6], $0x80, s10, s14, $0xb8;
	[tilespmem:$0x1D000] =	vst v63  }
0x137: {  	_ =	swait.ge [sflag:s22], $0x3E80  }
0x138: {  	[sflag:s22] =	ssyncset.done $0x0  }
0x139: {  	[sflag:s22] =	ssyncadd.s32 $0xFFFFC180  }
0x13a: {  	_ =	swait.ge [sflag:s18], $0x3E80  }
0x13b: {  	[sflag:s18] =	ssyncset.done $0x0  }
0x13c: {  	[sflag:s18] =	ssyncadd.s32 $0xFFFFC180  }
0x13d: {  	[tilespmem:s20], [sflag:$0x4] =	stream.indirect.gather [hbm4b:s4+s14], $0x80, s11, s14, $0xb8;
	[tilespmem:$0x1D000] =	vst v63  }
0x13e: {  	_ = 	snop  }
0x13f: {  	[spmem:s1] =	stream.indirect.scatter.add.f32 [tilespmem:s15], [sflag:$0x6], $0x80, s8, s14, $0xb8;
	[tilespmem:$0x1D000] =	vst v63  }
0x140: {  	_ =	swait.ge [sflag:s22], $0x3E80  }
0x141: {  	[sflag:s22] =	ssyncset.done $0x0  }
0x142: {  	[sflag:s22] =	ssyncadd.s32 $0xFFFFC180  }
0x143: {  	_ =	swait.ge [sflag:s23], $0x3E80  }
0x144: {  	[sflag:s23] =	ssyncset.done $0x0  }
0x145: {  	[sflag:s23] =	ssyncadd.s32 $0xFFFFC180  }
0x146: {  	[spmem:s1] =	stream.indirect.scatter.add.f32 [tilespmem:s20], [sflag:$0x6], $0x80, s17, s14, $0xb8;
	[tilespmem:$0x1D000] =	vst v63  }
0x147: {  	_ =	swait.ge [sflag:s22], $0x3E80  }
0x148: {  	[sflag:s22] =	ssyncset.done $0x0  }
0x149: {  	[sflag:s22] =	ssyncadd.s32 $0xFFFFC180  }
0x14a: {  	[bflag:$0x0] =	sbarrier.arrive $0xFFFF  }
0x14b: {  	s21 =	rddreg [dreg:$0x6]  }
0x14c: {  	s19 =	rddreg [dreg:$0xa]  }
0x14d: {  	s12 =	sor.u32 $0x1C06, s21;
	s21 =	rddreg [dreg:$0xc]  }
0x14e: {  	[hbm:s19], [sflag:s12] =	dma.local [spmem:s21], $0x2800  }
0x14f: {  	_ =	swait.ge [sflag:s22], $0x2800  }
0x150: {  	s12 =	rddreg [dreg:$0xd]  }
0x151: {  	s19 =	sadd.s32 $0x1, s12;
	s12 =	rddreg [dreg:$0xb]  }
0x152: {  	p0 =	sne.s32 s19, s12  }
.Ltmp1:
0x153: {  	_ = 	snop;
	(pc) =	sbr.rel @p0 .LBB2_1-.Ltmp1, $3  }
0x154: {  	_ =	sdelay $0x1  }
0x155: {  	[sflag:s22] =	ssyncset.done $0x0  }
0x156: {  	[sflag:s22] =	ssyncadd.s32 $0xFFFFD800  }
0x157: {  	_ =	sfence.sel $0x180000  }
0x158: {  	[bflag:$0x0] =	sbarrier.arrive $0xFFFF  }
0x159: {  	_ =	strace $0x90000050  }
0x15a: {  	s0 =	stileid.u32;
	[bflag:$0x2] =	sbarrier.arrive $0xFFFF  }
0x15b: {  	p0 =	sne.s32 s0, $0x0;
	s0 =	rddreg [dreg:$0x2]  }
0x15c: {  	s0 =	sadd.s32 @!p0 $0x100000, s0  }
0x15d: {  	[sflag:s0] =	ssyncadd.tile.s32 @!p0 $0x1;
	_ =	shalt  }
.Lfunc_end2:
_tile_overlayer_lowered:
.L_overlay_start_2:
0x15e: {  	(tag) =	ssettag $0x2  }
0x15f: {  	s0 =	rddreg [dreg:$0x0];
	s2 =	stileid.u32  }
0x160: {  	s1 =	rddreg [dreg:$0x1];
	p0 =	sne.s32 s2, $0x0  }
0x161: {  	s3 =	rddreg [dreg:$0x2];
	[bflag:$0x3] =	sbarrier.arrive $0xFFFF;
	s2 =	simm.s32 @!p0 $0x1C06  }
0x162: {  	[timem:s3], [sflag:s2] =	dma.local @!p0 [hbm:s0], s1  }
0x163: {  	s0 =	simm.s32 @!p0 $0x6  }
0x164: {  	_ =	swait.ge @!p0 [sflag:s0], s1  }
0x165: {  	s1 =	ssub.s32 @!p0 $0x0, s1;
	[sflag:s0] =	ssyncset.done @!p0 $0x0  }
0x166: {  	[sflag:s0] =	ssyncadd.s32 @!p0 s1  }
0x167: {  	[bflag:$0x3] =	sbarrier.arrive $0xFFFF  }
0x168: {  	_ =	shalt  }

</sc_bundles>
